<compile_context>
chip_gen: v7x
topology: tpu7x:2x2x1
jax: 0.10.2.dev20260603
libtpu: 0.0.44.dev20260713+nightly
codegen_flags: <defaults>
</compile_context>

<pallas_src>
import jax
import jax.numpy as jnp
from jax import lax
from jax.experimental import pallas as pl
from jax.experimental.pallas import tpu as pltpu
from jax.experimental.pallas import tpu_sc as plsc

NC = 2
NS = 16
L = 16
NW = NC * NS

D = 32
NB = 16384
NL = 50
C = NB // NW
SUB = 128
NSUB = C // SUB
GPC = C // L


def _table_pass(table, idxh, outh, idx_all, rows_v, semg, semw, b0):

    pltpu.sync_copy(idxh.at[:, pl.ds(b0, C)], idx_all)

    def fire_gathers(k, b):
        for j in range(NSUB):
            pltpu.async_copy(
                table.at[idx_all.at[k, pl.ds(j * SUB, SUB)]],
                rows_v.at[b, pl.ds(j * SUB, SUB)],
                semg.at[b],
            )

    def drain_gathers(k, b):
        for j in range(NSUB):
            pltpu.make_async_copy(
                table.at[idx_all.at[k, pl.ds(j * SUB, SUB)]],
                rows_v.at[b, pl.ds(j * SUB, SUB)],
                semg.at[b],
            ).wait()

    def one_chunk(k, b, p):
        nb = 1 - b

        @pl.when(k + 1 < NL)
        def _g():
            @pl.when(k >= 1)
            def _w():
                pltpu.make_async_copy(
                    rows_v.at[nb],
                    outh.at[k - 1, pl.ds(b0, C), :],
                    semw.at[nb],
                ).wait()

            fire_gathers(k + 1, nb)

        drain_gathers(k, b)

        def scan_min(g, acc):
            return jnp.minimum(acc, idx_all[k, pl.ds(g * L, L)])

        acc = lax.fori_loop(
            0, GPC, scan_min, jnp.full((L,), 2**31 - 1, jnp.int32)
        )
        m0 = acc[0]
        for i in range(1, L):
            m0 = jnp.minimum(m0, acc[i])

        @pl.when(m0 == 0)
        def _fix():
            def fixg(g, carry):
                vec = idx_all[k, pl.ds(g * L, L)]
                for i in range(L):
                    scal = jnp.where(vec[i] == 0, 0.0, 1.0).astype(jnp.float32)
                    r = g * L + i
                    for h in range(D // L):
                        sl = pl.ds(h * L, L)
                        rows_v[b, r, sl] = rows_v[b, r, sl] * scal
                return carry

            lax.fori_loop(0, GPC, fixg, 0)

        pltpu.async_copy(
            rows_v.at[b], outh.at[k, pl.ds(b0, C), :], semw.at[b]
        )

    fire_gathers(0, 0)

    def pair(p, carry):
        for b in range(2):
            one_chunk(2 * p + b, b, p)
        return carry

    lax.fori_loop(0, NL // 2, pair, 0)

    for b in range(2):
        k = NL - 2 + b
        pltpu.make_async_copy(
            rows_v.at[b], outh.at[k, pl.ds(b0, C), :], semw.at[b]
        ).wait()


def _body(table, idxT, out, idx_all, rows_v, semg, semw):
    wid = lax.axis_index("s") * NC + lax.axis_index("c")
    b0 = wid * C
    _table_pass(table, idxT, out, idx_all, rows_v, semg, semw, b0)


def kernel(src_table, tgt_table, src_indices, tgt_indices):
    mesh = plsc.VectorSubcoreMesh(core_axis_name="c", subcore_axis_name="s")
    k = pl.kernel(
        _body,
        out_type=jax.ShapeDtypeStruct((NL, NB, D), jnp.float32),
        mesh=mesh,
        compiler_params=pltpu.CompilerParams(use_tc_tiling_on_sc=False),
        scratch_types=[
            pltpu.VMEM((NL, C), jnp.int32),
            pltpu.VMEM((2, C, D), jnp.float32),
            pltpu.SemaphoreType.DMA((2,)),
            pltpu.SemaphoreType.DMA((2,)),
        ],
    )
    src_mid = k(src_table, src_indices.astype(jnp.int32).T)
    tgt_mid = k(tgt_table, tgt_indices.astype(jnp.int32).T)
    return (src_mid.transpose(1, 0, 2), tgt_mid.transpose(1, 0, 2))

# --- scband reference (transcript-rebuilt; emitter-appended) ---
"""Pipeline reference for scband-model-embeddings-2628519985212 (READ-ONLY COPY).

The authoritative reference and input builder live on the scoring server;
editing this copy changes nothing except your own understanding.
"""

import jax, jax.numpy as jnp
import numpy as np

VOCAB_SRC = 1000000
VOCAB_TGT = 1000000
EMBED = 32
B = 16384
L = 50


def setup_inputs(seed: int = 0) -> dict:
    key = jax.random.key(seed)
    k1, k2, k3, k4 = jax.random.split(key, 4)
    src_table = jax.random.normal(k1, (VOCAB_SRC, EMBED), dtype=jnp.float32)
    tgt_table = jax.random.normal(k2, (VOCAB_TGT, EMBED), dtype=jnp.float32)
    src_indices = jax.random.randint(k3, (B, L), 0, VOCAB_SRC, dtype=jnp.int32).astype(jnp.int64)
    tgt_indices = jax.random.randint(k4, (B, L), 0, VOCAB_TGT, dtype=jnp.int32).astype(jnp.int64)
    return {
        "src_table": src_table,
        "tgt_table": tgt_table,
        "src_indices": src_indices,
        "tgt_indices": tgt_indices,
    }


def reference(src_table, tgt_table, src_indices, tgt_indices):
    # nn.Embedding with padding_idx: the pad row is held at zero.
    src_table = src_table.at[0].set(0.0)
    tgt_table = tgt_table.at[0].set(0.0)
    src_emb = jnp.take(src_table, src_indices, axis=0)
    tgt_emb = jnp.take(tgt_table, tgt_indices, axis=0)
    return (src_emb, tgt_emb)

if __name__ == "__main__":
    import jax
    _d = setup_inputs()
    print(jax.jit(kernel)(*tuple(_d.values())))

</pallas_src>

<mosaic_0001>
#map = affine_map<(d0, d1) -> (0, 0)>
#map1 = affine_map<(d0, d1) -> (0, 0, 0)>
module attributes {stable_mosaic.version = 14 : i64} {
  func.func @_body(%arg0: i32, %arg1: i32, %arg2: memref<1000000x32xf32, #tpu.memory_space<hbm>>, %arg3: memref<50x16384xi32, #tpu.memory_space<hbm>>, %arg4: memref<50x16384x32xf32, #tpu.memory_space<hbm>>, %arg5: memref<50x512xi32, #tpu.memory_space<vmem>>, %arg6: memref<2x512x32xf32, #tpu.memory_space<vmem>>, %arg7: memref<2x!tpu.dma_semaphore, #tpu.memory_space<semaphore_mem>>, %arg8: memref<2x!tpu.dma_semaphore, #tpu.memory_space<semaphore_mem>>) attributes {dimension_semantics = [#tpu.dimension_semantics<core_parallel>, #tpu.dimension_semantics<subcore_parallel>], iteration_bounds = array<i64: 2, 16>, scalar_prefetch = 0 : i64, scratch_operands = 4 : i64, tpu.core_type = #tpu.core_type<sc_vector_subcore>, window_params = [{transform_indices = #map}, {transform_indices = #map}, {transform_indices = #map1}]} {
    %mul3A = arith.constant 2 : i32
    %mul3A_0 = arith.muli %arg1, %mul3A : i32
    %add3A = arith.addi %mul3A_0, %arg0 : i32
    %mul3A_1 = arith.constant 512 : i32
    %mul3A_2 = arith.muli %add3A, %mul3A_1 : i32
    "tpu.region"() ({
      %run_scoped3A = tpu.sem_alloc : memref<!tpu.dma_semaphore, #tpu.memory_space<semaphore_mem>>
      %dma_start3A_104 = arith.constant 0 : i32
      %dma_start3A_105 = tpu.memref_slice %arg3[%dma_start3A_104, %mul3A_2] : memref<50x16384xi32, #tpu.memory_space<hbm>> -> memref<50x512xi32, #tpu.memory_space<hbm>>
      %dma_start3A_106 = arith.constant 0 : i32
      %dma_start3A_107 = tpu.memref_slice %arg3[%dma_start3A_106, %mul3A_2] : memref<50x16384xi32, #tpu.memory_space<hbm>> -> memref<50x512xi32, #tpu.memory_space<hbm>>
      tpu.enqueue_dma source(%dma_start3A_107 : memref<50x512xi32, #tpu.memory_space<hbm>>) target(%arg5 : memref<50x512xi32, #tpu.memory_space<vmem>>) target_semaphore(%run_scoped3A : memref<!tpu.dma_semaphore, #tpu.memory_space<semaphore_mem>>)
      %dma_wait3A_108 = arith.constant 0 : i32
      %dma_wait3A_109 = tpu.memref_slice %arg3[%dma_wait3A_108, %mul3A_2] : memref<50x16384xi32, #tpu.memory_space<hbm>> -> memref<50x512xi32, #tpu.memory_space<hbm>>
      %dma_wait3A_110 = arith.constant 0 : i32
      %dma_wait3A_111 = tpu.memref_slice %arg3[%dma_wait3A_110, %mul3A_2] : memref<50x16384xi32, #tpu.memory_space<hbm>> -> memref<50x512xi32, #tpu.memory_space<hbm>>
      tpu.wait_dma2 semaphore(%run_scoped3A : memref<!tpu.dma_semaphore, #tpu.memory_space<semaphore_mem>>) src(%dma_wait3A_111 : memref<50x512xi32, #tpu.memory_space<hbm>>) dst(%arg5 : memref<50x512xi32, #tpu.memory_space<vmem>>)
      tpu.yield
    }) : () -> ()
    %dma_start3A = arith.constant 0 : i32
    %dma_start3A_3 = arith.constant 0 : i32
    %dma_start3A_4 = arith.constant 0 : i32
    %dma_start3A_5 = arith.constant 0 : i32
    %dma_start3A_6 = arith.constant 0 : i32
    %dma_start3A_7 = tpu.memref_slice %arg6[%dma_start3A_3, %dma_start3A_5, %dma_start3A_6] : memref<2x512x32xf32, #tpu.memory_space<vmem>> -> memref<1x128x32xf32, #tpu.memory_space<vmem>>
    %dma_start3A_8 = tpu.memref_squeeze %dma_start3A_7 : memref<1x128x32xf32, #tpu.memory_space<vmem>> -> memref<128x32xf32, #tpu.memory_space<vmem>>
    %dma_start3A_9 = arith.constant 0 : i32
    %dma_start3A_10 = tpu.memref_slice %arg5[%dma_start3A, %dma_start3A_9] : memref<50x512xi32, #tpu.memory_space<vmem>> -> memref<1x128xi32, #tpu.memory_space<vmem>>
    %dma_start3A_11 = tpu.memref_squeeze %dma_start3A_10 : memref<1x128xi32, #tpu.memory_space<vmem>> -> memref<128xi32, #tpu.memory_space<vmem>>
    %dma_start3A_12 = arith.constant 0 : i32
    %dma_start3A_13 = arith.constant 0 : i32
    %dma_start3A_14 = tpu.memref_slice %arg2[%dma_start3A_12, %dma_start3A_13] : memref<1000000x32xf32, #tpu.memory_space<hbm>> -> memref<1000000x32xf32, #tpu.memory_space<hbm>>
    %dma_start3A_15 = tpu.memref_slice %arg7[%dma_start3A_4] : memref<2x!tpu.dma_semaphore, #tpu.memory_space<semaphore_mem>> -> memref<1x!tpu.dma_semaphore, #tpu.memory_space<semaphore_mem>>
    %dma_start3A_16 = tpu.memref_squeeze %dma_start3A_15 : memref<1x!tpu.dma_semaphore, #tpu.memory_space<semaphore_mem>> -> memref<!tpu.dma_semaphore, #tpu.memory_space<semaphore_mem>>
    tpu.enqueue_indirect_dma source(%dma_start3A_14 : memref<1000000x32xf32, #tpu.memory_space<hbm>>) target(%dma_start3A_8 : memref<128x32xf32, #tpu.memory_space<vmem>>) offsets(%dma_start3A_11 : memref<128xi32, #tpu.memory_space<vmem>>) semaphore(%dma_start3A_16 : memref<!tpu.dma_semaphore, #tpu.memory_space<semaphore_mem>>)
    %dma_start3A_17 = arith.constant 0 : i32
    %dma_start3A_18 = arith.constant 0 : i32
    %dma_start3A_19 = arith.constant 0 : i32
    %dma_start3A_20 = arith.constant 128 : i32
    %dma_start3A_21 = arith.constant 0 : i32
    %dma_start3A_22 = tpu.memref_slice %arg6[%dma_start3A_18, %dma_start3A_20, %dma_start3A_21] : memref<2x512x32xf32, #tpu.memory_space<vmem>> -> memref<1x128x32xf32, #tpu.memory_space<vmem>>
    %dma_start3A_23 = tpu.memref_squeeze %dma_start3A_22 : memref<1x128x32xf32, #tpu.memory_space<vmem>> -> memref<128x32xf32, #tpu.memory_space<vmem>>
    %dma_start3A_24 = arith.constant 128 : i32
    %dma_start3A_25 = tpu.memref_slice %arg5[%dma_start3A_17, %dma_start3A_24] : memref<50x512xi32, #tpu.memory_space<vmem>> -> memref<1x128xi32, #tpu.memory_space<vmem>>
    %dma_start3A_26 = tpu.memref_squeeze %dma_start3A_25 : memref<1x128xi32, #tpu.memory_space<vmem>> -> memref<128xi32, #tpu.memory_space<vmem>>
    %dma_start3A_27 = arith.constant 0 : i32
    %dma_start3A_28 = arith.constant 0 : i32
    %dma_start3A_29 = tpu.memref_slice %arg2[%dma_start3A_27, %dma_start3A_28] : memref<1000000x32xf32, #tpu.memory_space<hbm>> -> memref<1000000x32xf32, #tpu.memory_space<hbm>>
    %dma_start3A_30 = tpu.memref_slice %arg7[%dma_start3A_19] : memref<2x!tpu.dma_semaphore, #tpu.memory_space<semaphore_mem>> -> memref<1x!tpu.dma_semaphore, #tpu.memory_space<semaphore_mem>>
    %dma_start3A_31 = tpu.memref_squeeze %dma_start3A_30 : memref<1x!tpu.dma_semaphore, #tpu.memory_space<semaphore_mem>> -> memref<!tpu.dma_semaphore, #tpu.memory_space<semaphore_mem>>
    tpu.enqueue_indirect_dma source(%dma_start3A_29 : memref<1000000x32xf32, #tpu.memory_space<hbm>>) target(%dma_start3A_23 : memref<128x32xf32, #tpu.memory_space<vmem>>) offsets(%dma_start3A_26 : memref<128xi32, #tpu.memory_space<vmem>>) semaphore(%dma_start3A_31 : memref<!tpu.dma_semaphore, #tpu.memory_space<semaphore_mem>>)
    %dma_start3A_32 = arith.constant 0 : i32
    %dma_start3A_33 = arith.constant 0 : i32
    %dma_start3A_34 = arith.constant 0 : i32
    %dma_start3A_35 = arith.constant 256 : i32
    %dma_start3A_36 = arith.constant 0 : i32
    %dma_start3A_37 = tpu.memref_slice %arg6[%dma_start3A_33, %dma_start3A_35, %dma_start3A_36] : memref<2x512x32xf32, #tpu.memory_space<vmem>> -> memref<1x128x32xf32, #tpu.memory_space<vmem>>
    %dma_start3A_38 = tpu.memref_squeeze %dma_start3A_37 : memref<1x128x32xf32, #tpu.memory_space<vmem>> -> memref<128x32xf32, #tpu.memory_space<vmem>>
    %dma_start3A_39 = arith.constant 256 : i32
    %dma_start3A_40 = tpu.memref_slice %arg5[%dma_start3A_32, %dma_start3A_39] : memref<50x512xi32, #tpu.memory_space<vmem>> -> memref<1x128xi32, #tpu.memory_space<vmem>>
    %dma_start3A_41 = tpu.memref_squeeze %dma_start3A_40 : memref<1x128xi32, #tpu.memory_space<vmem>> -> memref<128xi32, #tpu.memory_space<vmem>>
    %dma_start3A_42 = arith.constant 0 : i32
    %dma_start3A_43 = arith.constant 0 : i32
    %dma_start3A_44 = tpu.memref_slice %arg2[%dma_start3A_42, %dma_start3A_43] : memref<1000000x32xf32, #tpu.memory_space<hbm>> -> memref<1000000x32xf32, #tpu.memory_space<hbm>>
    %dma_start3A_45 = tpu.memref_slice %arg7[%dma_start3A_34] : memref<2x!tpu.dma_semaphore, #tpu.memory_space<semaphore_mem>> -> memref<1x!tpu.dma_semaphore, #tpu.memory_space<semaphore_mem>>
    %dma_start3A_46 = tpu.memref_squeeze %dma_start3A_45 : memref<1x!tpu.dma_semaphore, #tpu.memory_space<semaphore_mem>> -> memref<!tpu.dma_semaphore, #tpu.memory_space<semaphore_mem>>
    tpu.enqueue_indirect_dma source(%dma_start3A_44 : memref<1000000x32xf32, #tpu.memory_space<hbm>>) target(%dma_start3A_38 : memref<128x32xf32, #tpu.memory_space<vmem>>) offsets(%dma_start3A_41 : memref<128xi32, #tpu.memory_space<vmem>>) semaphore(%dma_start3A_46 : memref<!tpu.dma_semaphore, #tpu.memory_space<semaphore_mem>>)
    %dma_start3A_47 = arith.constant 0 : i32
    %dma_start3A_48 = arith.constant 0 : i32
    %dma_start3A_49 = arith.constant 0 : i32
    %dma_start3A_50 = arith.constant 384 : i32
    %dma_start3A_51 = arith.constant 0 : i32
    %dma_start3A_52 = tpu.memref_slice %arg6[%dma_start3A_48, %dma_start3A_50, %dma_start3A_51] : memref<2x512x32xf32, #tpu.memory_space<vmem>> -> memref<1x128x32xf32, #tpu.memory_space<vmem>>
    %dma_start3A_53 = tpu.memref_squeeze %dma_start3A_52 : memref<1x128x32xf32, #tpu.memory_space<vmem>> -> memref<128x32xf32, #tpu.memory_space<vmem>>
    %dma_start3A_54 = arith.constant 384 : i32
    %dma_start3A_55 = tpu.memref_slice %arg5[%dma_start3A_47, %dma_start3A_54] : memref<50x512xi32, #tpu.memory_space<vmem>> -> memref<1x128xi32, #tpu.memory_space<vmem>>
    %dma_start3A_56 = tpu.memref_squeeze %dma_start3A_55 : memref<1x128xi32, #tpu.memory_space<vmem>> -> memref<128xi32, #tpu.memory_space<vmem>>
    %dma_start3A_57 = arith.constant 0 : i32
    %dma_start3A_58 = arith.constant 0 : i32
    %dma_start3A_59 = tpu.memref_slice %arg2[%dma_start3A_57, %dma_start3A_58] : memref<1000000x32xf32, #tpu.memory_space<hbm>> -> memref<1000000x32xf32, #tpu.memory_space<hbm>>
    %dma_start3A_60 = tpu.memref_slice %arg7[%dma_start3A_49] : memref<2x!tpu.dma_semaphore, #tpu.memory_space<semaphore_mem>> -> memref<1x!tpu.dma_semaphore, #tpu.memory_space<semaphore_mem>>
    %dma_start3A_61 = tpu.memref_squeeze %dma_start3A_60 : memref<1x!tpu.dma_semaphore, #tpu.memory_space<semaphore_mem>> -> memref<!tpu.dma_semaphore, #tpu.memory_space<semaphore_mem>>
    tpu.enqueue_indirect_dma source(%dma_start3A_59 : memref<1000000x32xf32, #tpu.memory_space<hbm>>) target(%dma_start3A_53 : memref<128x32xf32, #tpu.memory_space<vmem>>) offsets(%dma_start3A_56 : memref<128xi32, #tpu.memory_space<vmem>>) semaphore(%dma_start3A_61 : memref<!tpu.dma_semaphore, #tpu.memory_space<semaphore_mem>>)
    %scan3A = arith.constant 0 : i32
    %scan3A_62 = arith.constant 0 : i32
    %scan3A_63 = arith.constant 25 : i32
    %scan3A_64 = arith.addi %scan3A_62, %scan3A_63 : i32
    %scan3A_65 = arith.constant 1 : i32
    scf.for %scan3A_104 = %scan3A_62 to %scan3A_64 step %scan3A_65  : i32 {
      %mul3A_105 = arith.constant 2 : i32
      %mul3A_106 = arith.muli %mul3A_105, %scan3A_104 : i32
      %add3A_107 = arith.constant 0 : i32
      %add3A_108 = arith.addi %mul3A_106, %add3A_107 : i32
      %add3A_109 = arith.constant 1 : i32
      %add3A_110 = arith.addi %add3A_108, %add3A_109 : i32
      %lt3A = arith.constant 50 : i32
      %lt3A_111 = arith.cmpi slt, %add3A_110, %lt3A : i32
      %convert_element_type3A = arith.extui %lt3A_111 : i1 to i32
      %cond3A = arith.constant 0 : i32
      %cond3A_112 = arith.cmpi ne, %convert_element_type3A, %cond3A : i32
      scf.if %cond3A_112 {
        %ge3A = arith.constant 1 : i32
        %ge3A_591 = arith.cmpi sge, %add3A_108, %ge3A : i32
        %convert_element_type3A_592 = arith.extui %ge3A_591 : i1 to i32
        %cond3A_593 = arith.constant 0 : i32
        %cond3A_594 = arith.cmpi ne, %convert_element_type3A_592, %cond3A_593 : i32
        scf.if %cond3A_594 {
          %sub3A = arith.constant 1 : i32
          %sub3A_653 = arith.subi %add3A_108, %sub3A : i32
          %dma_wait3A_654 = arith.constant 1 : i32
          %dma_wait3A_655 = arith.constant 1 : i32
          %dma_wait3A_656 = arith.constant 0 : i32
          %dma_wait3A_657 = arith.constant 0 : i32
          %dma_wait3A_658 = tpu.memref_slice %arg6[%dma_wait3A_654, %dma_wait3A_656, %dma_wait3A_657] : memref<2x512x32xf32, #tpu.memory_space<vmem>> -> memref<1x512x32xf32, #tpu.memory_space<vmem>>
          %dma_wait3A_659 = tpu.memref_squeeze %dma_wait3A_658 : memref<1x512x32xf32, #tpu.memory_space<vmem>> -> memref<512x32xf32, #tpu.memory_space<vmem>>
          %dma_wait3A_660 = arith.constant 0 : i32
          %dma_wait3A_661 = tpu.memref_slice %arg4[%sub3A_653, %mul3A_2, %dma_wait3A_660] : memref<50x16384x32xf32, #tpu.memory_space<hbm>> -> memref<1x512x32xf32, #tpu.memory_space<hbm>>
          %dma_wait3A_662 = tpu.memref_squeeze %dma_wait3A_661 : memref<1x512x32xf32, #tpu.memory_space<hbm>> -> memref<512x32xf32, #tpu.memory_space<hbm>>
          %dma_wait3A_663 = tpu.memref_slice %arg8[%dma_wait3A_655] : memref<2x!tpu.dma_semaphore, #tpu.memory_space<semaphore_mem>> -> memref<1x!tpu.dma_semaphore, #tpu.memory_space<semaphore_mem>>
          %dma_wait3A_664 = tpu.memref_squeeze %dma_wait3A_663 : memref<1x!tpu.dma_semaphore, #tpu.memory_space<semaphore_mem>> -> memref<!tpu.dma_semaphore, #tpu.memory_space<semaphore_mem>>
          %dma_wait3A_665 = arith.constant 0 : i32
          %dma_wait3A_666 = tpu.memref_slice %arg4[%sub3A_653, %mul3A_2, %dma_wait3A_665] : memref<50x16384x32xf32, #tpu.memory_space<hbm>> -> memref<1x512x32xf32, #tpu.memory_space<hbm>>
          %dma_wait3A_667 = tpu.memref_squeeze %dma_wait3A_666 : memref<1x512x32xf32, #tpu.memory_space<hbm>> -> memref<512x32xf32, #tpu.memory_space<hbm>>
          %dma_wait3A_668 = arith.constant 0 : i32
          %dma_wait3A_669 = arith.constant 0 : i32
          %dma_wait3A_670 = tpu.memref_slice %arg6[%dma_wait3A_654, %dma_wait3A_668, %dma_wait3A_669] : memref<2x512x32xf32, #tpu.memory_space<vmem>> -> memref<1x512x32xf32, #tpu.memory_space<vmem>>
          %dma_wait3A_671 = tpu.memref_squeeze %dma_wait3A_670 : memref<1x512x32xf32, #tpu.memory_space<vmem>> -> memref<512x32xf32, #tpu.memory_space<vmem>>
          tpu.wait_dma2 semaphore(%dma_wait3A_664 : memref<!tpu.dma_semaphore, #tpu.memory_space<semaphore_mem>>) src(%dma_wait3A_671 : memref<512x32xf32, #tpu.memory_space<vmem>>) dst(%dma_wait3A_667 : memref<512x32xf32, #tpu.memory_space<hbm>>)
        } else {
        }
        %add3A_595 = arith.constant 1 : i32
        %add3A_596 = arith.addi %add3A_108, %add3A_595 : i32
        %dma_start3A_597 = arith.constant 1 : i32
        %dma_start3A_598 = arith.constant 1 : i32
        %dma_start3A_599 = arith.constant 0 : i32
        %dma_start3A_600 = arith.constant 0 : i32
        %dma_start3A_601 = tpu.memref_slice %arg6[%dma_start3A_597, %dma_start3A_599, %dma_start3A_600] : memref<2x512x32xf32, #tpu.memory_space<vmem>> -> memref<1x128x32xf32, #tpu.memory_space<vmem>>
        %dma_start3A_602 = tpu.memref_squeeze %dma_start3A_601 : memref<1x128x32xf32, #tpu.memory_space<vmem>> -> memref<128x32xf32, #tpu.memory_space<vmem>>
        %dma_start3A_603 = arith.constant 0 : i32
        %dma_start3A_604 = tpu.memref_slice %arg5[%add3A_596, %dma_start3A_603] : memref<50x512xi32, #tpu.memory_space<vmem>> -> memref<1x128xi32, #tpu.memory_space<vmem>>
        %dma_start3A_605 = tpu.memref_squeeze %dma_start3A_604 : memref<1x128xi32, #tpu.memory_space<vmem>> -> memref<128xi32, #tpu.memory_space<vmem>>
        %dma_start3A_606 = arith.constant 0 : i32
        %dma_start3A_607 = arith.constant 0 : i32
        %dma_start3A_608 = tpu.memref_slice %arg2[%dma_start3A_606, %dma_start3A_607] : memref<1000000x32xf32, #tpu.memory_space<hbm>> -> memref<1000000x32xf32, #tpu.memory_space<hbm>>
        %dma_start3A_609 = tpu.memref_slice %arg7[%dma_start3A_598] : memref<2x!tpu.dma_semaphore, #tpu.memory_space<semaphore_mem>> -> memref<1x!tpu.dma_semaphore, #tpu.memory_space<semaphore_mem>>
        %dma_start3A_610 = tpu.memref_squeeze %dma_start3A_609 : memref<1x!tpu.dma_semaphore, #tpu.memory_space<semaphore_mem>> -> memref<!tpu.dma_semaphore, #tpu.memory_space<semaphore_mem>>
        tpu.enqueue_indirect_dma source(%dma_start3A_608 : memref<1000000x32xf32, #tpu.memory_space<hbm>>) target(%dma_start3A_602 : memref<128x32xf32, #tpu.memory_space<vmem>>) offsets(%dma_start3A_605 : memref<128xi32, #tpu.memory_space<vmem>>) semaphore(%dma_start3A_610 : memref<!tpu.dma_semaphore, #tpu.memory_space<semaphore_mem>>)
        %dma_start3A_611 = arith.constant 1 : i32
        %dma_start3A_612 = arith.constant 1 : i32
        %dma_start3A_613 = arith.constant 128 : i32
        %dma_start3A_614 = arith.constant 0 : i32
        %dma_start3A_615 = tpu.memref_slice %arg6[%dma_start3A_611, %dma_start3A_613, %dma_start3A_614] : memref<2x512x32xf32, #tpu.memory_space<vmem>> -> memref<1x128x32xf32, #tpu.memory_space<vmem>>
        %dma_start3A_616 = tpu.memref_squeeze %dma_start3A_615 : memref<1x128x32xf32, #tpu.memory_space<vmem>> -> memref<128x32xf32, #tpu.memory_space<vmem>>
        %dma_start3A_617 = arith.constant 128 : i32
        %dma_start3A_618 = tpu.memref_slice %arg5[%add3A_596, %dma_start3A_617] : memref<50x512xi32, #tpu.memory_space<vmem>> -> memref<1x128xi32, #tpu.memory_space<vmem>>
        %dma_start3A_619 = tpu.memref_squeeze %dma_start3A_618 : memref<1x128xi32, #tpu.memory_space<vmem>> -> memref<128xi32, #tpu.memory_space<vmem>>
        %dma_start3A_620 = arith.constant 0 : i32
        %dma_start3A_621 = arith.constant 0 : i32
        %dma_start3A_622 = tpu.memref_slice %arg2[%dma_start3A_620, %dma_start3A_621] : memref<1000000x32xf32, #tpu.memory_space<hbm>> -> memref<1000000x32xf32, #tpu.memory_space<hbm>>
        %dma_start3A_623 = tpu.memref_slice %arg7[%dma_start3A_612] : memref<2x!tpu.dma_semaphore, #tpu.memory_space<semaphore_mem>> -> memref<1x!tpu.dma_semaphore, #tpu.memory_space<semaphore_mem>>
        %dma_start3A_624 = tpu.memref_squeeze %dma_start3A_623 : memref<1x!tpu.dma_semaphore, #tpu.memory_space<semaphore_mem>> -> memref<!tpu.dma_semaphore, #tpu.memory_space<semaphore_mem>>
        tpu.enqueue_indirect_dma source(%dma_start3A_622 : memref<1000000x32xf32, #tpu.memory_space<hbm>>) target(%dma_start3A_616 : memref<128x32xf32, #tpu.memory_space<vmem>>) offsets(%dma_start3A_619 : memref<128xi32, #tpu.memory_space<vmem>>) semaphore(%dma_start3A_624 : memref<!tpu.dma_semaphore, #tpu.memory_space<semaphore_mem>>)
        %dma_start3A_625 = arith.constant 1 : i32
        %dma_start3A_626 = arith.constant 1 : i32
        %dma_start3A_627 = arith.constant 256 : i32
        %dma_start3A_628 = arith.constant 0 : i32
        %dma_start3A_629 = tpu.memref_slice %arg6[%dma_start3A_625, %dma_start3A_627, %dma_start3A_628] : memref<2x512x32xf32, #tpu.memory_space<vmem>> -> memref<1x128x32xf32, #tpu.memory_space<vmem>>
        %dma_start3A_630 = tpu.memref_squeeze %dma_start3A_629 : memref<1x128x32xf32, #tpu.memory_space<vmem>> -> memref<128x32xf32, #tpu.memory_space<vmem>>
        %dma_start3A_631 = arith.constant 256 : i32
        %dma_start3A_632 = tpu.memref_slice %arg5[%add3A_596, %dma_start3A_631] : memref<50x512xi32, #tpu.memory_space<vmem>> -> memref<1x128xi32, #tpu.memory_space<vmem>>
        %dma_start3A_633 = tpu.memref_squeeze %dma_start3A_632 : memref<1x128xi32, #tpu.memory_space<vmem>> -> memref<128xi32, #tpu.memory_space<vmem>>
        %dma_start3A_634 = arith.constant 0 : i32
        %dma_start3A_635 = arith.constant 0 : i32
        %dma_start3A_636 = tpu.memref_slice %arg2[%dma_start3A_634, %dma_start3A_635] : memref<1000000x32xf32, #tpu.memory_space<hbm>> -> memref<1000000x32xf32, #tpu.memory_space<hbm>>
        %dma_start3A_637 = tpu.memref_slice %arg7[%dma_start3A_626] : memref<2x!tpu.dma_semaphore, #tpu.memory_space<semaphore_mem>> -> memref<1x!tpu.dma_semaphore, #tpu.memory_space<semaphore_mem>>
        %dma_start3A_638 = tpu.memref_squeeze %dma_start3A_637 : memref<1x!tpu.dma_semaphore, #tpu.memory_space<semaphore_mem>> -> memref<!tpu.dma_semaphore, #tpu.memory_space<semaphore_mem>>
        tpu.enqueue_indirect_dma source(%dma_start3A_636 : memref<1000000x32xf32, #tpu.memory_space<hbm>>) target(%dma_start3A_630 : memref<128x32xf32, #tpu.memory_space<vmem>>) offsets(%dma_start3A_633 : memref<128xi32, #tpu.memory_space<vmem>>) semaphore(%dma_start3A_638 : memref<!tpu.dma_semaphore, #tpu.memory_space<semaphore_mem>>)
        %dma_start3A_639 = arith.constant 1 : i32
        %dma_start3A_640 = arith.constant 1 : i32
        %dma_start3A_641 = arith.constant 384 : i32
        %dma_start3A_642 = arith.constant 0 : i32
        %dma_start3A_643 = tpu.memref_slice %arg6[%dma_start3A_639, %dma_start3A_641, %dma_start3A_642] : memref<2x512x32xf32, #tpu.memory_space<vmem>> -> memref<1x128x32xf32, #tpu.memory_space<vmem>>
        %dma_start3A_644 = tpu.memref_squeeze %dma_start3A_643 : memref<1x128x32xf32, #tpu.memory_space<vmem>> -> memref<128x32xf32, #tpu.memory_space<vmem>>
        %dma_start3A_645 = arith.constant 384 : i32
        %dma_start3A_646 = tpu.memref_slice %arg5[%add3A_596, %dma_start3A_645] : memref<50x512xi32, #tpu.memory_space<vmem>> -> memref<1x128xi32, #tpu.memory_space<vmem>>
        %dma_start3A_647 = tpu.memref_squeeze %dma_start3A_646 : memref<1x128xi32, #tpu.memory_space<vmem>> -> memref<128xi32, #tpu.memory_space<vmem>>
        %dma_start3A_648 = arith.constant 0 : i32
        %dma_start3A_649 = arith.constant 0 : i32
        %dma_start3A_650 = tpu.memref_slice %arg2[%dma_start3A_648, %dma_start3A_649] : memref<1000000x32xf32, #tpu.memory_space<hbm>> -> memref<1000000x32xf32, #tpu.memory_space<hbm>>
        %dma_start3A_651 = tpu.memref_slice %arg7[%dma_start3A_640] : memref<2x!tpu.dma_semaphore, #tpu.memory_space<semaphore_mem>> -> memref<1x!tpu.dma_semaphore, #tpu.memory_space<semaphore_mem>>
        %dma_start3A_652 = tpu.memref_squeeze %dma_start3A_651 : memref<1x!tpu.dma_semaphore, #tpu.memory_space<semaphore_mem>> -> memref<!tpu.dma_semaphore, #tpu.memory_space<semaphore_mem>>
        tpu.enqueue_indirect_dma source(%dma_start3A_650 : memref<1000000x32xf32, #tpu.memory_space<hbm>>) target(%dma_start3A_644 : memref<128x32xf32, #tpu.memory_space<vmem>>) offsets(%dma_start3A_647 : memref<128xi32, #tpu.memory_space<vmem>>) semaphore(%dma_start3A_652 : memref<!tpu.dma_semaphore, #tpu.memory_space<semaphore_mem>>)
      } else {
      }
      %dma_wait3A_113 = arith.constant 0 : i32
      %dma_wait3A_114 = arith.constant 0 : i32
      %dma_wait3A_115 = arith.constant 0 : i32
      %dma_wait3A_116 = arith.constant 0 : i32
      %dma_wait3A_117 = tpu.memref_slice %arg6[%dma_wait3A_113, %dma_wait3A_115, %dma_wait3A_116] : memref<2x512x32xf32, #tpu.memory_space<vmem>> -> memref<1x128x32xf32, #tpu.memory_space<vmem>>
      %dma_wait3A_118 = tpu.memref_squeeze %dma_wait3A_117 : memref<1x128x32xf32, #tpu.memory_space<vmem>> -> memref<128x32xf32, #tpu.memory_space<vmem>>
      %dma_wait3A_119 = arith.constant 0 : i32
      %dma_wait3A_120 = tpu.memref_slice %arg5[%add3A_108, %dma_wait3A_119] : memref<50x512xi32, #tpu.memory_space<vmem>> -> memref<1x128xi32, #tpu.memory_space<vmem>>
      %dma_wait3A_121 = tpu.memref_squeeze %dma_wait3A_120 : memref<1x128xi32, #tpu.memory_space<vmem>> -> memref<128xi32, #tpu.memory_space<vmem>>
      %dma_wait3A_122 = arith.constant 0 : i32
      %dma_wait3A_123 = arith.constant 0 : i32
      %dma_wait3A_124 = tpu.memref_slice %arg2[%dma_wait3A_122, %dma_wait3A_123] : memref<1000000x32xf32, #tpu.memory_space<hbm>> -> memref<1000000x32xf32, #tpu.memory_space<hbm>>
      %dma_wait3A_125 = tpu.memref_slice %arg7[%dma_wait3A_114] : memref<2x!tpu.dma_semaphore, #tpu.memory_space<semaphore_mem>> -> memref<1x!tpu.dma_semaphore, #tpu.memory_space<semaphore_mem>>
      %dma_wait3A_126 = tpu.memref_squeeze %dma_wait3A_125 : memref<1x!tpu.dma_semaphore, #tpu.memory_space<semaphore_mem>> -> memref<!tpu.dma_semaphore, #tpu.memory_space<semaphore_mem>>
      tpu.wait_indirect_dma semaphore(%dma_wait3A_126 : memref<!tpu.dma_semaphore, #tpu.memory_space<semaphore_mem>>) src(%dma_wait3A_124 : memref<1000000x32xf32, #tpu.memory_space<hbm>>) dst(%dma_wait3A_118 : memref<128x32xf32, #tpu.memory_space<vmem>>)
      %dma_wait3A_127 = arith.constant 0 : i32
      %dma_wait3A_128 = arith.constant 0 : i32
      %dma_wait3A_129 = arith.constant 128 : i32
      %dma_wait3A_130 = arith.constant 0 : i32
      %dma_wait3A_131 = tpu.memref_slice %arg6[%dma_wait3A_127, %dma_wait3A_129, %dma_wait3A_130] : memref<2x512x32xf32, #tpu.memory_space<vmem>> -> memref<1x128x32xf32, #tpu.memory_space<vmem>>
      %dma_wait3A_132 = tpu.memref_squeeze %dma_wait3A_131 : memref<1x128x32xf32, #tpu.memory_space<vmem>> -> memref<128x32xf32, #tpu.memory_space<vmem>>
      %dma_wait3A_133 = arith.constant 128 : i32
      %dma_wait3A_134 = tpu.memref_slice %arg5[%add3A_108, %dma_wait3A_133] : memref<50x512xi32, #tpu.memory_space<vmem>> -> memref<1x128xi32, #tpu.memory_space<vmem>>
      %dma_wait3A_135 = tpu.memref_squeeze %dma_wait3A_134 : memref<1x128xi32, #tpu.memory_space<vmem>> -> memref<128xi32, #tpu.memory_space<vmem>>
      %dma_wait3A_136 = arith.constant 0 : i32
      %dma_wait3A_137 = arith.constant 0 : i32
      %dma_wait3A_138 = tpu.memref_slice %arg2[%dma_wait3A_136, %dma_wait3A_137] : memref<1000000x32xf32, #tpu.memory_space<hbm>> -> memref<1000000x32xf32, #tpu.memory_space<hbm>>
      %dma_wait3A_139 = tpu.memref_slice %arg7[%dma_wait3A_128] : memref<2x!tpu.dma_semaphore, #tpu.memory_space<semaphore_mem>> -> memref<1x!tpu.dma_semaphore, #tpu.memory_space<semaphore_mem>>
      %dma_wait3A_140 = tpu.memref_squeeze %dma_wait3A_139 : memref<1x!tpu.dma_semaphore, #tpu.memory_space<semaphore_mem>> -> memref<!tpu.dma_semaphore, #tpu.memory_space<semaphore_mem>>
      tpu.wait_indirect_dma semaphore(%dma_wait3A_140 : memref<!tpu.dma_semaphore, #tpu.memory_space<semaphore_mem>>) src(%dma_wait3A_138 : memref<1000000x32xf32, #tpu.memory_space<hbm>>) dst(%dma_wait3A_132 : memref<128x32xf32, #tpu.memory_space<vmem>>)
      %dma_wait3A_141 = arith.constant 0 : i32
      %dma_wait3A_142 = arith.constant 0 : i32
      %dma_wait3A_143 = arith.constant 256 : i32
      %dma_wait3A_144 = arith.constant 0 : i32
      %dma_wait3A_145 = tpu.memref_slice %arg6[%dma_wait3A_141, %dma_wait3A_143, %dma_wait3A_144] : memref<2x512x32xf32, #tpu.memory_space<vmem>> -> memref<1x128x32xf32, #tpu.memory_space<vmem>>
      %dma_wait3A_146 = tpu.memref_squeeze %dma_wait3A_145 : memref<1x128x32xf32, #tpu.memory_space<vmem>> -> memref<128x32xf32, #tpu.memory_space<vmem>>
      %dma_wait3A_147 = arith.constant 256 : i32
      %dma_wait3A_148 = tpu.memref_slice %arg5[%add3A_108, %dma_wait3A_147] : memref<50x512xi32, #tpu.memory_space<vmem>> -> memref<1x128xi32, #tpu.memory_space<vmem>>
      %dma_wait3A_149 = tpu.memref_squeeze %dma_wait3A_148 : memref<1x128xi32, #tpu.memory_space<vmem>> -> memref<128xi32, #tpu.memory_space<vmem>>
      %dma_wait3A_150 = arith.constant 0 : i32
      %dma_wait3A_151 = arith.constant 0 : i32
      %dma_wait3A_152 = tpu.memref_slice %arg2[%dma_wait3A_150, %dma_wait3A_151] : memref<1000000x32xf32, #tpu.memory_space<hbm>> -> memref<1000000x32xf32, #tpu.memory_space<hbm>>
      %dma_wait3A_153 = tpu.memref_slice %arg7[%dma_wait3A_142] : memref<2x!tpu.dma_semaphore, #tpu.memory_space<semaphore_mem>> -> memref<1x!tpu.dma_semaphore, #tpu.memory_space<semaphore_mem>>
      %dma_wait3A_154 = tpu.memref_squeeze %dma_wait3A_153 : memref<1x!tpu.dma_semaphore, #tpu.memory_space<semaphore_mem>> -> memref<!tpu.dma_semaphore, #tpu.memory_space<semaphore_mem>>
      tpu.wait_indirect_dma semaphore(%dma_wait3A_154 : memref<!tpu.dma_semaphore, #tpu.memory_space<semaphore_mem>>) src(%dma_wait3A_152 : memref<1000000x32xf32, #tpu.memory_space<hbm>>) dst(%dma_wait3A_146 : memref<128x32xf32, #tpu.memory_space<vmem>>)
      %dma_wait3A_155 = arith.constant 0 : i32
      %dma_wait3A_156 = arith.constant 0 : i32
      %dma_wait3A_157 = arith.constant 384 : i32
      %dma_wait3A_158 = arith.constant 0 : i32
      %dma_wait3A_159 = tpu.memref_slice %arg6[%dma_wait3A_155, %dma_wait3A_157, %dma_wait3A_158] : memref<2x512x32xf32, #tpu.memory_space<vmem>> -> memref<1x128x32xf32, #tpu.memory_space<vmem>>
      %dma_wait3A_160 = tpu.memref_squeeze %dma_wait3A_159 : memref<1x128x32xf32, #tpu.memory_space<vmem>> -> memref<128x32xf32, #tpu.memory_space<vmem>>
      %dma_wait3A_161 = arith.constant 384 : i32
      %dma_wait3A_162 = tpu.memref_slice %arg5[%add3A_108, %dma_wait3A_161] : memref<50x512xi32, #tpu.memory_space<vmem>> -> memref<1x128xi32, #tpu.memory_space<vmem>>
      %dma_wait3A_163 = tpu.memref_squeeze %dma_wait3A_162 : memref<1x128xi32, #tpu.memory_space<vmem>> -> memref<128xi32, #tpu.memory_space<vmem>>
      %dma_wait3A_164 = arith.constant 0 : i32
      %dma_wait3A_165 = arith.constant 0 : i32
      %dma_wait3A_166 = tpu.memref_slice %arg2[%dma_wait3A_164, %dma_wait3A_165] : memref<1000000x32xf32, #tpu.memory_space<hbm>> -> memref<1000000x32xf32, #tpu.memory_space<hbm>>
      %dma_wait3A_167 = tpu.memref_slice %arg7[%dma_wait3A_156] : memref<2x!tpu.dma_semaphore, #tpu.memory_space<semaphore_mem>> -> memref<1x!tpu.dma_semaphore, #tpu.memory_space<semaphore_mem>>
      %dma_wait3A_168 = tpu.memref_squeeze %dma_wait3A_167 : memref<1x!tpu.dma_semaphore, #tpu.memory_space<semaphore_mem>> -> memref<!tpu.dma_semaphore, #tpu.memory_space<semaphore_mem>>
      tpu.wait_indirect_dma semaphore(%dma_wait3A_168 : memref<!tpu.dma_semaphore, #tpu.memory_space<semaphore_mem>>) src(%dma_wait3A_166 : memref<1000000x32xf32, #tpu.memory_space<hbm>>) dst(%dma_wait3A_160 : memref<128x32xf32, #tpu.memory_space<vmem>>)
      %broadcast_in_dim3A = arith.constant 2147483647 : i32
      %broadcast_in_dim3A_169 = vector.broadcast %broadcast_in_dim3A : i32 to vector<50xi32>
      %scan3A_170 = arith.constant 0 : i32
      %scan3A_171 = arith.constant 32 : i32
      %scan3A_172 = arith.addi %scan3A_170, %scan3A_171 : i32
      %scan3A_173 = arith.constant 1 : i32
      %scan3A_174 = scf.for %scan3A_591 = %scan3A_170 to %scan3A_172 step %scan3A_173 iter_args(%scan3A_592 = %broadcast_in_dim3A_169) -> (vector<50xi32>)  : i32 {
        %mul3A_593 = arith.constant 50 : i32
        %mul3A_594 = arith.muli %scan3A_591, %mul3A_593 : i32
        %get3A = arith.index_cast %add3A_108 : i32 to index
        %get3A_595 = arith.index_cast %mul3A_594 : i32 to index
        %get3A_596 = tpu.vector_load %arg5[%get3A, %get3A_595] {strides = array<i32>} : memref<50x512xi32, #tpu.memory_space<vmem>>, vector<1x50xi32>,
        %get3A_597 = vector.shape_cast %get3A_596 : vector<1x50xi32> to vector<50xi32>
        %min3A_598 = arith.minsi %scan3A_592, %get3A_597 : vector<50xi32>
        scf.yield %min3A_598 : vector<50xi32>
      }
      %scan3A_175 = arith.constant 32 : i32
      %slice3A = vector.extract_strided_slice %scan3A_174 {offsets = [0], sizes = [1], strides = [1]} : vector<50xi32> to vector<1xi32>
      %squeeze3A = vector.extract %slice3A[0] : i32 from vector<1xi32>
      %slice3A_176 = vector.extract_strided_slice %scan3A_174 {offsets = [1], sizes = [1], strides = [1]} : vector<50xi32> to vector<1xi32>
      %squeeze3A_177 = vector.extract %slice3A_176[0] : i32 from vector<1xi32>
      %min3A = arith.minsi %squeeze3A, %squeeze3A_177 : i32
      %slice3A_178 = vector.extract_strided_slice %scan3A_174 {offsets = [2], sizes = [1], strides = [1]} : vector<50xi32> to vector<1xi32>
      %squeeze3A_179 = vector.extract %slice3A_178[0] : i32 from vector<1xi32>
      %min3A_180 = arith.minsi %min3A, %squeeze3A_179 : i32
      %slice3A_181 = vector.extract_strided_slice %scan3A_174 {offsets = [3], sizes = [1], strides = [1]} : vector<50xi32> to vector<1xi32>
      %squeeze3A_182 = vector.extract %slice3A_181[0] : i32 from vector<1xi32>
      %min3A_183 = arith.minsi %min3A_180, %squeeze3A_182 : i32
      %slice3A_184 = vector.extract_strided_slice %scan3A_174 {offsets = [4], sizes = [1], strides = [1]} : vector<50xi32> to vector<1xi32>
      %squeeze3A_185 = vector.extract %slice3A_184[0] : i32 from vector<1xi32>
      %min3A_186 = arith.minsi %min3A_183, %squeeze3A_185 : i32
      %slice3A_187 = vector.extract_strided_slice %scan3A_174 {offsets = [5], sizes = [1], strides = [1]} : vector<50xi32> to vector<1xi32>
      %squeeze3A_188 = vector.extract %slice3A_187[0] : i32 from vector<1xi32>
      %min3A_189 = arith.minsi %min3A_186, %squeeze3A_188 : i32
      %slice3A_190 = vector.extract_strided_slice %scan3A_174 {offsets = [6], sizes = [1], strides = [1]} : vector<50xi32> to vector<1xi32>
      %squeeze3A_191 = vector.extract %slice3A_190[0] : i32 from vector<1xi32>
      %min3A_192 = arith.minsi %min3A_189, %squeeze3A_191 : i32
      %slice3A_193 = vector.extract_strided_slice %scan3A_174 {offsets = [7], sizes = [1], strides = [1]} : vector<50xi32> to vector<1xi32>
      %squeeze3A_194 = vector.extract %slice3A_193[0] : i32 from vector<1xi32>
      %min3A_195 = arith.minsi %min3A_192, %squeeze3A_194 : i32
      %slice3A_196 = vector.extract_strided_slice %scan3A_174 {offsets = [8], sizes = [1], strides = [1]} : vector<50xi32> to vector<1xi32>
      %squeeze3A_197 = vector.extract %slice3A_196[0] : i32 from vector<1xi32>
      %min3A_198 = arith.minsi %min3A_195, %squeeze3A_197 : i32
      %slice3A_199 = vector.extract_strided_slice %scan3A_174 {offsets = [9], sizes = [1], strides = [1]} : vector<50xi32> to vector<1xi32>
      %squeeze3A_200 = vector.extract %slice3A_199[0] : i32 from vector<1xi32>
      %min3A_201 = arith.minsi %min3A_198, %squeeze3A_200 : i32
      %slice3A_202 = vector.extract_strided_slice %scan3A_174 {offsets = [10], sizes = [1], strides = [1]} : vector<50xi32> to vector<1xi32>
      %squeeze3A_203 = vector.extract %slice3A_202[0] : i32 from vector<1xi32>
      %min3A_204 = arith.minsi %min3A_201, %squeeze3A_203 : i32
      %slice3A_205 = vector.extract_strided_slice %scan3A_174 {offsets = [11], sizes = [1], strides = [1]} : vector<50xi32> to vector<1xi32>
      %squeeze3A_206 = vector.extract %slice3A_205[0] : i32 from vector<1xi32>
      %min3A_207 = arith.minsi %min3A_204, %squeeze3A_206 : i32
      %slice3A_208 = vector.extract_strided_slice %scan3A_174 {offsets = [12], sizes = [1], strides = [1]} : vector<50xi32> to vector<1xi32>
      %squeeze3A_209 = vector.extract %slice3A_208[0] : i32 from vector<1xi32>
      %min3A_210 = arith.minsi %min3A_207, %squeeze3A_209 : i32
      %slice3A_211 = vector.extract_strided_slice %scan3A_174 {offsets = [13], sizes = [1], strides = [1]} : vector<50xi32> to vector<1xi32>
      %squeeze3A_212 = vector.extract %slice3A_211[0] : i32 from vector<1xi32>
      %min3A_213 = arith.minsi %min3A_210, %squeeze3A_212 : i32
      %slice3A_214 = vector.extract_strided_slice %scan3A_174 {offsets = [14], sizes = [1], strides = [1]} : vector<50xi32> to vector<1xi32>
      %squeeze3A_215 = vector.extract %slice3A_214[0] : i32 from vector<1xi32>
      %min3A_216 = arith.minsi %min3A_213, %squeeze3A_215 : i32
      %slice3A_217 = vector.extract_strided_slice %scan3A_174 {offsets = [15], sizes = [1], strides = [1]} : vector<50xi32> to vector<1xi32>
      %squeeze3A_218 = vector.extract %slice3A_217[0] : i32 from vector<1xi32>
      %min3A_219 = arith.minsi %min3A_216, %squeeze3A_218 : i32
      %slice3A_220 = vector.extract_strided_slice %scan3A_174 {offsets = [16], sizes = [1], strides = [1]} : vector<50xi32> to vector<1xi32>
      %squeeze3A_221 = vector.extract %slice3A_220[0] : i32 from vector<1xi32>
      %min3A_222 = arith.minsi %min3A_219, %squeeze3A_221 : i32
      %slice3A_223 = vector.extract_strided_slice %scan3A_174 {offsets = [17], sizes = [1], strides = [1]} : vector<50xi32> to vector<1xi32>
      %squeeze3A_224 = vector.extract %slice3A_223[0] : i32 from vector<1xi32>
      %min3A_225 = arith.minsi %min3A_222, %squeeze3A_224 : i32
      %slice3A_226 = vector.extract_strided_slice %scan3A_174 {offsets = [18], sizes = [1], strides = [1]} : vector<50xi32> to vector<1xi32>
      %squeeze3A_227 = vector.extract %slice3A_226[0] : i32 from vector<1xi32>
      %min3A_228 = arith.minsi %min3A_225, %squeeze3A_227 : i32
      %slice3A_229 = vector.extract_strided_slice %scan3A_174 {offsets = [19], sizes = [1], strides = [1]} : vector<50xi32> to vector<1xi32>
      %squeeze3A_230 = vector.extract %slice3A_229[0] : i32 from vector<1xi32>
      %min3A_231 = arith.minsi %min3A_228, %squeeze3A_230 : i32
      %slice3A_232 = vector.extract_strided_slice %scan3A_174 {offsets = [20], sizes = [1], strides = [1]} : vector<50xi32> to vector<1xi32>
      %squeeze3A_233 = vector.extract %slice3A_232[0] : i32 from vector<1xi32>
      %min3A_234 = arith.minsi %min3A_231, %squeeze3A_233 : i32
      %slice3A_235 = vector.extract_strided_slice %scan3A_174 {offsets = [21], sizes = [1], strides = [1]} : vector<50xi32> to vector<1xi32>
      %squeeze3A_236 = vector.extract %slice3A_235[0] : i32 from vector<1xi32>
      %min3A_237 = arith.minsi %min3A_234, %squeeze3A_236 : i32
      %slice3A_238 = vector.extract_strided_slice %scan3A_174 {offsets = [22], sizes = [1], strides = [1]} : vector<50xi32> to vector<1xi32>
      %squeeze3A_239 = vector.extract %slice3A_238[0] : i32 from vector<1xi32>
      %min3A_240 = arith.minsi %min3A_237, %squeeze3A_239 : i32
      %slice3A_241 = vector.extract_strided_slice %scan3A_174 {offsets = [23], sizes = [1], strides = [1]} : vector<50xi32> to vector<1xi32>
      %squeeze3A_242 = vector.extract %slice3A_241[0] : i32 from vector<1xi32>
      %min3A_243 = arith.minsi %min3A_240, %squeeze3A_242 : i32
      %slice3A_244 = vector.extract_strided_slice %scan3A_174 {offsets = [24], sizes = [1], strides = [1]} : vector<50xi32> to vector<1xi32>
      %squeeze3A_245 = vector.extract %slice3A_244[0] : i32 from vector<1xi32>
      %min3A_246 = arith.minsi %min3A_243, %squeeze3A_245 : i32
      %slice3A_247 = vector.extract_strided_slice %scan3A_174 {offsets = [25], sizes = [1], strides = [1]} : vector<50xi32> to vector<1xi32>
      %squeeze3A_248 = vector.extract %slice3A_247[0] : i32 from vector<1xi32>
      %min3A_249 = arith.minsi %min3A_246, %squeeze3A_248 : i32
      %slice3A_250 = vector.extract_strided_slice %scan3A_174 {offsets = [26], sizes = [1], strides = [1]} : vector<50xi32> to vector<1xi32>
      %squeeze3A_251 = vector.extract %slice3A_250[0] : i32 from vector<1xi32>
      %min3A_252 = arith.minsi %min3A_249, %squeeze3A_251 : i32
      %slice3A_253 = vector.extract_strided_slice %scan3A_174 {offsets = [27], sizes = [1], strides = [1]} : vector<50xi32> to vector<1xi32>
      %squeeze3A_254 = vector.extract %slice3A_253[0] : i32 from vector<1xi32>
      %min3A_255 = arith.minsi %min3A_252, %squeeze3A_254 : i32
      %slice3A_256 = vector.extract_strided_slice %scan3A_174 {offsets = [28], sizes = [1], strides = [1]} : vector<50xi32> to vector<1xi32>
      %squeeze3A_257 = vector.extract %slice3A_256[0] : i32 from vector<1xi32>
      %min3A_258 = arith.minsi %min3A_255, %squeeze3A_257 : i32
      %slice3A_259 = vector.extract_strided_slice %scan3A_174 {offsets = [29], sizes = [1], strides = [1]} : vector<50xi32> to vector<1xi32>
      %squeeze3A_260 = vector.extract %slice3A_259[0] : i32 from vector<1xi32>
      %min3A_261 = arith.minsi %min3A_258, %squeeze3A_260 : i32
      %slice3A_262 = vector.extract_strided_slice %scan3A_174 {offsets = [30], sizes = [1], strides = [1]} : vector<50xi32> to vector<1xi32>
      %squeeze3A_263 = vector.extract %slice3A_262[0] : i32 from vector<1xi32>
      %min3A_264 = arith.minsi %min3A_261, %squeeze3A_263 : i32
      %slice3A_265 = vector.extract_strided_slice %scan3A_174 {offsets = [31], sizes = [1], strides = [1]} : vector<50xi32> to vector<1xi32>
      %squeeze3A_266 = vector.extract %slice3A_265[0] : i32 from vector<1xi32>
      %min3A_267 = arith.minsi %min3A_264, %squeeze3A_266 : i32
      %slice3A_268 = vector.extract_strided_slice %scan3A_174 {offsets = [32], sizes = [1], strides = [1]} : vector<50xi32> to vector<1xi32>
      %squeeze3A_269 = vector.extract %slice3A_268[0] : i32 from vector<1xi32>
      %min3A_270 = arith.minsi %min3A_267, %squeeze3A_269 : i32
      %slice3A_271 = vector.extract_strided_slice %scan3A_174 {offsets = [33], sizes = [1], strides = [1]} : vector<50xi32> to vector<1xi32>
      %squeeze3A_272 = vector.extract %slice3A_271[0] : i32 from vector<1xi32>
      %min3A_273 = arith.minsi %min3A_270, %squeeze3A_272 : i32
      %slice3A_274 = vector.extract_strided_slice %scan3A_174 {offsets = [34], sizes = [1], strides = [1]} : vector<50xi32> to vector<1xi32>
      %squeeze3A_275 = vector.extract %slice3A_274[0] : i32 from vector<1xi32>
      %min3A_276 = arith.minsi %min3A_273, %squeeze3A_275 : i32
      %slice3A_277 = vector.extract_strided_slice %scan3A_174 {offsets = [35], sizes = [1], strides = [1]} : vector<50xi32> to vector<1xi32>
      %squeeze3A_278 = vector.extract %slice3A_277[0] : i32 from vector<1xi32>
      %min3A_279 = arith.minsi %min3A_276, %squeeze3A_278 : i32
      %slice3A_280 = vector.extract_strided_slice %scan3A_174 {offsets = [36], sizes = [1], strides = [1]} : vector<50xi32> to vector<1xi32>
      %squeeze3A_281 = vector.extract %slice3A_280[0] : i32 from vector<1xi32>
      %min3A_282 = arith.minsi %min3A_279, %squeeze3A_281 : i32
      %slice3A_283 = vector.extract_strided_slice %scan3A_174 {offsets = [37], sizes = [1], strides = [1]} : vector<50xi32> to vector<1xi32>
      %squeeze3A_284 = vector.extract %slice3A_283[0] : i32 from vector<1xi32>
      %min3A_285 = arith.minsi %min3A_282, %squeeze3A_284 : i32
      %slice3A_286 = vector.extract_strided_slice %scan3A_174 {offsets = [38], sizes = [1], strides = [1]} : vector<50xi32> to vector<1xi32>
      %squeeze3A_287 = vector.extract %slice3A_286[0] : i32 from vector<1xi32>
      %min3A_288 = arith.minsi %min3A_285, %squeeze3A_287 : i32
      %slice3A_289 = vector.extract_strided_slice %scan3A_174 {offsets = [39], sizes = [1], strides = [1]} : vector<50xi32> to vector<1xi32>
      %squeeze3A_290 = vector.extract %slice3A_289[0] : i32 from vector<1xi32>
      %min3A_291 = arith.minsi %min3A_288, %squeeze3A_290 : i32
      %slice3A_292 = vector.extract_strided_slice %scan3A_174 {offsets = [40], sizes = [1], strides = [1]} : vector<50xi32> to vector<1xi32>
      %squeeze3A_293 = vector.extract %slice3A_292[0] : i32 from vector<1xi32>
      %min3A_294 = arith.minsi %min3A_291, %squeeze3A_293 : i32
      %slice3A_295 = vector.extract_strided_slice %scan3A_174 {offsets = [41], sizes = [1], strides = [1]} : vector<50xi32> to vector<1xi32>
      %squeeze3A_296 = vector.extract %slice3A_295[0] : i32 from vector<1xi32>
      %min3A_297 = arith.minsi %min3A_294, %squeeze3A_296 : i32
      %slice3A_298 = vector.extract_strided_slice %scan3A_174 {offsets = [42], sizes = [1], strides = [1]} : vector<50xi32> to vector<1xi32>
      %squeeze3A_299 = vector.extract %slice3A_298[0] : i32 from vector<1xi32>
      %min3A_300 = arith.minsi %min3A_297, %squeeze3A_299 : i32
      %slice3A_301 = vector.extract_strided_slice %scan3A_174 {offsets = [43], sizes = [1], strides = [1]} : vector<50xi32> to vector<1xi32>
      %squeeze3A_302 = vector.extract %slice3A_301[0] : i32 from vector<1xi32>
      %min3A_303 = arith.minsi %min3A_300, %squeeze3A_302 : i32
      %slice3A_304 = vector.extract_strided_slice %scan3A_174 {offsets = [44], sizes = [1], strides = [1]} : vector<50xi32> to vector<1xi32>
      %squeeze3A_305 = vector.extract %slice3A_304[0] : i32 from vector<1xi32>
      %min3A_306 = arith.minsi %min3A_303, %squeeze3A_305 : i32
      %slice3A_307 = vector.extract_strided_slice %scan3A_174 {offsets = [45], sizes = [1], strides = [1]} : vector<50xi32> to vector<1xi32>
      %squeeze3A_308 = vector.extract %slice3A_307[0] : i32 from vector<1xi32>
      %min3A_309 = arith.minsi %min3A_306, %squeeze3A_308 : i32
      %slice3A_310 = vector.extract_strided_slice %scan3A_174 {offsets = [46], sizes = [1], strides = [1]} : vector<50xi32> to vector<1xi32>
      %squeeze3A_311 = vector.extract %slice3A_310[0] : i32 from vector<1xi32>
      %min3A_312 = arith.minsi %min3A_309, %squeeze3A_311 : i32
      %slice3A_313 = vector.extract_strided_slice %scan3A_174 {offsets = [47], sizes = [1], strides = [1]} : vector<50xi32> to vector<1xi32>
      %squeeze3A_314 = vector.extract %slice3A_313[0] : i32 from vector<1xi32>
      %min3A_315 = arith.minsi %min3A_312, %squeeze3A_314 : i32
      %slice3A_316 = vector.extract_strided_slice %scan3A_174 {offsets = [48], sizes = [1], strides = [1]} : vector<50xi32> to vector<1xi32>
      %squeeze3A_317 = vector.extract %slice3A_316[0] : i32 from vector<1xi32>
      %min3A_318 = arith.minsi %min3A_315, %squeeze3A_317 : i32
      %slice3A_319 = vector.extract_strided_slice %scan3A_174 {offsets = [49], sizes = [1], strides = [1]} : vector<50xi32> to vector<1xi32>
      %squeeze3A_320 = vector.extract %slice3A_319[0] : i32 from vector<1xi32>
      %min3A_321 = arith.minsi %min3A_318, %squeeze3A_320 : i32
      %eq3A = arith.constant 0 : i32
      %eq3A_322 = arith.cmpi eq, %min3A_321, %eq3A : i32
      %convert_element_type3A_323 = arith.extui %eq3A_322 : i1 to i32
      %cond3A_324 = arith.constant 0 : i32
      %cond3A_325 = arith.cmpi ne, %convert_element_type3A_323, %cond3A_324 : i32
      scf.if %cond3A_325 {
        %scan3A_591 = arith.constant 0 : i32
        %scan3A_592 = arith.constant 0 : i32
        %scan3A_593 = arith.constant 32 : i32
        %scan3A_594 = arith.addi %scan3A_592, %scan3A_593 : i32
        %scan3A_595 = arith.constant 1 : i32
        scf.for %scan3A_597 = %scan3A_592 to %scan3A_594 step %scan3A_595  : i32 {
          %mul3A_598 = arith.constant 50 : i32
          %mul3A_599 = arith.muli %scan3A_597, %mul3A_598 : i32
          %get3A = arith.index_cast %add3A_108 : i32 to index
          %get3A_600 = arith.index_cast %mul3A_599 : i32 to index
          %get3A_601 = tpu.vector_load %arg5[%get3A, %get3A_600] {strides = array<i32>} : memref<50x512xi32, #tpu.memory_space<vmem>>, vector<1x50xi32>,
          %get3A_602 = vector.shape_cast %get3A_601 : vector<1x50xi32> to vector<50xi32>
          %slice3A_603 = vector.extract_strided_slice %get3A_602 {offsets = [0], sizes = [1], strides = [1]} : vector<50xi32> to vector<1xi32>
          %squeeze3A_604 = vector.extract %slice3A_603[0] : i32 from vector<1xi32>
          %eq3A_605 = arith.constant 0 : i32
          %eq3A_606 = arith.cmpi eq, %squeeze3A_604, %eq3A_605 : i32
          %jit3A = arith.constant 0.000000e+00 : f32
          %jit3A_607 = arith.constant 1.000000e+00 : f32
          %select_n3A = arith.select %eq3A_606, %jit3A, %jit3A_607 : f32
          %mul3A_608 = arith.constant 50 : i32
          %mul3A_609 = arith.muli %scan3A_597, %mul3A_608 : i32
          %add3A_610 = arith.constant 0 : i32
          %add3A_611 = arith.addi %mul3A_609, %add3A_610 : i32
          %slice3A_612 = vector.extract_strided_slice %get3A_602 {offsets = [1], sizes = [1], strides = [1]} : vector<50xi32> to vector<1xi32>
          %squeeze3A_613 = vector.extract %slice3A_612[0] : i32 from vector<1xi32>
          %eq3A_614 = arith.constant 0 : i32
          %eq3A_615 = arith.cmpi eq, %squeeze3A_613, %eq3A_614 : i32
          %jit3A_616 = arith.constant 0.000000e+00 : f32
          %jit3A_617 = arith.constant 1.000000e+00 : f32
          %select_n3A_618 = arith.select %eq3A_615, %jit3A_616, %jit3A_617 : f32
          %mul3A_619 = arith.constant 50 : i32
          %mul3A_620 = arith.muli %scan3A_597, %mul3A_619 : i32
          %add3A_621 = arith.constant 1 : i32
          %add3A_622 = arith.addi %mul3A_620, %add3A_621 : i32
          %slice3A_623 = vector.extract_strided_slice %get3A_602 {offsets = [2], sizes = [1], strides = [1]} : vector<50xi32> to vector<1xi32>
          %squeeze3A_624 = vector.extract %slice3A_623[0] : i32 from vector<1xi32>
          %eq3A_625 = arith.constant 0 : i32
          %eq3A_626 = arith.cmpi eq, %squeeze3A_624, %eq3A_625 : i32
          %jit3A_627 = arith.constant 0.000000e+00 : f32
          %jit3A_628 = arith.constant 1.000000e+00 : f32
          %select_n3A_629 = arith.select %eq3A_626, %jit3A_627, %jit3A_628 : f32
          %mul3A_630 = arith.constant 50 : i32
          %mul3A_631 = arith.muli %scan3A_597, %mul3A_630 : i32
          %add3A_632 = arith.constant 2 : i32
          %add3A_633 = arith.addi %mul3A_631, %add3A_632 : i32
          %slice3A_634 = vector.extract_strided_slice %get3A_602 {offsets = [3], sizes = [1], strides = [1]} : vector<50xi32> to vector<1xi32>
          %squeeze3A_635 = vector.extract %slice3A_634[0] : i32 from vector<1xi32>
          %eq3A_636 = arith.constant 0 : i32
          %eq3A_637 = arith.cmpi eq, %squeeze3A_635, %eq3A_636 : i32
          %jit3A_638 = arith.constant 0.000000e+00 : f32
          %jit3A_639 = arith.constant 1.000000e+00 : f32
          %select_n3A_640 = arith.select %eq3A_637, %jit3A_638, %jit3A_639 : f32
          %mul3A_641 = arith.constant 50 : i32
          %mul3A_642 = arith.muli %scan3A_597, %mul3A_641 : i32
          %add3A_643 = arith.constant 3 : i32
          %add3A_644 = arith.addi %mul3A_642, %add3A_643 : i32
          %slice3A_645 = vector.extract_strided_slice %get3A_602 {offsets = [4], sizes = [1], strides = [1]} : vector<50xi32> to vector<1xi32>
          %squeeze3A_646 = vector.extract %slice3A_645[0] : i32 from vector<1xi32>
          %eq3A_647 = arith.constant 0 : i32
          %eq3A_648 = arith.cmpi eq, %squeeze3A_646, %eq3A_647 : i32
          %jit3A_649 = arith.constant 0.000000e+00 : f32
          %jit3A_650 = arith.constant 1.000000e+00 : f32
          %select_n3A_651 = arith.select %eq3A_648, %jit3A_649, %jit3A_650 : f32
          %mul3A_652 = arith.constant 50 : i32
          %mul3A_653 = arith.muli %scan3A_597, %mul3A_652 : i32
          %add3A_654 = arith.constant 4 : i32
          %add3A_655 = arith.addi %mul3A_653, %add3A_654 : i32
          %slice3A_656 = vector.extract_strided_slice %get3A_602 {offsets = [5], sizes = [1], strides = [1]} : vector<50xi32> to vector<1xi32>
          %squeeze3A_657 = vector.extract %slice3A_656[0] : i32 from vector<1xi32>
          %eq3A_658 = arith.constant 0 : i32
          %eq3A_659 = arith.cmpi eq, %squeeze3A_657, %eq3A_658 : i32
          %jit3A_660 = arith.constant 0.000000e+00 : f32
          %jit3A_661 = arith.constant 1.000000e+00 : f32
          %select_n3A_662 = arith.select %eq3A_659, %jit3A_660, %jit3A_661 : f32
          %mul3A_663 = arith.constant 50 : i32
          %mul3A_664 = arith.muli %scan3A_597, %mul3A_663 : i32
          %add3A_665 = arith.constant 5 : i32
          %add3A_666 = arith.addi %mul3A_664, %add3A_665 : i32
          %slice3A_667 = vector.extract_strided_slice %get3A_602 {offsets = [6], sizes = [1], strides = [1]} : vector<50xi32> to vector<1xi32>
          %squeeze3A_668 = vector.extract %slice3A_667[0] : i32 from vector<1xi32>
          %eq3A_669 = arith.constant 0 : i32
          %eq3A_670 = arith.cmpi eq, %squeeze3A_668, %eq3A_669 : i32
          %jit3A_671 = arith.constant 0.000000e+00 : f32
          %jit3A_672 = arith.constant 1.000000e+00 : f32
          %select_n3A_673 = arith.select %eq3A_670, %jit3A_671, %jit3A_672 : f32
          %mul3A_674 = arith.constant 50 : i32
          %mul3A_675 = arith.muli %scan3A_597, %mul3A_674 : i32
          %add3A_676 = arith.constant 6 : i32
          %add3A_677 = arith.addi %mul3A_675, %add3A_676 : i32
          %slice3A_678 = vector.extract_strided_slice %get3A_602 {offsets = [7], sizes = [1], strides = [1]} : vector<50xi32> to vector<1xi32>
          %squeeze3A_679 = vector.extract %slice3A_678[0] : i32 from vector<1xi32>
          %eq3A_680 = arith.constant 0 : i32
          %eq3A_681 = arith.cmpi eq, %squeeze3A_679, %eq3A_680 : i32
          %jit3A_682 = arith.constant 0.000000e+00 : f32
          %jit3A_683 = arith.constant 1.000000e+00 : f32
          %select_n3A_684 = arith.select %eq3A_681, %jit3A_682, %jit3A_683 : f32
          %mul3A_685 = arith.constant 50 : i32
          %mul3A_686 = arith.muli %scan3A_597, %mul3A_685 : i32
          %add3A_687 = arith.constant 7 : i32
          %add3A_688 = arith.addi %mul3A_686, %add3A_687 : i32
          %slice3A_689 = vector.extract_strided_slice %get3A_602 {offsets = [8], sizes = [1], strides = [1]} : vector<50xi32> to vector<1xi32>
          %squeeze3A_690 = vector.extract %slice3A_689[0] : i32 from vector<1xi32>
          %eq3A_691 = arith.constant 0 : i32
          %eq3A_692 = arith.cmpi eq, %squeeze3A_690, %eq3A_691 : i32
          %jit3A_693 = arith.constant 0.000000e+00 : f32
          %jit3A_694 = arith.constant 1.000000e+00 : f32
          %select_n3A_695 = arith.select %eq3A_692, %jit3A_693, %jit3A_694 : f32
          %mul3A_696 = arith.constant 50 : i32
          %mul3A_697 = arith.muli %scan3A_597, %mul3A_696 : i32
          %add3A_698 = arith.constant 8 : i32
          %add3A_699 = arith.addi %mul3A_697, %add3A_698 : i32
          %slice3A_700 = vector.extract_strided_slice %get3A_602 {offsets = [9], sizes = [1], strides = [1]} : vector<50xi32> to vector<1xi32>
          %squeeze3A_701 = vector.extract %slice3A_700[0] : i32 from vector<1xi32>
          %eq3A_702 = arith.constant 0 : i32
          %eq3A_703 = arith.cmpi eq, %squeeze3A_701, %eq3A_702 : i32
          %jit3A_704 = arith.constant 0.000000e+00 : f32
          %jit3A_705 = arith.constant 1.000000e+00 : f32
          %select_n3A_706 = arith.select %eq3A_703, %jit3A_704, %jit3A_705 : f32
          %mul3A_707 = arith.constant 50 : i32
          %mul3A_708 = arith.muli %scan3A_597, %mul3A_707 : i32
          %add3A_709 = arith.constant 9 : i32
          %add3A_710 = arith.addi %mul3A_708, %add3A_709 : i32
          %slice3A_711 = vector.extract_strided_slice %get3A_602 {offsets = [10], sizes = [1], strides = [1]} : vector<50xi32> to vector<1xi32>
          %squeeze3A_712 = vector.extract %slice3A_711[0] : i32 from vector<1xi32>
          %eq3A_713 = arith.constant 0 : i32
          %eq3A_714 = arith.cmpi eq, %squeeze3A_712, %eq3A_713 : i32
          %jit3A_715 = arith.constant 0.000000e+00 : f32
          %jit3A_716 = arith.constant 1.000000e+00 : f32
          %select_n3A_717 = arith.select %eq3A_714, %jit3A_715, %jit3A_716 : f32
          %mul3A_718 = arith.constant 50 : i32
          %mul3A_719 = arith.muli %scan3A_597, %mul3A_718 : i32
          %add3A_720 = arith.constant 10 : i32
          %add3A_721 = arith.addi %mul3A_719, %add3A_720 : i32
          %slice3A_722 = vector.extract_strided_slice %get3A_602 {offsets = [11], sizes = [1], strides = [1]} : vector<50xi32> to vector<1xi32>
          %squeeze3A_723 = vector.extract %slice3A_722[0] : i32 from vector<1xi32>
          %eq3A_724 = arith.constant 0 : i32
          %eq3A_725 = arith.cmpi eq, %squeeze3A_723, %eq3A_724 : i32
          %jit3A_726 = arith.constant 0.000000e+00 : f32
          %jit3A_727 = arith.constant 1.000000e+00 : f32
          %select_n3A_728 = arith.select %eq3A_725, %jit3A_726, %jit3A_727 : f32
          %mul3A_729 = arith.constant 50 : i32
          %mul3A_730 = arith.muli %scan3A_597, %mul3A_729 : i32
          %add3A_731 = arith.constant 11 : i32
          %add3A_732 = arith.addi %mul3A_730, %add3A_731 : i32
          %slice3A_733 = vector.extract_strided_slice %get3A_602 {offsets = [12], sizes = [1], strides = [1]} : vector<50xi32> to vector<1xi32>
          %squeeze3A_734 = vector.extract %slice3A_733[0] : i32 from vector<1xi32>
          %eq3A_735 = arith.constant 0 : i32
          %eq3A_736 = arith.cmpi eq, %squeeze3A_734, %eq3A_735 : i32
          %jit3A_737 = arith.constant 0.000000e+00 : f32
          %jit3A_738 = arith.constant 1.000000e+00 : f32
          %select_n3A_739 = arith.select %eq3A_736, %jit3A_737, %jit3A_738 : f32
          %mul3A_740 = arith.constant 50 : i32
          %mul3A_741 = arith.muli %scan3A_597, %mul3A_740 : i32
          %add3A_742 = arith.constant 12 : i32
          %add3A_743 = arith.addi %mul3A_741, %add3A_742 : i32
          %slice3A_744 = vector.extract_strided_slice %get3A_602 {offsets = [13], sizes = [1], strides = [1]} : vector<50xi32> to vector<1xi32>
          %squeeze3A_745 = vector.extract %slice3A_744[0] : i32 from vector<1xi32>
          %eq3A_746 = arith.constant 0 : i32
          %eq3A_747 = arith.cmpi eq, %squeeze3A_745, %eq3A_746 : i32
          %jit3A_748 = arith.constant 0.000000e+00 : f32
          %jit3A_749 = arith.constant 1.000000e+00 : f32
          %select_n3A_750 = arith.select %eq3A_747, %jit3A_748, %jit3A_749 : f32
          %mul3A_751 = arith.constant 50 : i32
          %mul3A_752 = arith.muli %scan3A_597, %mul3A_751 : i32
          %add3A_753 = arith.constant 13 : i32
          %add3A_754 = arith.addi %mul3A_752, %add3A_753 : i32
          %slice3A_755 = vector.extract_strided_slice %get3A_602 {offsets = [14], sizes = [1], strides = [1]} : vector<50xi32> to vector<1xi32>
          %squeeze3A_756 = vector.extract %slice3A_755[0] : i32 from vector<1xi32>
          %eq3A_757 = arith.constant 0 : i32
          %eq3A_758 = arith.cmpi eq, %squeeze3A_756, %eq3A_757 : i32
          %jit3A_759 = arith.constant 0.000000e+00 : f32
          %jit3A_760 = arith.constant 1.000000e+00 : f32
          %select_n3A_761 = arith.select %eq3A_758, %jit3A_759, %jit3A_760 : f32
          %mul3A_762 = arith.constant 50 : i32
          %mul3A_763 = arith.muli %scan3A_597, %mul3A_762 : i32
          %add3A_764 = arith.constant 14 : i32
          %add3A_765 = arith.addi %mul3A_763, %add3A_764 : i32
          %slice3A_766 = vector.extract_strided_slice %get3A_602 {offsets = [15], sizes = [1], strides = [1]} : vector<50xi32> to vector<1xi32>
          %squeeze3A_767 = vector.extract %slice3A_766[0] : i32 from vector<1xi32>
          %eq3A_768 = arith.constant 0 : i32
          %eq3A_769 = arith.cmpi eq, %squeeze3A_767, %eq3A_768 : i32
          %jit3A_770 = arith.constant 0.000000e+00 : f32
          %jit3A_771 = arith.constant 1.000000e+00 : f32
          %select_n3A_772 = arith.select %eq3A_769, %jit3A_770, %jit3A_771 : f32
          %mul3A_773 = arith.constant 50 : i32
          %mul3A_774 = arith.muli %scan3A_597, %mul3A_773 : i32
          %add3A_775 = arith.constant 15 : i32
          %add3A_776 = arith.addi %mul3A_774, %add3A_775 : i32
          %slice3A_777 = vector.extract_strided_slice %get3A_602 {offsets = [16], sizes = [1], strides = [1]} : vector<50xi32> to vector<1xi32>
          %squeeze3A_778 = vector.extract %slice3A_777[0] : i32 from vector<1xi32>
          %eq3A_779 = arith.constant 0 : i32
          %eq3A_780 = arith.cmpi eq, %squeeze3A_778, %eq3A_779 : i32
          %jit3A_781 = arith.constant 0.000000e+00 : f32
          %jit3A_782 = arith.constant 1.000000e+00 : f32
          %select_n3A_783 = arith.select %eq3A_780, %jit3A_781, %jit3A_782 : f32
          %mul3A_784 = arith.constant 50 : i32
          %mul3A_785 = arith.muli %scan3A_597, %mul3A_784 : i32
          %add3A_786 = arith.constant 16 : i32
          %add3A_787 = arith.addi %mul3A_785, %add3A_786 : i32
          %slice3A_788 = vector.extract_strided_slice %get3A_602 {offsets = [17], sizes = [1], strides = [1]} : vector<50xi32> to vector<1xi32>
          %squeeze3A_789 = vector.extract %slice3A_788[0] : i32 from vector<1xi32>
          %eq3A_790 = arith.constant 0 : i32
          %eq3A_791 = arith.cmpi eq, %squeeze3A_789, %eq3A_790 : i32
          %jit3A_792 = arith.constant 0.000000e+00 : f32
          %jit3A_793 = arith.constant 1.000000e+00 : f32
          %select_n3A_794 = arith.select %eq3A_791, %jit3A_792, %jit3A_793 : f32
          %mul3A_795 = arith.constant 50 : i32
          %mul3A_796 = arith.muli %scan3A_597, %mul3A_795 : i32
          %add3A_797 = arith.constant 17 : i32
          %add3A_798 = arith.addi %mul3A_796, %add3A_797 : i32
          %slice3A_799 = vector.extract_strided_slice %get3A_602 {offsets = [18], sizes = [1], strides = [1]} : vector<50xi32> to vector<1xi32>
          %squeeze3A_800 = vector.extract %slice3A_799[0] : i32 from vector<1xi32>
          %eq3A_801 = arith.constant 0 : i32
          %eq3A_802 = arith.cmpi eq, %squeeze3A_800, %eq3A_801 : i32
          %jit3A_803 = arith.constant 0.000000e+00 : f32
          %jit3A_804 = arith.constant 1.000000e+00 : f32
          %select_n3A_805 = arith.select %eq3A_802, %jit3A_803, %jit3A_804 : f32
          %mul3A_806 = arith.constant 50 : i32
          %mul3A_807 = arith.muli %scan3A_597, %mul3A_806 : i32
          %add3A_808 = arith.constant 18 : i32
          %add3A_809 = arith.addi %mul3A_807, %add3A_808 : i32
          %slice3A_810 = vector.extract_strided_slice %get3A_602 {offsets = [19], sizes = [1], strides = [1]} : vector<50xi32> to vector<1xi32>
          %squeeze3A_811 = vector.extract %slice3A_810[0] : i32 from vector<1xi32>
          %eq3A_812 = arith.constant 0 : i32
          %eq3A_813 = arith.cmpi eq, %squeeze3A_811, %eq3A_812 : i32
          %jit3A_814 = arith.constant 0.000000e+00 : f32
          %jit3A_815 = arith.constant 1.000000e+00 : f32
          %select_n3A_816 = arith.select %eq3A_813, %jit3A_814, %jit3A_815 : f32
          %mul3A_817 = arith.constant 50 : i32
          %mul3A_818 = arith.muli %scan3A_597, %mul3A_817 : i32
          %add3A_819 = arith.constant 19 : i32
          %add3A_820 = arith.addi %mul3A_818, %add3A_819 : i32
          %slice3A_821 = vector.extract_strided_slice %get3A_602 {offsets = [20], sizes = [1], strides = [1]} : vector<50xi32> to vector<1xi32>
          %squeeze3A_822 = vector.extract %slice3A_821[0] : i32 from vector<1xi32>
          %eq3A_823 = arith.constant 0 : i32
          %eq3A_824 = arith.cmpi eq, %squeeze3A_822, %eq3A_823 : i32
          %jit3A_825 = arith.constant 0.000000e+00 : f32
          %jit3A_826 = arith.constant 1.000000e+00 : f32
          %select_n3A_827 = arith.select %eq3A_824, %jit3A_825, %jit3A_826 : f32
          %mul3A_828 = arith.constant 50 : i32
          %mul3A_829 = arith.muli %scan3A_597, %mul3A_828 : i32
          %add3A_830 = arith.constant 20 : i32
          %add3A_831 = arith.addi %mul3A_829, %add3A_830 : i32
          %slice3A_832 = vector.extract_strided_slice %get3A_602 {offsets = [21], sizes = [1], strides = [1]} : vector<50xi32> to vector<1xi32>
          %squeeze3A_833 = vector.extract %slice3A_832[0] : i32 from vector<1xi32>
          %eq3A_834 = arith.constant 0 : i32
          %eq3A_835 = arith.cmpi eq, %squeeze3A_833, %eq3A_834 : i32
          %jit3A_836 = arith.constant 0.000000e+00 : f32
          %jit3A_837 = arith.constant 1.000000e+00 : f32
          %select_n3A_838 = arith.select %eq3A_835, %jit3A_836, %jit3A_837 : f32
          %mul3A_839 = arith.constant 50 : i32
          %mul3A_840 = arith.muli %scan3A_597, %mul3A_839 : i32
          %add3A_841 = arith.constant 21 : i32
          %add3A_842 = arith.addi %mul3A_840, %add3A_841 : i32
          %slice3A_843 = vector.extract_strided_slice %get3A_602 {offsets = [22], sizes = [1], strides = [1]} : vector<50xi32> to vector<1xi32>
          %squeeze3A_844 = vector.extract %slice3A_843[0] : i32 from vector<1xi32>
          %eq3A_845 = arith.constant 0 : i32
          %eq3A_846 = arith.cmpi eq, %squeeze3A_844, %eq3A_845 : i32
          %jit3A_847 = arith.constant 0.000000e+00 : f32
          %jit3A_848 = arith.constant 1.000000e+00 : f32
          %select_n3A_849 = arith.select %eq3A_846, %jit3A_847, %jit3A_848 : f32
          %mul3A_850 = arith.constant 50 : i32
          %mul3A_851 = arith.muli %scan3A_597, %mul3A_850 : i32
          %add3A_852 = arith.constant 22 : i32
          %add3A_853 = arith.addi %mul3A_851, %add3A_852 : i32
          %slice3A_854 = vector.extract_strided_slice %get3A_602 {offsets = [23], sizes = [1], strides = [1]} : vector<50xi32> to vector<1xi32>
          %squeeze3A_855 = vector.extract %slice3A_854[0] : i32 from vector<1xi32>
          %eq3A_856 = arith.constant 0 : i32
          %eq3A_857 = arith.cmpi eq, %squeeze3A_855, %eq3A_856 : i32
          %jit3A_858 = arith.constant 0.000000e+00 : f32
          %jit3A_859 = arith.constant 1.000000e+00 : f32
          %select_n3A_860 = arith.select %eq3A_857, %jit3A_858, %jit3A_859 : f32
          %mul3A_861 = arith.constant 50 : i32
          %mul3A_862 = arith.muli %scan3A_597, %mul3A_861 : i32
          %add3A_863 = arith.constant 23 : i32
          %add3A_864 = arith.addi %mul3A_862, %add3A_863 : i32
          %slice3A_865 = vector.extract_strided_slice %get3A_602 {offsets = [24], sizes = [1], strides = [1]} : vector<50xi32> to vector<1xi32>
          %squeeze3A_866 = vector.extract %slice3A_865[0] : i32 from vector<1xi32>
          %eq3A_867 = arith.constant 0 : i32
          %eq3A_868 = arith.cmpi eq, %squeeze3A_866, %eq3A_867 : i32
          %jit3A_869 = arith.constant 0.000000e+00 : f32
          %jit3A_870 = arith.constant 1.000000e+00 : f32
          %select_n3A_871 = arith.select %eq3A_868, %jit3A_869, %jit3A_870 : f32
          %mul3A_872 = arith.constant 50 : i32
          %mul3A_873 = arith.muli %scan3A_597, %mul3A_872 : i32
          %add3A_874 = arith.constant 24 : i32
          %add3A_875 = arith.addi %mul3A_873, %add3A_874 : i32
          %slice3A_876 = vector.extract_strided_slice %get3A_602 {offsets = [25], sizes = [1], strides = [1]} : vector<50xi32> to vector<1xi32>
          %squeeze3A_877 = vector.extract %slice3A_876[0] : i32 from vector<1xi32>
          %eq3A_878 = arith.constant 0 : i32
          %eq3A_879 = arith.cmpi eq, %squeeze3A_877, %eq3A_878 : i32
          %jit3A_880 = arith.constant 0.000000e+00 : f32
          %jit3A_881 = arith.constant 1.000000e+00 : f32
          %select_n3A_882 = arith.select %eq3A_879, %jit3A_880, %jit3A_881 : f32
          %mul3A_883 = arith.constant 50 : i32
          %mul3A_884 = arith.muli %scan3A_597, %mul3A_883 : i32
          %add3A_885 = arith.constant 25 : i32
          %add3A_886 = arith.addi %mul3A_884, %add3A_885 : i32
          %slice3A_887 = vector.extract_strided_slice %get3A_602 {offsets = [26], sizes = [1], strides = [1]} : vector<50xi32> to vector<1xi32>
          %squeeze3A_888 = vector.extract %slice3A_887[0] : i32 from vector<1xi32>
          %eq3A_889 = arith.constant 0 : i32
          %eq3A_890 = arith.cmpi eq, %squeeze3A_888, %eq3A_889 : i32
          %jit3A_891 = arith.constant 0.000000e+00 : f32
          %jit3A_892 = arith.constant 1.000000e+00 : f32
          %select_n3A_893 = arith.select %eq3A_890, %jit3A_891, %jit3A_892 : f32
          %mul3A_894 = arith.constant 50 : i32
          %mul3A_895 = arith.muli %scan3A_597, %mul3A_894 : i32
          %add3A_896 = arith.constant 26 : i32
          %add3A_897 = arith.addi %mul3A_895, %add3A_896 : i32
          %slice3A_898 = vector.extract_strided_slice %get3A_602 {offsets = [27], sizes = [1], strides = [1]} : vector<50xi32> to vector<1xi32>
          %squeeze3A_899 = vector.extract %slice3A_898[0] : i32 from vector<1xi32>
          %eq3A_900 = arith.constant 0 : i32
          %eq3A_901 = arith.cmpi eq, %squeeze3A_899, %eq3A_900 : i32
          %jit3A_902 = arith.constant 0.000000e+00 : f32
          %jit3A_903 = arith.constant 1.000000e+00 : f32
          %select_n3A_904 = arith.select %eq3A_901, %jit3A_902, %jit3A_903 : f32
          %mul3A_905 = arith.constant 50 : i32
          %mul3A_906 = arith.muli %scan3A_597, %mul3A_905 : i32
          %add3A_907 = arith.constant 27 : i32
          %add3A_908 = arith.addi %mul3A_906, %add3A_907 : i32
          %slice3A_909 = vector.extract_strided_slice %get3A_602 {offsets = [28], sizes = [1], strides = [1]} : vector<50xi32> to vector<1xi32>
          %squeeze3A_910 = vector.extract %slice3A_909[0] : i32 from vector<1xi32>
          %eq3A_911 = arith.constant 0 : i32
          %eq3A_912 = arith.cmpi eq, %squeeze3A_910, %eq3A_911 : i32
          %jit3A_913 = arith.constant 0.000000e+00 : f32
          %jit3A_914 = arith.constant 1.000000e+00 : f32
          %select_n3A_915 = arith.select %eq3A_912, %jit3A_913, %jit3A_914 : f32
          %mul3A_916 = arith.constant 50 : i32
          %mul3A_917 = arith.muli %scan3A_597, %mul3A_916 : i32
          %add3A_918 = arith.constant 28 : i32
          %add3A_919 = arith.addi %mul3A_917, %add3A_918 : i32
          %slice3A_920 = vector.extract_strided_slice %get3A_602 {offsets = [29], sizes = [1], strides = [1]} : vector<50xi32> to vector<1xi32>
          %squeeze3A_921 = vector.extract %slice3A_920[0] : i32 from vector<1xi32>
          %eq3A_922 = arith.constant 0 : i32
          %eq3A_923 = arith.cmpi eq, %squeeze3A_921, %eq3A_922 : i32
          %jit3A_924 = arith.constant 0.000000e+00 : f32
          %jit3A_925 = arith.constant 1.000000e+00 : f32
          %select_n3A_926 = arith.select %eq3A_923, %jit3A_924, %jit3A_925 : f32
          %mul3A_927 = arith.constant 50 : i32
          %mul3A_928 = arith.muli %scan3A_597, %mul3A_927 : i32
          %add3A_929 = arith.constant 29 : i32
          %add3A_930 = arith.addi %mul3A_928, %add3A_929 : i32
          %slice3A_931 = vector.extract_strided_slice %get3A_602 {offsets = [30], sizes = [1], strides = [1]} : vector<50xi32> to vector<1xi32>
          %squeeze3A_932 = vector.extract %slice3A_931[0] : i32 from vector<1xi32>
          %eq3A_933 = arith.constant 0 : i32
          %eq3A_934 = arith.cmpi eq, %squeeze3A_932, %eq3A_933 : i32
          %jit3A_935 = arith.constant 0.000000e+00 : f32
          %jit3A_936 = arith.constant 1.000000e+00 : f32
          %select_n3A_937 = arith.select %eq3A_934, %jit3A_935, %jit3A_936 : f32
          %mul3A_938 = arith.constant 50 : i32
          %mul3A_939 = arith.muli %scan3A_597, %mul3A_938 : i32
          %add3A_940 = arith.constant 30 : i32
          %add3A_941 = arith.addi %mul3A_939, %add3A_940 : i32
          %slice3A_942 = vector.extract_strided_slice %get3A_602 {offsets = [31], sizes = [1], strides = [1]} : vector<50xi32> to vector<1xi32>
          %squeeze3A_943 = vector.extract %slice3A_942[0] : i32 from vector<1xi32>
          %eq3A_944 = arith.constant 0 : i32
          %eq3A_945 = arith.cmpi eq, %squeeze3A_943, %eq3A_944 : i32
          %jit3A_946 = arith.constant 0.000000e+00 : f32
          %jit3A_947 = arith.constant 1.000000e+00 : f32
          %select_n3A_948 = arith.select %eq3A_945, %jit3A_946, %jit3A_947 : f32
          %mul3A_949 = arith.constant 50 : i32
          %mul3A_950 = arith.muli %scan3A_597, %mul3A_949 : i32
          %add3A_951 = arith.constant 31 : i32
          %add3A_952 = arith.addi %mul3A_950, %add3A_951 : i32
          %slice3A_953 = vector.extract_strided_slice %get3A_602 {offsets = [32], sizes = [1], strides = [1]} : vector<50xi32> to vector<1xi32>
          %squeeze3A_954 = vector.extract %slice3A_953[0] : i32 from vector<1xi32>
          %eq3A_955 = arith.constant 0 : i32
          %eq3A_956 = arith.cmpi eq, %squeeze3A_954, %eq3A_955 : i32
          %jit3A_957 = arith.constant 0.000000e+00 : f32
          %jit3A_958 = arith.constant 1.000000e+00 : f32
          %select_n3A_959 = arith.select %eq3A_956, %jit3A_957, %jit3A_958 : f32
          %mul3A_960 = arith.constant 50 : i32
          %mul3A_961 = arith.muli %scan3A_597, %mul3A_960 : i32
          %add3A_962 = arith.constant 32 : i32
          %add3A_963 = arith.addi %mul3A_961, %add3A_962 : i32
          %slice3A_964 = vector.extract_strided_slice %get3A_602 {offsets = [33], sizes = [1], strides = [1]} : vector<50xi32> to vector<1xi32>
          %squeeze3A_965 = vector.extract %slice3A_964[0] : i32 from vector<1xi32>
          %eq3A_966 = arith.constant 0 : i32
          %eq3A_967 = arith.cmpi eq, %squeeze3A_965, %eq3A_966 : i32
          %jit3A_968 = arith.constant 0.000000e+00 : f32
          %jit3A_969 = arith.constant 1.000000e+00 : f32
          %select_n3A_970 = arith.select %eq3A_967, %jit3A_968, %jit3A_969 : f32
          %mul3A_971 = arith.constant 50 : i32
          %mul3A_972 = arith.muli %scan3A_597, %mul3A_971 : i32
          %add3A_973 = arith.constant 33 : i32
          %add3A_974 = arith.addi %mul3A_972, %add3A_973 : i32
          %slice3A_975 = vector.extract_strided_slice %get3A_602 {offsets = [34], sizes = [1], strides = [1]} : vector<50xi32> to vector<1xi32>
          %squeeze3A_976 = vector.extract %slice3A_975[0] : i32 from vector<1xi32>
          %eq3A_977 = arith.constant 0 : i32
          %eq3A_978 = arith.cmpi eq, %squeeze3A_976, %eq3A_977 : i32
          %jit3A_979 = arith.constant 0.000000e+00 : f32
          %jit3A_980 = arith.constant 1.000000e+00 : f32
          %select_n3A_981 = arith.select %eq3A_978, %jit3A_979, %jit3A_980 : f32
          %mul3A_982 = arith.constant 50 : i32
          %mul3A_983 = arith.muli %scan3A_597, %mul3A_982 : i32
          %add3A_984 = arith.constant 34 : i32
          %add3A_985 = arith.addi %mul3A_983, %add3A_984 : i32
          %slice3A_986 = vector.extract_strided_slice %get3A_602 {offsets = [35], sizes = [1], strides = [1]} : vector<50xi32> to vector<1xi32>
          %squeeze3A_987 = vector.extract %slice3A_986[0] : i32 from vector<1xi32>
          %eq3A_988 = arith.constant 0 : i32
          %eq3A_989 = arith.cmpi eq, %squeeze3A_987, %eq3A_988 : i32
          %jit3A_990 = arith.constant 0.000000e+00 : f32
          %jit3A_991 = arith.constant 1.000000e+00 : f32
          %select_n3A_992 = arith.select %eq3A_989, %jit3A_990, %jit3A_991 : f32
          %mul3A_993 = arith.constant 50 : i32
          %mul3A_994 = arith.muli %scan3A_597, %mul3A_993 : i32
          %add3A_995 = arith.constant 35 : i32
          %add3A_996 = arith.addi %mul3A_994, %add3A_995 : i32
          %slice3A_997 = vector.extract_strided_slice %get3A_602 {offsets = [36], sizes = [1], strides = [1]} : vector<50xi32> to vector<1xi32>
          %squeeze3A_998 = vector.extract %slice3A_997[0] : i32 from vector<1xi32>
          %eq3A_999 = arith.constant 0 : i32
          %eq3A_1000 = arith.cmpi eq, %squeeze3A_998, %eq3A_999 : i32
          %jit3A_1001 = arith.constant 0.000000e+00 : f32
          %jit3A_1002 = arith.constant 1.000000e+00 : f32
          %select_n3A_1003 = arith.select %eq3A_1000, %jit3A_1001, %jit3A_1002 : f32
          %mul3A_1004 = arith.constant 50 : i32
          %mul3A_1005 = arith.muli %scan3A_597, %mul3A_1004 : i32
          %add3A_1006 = arith.constant 36 : i32
          %add3A_1007 = arith.addi %mul3A_1005, %add3A_1006 : i32
          %slice3A_1008 = vector.extract_strided_slice %get3A_602 {offsets = [37], sizes = [1], strides = [1]} : vector<50xi32> to vector<1xi32>
          %squeeze3A_1009 = vector.extract %slice3A_1008[0] : i32 from vector<1xi32>
          %eq3A_1010 = arith.constant 0 : i32
          %eq3A_1011 = arith.cmpi eq, %squeeze3A_1009, %eq3A_1010 : i32
          %jit3A_1012 = arith.constant 0.000000e+00 : f32
          %jit3A_1013 = arith.constant 1.000000e+00 : f32
          %select_n3A_1014 = arith.select %eq3A_1011, %jit3A_1012, %jit3A_1013 : f32
          %mul3A_1015 = arith.constant 50 : i32
          %mul3A_1016 = arith.muli %scan3A_597, %mul3A_1015 : i32
          %add3A_1017 = arith.constant 37 : i32
          %add3A_1018 = arith.addi %mul3A_1016, %add3A_1017 : i32
          %slice3A_1019 = vector.extract_strided_slice %get3A_602 {offsets = [38], sizes = [1], strides = [1]} : vector<50xi32> to vector<1xi32>
          %squeeze3A_1020 = vector.extract %slice3A_1019[0] : i32 from vector<1xi32>
          %eq3A_1021 = arith.constant 0 : i32
          %eq3A_1022 = arith.cmpi eq, %squeeze3A_1020, %eq3A_1021 : i32
          %jit3A_1023 = arith.constant 0.000000e+00 : f32
          %jit3A_1024 = arith.constant 1.000000e+00 : f32
          %select_n3A_1025 = arith.select %eq3A_1022, %jit3A_1023, %jit3A_1024 : f32
          %mul3A_1026 = arith.constant 50 : i32
          %mul3A_1027 = arith.muli %scan3A_597, %mul3A_1026 : i32
          %add3A_1028 = arith.constant 38 : i32
          %add3A_1029 = arith.addi %mul3A_1027, %add3A_1028 : i32
          %slice3A_1030 = vector.extract_strided_slice %get3A_602 {offsets = [39], sizes = [1], strides = [1]} : vector<50xi32> to vector<1xi32>
          %squeeze3A_1031 = vector.extract %slice3A_1030[0] : i32 from vector<1xi32>
          %eq3A_1032 = arith.constant 0 : i32
          %eq3A_1033 = arith.cmpi eq, %squeeze3A_1031, %eq3A_1032 : i32
          %jit3A_1034 = arith.constant 0.000000e+00 : f32
          %jit3A_1035 = arith.constant 1.000000e+00 : f32
          %select_n3A_1036 = arith.select %eq3A_1033, %jit3A_1034, %jit3A_1035 : f32
          %mul3A_1037 = arith.constant 50 : i32
          %mul3A_1038 = arith.muli %scan3A_597, %mul3A_1037 : i32
          %add3A_1039 = arith.constant 39 : i32
          %add3A_1040 = arith.addi %mul3A_1038, %add3A_1039 : i32
          %slice3A_1041 = vector.extract_strided_slice %get3A_602 {offsets = [40], sizes = [1], strides = [1]} : vector<50xi32> to vector<1xi32>
          %squeeze3A_1042 = vector.extract %slice3A_1041[0] : i32 from vector<1xi32>
          %eq3A_1043 = arith.constant 0 : i32
          %eq3A_1044 = arith.cmpi eq, %squeeze3A_1042, %eq3A_1043 : i32
          %jit3A_1045 = arith.constant 0.000000e+00 : f32
          %jit3A_1046 = arith.constant 1.000000e+00 : f32
          %select_n3A_1047 = arith.select %eq3A_1044, %jit3A_1045, %jit3A_1046 : f32
          %mul3A_1048 = arith.constant 50 : i32
          %mul3A_1049 = arith.muli %scan3A_597, %mul3A_1048 : i32
          %add3A_1050 = arith.constant 40 : i32
          %add3A_1051 = arith.addi %mul3A_1049, %add3A_1050 : i32
          %slice3A_1052 = vector.extract_strided_slice %get3A_602 {offsets = [41], sizes = [1], strides = [1]} : vector<50xi32> to vector<1xi32>
          %squeeze3A_1053 = vector.extract %slice3A_1052[0] : i32 from vector<1xi32>
          %eq3A_1054 = arith.constant 0 : i32
          %eq3A_1055 = arith.cmpi eq, %squeeze3A_1053, %eq3A_1054 : i32
          %jit3A_1056 = arith.constant 0.000000e+00 : f32
          %jit3A_1057 = arith.constant 1.000000e+00 : f32
          %select_n3A_1058 = arith.select %eq3A_1055, %jit3A_1056, %jit3A_1057 : f32
          %mul3A_1059 = arith.constant 50 : i32
          %mul3A_1060 = arith.muli %scan3A_597, %mul3A_1059 : i32
          %add3A_1061 = arith.constant 41 : i32
          %add3A_1062 = arith.addi %mul3A_1060, %add3A_1061 : i32
          %slice3A_1063 = vector.extract_strided_slice %get3A_602 {offsets = [42], sizes = [1], strides = [1]} : vector<50xi32> to vector<1xi32>
          %squeeze3A_1064 = vector.extract %slice3A_1063[0] : i32 from vector<1xi32>
          %eq3A_1065 = arith.constant 0 : i32
          %eq3A_1066 = arith.cmpi eq, %squeeze3A_1064, %eq3A_1065 : i32
          %jit3A_1067 = arith.constant 0.000000e+00 : f32
          %jit3A_1068 = arith.constant 1.000000e+00 : f32
          %select_n3A_1069 = arith.select %eq3A_1066, %jit3A_1067, %jit3A_1068 : f32
          %mul3A_1070 = arith.constant 50 : i32
          %mul3A_1071 = arith.muli %scan3A_597, %mul3A_1070 : i32
          %add3A_1072 = arith.constant 42 : i32
          %add3A_1073 = arith.addi %mul3A_1071, %add3A_1072 : i32
          %slice3A_1074 = vector.extract_strided_slice %get3A_602 {offsets = [43], sizes = [1], strides = [1]} : vector<50xi32> to vector<1xi32>
          %squeeze3A_1075 = vector.extract %slice3A_1074[0] : i32 from vector<1xi32>
          %eq3A_1076 = arith.constant 0 : i32
          %eq3A_1077 = arith.cmpi eq, %squeeze3A_1075, %eq3A_1076 : i32
          %jit3A_1078 = arith.constant 0.000000e+00 : f32
          %jit3A_1079 = arith.constant 1.000000e+00 : f32
          %select_n3A_1080 = arith.select %eq3A_1077, %jit3A_1078, %jit3A_1079 : f32
          %mul3A_1081 = arith.constant 50 : i32
          %mul3A_1082 = arith.muli %scan3A_597, %mul3A_1081 : i32
          %add3A_1083 = arith.constant 43 : i32
          %add3A_1084 = arith.addi %mul3A_1082, %add3A_1083 : i32
          %slice3A_1085 = vector.extract_strided_slice %get3A_602 {offsets = [44], sizes = [1], strides = [1]} : vector<50xi32> to vector<1xi32>
          %squeeze3A_1086 = vector.extract %slice3A_1085[0] : i32 from vector<1xi32>
          %eq3A_1087 = arith.constant 0 : i32
          %eq3A_1088 = arith.cmpi eq, %squeeze3A_1086, %eq3A_1087 : i32
          %jit3A_1089 = arith.constant 0.000000e+00 : f32
          %jit3A_1090 = arith.constant 1.000000e+00 : f32
          %select_n3A_1091 = arith.select %eq3A_1088, %jit3A_1089, %jit3A_1090 : f32
          %mul3A_1092 = arith.constant 50 : i32
          %mul3A_1093 = arith.muli %scan3A_597, %mul3A_1092 : i32
          %add3A_1094 = arith.constant 44 : i32
          %add3A_1095 = arith.addi %mul3A_1093, %add3A_1094 : i32
          %slice3A_1096 = vector.extract_strided_slice %get3A_602 {offsets = [45], sizes = [1], strides = [1]} : vector<50xi32> to vector<1xi32>
          %squeeze3A_1097 = vector.extract %slice3A_1096[0] : i32 from vector<1xi32>
          %eq3A_1098 = arith.constant 0 : i32
          %eq3A_1099 = arith.cmpi eq, %squeeze3A_1097, %eq3A_1098 : i32
          %jit3A_1100 = arith.constant 0.000000e+00 : f32
          %jit3A_1101 = arith.constant 1.000000e+00 : f32
          %select_n3A_1102 = arith.select %eq3A_1099, %jit3A_1100, %jit3A_1101 : f32
          %mul3A_1103 = arith.constant 50 : i32
          %mul3A_1104 = arith.muli %scan3A_597, %mul3A_1103 : i32
          %add3A_1105 = arith.constant 45 : i32
          %add3A_1106 = arith.addi %mul3A_1104, %add3A_1105 : i32
          %slice3A_1107 = vector.extract_strided_slice %get3A_602 {offsets = [46], sizes = [1], strides = [1]} : vector<50xi32> to vector<1xi32>
          %squeeze3A_1108 = vector.extract %slice3A_1107[0] : i32 from vector<1xi32>
          %eq3A_1109 = arith.constant 0 : i32
          %eq3A_1110 = arith.cmpi eq, %squeeze3A_1108, %eq3A_1109 : i32
          %jit3A_1111 = arith.constant 0.000000e+00 : f32
          %jit3A_1112 = arith.constant 1.000000e+00 : f32
          %select_n3A_1113 = arith.select %eq3A_1110, %jit3A_1111, %jit3A_1112 : f32
          %mul3A_1114 = arith.constant 50 : i32
          %mul3A_1115 = arith.muli %scan3A_597, %mul3A_1114 : i32
          %add3A_1116 = arith.constant 46 : i32
          %add3A_1117 = arith.addi %mul3A_1115, %add3A_1116 : i32
          %slice3A_1118 = vector.extract_strided_slice %get3A_602 {offsets = [47], sizes = [1], strides = [1]} : vector<50xi32> to vector<1xi32>
          %squeeze3A_1119 = vector.extract %slice3A_1118[0] : i32 from vector<1xi32>
          %eq3A_1120 = arith.constant 0 : i32
          %eq3A_1121 = arith.cmpi eq, %squeeze3A_1119, %eq3A_1120 : i32
          %jit3A_1122 = arith.constant 0.000000e+00 : f32
          %jit3A_1123 = arith.constant 1.000000e+00 : f32
          %select_n3A_1124 = arith.select %eq3A_1121, %jit3A_1122, %jit3A_1123 : f32
          %mul3A_1125 = arith.constant 50 : i32
          %mul3A_1126 = arith.muli %scan3A_597, %mul3A_1125 : i32
          %add3A_1127 = arith.constant 47 : i32
          %add3A_1128 = arith.addi %mul3A_1126, %add3A_1127 : i32
          %slice3A_1129 = vector.extract_strided_slice %get3A_602 {offsets = [48], sizes = [1], strides = [1]} : vector<50xi32> to vector<1xi32>
          %squeeze3A_1130 = vector.extract %slice3A_1129[0] : i32 from vector<1xi32>
          %eq3A_1131 = arith.constant 0 : i32
          %eq3A_1132 = arith.cmpi eq, %squeeze3A_1130, %eq3A_1131 : i32
          %jit3A_1133 = arith.constant 0.000000e+00 : f32
          %jit3A_1134 = arith.constant 1.000000e+00 : f32
          %select_n3A_1135 = arith.select %eq3A_1132, %jit3A_1133, %jit3A_1134 : f32
          %mul3A_1136 = arith.constant 50 : i32
          %mul3A_1137 = arith.muli %scan3A_597, %mul3A_1136 : i32
          %add3A_1138 = arith.constant 48 : i32
          %add3A_1139 = arith.addi %mul3A_1137, %add3A_1138 : i32
          %slice3A_1140 = vector.extract_strided_slice %get3A_602 {offsets = [49], sizes = [1], strides = [1]} : vector<50xi32> to vector<1xi32>
          %squeeze3A_1141 = vector.extract %slice3A_1140[0] : i32 from vector<1xi32>
          %eq3A_1142 = arith.constant 0 : i32
          %eq3A_1143 = arith.cmpi eq, %squeeze3A_1141, %eq3A_1142 : i32
          %jit3A_1144 = arith.constant 0.000000e+00 : f32
          %jit3A_1145 = arith.constant 1.000000e+00 : f32
          %select_n3A_1146 = arith.select %eq3A_1143, %jit3A_1144, %jit3A_1145 : f32
          %mul3A_1147 = arith.constant 50 : i32
          %mul3A_1148 = arith.muli %scan3A_597, %mul3A_1147 : i32
          %add3A_1149 = arith.constant 49 : i32
          %add3A_1150 = arith.addi %mul3A_1148, %add3A_1149 : i32
        }
        %scan3A_596 = arith.constant 32 : i32
      } else {
      }
      %dma_start3A_326 = arith.constant 0 : i32
      %dma_start3A_327 = arith.constant 0 : i32
      %dma_start3A_328 = arith.constant 0 : i32
      %dma_start3A_329 = arith.constant 0 : i32
      %dma_start3A_330 = tpu.memref_slice %arg6[%dma_start3A_326, %dma_start3A_328, %dma_start3A_329] : memref<2x512x32xf32, #tpu.memory_space<vmem>> -> memref<1x512x32xf32, #tpu.memory_space<vmem>>
      %dma_start3A_331 = tpu.memref_squeeze %dma_start3A_330 : memref<1x512x32xf32, #tpu.memory_space<vmem>> -> memref<512x32xf32, #tpu.memory_space<vmem>>
      %dma_start3A_332 = arith.constant 0 : i32
      %dma_start3A_333 = tpu.memref_slice %arg4[%add3A_108, %mul3A_2, %dma_start3A_332] : memref<50x16384x32xf32, #tpu.memory_space<hbm>> -> memref<1x512x32xf32, #tpu.memory_space<hbm>>
      %dma_start3A_334 = tpu.memref_squeeze %dma_start3A_333 : memref<1x512x32xf32, #tpu.memory_space<hbm>> -> memref<512x32xf32, #tpu.memory_space<hbm>>
      %dma_start3A_335 = tpu.memref_slice %arg8[%dma_start3A_327] : memref<2x!tpu.dma_semaphore, #tpu.memory_space<semaphore_mem>> -> memref<1x!tpu.dma_semaphore, #tpu.memory_space<semaphore_mem>>
      %dma_start3A_336 = tpu.memref_squeeze %dma_start3A_335 : memref<1x!tpu.dma_semaphore, #tpu.memory_space<semaphore_mem>> -> memref<!tpu.dma_semaphore, #tpu.memory_space<semaphore_mem>>
      %dma_start3A_337 = arith.constant 0 : i32
      %dma_start3A_338 = tpu.memref_slice %arg4[%add3A_108, %mul3A_2, %dma_start3A_337] : memref<50x16384x32xf32, #tpu.memory_space<hbm>> -> memref<1x512x32xf32, #tpu.memory_space<hbm>>
      %dma_start3A_339 = tpu.memref_squeeze %dma_start3A_338 : memref<1x512x32xf32, #tpu.memory_space<hbm>> -> memref<512x32xf32, #tpu.memory_space<hbm>>
      %dma_start3A_340 = arith.constant 0 : i32
      %dma_start3A_341 = arith.constant 0 : i32
      %dma_start3A_342 = tpu.memref_slice %arg6[%dma_start3A_326, %dma_start3A_340, %dma_start3A_341] : memref<2x512x32xf32, #tpu.memory_space<vmem>> -> memref<1x512x32xf32, #tpu.memory_space<vmem>>
      %dma_start3A_343 = tpu.memref_squeeze %dma_start3A_342 : memref<1x512x32xf32, #tpu.memory_space<vmem>> -> memref<512x32xf32, #tpu.memory_space<vmem>>
      tpu.enqueue_dma source(%dma_start3A_343 : memref<512x32xf32, #tpu.memory_space<vmem>>) target(%dma_start3A_339 : memref<512x32xf32, #tpu.memory_space<hbm>>) target_semaphore(%dma_start3A_336 : memref<!tpu.dma_semaphore, #tpu.memory_space<semaphore_mem>>)
      %mul3A_344 = arith.constant 2 : i32
      %mul3A_345 = arith.muli %mul3A_344, %scan3A_104 : i32
      %add3A_346 = arith.constant 1 : i32
      %add3A_347 = arith.addi %mul3A_345, %add3A_346 : i32
      %add3A_348 = arith.constant 1 : i32
      %add3A_349 = arith.addi %add3A_347, %add3A_348 : i32
      %lt3A_350 = arith.constant 50 : i32
      %lt3A_351 = arith.cmpi slt, %add3A_349, %lt3A_350 : i32
      %convert_element_type3A_352 = arith.extui %lt3A_351 : i1 to i32
      %cond3A_353 = arith.constant 0 : i32
      %cond3A_354 = arith.cmpi ne, %convert_element_type3A_352, %cond3A_353 : i32
      scf.if %cond3A_354 {
        %ge3A = arith.constant 1 : i32
        %ge3A_591 = arith.cmpi sge, %add3A_347, %ge3A : i32
        %convert_element_type3A_592 = arith.extui %ge3A_591 : i1 to i32
        %cond3A_593 = arith.constant 0 : i32
        %cond3A_594 = arith.cmpi ne, %convert_element_type3A_592, %cond3A_593 : i32
        scf.if %cond3A_594 {
          %sub3A = arith.constant 1 : i32
          %sub3A_653 = arith.subi %add3A_347, %sub3A : i32
          %dma_wait3A_654 = arith.constant 0 : i32
          %dma_wait3A_655 = arith.constant 0 : i32
          %dma_wait3A_656 = arith.constant 0 : i32
          %dma_wait3A_657 = arith.constant 0 : i32
          %dma_wait3A_658 = tpu.memref_slice %arg6[%dma_wait3A_654, %dma_wait3A_656, %dma_wait3A_657] : memref<2x512x32xf32, #tpu.memory_space<vmem>> -> memref<1x512x32xf32, #tpu.memory_space<vmem>>
          %dma_wait3A_659 = tpu.memref_squeeze %dma_wait3A_658 : memref<1x512x32xf32, #tpu.memory_space<vmem>> -> memref<512x32xf32, #tpu.memory_space<vmem>>
          %dma_wait3A_660 = arith.constant 0 : i32
          %dma_wait3A_661 = tpu.memref_slice %arg4[%sub3A_653, %mul3A_2, %dma_wait3A_660] : memref<50x16384x32xf32, #tpu.memory_space<hbm>> -> memref<1x512x32xf32, #tpu.memory_space<hbm>>
          %dma_wait3A_662 = tpu.memref_squeeze %dma_wait3A_661 : memref<1x512x32xf32, #tpu.memory_space<hbm>> -> memref<512x32xf32, #tpu.memory_space<hbm>>
          %dma_wait3A_663 = tpu.memref_slice %arg8[%dma_wait3A_655] : memref<2x!tpu.dma_semaphore, #tpu.memory_space<semaphore_mem>> -> memref<1x!tpu.dma_semaphore, #tpu.memory_space<semaphore_mem>>
          %dma_wait3A_664 = tpu.memref_squeeze %dma_wait3A_663 : memref<1x!tpu.dma_semaphore, #tpu.memory_space<semaphore_mem>> -> memref<!tpu.dma_semaphore, #tpu.memory_space<semaphore_mem>>
          %dma_wait3A_665 = arith.constant 0 : i32
          %dma_wait3A_666 = tpu.memref_slice %arg4[%sub3A_653, %mul3A_2, %dma_wait3A_665] : memref<50x16384x32xf32, #tpu.memory_space<hbm>> -> memref<1x512x32xf32, #tpu.memory_space<hbm>>
          %dma_wait3A_667 = tpu.memref_squeeze %dma_wait3A_666 : memref<1x512x32xf32, #tpu.memory_space<hbm>> -> memref<512x32xf32, #tpu.memory_space<hbm>>
          %dma_wait3A_668 = arith.constant 0 : i32
          %dma_wait3A_669 = arith.constant 0 : i32
          %dma_wait3A_670 = tpu.memref_slice %arg6[%dma_wait3A_654, %dma_wait3A_668, %dma_wait3A_669] : memref<2x512x32xf32, #tpu.memory_space<vmem>> -> memref<1x512x32xf32, #tpu.memory_space<vmem>>
          %dma_wait3A_671 = tpu.memref_squeeze %dma_wait3A_670 : memref<1x512x32xf32, #tpu.memory_space<vmem>> -> memref<512x32xf32, #tpu.memory_space<vmem>>
          tpu.wait_dma2 semaphore(%dma_wait3A_664 : memref<!tpu.dma_semaphore, #tpu.memory_space<semaphore_mem>>) src(%dma_wait3A_671 : memref<512x32xf32, #tpu.memory_space<vmem>>) dst(%dma_wait3A_667 : memref<512x32xf32, #tpu.memory_space<hbm>>)
        } else {
        }
        %add3A_595 = arith.constant 1 : i32
        %add3A_596 = arith.addi %add3A_347, %add3A_595 : i32
        %dma_start3A_597 = arith.constant 0 : i32
        %dma_start3A_598 = arith.constant 0 : i32
        %dma_start3A_599 = arith.constant 0 : i32
        %dma_start3A_600 = arith.constant 0 : i32
        %dma_start3A_601 = tpu.memref_slice %arg6[%dma_start3A_597, %dma_start3A_599, %dma_start3A_600] : memref<2x512x32xf32, #tpu.memory_space<vmem>> -> memref<1x128x32xf32, #tpu.memory_space<vmem>>
        %dma_start3A_602 = tpu.memref_squeeze %dma_start3A_601 : memref<1x128x32xf32, #tpu.memory_space<vmem>> -> memref<128x32xf32, #tpu.memory_space<vmem>>
        %dma_start3A_603 = arith.constant 0 : i32
        %dma_start3A_604 = tpu.memref_slice %arg5[%add3A_596, %dma_start3A_603] : memref<50x512xi32, #tpu.memory_space<vmem>> -> memref<1x128xi32, #tpu.memory_space<vmem>>
        %dma_start3A_605 = tpu.memref_squeeze %dma_start3A_604 : memref<1x128xi32, #tpu.memory_space<vmem>> -> memref<128xi32, #tpu.memory_space<vmem>>
        %dma_start3A_606 = arith.constant 0 : i32
        %dma_start3A_607 = arith.constant 0 : i32
        %dma_start3A_608 = tpu.memref_slice %arg2[%dma_start3A_606, %dma_start3A_607] : memref<1000000x32xf32, #tpu.memory_space<hbm>> -> memref<1000000x32xf32, #tpu.memory_space<hbm>>
        %dma_start3A_609 = tpu.memref_slice %arg7[%dma_start3A_598] : memref<2x!tpu.dma_semaphore, #tpu.memory_space<semaphore_mem>> -> memref<1x!tpu.dma_semaphore, #tpu.memory_space<semaphore_mem>>
        %dma_start3A_610 = tpu.memref_squeeze %dma_start3A_609 : memref<1x!tpu.dma_semaphore, #tpu.memory_space<semaphore_mem>> -> memref<!tpu.dma_semaphore, #tpu.memory_space<semaphore_mem>>
        tpu.enqueue_indirect_dma source(%dma_start3A_608 : memref<1000000x32xf32, #tpu.memory_space<hbm>>) target(%dma_start3A_602 : memref<128x32xf32, #tpu.memory_space<vmem>>) offsets(%dma_start3A_605 : memref<128xi32, #tpu.memory_space<vmem>>) semaphore(%dma_start3A_610 : memref<!tpu.dma_semaphore, #tpu.memory_space<semaphore_mem>>)
        %dma_start3A_611 = arith.constant 0 : i32
        %dma_start3A_612 = arith.constant 0 : i32
        %dma_start3A_613 = arith.constant 128 : i32
        %dma_start3A_614 = arith.constant 0 : i32
        %dma_start3A_615 = tpu.memref_slice %arg6[%dma_start3A_611, %dma_start3A_613, %dma_start3A_614] : memref<2x512x32xf32, #tpu.memory_space<vmem>> -> memref<1x128x32xf32, #tpu.memory_space<vmem>>
        %dma_start3A_616 = tpu.memref_squeeze %dma_start3A_615 : memref<1x128x32xf32, #tpu.memory_space<vmem>> -> memref<128x32xf32, #tpu.memory_space<vmem>>
        %dma_start3A_617 = arith.constant 128 : i32
        %dma_start3A_618 = tpu.memref_slice %arg5[%add3A_596, %dma_start3A_617] : memref<50x512xi32, #tpu.memory_space<vmem>> -> memref<1x128xi32, #tpu.memory_space<vmem>>
        %dma_start3A_619 = tpu.memref_squeeze %dma_start3A_618 : memref<1x128xi32, #tpu.memory_space<vmem>> -> memref<128xi32, #tpu.memory_space<vmem>>
        %dma_start3A_620 = arith.constant 0 : i32
        %dma_start3A_621 = arith.constant 0 : i32
        %dma_start3A_622 = tpu.memref_slice %arg2[%dma_start3A_620, %dma_start3A_621] : memref<1000000x32xf32, #tpu.memory_space<hbm>> -> memref<1000000x32xf32, #tpu.memory_space<hbm>>
        %dma_start3A_623 = tpu.memref_slice %arg7[%dma_start3A_612] : memref<2x!tpu.dma_semaphore, #tpu.memory_space<semaphore_mem>> -> memref<1x!tpu.dma_semaphore, #tpu.memory_space<semaphore_mem>>
        %dma_start3A_624 = tpu.memref_squeeze %dma_start3A_623 : memref<1x!tpu.dma_semaphore, #tpu.memory_space<semaphore_mem>> -> memref<!tpu.dma_semaphore, #tpu.memory_space<semaphore_mem>>
        tpu.enqueue_indirect_dma source(%dma_start3A_622 : memref<1000000x32xf32, #tpu.memory_space<hbm>>) target(%dma_start3A_616 : memref<128x32xf32, #tpu.memory_space<vmem>>) offsets(%dma_start3A_619 : memref<128xi32, #tpu.memory_space<vmem>>) semaphore(%dma_start3A_624 : memref<!tpu.dma_semaphore, #tpu.memory_space<semaphore_mem>>)
        %dma_start3A_625 = arith.constant 0 : i32
        %dma_start3A_626 = arith.constant 0 : i32
        %dma_start3A_627 = arith.constant 256 : i32
        %dma_start3A_628 = arith.constant 0 : i32
        %dma_start3A_629 = tpu.memref_slice %arg6[%dma_start3A_625, %dma_start3A_627, %dma_start3A_628] : memref<2x512x32xf32, #tpu.memory_space<vmem>> -> memref<1x128x32xf32, #tpu.memory_space<vmem>>
        %dma_start3A_630 = tpu.memref_squeeze %dma_start3A_629 : memref<1x128x32xf32, #tpu.memory_space<vmem>> -> memref<128x32xf32, #tpu.memory_space<vmem>>
        %dma_start3A_631 = arith.constant 256 : i32
        %dma_start3A_632 = tpu.memref_slice %arg5[%add3A_596, %dma_start3A_631] : memref<50x512xi32, #tpu.memory_space<vmem>> -> memref<1x128xi32, #tpu.memory_space<vmem>>
        %dma_start3A_633 = tpu.memref_squeeze %dma_start3A_632 : memref<1x128xi32, #tpu.memory_space<vmem>> -> memref<128xi32, #tpu.memory_space<vmem>>
        %dma_start3A_634 = arith.constant 0 : i32
        %dma_start3A_635 = arith.constant 0 : i32
        %dma_start3A_636 = tpu.memref_slice %arg2[%dma_start3A_634, %dma_start3A_635] : memref<1000000x32xf32, #tpu.memory_space<hbm>> -> memref<1000000x32xf32, #tpu.memory_space<hbm>>
        %dma_start3A_637 = tpu.memref_slice %arg7[%dma_start3A_626] : memref<2x!tpu.dma_semaphore, #tpu.memory_space<semaphore_mem>> -> memref<1x!tpu.dma_semaphore, #tpu.memory_space<semaphore_mem>>
        %dma_start3A_638 = tpu.memref_squeeze %dma_start3A_637 : memref<1x!tpu.dma_semaphore, #tpu.memory_space<semaphore_mem>> -> memref<!tpu.dma_semaphore, #tpu.memory_space<semaphore_mem>>
        tpu.enqueue_indirect_dma source(%dma_start3A_636 : memref<1000000x32xf32, #tpu.memory_space<hbm>>) target(%dma_start3A_630 : memref<128x32xf32, #tpu.memory_space<vmem>>) offsets(%dma_start3A_633 : memref<128xi32, #tpu.memory_space<vmem>>) semaphore(%dma_start3A_638 : memref<!tpu.dma_semaphore, #tpu.memory_space<semaphore_mem>>)
        %dma_start3A_639 = arith.constant 0 : i32
        %dma_start3A_640 = arith.constant 0 : i32
        %dma_start3A_641 = arith.constant 384 : i32
        %dma_start3A_642 = arith.constant 0 : i32
        %dma_start3A_643 = tpu.memref_slice %arg6[%dma_start3A_639, %dma_start3A_641, %dma_start3A_642] : memref<2x512x32xf32, #tpu.memory_space<vmem>> -> memref<1x128x32xf32, #tpu.memory_space<vmem>>
        %dma_start3A_644 = tpu.memref_squeeze %dma_start3A_643 : memref<1x128x32xf32, #tpu.memory_space<vmem>> -> memref<128x32xf32, #tpu.memory_space<vmem>>
        %dma_start3A_645 = arith.constant 384 : i32
        %dma_start3A_646 = tpu.memref_slice %arg5[%add3A_596, %dma_start3A_645] : memref<50x512xi32, #tpu.memory_space<vmem>> -> memref<1x128xi32, #tpu.memory_space<vmem>>
        %dma_start3A_647 = tpu.memref_squeeze %dma_start3A_646 : memref<1x128xi32, #tpu.memory_space<vmem>> -> memref<128xi32, #tpu.memory_space<vmem>>
        %dma_start3A_648 = arith.constant 0 : i32
        %dma_start3A_649 = arith.constant 0 : i32
        %dma_start3A_650 = tpu.memref_slice %arg2[%dma_start3A_648, %dma_start3A_649] : memref<1000000x32xf32, #tpu.memory_space<hbm>> -> memref<1000000x32xf32, #tpu.memory_space<hbm>>
        %dma_start3A_651 = tpu.memref_slice %arg7[%dma_start3A_640] : memref<2x!tpu.dma_semaphore, #tpu.memory_space<semaphore_mem>> -> memref<1x!tpu.dma_semaphore, #tpu.memory_space<semaphore_mem>>
        %dma_start3A_652 = tpu.memref_squeeze %dma_start3A_651 : memref<1x!tpu.dma_semaphore, #tpu.memory_space<semaphore_mem>> -> memref<!tpu.dma_semaphore, #tpu.memory_space<semaphore_mem>>
        tpu.enqueue_indirect_dma source(%dma_start3A_650 : memref<1000000x32xf32, #tpu.memory_space<hbm>>) target(%dma_start3A_644 : memref<128x32xf32, #tpu.memory_space<vmem>>) offsets(%dma_start3A_647 : memref<128xi32, #tpu.memory_space<vmem>>) semaphore(%dma_start3A_652 : memref<!tpu.dma_semaphore, #tpu.memory_space<semaphore_mem>>)
      } else {
      }
      %dma_wait3A_355 = arith.constant 1 : i32
      %dma_wait3A_356 = arith.constant 1 : i32
      %dma_wait3A_357 = arith.constant 0 : i32
      %dma_wait3A_358 = arith.constant 0 : i32
      %dma_wait3A_359 = tpu.memref_slice %arg6[%dma_wait3A_355, %dma_wait3A_357, %dma_wait3A_358] : memref<2x512x32xf32, #tpu.memory_space<vmem>> -> memref<1x128x32xf32, #tpu.memory_space<vmem>>
      %dma_wait3A_360 = tpu.memref_squeeze %dma_wait3A_359 : memref<1x128x32xf32, #tpu.memory_space<vmem>> -> memref<128x32xf32, #tpu.memory_space<vmem>>
      %dma_wait3A_361 = arith.constant 0 : i32
      %dma_wait3A_362 = tpu.memref_slice %arg5[%add3A_347, %dma_wait3A_361] : memref<50x512xi32, #tpu.memory_space<vmem>> -> memref<1x128xi32, #tpu.memory_space<vmem>>
      %dma_wait3A_363 = tpu.memref_squeeze %dma_wait3A_362 : memref<1x128xi32, #tpu.memory_space<vmem>> -> memref<128xi32, #tpu.memory_space<vmem>>
      %dma_wait3A_364 = arith.constant 0 : i32
      %dma_wait3A_365 = arith.constant 0 : i32
      %dma_wait3A_366 = tpu.memref_slice %arg2[%dma_wait3A_364, %dma_wait3A_365] : memref<1000000x32xf32, #tpu.memory_space<hbm>> -> memref<1000000x32xf32, #tpu.memory_space<hbm>>
      %dma_wait3A_367 = tpu.memref_slice %arg7[%dma_wait3A_356] : memref<2x!tpu.dma_semaphore, #tpu.memory_space<semaphore_mem>> -> memref<1x!tpu.dma_semaphore, #tpu.memory_space<semaphore_mem>>
      %dma_wait3A_368 = tpu.memref_squeeze %dma_wait3A_367 : memref<1x!tpu.dma_semaphore, #tpu.memory_space<semaphore_mem>> -> memref<!tpu.dma_semaphore, #tpu.memory_space<semaphore_mem>>
      tpu.wait_indirect_dma semaphore(%dma_wait3A_368 : memref<!tpu.dma_semaphore, #tpu.memory_space<semaphore_mem>>) src(%dma_wait3A_366 : memref<1000000x32xf32, #tpu.memory_space<hbm>>) dst(%dma_wait3A_360 : memref<128x32xf32, #tpu.memory_space<vmem>>)
      %dma_wait3A_369 = arith.constant 1 : i32
      %dma_wait3A_370 = arith.constant 1 : i32
      %dma_wait3A_371 = arith.constant 128 : i32
      %dma_wait3A_372 = arith.constant 0 : i32
      %dma_wait3A_373 = tpu.memref_slice %arg6[%dma_wait3A_369, %dma_wait3A_371, %dma_wait3A_372] : memref<2x512x32xf32, #tpu.memory_space<vmem>> -> memref<1x128x32xf32, #tpu.memory_space<vmem>>
      %dma_wait3A_374 = tpu.memref_squeeze %dma_wait3A_373 : memref<1x128x32xf32, #tpu.memory_space<vmem>> -> memref<128x32xf32, #tpu.memory_space<vmem>>
      %dma_wait3A_375 = arith.constant 128 : i32
      %dma_wait3A_376 = tpu.memref_slice %arg5[%add3A_347, %dma_wait3A_375] : memref<50x512xi32, #tpu.memory_space<vmem>> -> memref<1x128xi32, #tpu.memory_space<vmem>>
      %dma_wait3A_377 = tpu.memref_squeeze %dma_wait3A_376 : memref<1x128xi32, #tpu.memory_space<vmem>> -> memref<128xi32, #tpu.memory_space<vmem>>
      %dma_wait3A_378 = arith.constant 0 : i32
      %dma_wait3A_379 = arith.constant 0 : i32
      %dma_wait3A_380 = tpu.memref_slice %arg2[%dma_wait3A_378, %dma_wait3A_379] : memref<1000000x32xf32, #tpu.memory_space<hbm>> -> memref<1000000x32xf32, #tpu.memory_space<hbm>>
      %dma_wait3A_381 = tpu.memref_slice %arg7[%dma_wait3A_370] : memref<2x!tpu.dma_semaphore, #tpu.memory_space<semaphore_mem>> -> memref<1x!tpu.dma_semaphore, #tpu.memory_space<semaphore_mem>>
      %dma_wait3A_382 = tpu.memref_squeeze %dma_wait3A_381 : memref<1x!tpu.dma_semaphore, #tpu.memory_space<semaphore_mem>> -> memref<!tpu.dma_semaphore, #tpu.memory_space<semaphore_mem>>
      tpu.wait_indirect_dma semaphore(%dma_wait3A_382 : memref<!tpu.dma_semaphore, #tpu.memory_space<semaphore_mem>>) src(%dma_wait3A_380 : memref<1000000x32xf32, #tpu.memory_space<hbm>>) dst(%dma_wait3A_374 : memref<128x32xf32, #tpu.memory_space<vmem>>)
      %dma_wait3A_383 = arith.constant 1 : i32
      %dma_wait3A_384 = arith.constant 1 : i32
      %dma_wait3A_385 = arith.constant 256 : i32
      %dma_wait3A_386 = arith.constant 0 : i32
      %dma_wait3A_387 = tpu.memref_slice %arg6[%dma_wait3A_383, %dma_wait3A_385, %dma_wait3A_386] : memref<2x512x32xf32, #tpu.memory_space<vmem>> -> memref<1x128x32xf32, #tpu.memory_space<vmem>>
      %dma_wait3A_388 = tpu.memref_squeeze %dma_wait3A_387 : memref<1x128x32xf32, #tpu.memory_space<vmem>> -> memref<128x32xf32, #tpu.memory_space<vmem>>
      %dma_wait3A_389 = arith.constant 256 : i32
      %dma_wait3A_390 = tpu.memref_slice %arg5[%add3A_347, %dma_wait3A_389] : memref<50x512xi32, #tpu.memory_space<vmem>> -> memref<1x128xi32, #tpu.memory_space<vmem>>
      %dma_wait3A_391 = tpu.memref_squeeze %dma_wait3A_390 : memref<1x128xi32, #tpu.memory_space<vmem>> -> memref<128xi32, #tpu.memory_space<vmem>>
      %dma_wait3A_392 = arith.constant 0 : i32
      %dma_wait3A_393 = arith.constant 0 : i32
      %dma_wait3A_394 = tpu.memref_slice %arg2[%dma_wait3A_392, %dma_wait3A_393] : memref<1000000x32xf32, #tpu.memory_space<hbm>> -> memref<1000000x32xf32, #tpu.memory_space<hbm>>
      %dma_wait3A_395 = tpu.memref_slice %arg7[%dma_wait3A_384] : memref<2x!tpu.dma_semaphore, #tpu.memory_space<semaphore_mem>> -> memref<1x!tpu.dma_semaphore, #tpu.memory_space<semaphore_mem>>
      %dma_wait3A_396 = tpu.memref_squeeze %dma_wait3A_395 : memref<1x!tpu.dma_semaphore, #tpu.memory_space<semaphore_mem>> -> memref<!tpu.dma_semaphore, #tpu.memory_space<semaphore_mem>>
      tpu.wait_indirect_dma semaphore(%dma_wait3A_396 : memref<!tpu.dma_semaphore, #tpu.memory_space<semaphore_mem>>) src(%dma_wait3A_394 : memref<1000000x32xf32, #tpu.memory_space<hbm>>) dst(%dma_wait3A_388 : memref<128x32xf32, #tpu.memory_space<vmem>>)
      %dma_wait3A_397 = arith.constant 1 : i32
      %dma_wait3A_398 = arith.constant 1 : i32
      %dma_wait3A_399 = arith.constant 384 : i32
      %dma_wait3A_400 = arith.constant 0 : i32
      %dma_wait3A_401 = tpu.memref_slice %arg6[%dma_wait3A_397, %dma_wait3A_399, %dma_wait3A_400] : memref<2x512x32xf32, #tpu.memory_space<vmem>> -> memref<1x128x32xf32, #tpu.memory_space<vmem>>
      %dma_wait3A_402 = tpu.memref_squeeze %dma_wait3A_401 : memref<1x128x32xf32, #tpu.memory_space<vmem>> -> memref<128x32xf32, #tpu.memory_space<vmem>>
      %dma_wait3A_403 = arith.constant 384 : i32
      %dma_wait3A_404 = tpu.memref_slice %arg5[%add3A_347, %dma_wait3A_403] : memref<50x512xi32, #tpu.memory_space<vmem>> -> memref<1x128xi32, #tpu.memory_space<vmem>>
      %dma_wait3A_405 = tpu.memref_squeeze %dma_wait3A_404 : memref<1x128xi32, #tpu.memory_space<vmem>> -> memref<128xi32, #tpu.memory_space<vmem>>
      %dma_wait3A_406 = arith.constant 0 : i32
      %dma_wait3A_407 = arith.constant 0 : i32
      %dma_wait3A_408 = tpu.memref_slice %arg2[%dma_wait3A_406, %dma_wait3A_407] : memref<1000000x32xf32, #tpu.memory_space<hbm>> -> memref<1000000x32xf32, #tpu.memory_space<hbm>>
      %dma_wait3A_409 = tpu.memref_slice %arg7[%dma_wait3A_398] : memref<2x!tpu.dma_semaphore, #tpu.memory_space<semaphore_mem>> -> memref<1x!tpu.dma_semaphore, #tpu.memory_space<semaphore_mem>>
      %dma_wait3A_410 = tpu.memref_squeeze %dma_wait3A_409 : memref<1x!tpu.dma_semaphore, #tpu.memory_space<semaphore_mem>> -> memref<!tpu.dma_semaphore, #tpu.memory_space<semaphore_mem>>
      tpu.wait_indirect_dma semaphore(%dma_wait3A_410 : memref<!tpu.dma_semaphore, #tpu.memory_space<semaphore_mem>>) src(%dma_wait3A_408 : memref<1000000x32xf32, #tpu.memory_space<hbm>>) dst(%dma_wait3A_402 : memref<128x32xf32, #tpu.memory_space<vmem>>)
      %broadcast_in_dim3A_411 = arith.constant 2147483647 : i32
      %broadcast_in_dim3A_412 = vector.broadcast %broadcast_in_dim3A_411 : i32 to vector<50xi32>
      %scan3A_413 = arith.constant 0 : i32
      %scan3A_414 = arith.constant 32 : i32
      %scan3A_415 = arith.addi %scan3A_413, %scan3A_414 : i32
      %scan3A_416 = arith.constant 1 : i32
      %scan3A_417 = scf.for %scan3A_591 = %scan3A_413 to %scan3A_415 step %scan3A_416 iter_args(%scan3A_592 = %broadcast_in_dim3A_412) -> (vector<50xi32>)  : i32 {
        %mul3A_593 = arith.constant 50 : i32
        %mul3A_594 = arith.muli %scan3A_591, %mul3A_593 : i32
        %get3A = arith.index_cast %add3A_347 : i32 to index
        %get3A_595 = arith.index_cast %mul3A_594 : i32 to index
        %get3A_596 = tpu.vector_load %arg5[%get3A, %get3A_595] {strides = array<i32>} : memref<50x512xi32, #tpu.memory_space<vmem>>, vector<1x50xi32>,
        %get3A_597 = vector.shape_cast %get3A_596 : vector<1x50xi32> to vector<50xi32>
        %min3A_598 = arith.minsi %scan3A_592, %get3A_597 : vector<50xi32>
        scf.yield %min3A_598 : vector<50xi32>
      }
      %scan3A_418 = arith.constant 32 : i32
      %slice3A_419 = vector.extract_strided_slice %scan3A_417 {offsets = [0], sizes = [1], strides = [1]} : vector<50xi32> to vector<1xi32>
      %squeeze3A_420 = vector.extract %slice3A_419[0] : i32 from vector<1xi32>
      %slice3A_421 = vector.extract_strided_slice %scan3A_417 {offsets = [1], sizes = [1], strides = [1]} : vector<50xi32> to vector<1xi32>
      %squeeze3A_422 = vector.extract %slice3A_421[0] : i32 from vector<1xi32>
      %min3A_423 = arith.minsi %squeeze3A_420, %squeeze3A_422 : i32
      %slice3A_424 = vector.extract_strided_slice %scan3A_417 {offsets = [2], sizes = [1], strides = [1]} : vector<50xi32> to vector<1xi32>
      %squeeze3A_425 = vector.extract %slice3A_424[0] : i32 from vector<1xi32>
      %min3A_426 = arith.minsi %min3A_423, %squeeze3A_425 : i32
      %slice3A_427 = vector.extract_strided_slice %scan3A_417 {offsets = [3], sizes = [1], strides = [1]} : vector<50xi32> to vector<1xi32>
      %squeeze3A_428 = vector.extract %slice3A_427[0] : i32 from vector<1xi32>
      %min3A_429 = arith.minsi %min3A_426, %squeeze3A_428 : i32
      %slice3A_430 = vector.extract_strided_slice %scan3A_417 {offsets = [4], sizes = [1], strides = [1]} : vector<50xi32> to vector<1xi32>
      %squeeze3A_431 = vector.extract %slice3A_430[0] : i32 from vector<1xi32>
      %min3A_432 = arith.minsi %min3A_429, %squeeze3A_431 : i32
      %slice3A_433 = vector.extract_strided_slice %scan3A_417 {offsets = [5], sizes = [1], strides = [1]} : vector<50xi32> to vector<1xi32>
      %squeeze3A_434 = vector.extract %slice3A_433[0] : i32 from vector<1xi32>
      %min3A_435 = arith.minsi %min3A_432, %squeeze3A_434 : i32
      %slice3A_436 = vector.extract_strided_slice %scan3A_417 {offsets = [6], sizes = [1], strides = [1]} : vector<50xi32> to vector<1xi32>
      %squeeze3A_437 = vector.extract %slice3A_436[0] : i32 from vector<1xi32>
      %min3A_438 = arith.minsi %min3A_435, %squeeze3A_437 : i32
      %slice3A_439 = vector.extract_strided_slice %scan3A_417 {offsets = [7], sizes = [1], strides = [1]} : vector<50xi32> to vector<1xi32>
      %squeeze3A_440 = vector.extract %slice3A_439[0] : i32 from vector<1xi32>
      %min3A_441 = arith.minsi %min3A_438, %squeeze3A_440 : i32
      %slice3A_442 = vector.extract_strided_slice %scan3A_417 {offsets = [8], sizes = [1], strides = [1]} : vector<50xi32> to vector<1xi32>
      %squeeze3A_443 = vector.extract %slice3A_442[0] : i32 from vector<1xi32>
      %min3A_444 = arith.minsi %min3A_441, %squeeze3A_443 : i32
      %slice3A_445 = vector.extract_strided_slice %scan3A_417 {offsets = [9], sizes = [1], strides = [1]} : vector<50xi32> to vector<1xi32>
      %squeeze3A_446 = vector.extract %slice3A_445[0] : i32 from vector<1xi32>
      %min3A_447 = arith.minsi %min3A_444, %squeeze3A_446 : i32
      %slice3A_448 = vector.extract_strided_slice %scan3A_417 {offsets = [10], sizes = [1], strides = [1]} : vector<50xi32> to vector<1xi32>
      %squeeze3A_449 = vector.extract %slice3A_448[0] : i32 from vector<1xi32>
      %min3A_450 = arith.minsi %min3A_447, %squeeze3A_449 : i32
      %slice3A_451 = vector.extract_strided_slice %scan3A_417 {offsets = [11], sizes = [1], strides = [1]} : vector<50xi32> to vector<1xi32>
      %squeeze3A_452 = vector.extract %slice3A_451[0] : i32 from vector<1xi32>
      %min3A_453 = arith.minsi %min3A_450, %squeeze3A_452 : i32
      %slice3A_454 = vector.extract_strided_slice %scan3A_417 {offsets = [12], sizes = [1], strides = [1]} : vector<50xi32> to vector<1xi32>
      %squeeze3A_455 = vector.extract %slice3A_454[0] : i32 from vector<1xi32>
      %min3A_456 = arith.minsi %min3A_453, %squeeze3A_455 : i32
      %slice3A_457 = vector.extract_strided_slice %scan3A_417 {offsets = [13], sizes = [1], strides = [1]} : vector<50xi32> to vector<1xi32>
      %squeeze3A_458 = vector.extract %slice3A_457[0] : i32 from vector<1xi32>
      %min3A_459 = arith.minsi %min3A_456, %squeeze3A_458 : i32
      %slice3A_460 = vector.extract_strided_slice %scan3A_417 {offsets = [14], sizes = [1], strides = [1]} : vector<50xi32> to vector<1xi32>
      %squeeze3A_461 = vector.extract %slice3A_460[0] : i32 from vector<1xi32>
      %min3A_462 = arith.minsi %min3A_459, %squeeze3A_461 : i32
      %slice3A_463 = vector.extract_strided_slice %scan3A_417 {offsets = [15], sizes = [1], strides = [1]} : vector<50xi32> to vector<1xi32>
      %squeeze3A_464 = vector.extract %slice3A_463[0] : i32 from vector<1xi32>
      %min3A_465 = arith.minsi %min3A_462, %squeeze3A_464 : i32
      %slice3A_466 = vector.extract_strided_slice %scan3A_417 {offsets = [16], sizes = [1], strides = [1]} : vector<50xi32> to vector<1xi32>
      %squeeze3A_467 = vector.extract %slice3A_466[0] : i32 from vector<1xi32>
      %min3A_468 = arith.minsi %min3A_465, %squeeze3A_467 : i32
      %slice3A_469 = vector.extract_strided_slice %scan3A_417 {offsets = [17], sizes = [1], strides = [1]} : vector<50xi32> to vector<1xi32>
      %squeeze3A_470 = vector.extract %slice3A_469[0] : i32 from vector<1xi32>
      %min3A_471 = arith.minsi %min3A_468, %squeeze3A_470 : i32
      %slice3A_472 = vector.extract_strided_slice %scan3A_417 {offsets = [18], sizes = [1], strides = [1]} : vector<50xi32> to vector<1xi32>
      %squeeze3A_473 = vector.extract %slice3A_472[0] : i32 from vector<1xi32>
      %min3A_474 = arith.minsi %min3A_471, %squeeze3A_473 : i32
      %slice3A_475 = vector.extract_strided_slice %scan3A_417 {offsets = [19], sizes = [1], strides = [1]} : vector<50xi32> to vector<1xi32>
      %squeeze3A_476 = vector.extract %slice3A_475[0] : i32 from vector<1xi32>
      %min3A_477 = arith.minsi %min3A_474, %squeeze3A_476 : i32
      %slice3A_478 = vector.extract_strided_slice %scan3A_417 {offsets = [20], sizes = [1], strides = [1]} : vector<50xi32> to vector<1xi32>
      %squeeze3A_479 = vector.extract %slice3A_478[0] : i32 from vector<1xi32>
      %min3A_480 = arith.minsi %min3A_477, %squeeze3A_479 : i32
      %slice3A_481 = vector.extract_strided_slice %scan3A_417 {offsets = [21], sizes = [1], strides = [1]} : vector<50xi32> to vector<1xi32>
      %squeeze3A_482 = vector.extract %slice3A_481[0] : i32 from vector<1xi32>
      %min3A_483 = arith.minsi %min3A_480, %squeeze3A_482 : i32
      %slice3A_484 = vector.extract_strided_slice %scan3A_417 {offsets = [22], sizes = [1], strides = [1]} : vector<50xi32> to vector<1xi32>
      %squeeze3A_485 = vector.extract %slice3A_484[0] : i32 from vector<1xi32>
      %min3A_486 = arith.minsi %min3A_483, %squeeze3A_485 : i32
      %slice3A_487 = vector.extract_strided_slice %scan3A_417 {offsets = [23], sizes = [1], strides = [1]} : vector<50xi32> to vector<1xi32>
      %squeeze3A_488 = vector.extract %slice3A_487[0] : i32 from vector<1xi32>
      %min3A_489 = arith.minsi %min3A_486, %squeeze3A_488 : i32
      %slice3A_490 = vector.extract_strided_slice %scan3A_417 {offsets = [24], sizes = [1], strides = [1]} : vector<50xi32> to vector<1xi32>
      %squeeze3A_491 = vector.extract %slice3A_490[0] : i32 from vector<1xi32>
      %min3A_492 = arith.minsi %min3A_489, %squeeze3A_491 : i32
      %slice3A_493 = vector.extract_strided_slice %scan3A_417 {offsets = [25], sizes = [1], strides = [1]} : vector<50xi32> to vector<1xi32>
      %squeeze3A_494 = vector.extract %slice3A_493[0] : i32 from vector<1xi32>
      %min3A_495 = arith.minsi %min3A_492, %squeeze3A_494 : i32
      %slice3A_496 = vector.extract_strided_slice %scan3A_417 {offsets = [26], sizes = [1], strides = [1]} : vector<50xi32> to vector<1xi32>
      %squeeze3A_497 = vector.extract %slice3A_496[0] : i32 from vector<1xi32>
      %min3A_498 = arith.minsi %min3A_495, %squeeze3A_497 : i32
      %slice3A_499 = vector.extract_strided_slice %scan3A_417 {offsets = [27], sizes = [1], strides = [1]} : vector<50xi32> to vector<1xi32>
      %squeeze3A_500 = vector.extract %slice3A_499[0] : i32 from vector<1xi32>
      %min3A_501 = arith.minsi %min3A_498, %squeeze3A_500 : i32
      %slice3A_502 = vector.extract_strided_slice %scan3A_417 {offsets = [28], sizes = [1], strides = [1]} : vector<50xi32> to vector<1xi32>
      %squeeze3A_503 = vector.extract %slice3A_502[0] : i32 from vector<1xi32>
      %min3A_504 = arith.minsi %min3A_501, %squeeze3A_503 : i32
      %slice3A_505 = vector.extract_strided_slice %scan3A_417 {offsets = [29], sizes = [1], strides = [1]} : vector<50xi32> to vector<1xi32>
      %squeeze3A_506 = vector.extract %slice3A_505[0] : i32 from vector<1xi32>
      %min3A_507 = arith.minsi %min3A_504, %squeeze3A_506 : i32
      %slice3A_508 = vector.extract_strided_slice %scan3A_417 {offsets = [30], sizes = [1], strides = [1]} : vector<50xi32> to vector<1xi32>
      %squeeze3A_509 = vector.extract %slice3A_508[0] : i32 from vector<1xi32>
      %min3A_510 = arith.minsi %min3A_507, %squeeze3A_509 : i32
      %slice3A_511 = vector.extract_strided_slice %scan3A_417 {offsets = [31], sizes = [1], strides = [1]} : vector<50xi32> to vector<1xi32>
      %squeeze3A_512 = vector.extract %slice3A_511[0] : i32 from vector<1xi32>
      %min3A_513 = arith.minsi %min3A_510, %squeeze3A_512 : i32
      %slice3A_514 = vector.extract_strided_slice %scan3A_417 {offsets = [32], sizes = [1], strides = [1]} : vector<50xi32> to vector<1xi32>
      %squeeze3A_515 = vector.extract %slice3A_514[0] : i32 from vector<1xi32>
      %min3A_516 = arith.minsi %min3A_513, %squeeze3A_515 : i32
      %slice3A_517 = vector.extract_strided_slice %scan3A_417 {offsets = [33], sizes = [1], strides = [1]} : vector<50xi32> to vector<1xi32>
      %squeeze3A_518 = vector.extract %slice3A_517[0] : i32 from vector<1xi32>
      %min3A_519 = arith.minsi %min3A_516, %squeeze3A_518 : i32
      %slice3A_520 = vector.extract_strided_slice %scan3A_417 {offsets = [34], sizes = [1], strides = [1]} : vector<50xi32> to vector<1xi32>
      %squeeze3A_521 = vector.extract %slice3A_520[0] : i32 from vector<1xi32>
      %min3A_522 = arith.minsi %min3A_519, %squeeze3A_521 : i32
      %slice3A_523 = vector.extract_strided_slice %scan3A_417 {offsets = [35], sizes = [1], strides = [1]} : vector<50xi32> to vector<1xi32>
      %squeeze3A_524 = vector.extract %slice3A_523[0] : i32 from vector<1xi32>
      %min3A_525 = arith.minsi %min3A_522, %squeeze3A_524 : i32
      %slice3A_526 = vector.extract_strided_slice %scan3A_417 {offsets = [36], sizes = [1], strides = [1]} : vector<50xi32> to vector<1xi32>
      %squeeze3A_527 = vector.extract %slice3A_526[0] : i32 from vector<1xi32>
      %min3A_528 = arith.minsi %min3A_525, %squeeze3A_527 : i32
      %slice3A_529 = vector.extract_strided_slice %scan3A_417 {offsets = [37], sizes = [1], strides = [1]} : vector<50xi32> to vector<1xi32>
      %squeeze3A_530 = vector.extract %slice3A_529[0] : i32 from vector<1xi32>
      %min3A_531 = arith.minsi %min3A_528, %squeeze3A_530 : i32
      %slice3A_532 = vector.extract_strided_slice %scan3A_417 {offsets = [38], sizes = [1], strides = [1]} : vector<50xi32> to vector<1xi32>
      %squeeze3A_533 = vector.extract %slice3A_532[0] : i32 from vector<1xi32>
      %min3A_534 = arith.minsi %min3A_531, %squeeze3A_533 : i32
      %slice3A_535 = vector.extract_strided_slice %scan3A_417 {offsets = [39], sizes = [1], strides = [1]} : vector<50xi32> to vector<1xi32>
      %squeeze3A_536 = vector.extract %slice3A_535[0] : i32 from vector<1xi32>
      %min3A_537 = arith.minsi %min3A_534, %squeeze3A_536 : i32
      %slice3A_538 = vector.extract_strided_slice %scan3A_417 {offsets = [40], sizes = [1], strides = [1]} : vector<50xi32> to vector<1xi32>
      %squeeze3A_539 = vector.extract %slice3A_538[0] : i32 from vector<1xi32>
      %min3A_540 = arith.minsi %min3A_537, %squeeze3A_539 : i32
      %slice3A_541 = vector.extract_strided_slice %scan3A_417 {offsets = [41], sizes = [1], strides = [1]} : vector<50xi32> to vector<1xi32>
      %squeeze3A_542 = vector.extract %slice3A_541[0] : i32 from vector<1xi32>
      %min3A_543 = arith.minsi %min3A_540, %squeeze3A_542 : i32
      %slice3A_544 = vector.extract_strided_slice %scan3A_417 {offsets = [42], sizes = [1], strides = [1]} : vector<50xi32> to vector<1xi32>
      %squeeze3A_545 = vector.extract %slice3A_544[0] : i32 from vector<1xi32>
      %min3A_546 = arith.minsi %min3A_543, %squeeze3A_545 : i32
      %slice3A_547 = vector.extract_strided_slice %scan3A_417 {offsets = [43], sizes = [1], strides = [1]} : vector<50xi32> to vector<1xi32>
      %squeeze3A_548 = vector.extract %slice3A_547[0] : i32 from vector<1xi32>
      %min3A_549 = arith.minsi %min3A_546, %squeeze3A_548 : i32
      %slice3A_550 = vector.extract_strided_slice %scan3A_417 {offsets = [44], sizes = [1], strides = [1]} : vector<50xi32> to vector<1xi32>
      %squeeze3A_551 = vector.extract %slice3A_550[0] : i32 from vector<1xi32>
      %min3A_552 = arith.minsi %min3A_549, %squeeze3A_551 : i32
      %slice3A_553 = vector.extract_strided_slice %scan3A_417 {offsets = [45], sizes = [1], strides = [1]} : vector<50xi32> to vector<1xi32>
      %squeeze3A_554 = vector.extract %slice3A_553[0] : i32 from vector<1xi32>
      %min3A_555 = arith.minsi %min3A_552, %squeeze3A_554 : i32
      %slice3A_556 = vector.extract_strided_slice %scan3A_417 {offsets = [46], sizes = [1], strides = [1]} : vector<50xi32> to vector<1xi32>
      %squeeze3A_557 = vector.extract %slice3A_556[0] : i32 from vector<1xi32>
      %min3A_558 = arith.minsi %min3A_555, %squeeze3A_557 : i32
      %slice3A_559 = vector.extract_strided_slice %scan3A_417 {offsets = [47], sizes = [1], strides = [1]} : vector<50xi32> to vector<1xi32>
      %squeeze3A_560 = vector.extract %slice3A_559[0] : i32 from vector<1xi32>
      %min3A_561 = arith.minsi %min3A_558, %squeeze3A_560 : i32
      %slice3A_562 = vector.extract_strided_slice %scan3A_417 {offsets = [48], sizes = [1], strides = [1]} : vector<50xi32> to vector<1xi32>
      %squeeze3A_563 = vector.extract %slice3A_562[0] : i32 from vector<1xi32>
      %min3A_564 = arith.minsi %min3A_561, %squeeze3A_563 : i32
      %slice3A_565 = vector.extract_strided_slice %scan3A_417 {offsets = [49], sizes = [1], strides = [1]} : vector<50xi32> to vector<1xi32>
      %squeeze3A_566 = vector.extract %slice3A_565[0] : i32 from vector<1xi32>
      %min3A_567 = arith.minsi %min3A_564, %squeeze3A_566 : i32
      %eq3A_568 = arith.constant 0 : i32
      %eq3A_569 = arith.cmpi eq, %min3A_567, %eq3A_568 : i32
      %convert_element_type3A_570 = arith.extui %eq3A_569 : i1 to i32
      %cond3A_571 = arith.constant 0 : i32
      %cond3A_572 = arith.cmpi ne, %convert_element_type3A_570, %cond3A_571 : i32
      scf.if %cond3A_572 {
        %scan3A_591 = arith.constant 0 : i32
        %scan3A_592 = arith.constant 0 : i32
        %scan3A_593 = arith.constant 32 : i32
        %scan3A_594 = arith.addi %scan3A_592, %scan3A_593 : i32
        %scan3A_595 = arith.constant 1 : i32
        scf.for %scan3A_597 = %scan3A_592 to %scan3A_594 step %scan3A_595  : i32 {
          %mul3A_598 = arith.constant 50 : i32
          %mul3A_599 = arith.muli %scan3A_597, %mul3A_598 : i32
          %get3A = arith.index_cast %add3A_347 : i32 to index
          %get3A_600 = arith.index_cast %mul3A_599 : i32 to index
          %get3A_601 = tpu.vector_load %arg5[%get3A, %get3A_600] {strides = array<i32>} : memref<50x512xi32, #tpu.memory_space<vmem>>, vector<1x50xi32>,
          %get3A_602 = vector.shape_cast %get3A_601 : vector<1x50xi32> to vector<50xi32>
          %slice3A_603 = vector.extract_strided_slice %get3A_602 {offsets = [0], sizes = [1], strides = [1]} : vector<50xi32> to vector<1xi32>
          %squeeze3A_604 = vector.extract %slice3A_603[0] : i32 from vector<1xi32>
          %eq3A_605 = arith.constant 0 : i32
          %eq3A_606 = arith.cmpi eq, %squeeze3A_604, %eq3A_605 : i32
          %jit3A = arith.constant 0.000000e+00 : f32
          %jit3A_607 = arith.constant 1.000000e+00 : f32
          %select_n3A = arith.select %eq3A_606, %jit3A, %jit3A_607 : f32
          %mul3A_608 = arith.constant 50 : i32
          %mul3A_609 = arith.muli %scan3A_597, %mul3A_608 : i32
          %add3A_610 = arith.constant 0 : i32
          %add3A_611 = arith.addi %mul3A_609, %add3A_610 : i32
          %slice3A_612 = vector.extract_strided_slice %get3A_602 {offsets = [1], sizes = [1], strides = [1]} : vector<50xi32> to vector<1xi32>
          %squeeze3A_613 = vector.extract %slice3A_612[0] : i32 from vector<1xi32>
          %eq3A_614 = arith.constant 0 : i32
          %eq3A_615 = arith.cmpi eq, %squeeze3A_613, %eq3A_614 : i32
          %jit3A_616 = arith.constant 0.000000e+00 : f32
          %jit3A_617 = arith.constant 1.000000e+00 : f32
          %select_n3A_618 = arith.select %eq3A_615, %jit3A_616, %jit3A_617 : f32
          %mul3A_619 = arith.constant 50 : i32
          %mul3A_620 = arith.muli %scan3A_597, %mul3A_619 : i32
          %add3A_621 = arith.constant 1 : i32
          %add3A_622 = arith.addi %mul3A_620, %add3A_621 : i32
          %slice3A_623 = vector.extract_strided_slice %get3A_602 {offsets = [2], sizes = [1], strides = [1]} : vector<50xi32> to vector<1xi32>
          %squeeze3A_624 = vector.extract %slice3A_623[0] : i32 from vector<1xi32>
          %eq3A_625 = arith.constant 0 : i32
          %eq3A_626 = arith.cmpi eq, %squeeze3A_624, %eq3A_625 : i32
          %jit3A_627 = arith.constant 0.000000e+00 : f32
          %jit3A_628 = arith.constant 1.000000e+00 : f32
          %select_n3A_629 = arith.select %eq3A_626, %jit3A_627, %jit3A_628 : f32
          %mul3A_630 = arith.constant 50 : i32
          %mul3A_631 = arith.muli %scan3A_597, %mul3A_630 : i32
          %add3A_632 = arith.constant 2 : i32
          %add3A_633 = arith.addi %mul3A_631, %add3A_632 : i32
          %slice3A_634 = vector.extract_strided_slice %get3A_602 {offsets = [3], sizes = [1], strides = [1]} : vector<50xi32> to vector<1xi32>
          %squeeze3A_635 = vector.extract %slice3A_634[0] : i32 from vector<1xi32>
          %eq3A_636 = arith.constant 0 : i32
          %eq3A_637 = arith.cmpi eq, %squeeze3A_635, %eq3A_636 : i32
          %jit3A_638 = arith.constant 0.000000e+00 : f32
          %jit3A_639 = arith.constant 1.000000e+00 : f32
          %select_n3A_640 = arith.select %eq3A_637, %jit3A_638, %jit3A_639 : f32
          %mul3A_641 = arith.constant 50 : i32
          %mul3A_642 = arith.muli %scan3A_597, %mul3A_641 : i32
          %add3A_643 = arith.constant 3 : i32
          %add3A_644 = arith.addi %mul3A_642, %add3A_643 : i32
          %slice3A_645 = vector.extract_strided_slice %get3A_602 {offsets = [4], sizes = [1], strides = [1]} : vector<50xi32> to vector<1xi32>
          %squeeze3A_646 = vector.extract %slice3A_645[0] : i32 from vector<1xi32>
          %eq3A_647 = arith.constant 0 : i32
          %eq3A_648 = arith.cmpi eq, %squeeze3A_646, %eq3A_647 : i32
          %jit3A_649 = arith.constant 0.000000e+00 : f32
          %jit3A_650 = arith.constant 1.000000e+00 : f32
          %select_n3A_651 = arith.select %eq3A_648, %jit3A_649, %jit3A_650 : f32
          %mul3A_652 = arith.constant 50 : i32
          %mul3A_653 = arith.muli %scan3A_597, %mul3A_652 : i32
          %add3A_654 = arith.constant 4 : i32
          %add3A_655 = arith.addi %mul3A_653, %add3A_654 : i32
          %slice3A_656 = vector.extract_strided_slice %get3A_602 {offsets = [5], sizes = [1], strides = [1]} : vector<50xi32> to vector<1xi32>
          %squeeze3A_657 = vector.extract %slice3A_656[0] : i32 from vector<1xi32>
          %eq3A_658 = arith.constant 0 : i32
          %eq3A_659 = arith.cmpi eq, %squeeze3A_657, %eq3A_658 : i32
          %jit3A_660 = arith.constant 0.000000e+00 : f32
          %jit3A_661 = arith.constant 1.000000e+00 : f32
          %select_n3A_662 = arith.select %eq3A_659, %jit3A_660, %jit3A_661 : f32
          %mul3A_663 = arith.constant 50 : i32
          %mul3A_664 = arith.muli %scan3A_597, %mul3A_663 : i32
          %add3A_665 = arith.constant 5 : i32
          %add3A_666 = arith.addi %mul3A_664, %add3A_665 : i32
          %slice3A_667 = vector.extract_strided_slice %get3A_602 {offsets = [6], sizes = [1], strides = [1]} : vector<50xi32> to vector<1xi32>
          %squeeze3A_668 = vector.extract %slice3A_667[0] : i32 from vector<1xi32>
          %eq3A_669 = arith.constant 0 : i32
          %eq3A_670 = arith.cmpi eq, %squeeze3A_668, %eq3A_669 : i32
          %jit3A_671 = arith.constant 0.000000e+00 : f32
          %jit3A_672 = arith.constant 1.000000e+00 : f32
          %select_n3A_673 = arith.select %eq3A_670, %jit3A_671, %jit3A_672 : f32
          %mul3A_674 = arith.constant 50 : i32
          %mul3A_675 = arith.muli %scan3A_597, %mul3A_674 : i32
          %add3A_676 = arith.constant 6 : i32
          %add3A_677 = arith.addi %mul3A_675, %add3A_676 : i32
          %slice3A_678 = vector.extract_strided_slice %get3A_602 {offsets = [7], sizes = [1], strides = [1]} : vector<50xi32> to vector<1xi32>
          %squeeze3A_679 = vector.extract %slice3A_678[0] : i32 from vector<1xi32>
          %eq3A_680 = arith.constant 0 : i32
          %eq3A_681 = arith.cmpi eq, %squeeze3A_679, %eq3A_680 : i32
          %jit3A_682 = arith.constant 0.000000e+00 : f32
          %jit3A_683 = arith.constant 1.000000e+00 : f32
          %select_n3A_684 = arith.select %eq3A_681, %jit3A_682, %jit3A_683 : f32
          %mul3A_685 = arith.constant 50 : i32
          %mul3A_686 = arith.muli %scan3A_597, %mul3A_685 : i32
          %add3A_687 = arith.constant 7 : i32
          %add3A_688 = arith.addi %mul3A_686, %add3A_687 : i32
          %slice3A_689 = vector.extract_strided_slice %get3A_602 {offsets = [8], sizes = [1], strides = [1]} : vector<50xi32> to vector<1xi32>
          %squeeze3A_690 = vector.extract %slice3A_689[0] : i32 from vector<1xi32>
          %eq3A_691 = arith.constant 0 : i32
          %eq3A_692 = arith.cmpi eq, %squeeze3A_690, %eq3A_691 : i32
          %jit3A_693 = arith.constant 0.000000e+00 : f32
          %jit3A_694 = arith.constant 1.000000e+00 : f32
          %select_n3A_695 = arith.select %eq3A_692, %jit3A_693, %jit3A_694 : f32
          %mul3A_696 = arith.constant 50 : i32
          %mul3A_697 = arith.muli %scan3A_597, %mul3A_696 : i32
          %add3A_698 = arith.constant 8 : i32
          %add3A_699 = arith.addi %mul3A_697, %add3A_698 : i32
          %slice3A_700 = vector.extract_strided_slice %get3A_602 {offsets = [9], sizes = [1], strides = [1]} : vector<50xi32> to vector<1xi32>
          %squeeze3A_701 = vector.extract %slice3A_700[0] : i32 from vector<1xi32>
          %eq3A_702 = arith.constant 0 : i32
          %eq3A_703 = arith.cmpi eq, %squeeze3A_701, %eq3A_702 : i32
          %jit3A_704 = arith.constant 0.000000e+00 : f32
          %jit3A_705 = arith.constant 1.000000e+00 : f32
          %select_n3A_706 = arith.select %eq3A_703, %jit3A_704, %jit3A_705 : f32
          %mul3A_707 = arith.constant 50 : i32
          %mul3A_708 = arith.muli %scan3A_597, %mul3A_707 : i32
          %add3A_709 = arith.constant 9 : i32
          %add3A_710 = arith.addi %mul3A_708, %add3A_709 : i32
          %slice3A_711 = vector.extract_strided_slice %get3A_602 {offsets = [10], sizes = [1], strides = [1]} : vector<50xi32> to vector<1xi32>
          %squeeze3A_712 = vector.extract %slice3A_711[0] : i32 from vector<1xi32>
          %eq3A_713 = arith.constant 0 : i32
          %eq3A_714 = arith.cmpi eq, %squeeze3A_712, %eq3A_713 : i32
          %jit3A_715 = arith.constant 0.000000e+00 : f32
          %jit3A_716 = arith.constant 1.000000e+00 : f32
          %select_n3A_717 = arith.select %eq3A_714, %jit3A_715, %jit3A_716 : f32
          %mul3A_718 = arith.constant 50 : i32
          %mul3A_719 = arith.muli %scan3A_597, %mul3A_718 : i32
          %add3A_720 = arith.constant 10 : i32
          %add3A_721 = arith.addi %mul3A_719, %add3A_720 : i32
          %slice3A_722 = vector.extract_strided_slice %get3A_602 {offsets = [11], sizes = [1], strides = [1]} : vector<50xi32> to vector<1xi32>
          %squeeze3A_723 = vector.extract %slice3A_722[0] : i32 from vector<1xi32>
          %eq3A_724 = arith.constant 0 : i32
          %eq3A_725 = arith.cmpi eq, %squeeze3A_723, %eq3A_724 : i32
          %jit3A_726 = arith.constant 0.000000e+00 : f32
          %jit3A_727 = arith.constant 1.000000e+00 : f32
          %select_n3A_728 = arith.select %eq3A_725, %jit3A_726, %jit3A_727 : f32
          %mul3A_729 = arith.constant 50 : i32
          %mul3A_730 = arith.muli %scan3A_597, %mul3A_729 : i32
          %add3A_731 = arith.constant 11 : i32
          %add3A_732 = arith.addi %mul3A_730, %add3A_731 : i32
          %slice3A_733 = vector.extract_strided_slice %get3A_602 {offsets = [12], sizes = [1], strides = [1]} : vector<50xi32> to vector<1xi32>
          %squeeze3A_734 = vector.extract %slice3A_733[0] : i32 from vector<1xi32>
          %eq3A_735 = arith.constant 0 : i32
          %eq3A_736 = arith.cmpi eq, %squeeze3A_734, %eq3A_735 : i32
          %jit3A_737 = arith.constant 0.000000e+00 : f32
          %jit3A_738 = arith.constant 1.000000e+00 : f32
          %select_n3A_739 = arith.select %eq3A_736, %jit3A_737, %jit3A_738 : f32
          %mul3A_740 = arith.constant 50 : i32
          %mul3A_741 = arith.muli %scan3A_597, %mul3A_740 : i32
          %add3A_742 = arith.constant 12 : i32
          %add3A_743 = arith.addi %mul3A_741, %add3A_742 : i32
          %slice3A_744 = vector.extract_strided_slice %get3A_602 {offsets = [13], sizes = [1], strides = [1]} : vector<50xi32> to vector<1xi32>
          %squeeze3A_745 = vector.extract %slice3A_744[0] : i32 from vector<1xi32>
          %eq3A_746 = arith.constant 0 : i32
          %eq3A_747 = arith.cmpi eq, %squeeze3A_745, %eq3A_746 : i32
          %jit3A_748 = arith.constant 0.000000e+00 : f32
          %jit3A_749 = arith.constant 1.000000e+00 : f32
          %select_n3A_750 = arith.select %eq3A_747, %jit3A_748, %jit3A_749 : f32
          %mul3A_751 = arith.constant 50 : i32
          %mul3A_752 = arith.muli %scan3A_597, %mul3A_751 : i32
          %add3A_753 = arith.constant 13 : i32
          %add3A_754 = arith.addi %mul3A_752, %add3A_753 : i32
          %slice3A_755 = vector.extract_strided_slice %get3A_602 {offsets = [14], sizes = [1], strides = [1]} : vector<50xi32> to vector<1xi32>
          %squeeze3A_756 = vector.extract %slice3A_755[0] : i32 from vector<1xi32>
          %eq3A_757 = arith.constant 0 : i32
          %eq3A_758 = arith.cmpi eq, %squeeze3A_756, %eq3A_757 : i32
          %jit3A_759 = arith.constant 0.000000e+00 : f32
          %jit3A_760 = arith.constant 1.000000e+00 : f32
          %select_n3A_761 = arith.select %eq3A_758, %jit3A_759, %jit3A_760 : f32
          %mul3A_762 = arith.constant 50 : i32
          %mul3A_763 = arith.muli %scan3A_597, %mul3A_762 : i32
          %add3A_764 = arith.constant 14 : i32
          %add3A_765 = arith.addi %mul3A_763, %add3A_764 : i32
          %slice3A_766 = vector.extract_strided_slice %get3A_602 {offsets = [15], sizes = [1], strides = [1]} : vector<50xi32> to vector<1xi32>
          %squeeze3A_767 = vector.extract %slice3A_766[0] : i32 from vector<1xi32>
          %eq3A_768 = arith.constant 0 : i32
          %eq3A_769 = arith.cmpi eq, %squeeze3A_767, %eq3A_768 : i32
          %jit3A_770 = arith.constant 0.000000e+00 : f32
          %jit3A_771 = arith.constant 1.000000e+00 : f32
          %select_n3A_772 = arith.select %eq3A_769, %jit3A_770, %jit3A_771 : f32
          %mul3A_773 = arith.constant 50 : i32
          %mul3A_774 = arith.muli %scan3A_597, %mul3A_773 : i32
          %add3A_775 = arith.constant 15 : i32
          %add3A_776 = arith.addi %mul3A_774, %add3A_775 : i32
          %slice3A_777 = vector.extract_strided_slice %get3A_602 {offsets = [16], sizes = [1], strides = [1]} : vector<50xi32> to vector<1xi32>
          %squeeze3A_778 = vector.extract %slice3A_777[0] : i32 from vector<1xi32>
          %eq3A_779 = arith.constant 0 : i32
          %eq3A_780 = arith.cmpi eq, %squeeze3A_778, %eq3A_779 : i32
          %jit3A_781 = arith.constant 0.000000e+00 : f32
          %jit3A_782 = arith.constant 1.000000e+00 : f32
          %select_n3A_783 = arith.select %eq3A_780, %jit3A_781, %jit3A_782 : f32
          %mul3A_784 = arith.constant 50 : i32
          %mul3A_785 = arith.muli %scan3A_597, %mul3A_784 : i32
          %add3A_786 = arith.constant 16 : i32
          %add3A_787 = arith.addi %mul3A_785, %add3A_786 : i32
          %slice3A_788 = vector.extract_strided_slice %get3A_602 {offsets = [17], sizes = [1], strides = [1]} : vector<50xi32> to vector<1xi32>
          %squeeze3A_789 = vector.extract %slice3A_788[0] : i32 from vector<1xi32>
          %eq3A_790 = arith.constant 0 : i32
          %eq3A_791 = arith.cmpi eq, %squeeze3A_789, %eq3A_790 : i32
          %jit3A_792 = arith.constant 0.000000e+00 : f32
          %jit3A_793 = arith.constant 1.000000e+00 : f32
          %select_n3A_794 = arith.select %eq3A_791, %jit3A_792, %jit3A_793 : f32
          %mul3A_795 = arith.constant 50 : i32
          %mul3A_796 = arith.muli %scan3A_597, %mul3A_795 : i32
          %add3A_797 = arith.constant 17 : i32
          %add3A_798 = arith.addi %mul3A_796, %add3A_797 : i32
          %slice3A_799 = vector.extract_strided_slice %get3A_602 {offsets = [18], sizes = [1], strides = [1]} : vector<50xi32> to vector<1xi32>
          %squeeze3A_800 = vector.extract %slice3A_799[0] : i32 from vector<1xi32>
          %eq3A_801 = arith.constant 0 : i32
          %eq3A_802 = arith.cmpi eq, %squeeze3A_800, %eq3A_801 : i32
          %jit3A_803 = arith.constant 0.000000e+00 : f32
          %jit3A_804 = arith.constant 1.000000e+00 : f32
          %select_n3A_805 = arith.select %eq3A_802, %jit3A_803, %jit3A_804 : f32
          %mul3A_806 = arith.constant 50 : i32
          %mul3A_807 = arith.muli %scan3A_597, %mul3A_806 : i32
          %add3A_808 = arith.constant 18 : i32
          %add3A_809 = arith.addi %mul3A_807, %add3A_808 : i32
          %slice3A_810 = vector.extract_strided_slice %get3A_602 {offsets = [19], sizes = [1], strides = [1]} : vector<50xi32> to vector<1xi32>
          %squeeze3A_811 = vector.extract %slice3A_810[0] : i32 from vector<1xi32>
          %eq3A_812 = arith.constant 0 : i32
          %eq3A_813 = arith.cmpi eq, %squeeze3A_811, %eq3A_812 : i32
          %jit3A_814 = arith.constant 0.000000e+00 : f32
          %jit3A_815 = arith.constant 1.000000e+00 : f32
          %select_n3A_816 = arith.select %eq3A_813, %jit3A_814, %jit3A_815 : f32
          %mul3A_817 = arith.constant 50 : i32
          %mul3A_818 = arith.muli %scan3A_597, %mul3A_817 : i32
          %add3A_819 = arith.constant 19 : i32
          %add3A_820 = arith.addi %mul3A_818, %add3A_819 : i32
          %slice3A_821 = vector.extract_strided_slice %get3A_602 {offsets = [20], sizes = [1], strides = [1]} : vector<50xi32> to vector<1xi32>
          %squeeze3A_822 = vector.extract %slice3A_821[0] : i32 from vector<1xi32>
          %eq3A_823 = arith.constant 0 : i32
          %eq3A_824 = arith.cmpi eq, %squeeze3A_822, %eq3A_823 : i32
          %jit3A_825 = arith.constant 0.000000e+00 : f32
          %jit3A_826 = arith.constant 1.000000e+00 : f32
          %select_n3A_827 = arith.select %eq3A_824, %jit3A_825, %jit3A_826 : f32
          %mul3A_828 = arith.constant 50 : i32
          %mul3A_829 = arith.muli %scan3A_597, %mul3A_828 : i32
          %add3A_830 = arith.constant 20 : i32
          %add3A_831 = arith.addi %mul3A_829, %add3A_830 : i32
          %slice3A_832 = vector.extract_strided_slice %get3A_602 {offsets = [21], sizes = [1], strides = [1]} : vector<50xi32> to vector<1xi32>
          %squeeze3A_833 = vector.extract %slice3A_832[0] : i32 from vector<1xi32>
          %eq3A_834 = arith.constant 0 : i32
          %eq3A_835 = arith.cmpi eq, %squeeze3A_833, %eq3A_834 : i32
          %jit3A_836 = arith.constant 0.000000e+00 : f32
          %jit3A_837 = arith.constant 1.000000e+00 : f32
          %select_n3A_838 = arith.select %eq3A_835, %jit3A_836, %jit3A_837 : f32
          %mul3A_839 = arith.constant 50 : i32
          %mul3A_840 = arith.muli %scan3A_597, %mul3A_839 : i32
          %add3A_841 = arith.constant 21 : i32
          %add3A_842 = arith.addi %mul3A_840, %add3A_841 : i32
          %slice3A_843 = vector.extract_strided_slice %get3A_602 {offsets = [22], sizes = [1], strides = [1]} : vector<50xi32> to vector<1xi32>
          %squeeze3A_844 = vector.extract %slice3A_843[0] : i32 from vector<1xi32>
          %eq3A_845 = arith.constant 0 : i32
          %eq3A_846 = arith.cmpi eq, %squeeze3A_844, %eq3A_845 : i32
          %jit3A_847 = arith.constant 0.000000e+00 : f32
          %jit3A_848 = arith.constant 1.000000e+00 : f32
          %select_n3A_849 = arith.select %eq3A_846, %jit3A_847, %jit3A_848 : f32
          %mul3A_850 = arith.constant 50 : i32
          %mul3A_851 = arith.muli %scan3A_597, %mul3A_850 : i32
          %add3A_852 = arith.constant 22 : i32
          %add3A_853 = arith.addi %mul3A_851, %add3A_852 : i32
          %slice3A_854 = vector.extract_strided_slice %get3A_602 {offsets = [23], sizes = [1], strides = [1]} : vector<50xi32> to vector<1xi32>
          %squeeze3A_855 = vector.extract %slice3A_854[0] : i32 from vector<1xi32>
          %eq3A_856 = arith.constant 0 : i32
          %eq3A_857 = arith.cmpi eq, %squeeze3A_855, %eq3A_856 : i32
          %jit3A_858 = arith.constant 0.000000e+00 : f32
          %jit3A_859 = arith.constant 1.000000e+00 : f32
          %select_n3A_860 = arith.select %eq3A_857, %jit3A_858, %jit3A_859 : f32
          %mul3A_861 = arith.constant 50 : i32
          %mul3A_862 = arith.muli %scan3A_597, %mul3A_861 : i32
          %add3A_863 = arith.constant 23 : i32
          %add3A_864 = arith.addi %mul3A_862, %add3A_863 : i32
          %slice3A_865 = vector.extract_strided_slice %get3A_602 {offsets = [24], sizes = [1], strides = [1]} : vector<50xi32> to vector<1xi32>
          %squeeze3A_866 = vector.extract %slice3A_865[0] : i32 from vector<1xi32>
          %eq3A_867 = arith.constant 0 : i32
          %eq3A_868 = arith.cmpi eq, %squeeze3A_866, %eq3A_867 : i32
          %jit3A_869 = arith.constant 0.000000e+00 : f32
          %jit3A_870 = arith.constant 1.000000e+00 : f32
          %select_n3A_871 = arith.select %eq3A_868, %jit3A_869, %jit3A_870 : f32
          %mul3A_872 = arith.constant 50 : i32
          %mul3A_873 = arith.muli %scan3A_597, %mul3A_872 : i32
          %add3A_874 = arith.constant 24 : i32
          %add3A_875 = arith.addi %mul3A_873, %add3A_874 : i32
          %slice3A_876 = vector.extract_strided_slice %get3A_602 {offsets = [25], sizes = [1], strides = [1]} : vector<50xi32> to vector<1xi32>
          %squeeze3A_877 = vector.extract %slice3A_876[0] : i32 from vector<1xi32>
          %eq3A_878 = arith.constant 0 : i32
          %eq3A_879 = arith.cmpi eq, %squeeze3A_877, %eq3A_878 : i32
          %jit3A_880 = arith.constant 0.000000e+00 : f32
          %jit3A_881 = arith.constant 1.000000e+00 : f32
          %select_n3A_882 = arith.select %eq3A_879, %jit3A_880, %jit3A_881 : f32
          %mul3A_883 = arith.constant 50 : i32
          %mul3A_884 = arith.muli %scan3A_597, %mul3A_883 : i32
          %add3A_885 = arith.constant 25 : i32
          %add3A_886 = arith.addi %mul3A_884, %add3A_885 : i32
          %slice3A_887 = vector.extract_strided_slice %get3A_602 {offsets = [26], sizes = [1], strides = [1]} : vector<50xi32> to vector<1xi32>
          %squeeze3A_888 = vector.extract %slice3A_887[0] : i32 from vector<1xi32>
          %eq3A_889 = arith.constant 0 : i32
          %eq3A_890 = arith.cmpi eq, %squeeze3A_888, %eq3A_889 : i32
          %jit3A_891 = arith.constant 0.000000e+00 : f32
          %jit3A_892 = arith.constant 1.000000e+00 : f32
          %select_n3A_893 = arith.select %eq3A_890, %jit3A_891, %jit3A_892 : f32
          %mul3A_894 = arith.constant 50 : i32
          %mul3A_895 = arith.muli %scan3A_597, %mul3A_894 : i32
          %add3A_896 = arith.constant 26 : i32
          %add3A_897 = arith.addi %mul3A_895, %add3A_896 : i32
          %slice3A_898 = vector.extract_strided_slice %get3A_602 {offsets = [27], sizes = [1], strides = [1]} : vector<50xi32> to vector<1xi32>
          %squeeze3A_899 = vector.extract %slice3A_898[0] : i32 from vector<1xi32>
          %eq3A_900 = arith.constant 0 : i32
          %eq3A_901 = arith.cmpi eq, %squeeze3A_899, %eq3A_900 : i32
          %jit3A_902 = arith.constant 0.000000e+00 : f32
          %jit3A_903 = arith.constant 1.000000e+00 : f32
          %select_n3A_904 = arith.select %eq3A_901, %jit3A_902, %jit3A_903 : f32
          %mul3A_905 = arith.constant 50 : i32
          %mul3A_906 = arith.muli %scan3A_597, %mul3A_905 : i32
          %add3A_907 = arith.constant 27 : i32
          %add3A_908 = arith.addi %mul3A_906, %add3A_907 : i32
          %slice3A_909 = vector.extract_strided_slice %get3A_602 {offsets = [28], sizes = [1], strides = [1]} : vector<50xi32> to vector<1xi32>
          %squeeze3A_910 = vector.extract %slice3A_909[0] : i32 from vector<1xi32>
          %eq3A_911 = arith.constant 0 : i32
          %eq3A_912 = arith.cmpi eq, %squeeze3A_910, %eq3A_911 : i32
          %jit3A_913 = arith.constant 0.000000e+00 : f32
          %jit3A_914 = arith.constant 1.000000e+00 : f32
          %select_n3A_915 = arith.select %eq3A_912, %jit3A_913, %jit3A_914 : f32
          %mul3A_916 = arith.constant 50 : i32
          %mul3A_917 = arith.muli %scan3A_597, %mul3A_916 : i32
          %add3A_918 = arith.constant 28 : i32
          %add3A_919 = arith.addi %mul3A_917, %add3A_918 : i32
          %slice3A_920 = vector.extract_strided_slice %get3A_602 {offsets = [29], sizes = [1], strides = [1]} : vector<50xi32> to vector<1xi32>
          %squeeze3A_921 = vector.extract %slice3A_920[0] : i32 from vector<1xi32>
          %eq3A_922 = arith.constant 0 : i32
          %eq3A_923 = arith.cmpi eq, %squeeze3A_921, %eq3A_922 : i32
          %jit3A_924 = arith.constant 0.000000e+00 : f32
          %jit3A_925 = arith.constant 1.000000e+00 : f32
          %select_n3A_926 = arith.select %eq3A_923, %jit3A_924, %jit3A_925 : f32
          %mul3A_927 = arith.constant 50 : i32
          %mul3A_928 = arith.muli %scan3A_597, %mul3A_927 : i32
          %add3A_929 = arith.constant 29 : i32
          %add3A_930 = arith.addi %mul3A_928, %add3A_929 : i32
          %slice3A_931 = vector.extract_strided_slice %get3A_602 {offsets = [30], sizes = [1], strides = [1]} : vector<50xi32> to vector<1xi32>
          %squeeze3A_932 = vector.extract %slice3A_931[0] : i32 from vector<1xi32>
          %eq3A_933 = arith.constant 0 : i32
          %eq3A_934 = arith.cmpi eq, %squeeze3A_932, %eq3A_933 : i32
          %jit3A_935 = arith.constant 0.000000e+00 : f32
          %jit3A_936 = arith.constant 1.000000e+00 : f32
          %select_n3A_937 = arith.select %eq3A_934, %jit3A_935, %jit3A_936 : f32
          %mul3A_938 = arith.constant 50 : i32
          %mul3A_939 = arith.muli %scan3A_597, %mul3A_938 : i32
          %add3A_940 = arith.constant 30 : i32
          %add3A_941 = arith.addi %mul3A_939, %add3A_940 : i32
          %slice3A_942 = vector.extract_strided_slice %get3A_602 {offsets = [31], sizes = [1], strides = [1]} : vector<50xi32> to vector<1xi32>
          %squeeze3A_943 = vector.extract %slice3A_942[0] : i32 from vector<1xi32>
          %eq3A_944 = arith.constant 0 : i32
          %eq3A_945 = arith.cmpi eq, %squeeze3A_943, %eq3A_944 : i32
          %jit3A_946 = arith.constant 0.000000e+00 : f32
          %jit3A_947 = arith.constant 1.000000e+00 : f32
          %select_n3A_948 = arith.select %eq3A_945, %jit3A_946, %jit3A_947 : f32
          %mul3A_949 = arith.constant 50 : i32
          %mul3A_950 = arith.muli %scan3A_597, %mul3A_949 : i32
          %add3A_951 = arith.constant 31 : i32
          %add3A_952 = arith.addi %mul3A_950, %add3A_951 : i32
          %slice3A_953 = vector.extract_strided_slice %get3A_602 {offsets = [32], sizes = [1], strides = [1]} : vector<50xi32> to vector<1xi32>
          %squeeze3A_954 = vector.extract %slice3A_953[0] : i32 from vector<1xi32>
          %eq3A_955 = arith.constant 0 : i32
          %eq3A_956 = arith.cmpi eq, %squeeze3A_954, %eq3A_955 : i32
          %jit3A_957 = arith.constant 0.000000e+00 : f32
          %jit3A_958 = arith.constant 1.000000e+00 : f32
          %select_n3A_959 = arith.select %eq3A_956, %jit3A_957, %jit3A_958 : f32
          %mul3A_960 = arith.constant 50 : i32
          %mul3A_961 = arith.muli %scan3A_597, %mul3A_960 : i32
          %add3A_962 = arith.constant 32 : i32
          %add3A_963 = arith.addi %mul3A_961, %add3A_962 : i32
          %slice3A_964 = vector.extract_strided_slice %get3A_602 {offsets = [33], sizes = [1], strides = [1]} : vector<50xi32> to vector<1xi32>
          %squeeze3A_965 = vector.extract %slice3A_964[0] : i32 from vector<1xi32>
          %eq3A_966 = arith.constant 0 : i32
          %eq3A_967 = arith.cmpi eq, %squeeze3A_965, %eq3A_966 : i32
          %jit3A_968 = arith.constant 0.000000e+00 : f32
          %jit3A_969 = arith.constant 1.000000e+00 : f32
          %select_n3A_970 = arith.select %eq3A_967, %jit3A_968, %jit3A_969 : f32
          %mul3A_971 = arith.constant 50 : i32
          %mul3A_972 = arith.muli %scan3A_597, %mul3A_971 : i32
          %add3A_973 = arith.constant 33 : i32
          %add3A_974 = arith.addi %mul3A_972, %add3A_973 : i32
          %slice3A_975 = vector.extract_strided_slice %get3A_602 {offsets = [34], sizes = [1], strides = [1]} : vector<50xi32> to vector<1xi32>
          %squeeze3A_976 = vector.extract %slice3A_975[0] : i32 from vector<1xi32>
          %eq3A_977 = arith.constant 0 : i32
          %eq3A_978 = arith.cmpi eq, %squeeze3A_976, %eq3A_977 : i32
          %jit3A_979 = arith.constant 0.000000e+00 : f32
          %jit3A_980 = arith.constant 1.000000e+00 : f32
          %select_n3A_981 = arith.select %eq3A_978, %jit3A_979, %jit3A_980 : f32
          %mul3A_982 = arith.constant 50 : i32
          %mul3A_983 = arith.muli %scan3A_597, %mul3A_982 : i32
          %add3A_984 = arith.constant 34 : i32
          %add3A_985 = arith.addi %mul3A_983, %add3A_984 : i32
          %slice3A_986 = vector.extract_strided_slice %get3A_602 {offsets = [35], sizes = [1], strides = [1]} : vector<50xi32> to vector<1xi32>
          %squeeze3A_987 = vector.extract %slice3A_986[0] : i32 from vector<1xi32>
          %eq3A_988 = arith.constant 0 : i32
          %eq3A_989 = arith.cmpi eq, %squeeze3A_987, %eq3A_988 : i32
          %jit3A_990 = arith.constant 0.000000e+00 : f32
          %jit3A_991 = arith.constant 1.000000e+00 : f32
          %select_n3A_992 = arith.select %eq3A_989, %jit3A_990, %jit3A_991 : f32
          %mul3A_993 = arith.constant 50 : i32
          %mul3A_994 = arith.muli %scan3A_597, %mul3A_993 : i32
          %add3A_995 = arith.constant 35 : i32
          %add3A_996 = arith.addi %mul3A_994, %add3A_995 : i32
          %slice3A_997 = vector.extract_strided_slice %get3A_602 {offsets = [36], sizes = [1], strides = [1]} : vector<50xi32> to vector<1xi32>
          %squeeze3A_998 = vector.extract %slice3A_997[0] : i32 from vector<1xi32>
          %eq3A_999 = arith.constant 0 : i32
          %eq3A_1000 = arith.cmpi eq, %squeeze3A_998, %eq3A_999 : i32
          %jit3A_1001 = arith.constant 0.000000e+00 : f32
          %jit3A_1002 = arith.constant 1.000000e+00 : f32
          %select_n3A_1003 = arith.select %eq3A_1000, %jit3A_1001, %jit3A_1002 : f32
          %mul3A_1004 = arith.constant 50 : i32
          %mul3A_1005 = arith.muli %scan3A_597, %mul3A_1004 : i32
          %add3A_1006 = arith.constant 36 : i32
          %add3A_1007 = arith.addi %mul3A_1005, %add3A_1006 : i32
          %slice3A_1008 = vector.extract_strided_slice %get3A_602 {offsets = [37], sizes = [1], strides = [1]} : vector<50xi32> to vector<1xi32>
          %squeeze3A_1009 = vector.extract %slice3A_1008[0] : i32 from vector<1xi32>
          %eq3A_1010 = arith.constant 0 : i32
          %eq3A_1011 = arith.cmpi eq, %squeeze3A_1009, %eq3A_1010 : i32
          %jit3A_1012 = arith.constant 0.000000e+00 : f32
          %jit3A_1013 = arith.constant 1.000000e+00 : f32
          %select_n3A_1014 = arith.select %eq3A_1011, %jit3A_1012, %jit3A_1013 : f32
          %mul3A_1015 = arith.constant 50 : i32
          %mul3A_1016 = arith.muli %scan3A_597, %mul3A_1015 : i32
          %add3A_1017 = arith.constant 37 : i32
          %add3A_1018 = arith.addi %mul3A_1016, %add3A_1017 : i32
          %slice3A_1019 = vector.extract_strided_slice %get3A_602 {offsets = [38], sizes = [1], strides = [1]} : vector<50xi32> to vector<1xi32>
          %squeeze3A_1020 = vector.extract %slice3A_1019[0] : i32 from vector<1xi32>
          %eq3A_1021 = arith.constant 0 : i32
          %eq3A_1022 = arith.cmpi eq, %squeeze3A_1020, %eq3A_1021 : i32
          %jit3A_1023 = arith.constant 0.000000e+00 : f32
          %jit3A_1024 = arith.constant 1.000000e+00 : f32
          %select_n3A_1025 = arith.select %eq3A_1022, %jit3A_1023, %jit3A_1024 : f32
          %mul3A_1026 = arith.constant 50 : i32
          %mul3A_1027 = arith.muli %scan3A_597, %mul3A_1026 : i32
          %add3A_1028 = arith.constant 38 : i32
          %add3A_1029 = arith.addi %mul3A_1027, %add3A_1028 : i32
          %slice3A_1030 = vector.extract_strided_slice %get3A_602 {offsets = [39], sizes = [1], strides = [1]} : vector<50xi32> to vector<1xi32>
          %squeeze3A_1031 = vector.extract %slice3A_1030[0] : i32 from vector<1xi32>
          %eq3A_1032 = arith.constant 0 : i32
          %eq3A_1033 = arith.cmpi eq, %squeeze3A_1031, %eq3A_1032 : i32
          %jit3A_1034 = arith.constant 0.000000e+00 : f32
          %jit3A_1035 = arith.constant 1.000000e+00 : f32
          %select_n3A_1036 = arith.select %eq3A_1033, %jit3A_1034, %jit3A_1035 : f32
          %mul3A_1037 = arith.constant 50 : i32
          %mul3A_1038 = arith.muli %scan3A_597, %mul3A_1037 : i32
          %add3A_1039 = arith.constant 39 : i32
          %add3A_1040 = arith.addi %mul3A_1038, %add3A_1039 : i32
          %slice3A_1041 = vector.extract_strided_slice %get3A_602 {offsets = [40], sizes = [1], strides = [1]} : vector<50xi32> to vector<1xi32>
          %squeeze3A_1042 = vector.extract %slice3A_1041[0] : i32 from vector<1xi32>
          %eq3A_1043 = arith.constant 0 : i32
          %eq3A_1044 = arith.cmpi eq, %squeeze3A_1042, %eq3A_1043 : i32
          %jit3A_1045 = arith.constant 0.000000e+00 : f32
          %jit3A_1046 = arith.constant 1.000000e+00 : f32
          %select_n3A_1047 = arith.select %eq3A_1044, %jit3A_1045, %jit3A_1046 : f32
          %mul3A_1048 = arith.constant 50 : i32
          %mul3A_1049 = arith.muli %scan3A_597, %mul3A_1048 : i32
          %add3A_1050 = arith.constant 40 : i32
          %add3A_1051 = arith.addi %mul3A_1049, %add3A_1050 : i32
          %slice3A_1052 = vector.extract_strided_slice %get3A_602 {offsets = [41], sizes = [1], strides = [1]} : vector<50xi32> to vector<1xi32>
          %squeeze3A_1053 = vector.extract %slice3A_1052[0] : i32 from vector<1xi32>
          %eq3A_1054 = arith.constant 0 : i32
          %eq3A_1055 = arith.cmpi eq, %squeeze3A_1053, %eq3A_1054 : i32
          %jit3A_1056 = arith.constant 0.000000e+00 : f32
          %jit3A_1057 = arith.constant 1.000000e+00 : f32
          %select_n3A_1058 = arith.select %eq3A_1055, %jit3A_1056, %jit3A_1057 : f32
          %mul3A_1059 = arith.constant 50 : i32
          %mul3A_1060 = arith.muli %scan3A_597, %mul3A_1059 : i32
          %add3A_1061 = arith.constant 41 : i32
          %add3A_1062 = arith.addi %mul3A_1060, %add3A_1061 : i32
          %slice3A_1063 = vector.extract_strided_slice %get3A_602 {offsets = [42], sizes = [1], strides = [1]} : vector<50xi32> to vector<1xi32>
          %squeeze3A_1064 = vector.extract %slice3A_1063[0] : i32 from vector<1xi32>
          %eq3A_1065 = arith.constant 0 : i32
          %eq3A_1066 = arith.cmpi eq, %squeeze3A_1064, %eq3A_1065 : i32
          %jit3A_1067 = arith.constant 0.000000e+00 : f32
          %jit3A_1068 = arith.constant 1.000000e+00 : f32
          %select_n3A_1069 = arith.select %eq3A_1066, %jit3A_1067, %jit3A_1068 : f32
          %mul3A_1070 = arith.constant 50 : i32
          %mul3A_1071 = arith.muli %scan3A_597, %mul3A_1070 : i32
          %add3A_1072 = arith.constant 42 : i32
          %add3A_1073 = arith.addi %mul3A_1071, %add3A_1072 : i32
          %slice3A_1074 = vector.extract_strided_slice %get3A_602 {offsets = [43], sizes = [1], strides = [1]} : vector<50xi32> to vector<1xi32>
          %squeeze3A_1075 = vector.extract %slice3A_1074[0] : i32 from vector<1xi32>
          %eq3A_1076 = arith.constant 0 : i32
          %eq3A_1077 = arith.cmpi eq, %squeeze3A_1075, %eq3A_1076 : i32
          %jit3A_1078 = arith.constant 0.000000e+00 : f32
          %jit3A_1079 = arith.constant 1.000000e+00 : f32
          %select_n3A_1080 = arith.select %eq3A_1077, %jit3A_1078, %jit3A_1079 : f32
          %mul3A_1081 = arith.constant 50 : i32
          %mul3A_1082 = arith.muli %scan3A_597, %mul3A_1081 : i32
          %add3A_1083 = arith.constant 43 : i32
          %add3A_1084 = arith.addi %mul3A_1082, %add3A_1083 : i32
          %slice3A_1085 = vector.extract_strided_slice %get3A_602 {offsets = [44], sizes = [1], strides = [1]} : vector<50xi32> to vector<1xi32>
          %squeeze3A_1086 = vector.extract %slice3A_1085[0] : i32 from vector<1xi32>
          %eq3A_1087 = arith.constant 0 : i32
          %eq3A_1088 = arith.cmpi eq, %squeeze3A_1086, %eq3A_1087 : i32
          %jit3A_1089 = arith.constant 0.000000e+00 : f32
          %jit3A_1090 = arith.constant 1.000000e+00 : f32
          %select_n3A_1091 = arith.select %eq3A_1088, %jit3A_1089, %jit3A_1090 : f32
          %mul3A_1092 = arith.constant 50 : i32
          %mul3A_1093 = arith.muli %scan3A_597, %mul3A_1092 : i32
          %add3A_1094 = arith.constant 44 : i32
          %add3A_1095 = arith.addi %mul3A_1093, %add3A_1094 : i32
          %slice3A_1096 = vector.extract_strided_slice %get3A_602 {offsets = [45], sizes = [1], strides = [1]} : vector<50xi32> to vector<1xi32>
          %squeeze3A_1097 = vector.extract %slice3A_1096[0] : i32 from vector<1xi32>
          %eq3A_1098 = arith.constant 0 : i32
          %eq3A_1099 = arith.cmpi eq, %squeeze3A_1097, %eq3A_1098 : i32
          %jit3A_1100 = arith.constant 0.000000e+00 : f32
          %jit3A_1101 = arith.constant 1.000000e+00 : f32
          %select_n3A_1102 = arith.select %eq3A_1099, %jit3A_1100, %jit3A_1101 : f32
          %mul3A_1103 = arith.constant 50 : i32
          %mul3A_1104 = arith.muli %scan3A_597, %mul3A_1103 : i32
          %add3A_1105 = arith.constant 45 : i32
          %add3A_1106 = arith.addi %mul3A_1104, %add3A_1105 : i32
          %slice3A_1107 = vector.extract_strided_slice %get3A_602 {offsets = [46], sizes = [1], strides = [1]} : vector<50xi32> to vector<1xi32>
          %squeeze3A_1108 = vector.extract %slice3A_1107[0] : i32 from vector<1xi32>
          %eq3A_1109 = arith.constant 0 : i32
          %eq3A_1110 = arith.cmpi eq, %squeeze3A_1108, %eq3A_1109 : i32
          %jit3A_1111 = arith.constant 0.000000e+00 : f32
          %jit3A_1112 = arith.constant 1.000000e+00 : f32
          %select_n3A_1113 = arith.select %eq3A_1110, %jit3A_1111, %jit3A_1112 : f32
          %mul3A_1114 = arith.constant 50 : i32
          %mul3A_1115 = arith.muli %scan3A_597, %mul3A_1114 : i32
          %add3A_1116 = arith.constant 46 : i32
          %add3A_1117 = arith.addi %mul3A_1115, %add3A_1116 : i32
          %slice3A_1118 = vector.extract_strided_slice %get3A_602 {offsets = [47], sizes = [1], strides = [1]} : vector<50xi32> to vector<1xi32>
          %squeeze3A_1119 = vector.extract %slice3A_1118[0] : i32 from vector<1xi32>
          %eq3A_1120 = arith.constant 0 : i32
          %eq3A_1121 = arith.cmpi eq, %squeeze3A_1119, %eq3A_1120 : i32
          %jit3A_1122 = arith.constant 0.000000e+00 : f32
          %jit3A_1123 = arith.constant 1.000000e+00 : f32
          %select_n3A_1124 = arith.select %eq3A_1121, %jit3A_1122, %jit3A_1123 : f32
          %mul3A_1125 = arith.constant 50 : i32
          %mul3A_1126 = arith.muli %scan3A_597, %mul3A_1125 : i32
          %add3A_1127 = arith.constant 47 : i32
          %add3A_1128 = arith.addi %mul3A_1126, %add3A_1127 : i32
          %slice3A_1129 = vector.extract_strided_slice %get3A_602 {offsets = [48], sizes = [1], strides = [1]} : vector<50xi32> to vector<1xi32>
          %squeeze3A_1130 = vector.extract %slice3A_1129[0] : i32 from vector<1xi32>
          %eq3A_1131 = arith.constant 0 : i32
          %eq3A_1132 = arith.cmpi eq, %squeeze3A_1130, %eq3A_1131 : i32
          %jit3A_1133 = arith.constant 0.000000e+00 : f32
          %jit3A_1134 = arith.constant 1.000000e+00 : f32
          %select_n3A_1135 = arith.select %eq3A_1132, %jit3A_1133, %jit3A_1134 : f32
          %mul3A_1136 = arith.constant 50 : i32
          %mul3A_1137 = arith.muli %scan3A_597, %mul3A_1136 : i32
          %add3A_1138 = arith.constant 48 : i32
          %add3A_1139 = arith.addi %mul3A_1137, %add3A_1138 : i32
          %slice3A_1140 = vector.extract_strided_slice %get3A_602 {offsets = [49], sizes = [1], strides = [1]} : vector<50xi32> to vector<1xi32>
          %squeeze3A_1141 = vector.extract %slice3A_1140[0] : i32 from vector<1xi32>
          %eq3A_1142 = arith.constant 0 : i32
          %eq3A_1143 = arith.cmpi eq, %squeeze3A_1141, %eq3A_1142 : i32
          %jit3A_1144 = arith.constant 0.000000e+00 : f32
          %jit3A_1145 = arith.constant 1.000000e+00 : f32
          %select_n3A_1146 = arith.select %eq3A_1143, %jit3A_1144, %jit3A_1145 : f32
          %mul3A_1147 = arith.constant 50 : i32
          %mul3A_1148 = arith.muli %scan3A_597, %mul3A_1147 : i32
          %add3A_1149 = arith.constant 49 : i32
          %add3A_1150 = arith.addi %mul3A_1148, %add3A_1149 : i32
        }
        %scan3A_596 = arith.constant 32 : i32
      } else {
      }
      %dma_start3A_573 = arith.constant 1 : i32
      %dma_start3A_574 = arith.constant 1 : i32
      %dma_start3A_575 = arith.constant 0 : i32
      %dma_start3A_576 = arith.constant 0 : i32
      %dma_start3A_577 = tpu.memref_slice %arg6[%dma_start3A_573, %dma_start3A_575, %dma_start3A_576] : memref<2x512x32xf32, #tpu.memory_space<vmem>> -> memref<1x512x32xf32, #tpu.memory_space<vmem>>
      %dma_start3A_578 = tpu.memref_squeeze %dma_start3A_577 : memref<1x512x32xf32, #tpu.memory_space<vmem>> -> memref<512x32xf32, #tpu.memory_space<vmem>>
      %dma_start3A_579 = arith.constant 0 : i32
      %dma_start3A_580 = tpu.memref_slice %arg4[%add3A_347, %mul3A_2, %dma_start3A_579] : memref<50x16384x32xf32, #tpu.memory_space<hbm>> -> memref<1x512x32xf32, #tpu.memory_space<hbm>>
      %dma_start3A_581 = tpu.memref_squeeze %dma_start3A_580 : memref<1x512x32xf32, #tpu.memory_space<hbm>> -> memref<512x32xf32, #tpu.memory_space<hbm>>
      %dma_start3A_582 = tpu.memref_slice %arg8[%dma_start3A_574] : memref<2x!tpu.dma_semaphore, #tpu.memory_space<semaphore_mem>> -> memref<1x!tpu.dma_semaphore, #tpu.memory_space<semaphore_mem>>
      %dma_start3A_583 = tpu.memref_squeeze %dma_start3A_582 : memref<1x!tpu.dma_semaphore, #tpu.memory_space<semaphore_mem>> -> memref<!tpu.dma_semaphore, #tpu.memory_space<semaphore_mem>>
      %dma_start3A_584 = arith.constant 0 : i32
      %dma_start3A_585 = tpu.memref_slice %arg4[%add3A_347, %mul3A_2, %dma_start3A_584] : memref<50x16384x32xf32, #tpu.memory_space<hbm>> -> memref<1x512x32xf32, #tpu.memory_space<hbm>>
      %dma_start3A_586 = tpu.memref_squeeze %dma_start3A_585 : memref<1x512x32xf32, #tpu.memory_space<hbm>> -> memref<512x32xf32, #tpu.memory_space<hbm>>
      %dma_start3A_587 = arith.constant 0 : i32
      %dma_start3A_588 = arith.constant 0 : i32
      %dma_start3A_589 = tpu.memref_slice %arg6[%dma_start3A_573, %dma_start3A_587, %dma_start3A_588] : memref<2x512x32xf32, #tpu.memory_space<vmem>> -> memref<1x512x32xf32, #tpu.memory_space<vmem>>
      %dma_start3A_590 = tpu.memref_squeeze %dma_start3A_589 : memref<1x512x32xf32, #tpu.memory_space<vmem>> -> memref<512x32xf32, #tpu.memory_space<vmem>>
      tpu.enqueue_dma source(%dma_start3A_590 : memref<512x32xf32, #tpu.memory_space<vmem>>) target(%dma_start3A_586 : memref<512x32xf32, #tpu.memory_space<hbm>>) target_semaphore(%dma_start3A_583 : memref<!tpu.dma_semaphore, #tpu.memory_space<semaphore_mem>>)
    }
    %scan3A_66 = arith.constant 25 : i32
    %dma_wait3A = arith.constant 0 : i32
    %dma_wait3A_67 = arith.constant 48 : i32
    %dma_wait3A_68 = arith.constant 0 : i32
    %dma_wait3A_69 = arith.constant 0 : i32
    %dma_wait3A_70 = arith.constant 0 : i32
    %dma_wait3A_71 = tpu.memref_slice %arg6[%dma_wait3A, %dma_wait3A_69, %dma_wait3A_70] : memref<2x512x32xf32, #tpu.memory_space<vmem>> -> memref<1x512x32xf32, #tpu.memory_space<vmem>>
    %dma_wait3A_72 = tpu.memref_squeeze %dma_wait3A_71 : memref<1x512x32xf32, #tpu.memory_space<vmem>> -> memref<512x32xf32, #tpu.memory_space<vmem>>
    %dma_wait3A_73 = arith.constant 0 : i32
    %dma_wait3A_74 = tpu.memref_slice %arg4[%dma_wait3A_67, %mul3A_2, %dma_wait3A_73] : memref<50x16384x32xf32, #tpu.memory_space<hbm>> -> memref<1x512x32xf32, #tpu.memory_space<hbm>>
    %dma_wait3A_75 = tpu.memref_squeeze %dma_wait3A_74 : memref<1x512x32xf32, #tpu.memory_space<hbm>> -> memref<512x32xf32, #tpu.memory_space<hbm>>
    %dma_wait3A_76 = tpu.memref_slice %arg8[%dma_wait3A_68] : memref<2x!tpu.dma_semaphore, #tpu.memory_space<semaphore_mem>> -> memref<1x!tpu.dma_semaphore, #tpu.memory_space<semaphore_mem>>
    %dma_wait3A_77 = tpu.memref_squeeze %dma_wait3A_76 : memref<1x!tpu.dma_semaphore, #tpu.memory_space<semaphore_mem>> -> memref<!tpu.dma_semaphore, #tpu.memory_space<semaphore_mem>>
    %dma_wait3A_78 = arith.constant 0 : i32
    %dma_wait3A_79 = tpu.memref_slice %arg4[%dma_wait3A_67, %mul3A_2, %dma_wait3A_78] : memref<50x16384x32xf32, #tpu.memory_space<hbm>> -> memref<1x512x32xf32, #tpu.memory_space<hbm>>
    %dma_wait3A_80 = tpu.memref_squeeze %dma_wait3A_79 : memref<1x512x32xf32, #tpu.memory_space<hbm>> -> memref<512x32xf32, #tpu.memory_space<hbm>>
    %dma_wait3A_81 = arith.constant 0 : i32
    %dma_wait3A_82 = arith.constant 0 : i32
    %dma_wait3A_83 = tpu.memref_slice %arg6[%dma_wait3A, %dma_wait3A_81, %dma_wait3A_82] : memref<2x512x32xf32, #tpu.memory_space<vmem>> -> memref<1x512x32xf32, #tpu.memory_space<vmem>>
    %dma_wait3A_84 = tpu.memref_squeeze %dma_wait3A_83 : memref<1x512x32xf32, #tpu.memory_space<vmem>> -> memref<512x32xf32, #tpu.memory_space<vmem>>
    tpu.wait_dma2 semaphore(%dma_wait3A_77 : memref<!tpu.dma_semaphore, #tpu.memory_space<semaphore_mem>>) src(%dma_wait3A_84 : memref<512x32xf32, #tpu.memory_space<vmem>>) dst(%dma_wait3A_80 : memref<512x32xf32, #tpu.memory_space<hbm>>)
    %dma_wait3A_85 = arith.constant 1 : i32
    %dma_wait3A_86 = arith.constant 49 : i32
    %dma_wait3A_87 = arith.constant 1 : i32
    %dma_wait3A_88 = arith.constant 0 : i32
    %dma_wait3A_89 = arith.constant 0 : i32
    %dma_wait3A_90 = tpu.memref_slice %arg6[%dma_wait3A_85, %dma_wait3A_88, %dma_wait3A_89] : memref<2x512x32xf32, #tpu.memory_space<vmem>> -> memref<1x512x32xf32, #tpu.memory_space<vmem>>
    %dma_wait3A_91 = tpu.memref_squeeze %dma_wait3A_90 : memref<1x512x32xf32, #tpu.memory_space<vmem>> -> memref<512x32xf32, #tpu.memory_space<vmem>>
    %dma_wait3A_92 = arith.constant 0 : i32
    %dma_wait3A_93 = tpu.memref_slice %arg4[%dma_wait3A_86, %mul3A_2, %dma_wait3A_92] : memref<50x16384x32xf32, #tpu.memory_space<hbm>> -> memref<1x512x32xf32, #tpu.memory_space<hbm>>
    %dma_wait3A_94 = tpu.memref_squeeze %dma_wait3A_93 : memref<1x512x32xf32, #tpu.memory_space<hbm>> -> memref<512x32xf32, #tpu.memory_space<hbm>>
    %dma_wait3A_95 = tpu.memref_slice %arg8[%dma_wait3A_87] : memref<2x!tpu.dma_semaphore, #tpu.memory_space<semaphore_mem>> -> memref<1x!tpu.dma_semaphore, #tpu.memory_space<semaphore_mem>>
    %dma_wait3A_96 = tpu.memref_squeeze %dma_wait3A_95 : memref<1x!tpu.dma_semaphore, #tpu.memory_space<semaphore_mem>> -> memref<!tpu.dma_semaphore, #tpu.memory_space<semaphore_mem>>
    %dma_wait3A_97 = arith.constant 0 : i32
    %dma_wait3A_98 = tpu.memref_slice %arg4[%dma_wait3A_86, %mul3A_2, %dma_wait3A_97] : memref<50x16384x32xf32, #tpu.memory_space<hbm>> -> memref<1x512x32xf32, #tpu.memory_space<hbm>>
    %dma_wait3A_99 = tpu.memref_squeeze %dma_wait3A_98 : memref<1x512x32xf32, #tpu.memory_space<hbm>> -> memref<512x32xf32, #tpu.memory_space<hbm>>
    %dma_wait3A_100 = arith.constant 0 : i32
    %dma_wait3A_101 = arith.constant 0 : i32
    %dma_wait3A_102 = tpu.memref_slice %arg6[%dma_wait3A_85, %dma_wait3A_100, %dma_wait3A_101] : memref<2x512x32xf32, #tpu.memory_space<vmem>> -> memref<1x512x32xf32, #tpu.memory_space<vmem>>
    %dma_wait3A_103 = tpu.memref_squeeze %dma_wait3A_102 : memref<1x512x32xf32, #tpu.memory_space<vmem>> -> memref<512x32xf32, #tpu.memory_space<vmem>>
    tpu.wait_dma2 semaphore(%dma_wait3A_96 : memref<!tpu.dma_semaphore, #tpu.memory_space<semaphore_mem>>) src(%dma_wait3A_103 : memref<512x32xf32, #tpu.memory_space<vmem>>) dst(%dma_wait3A_99 : memref<512x32xf32, #tpu.memory_space<hbm>>)
    return
  }
}

#map = affine_map<(d0, d1) -> (0, 0)>
#map1 = affine_map<(d0, d1) -> (0, 0, 0)>
module attributes {stable_mosaic.version = 14 : i64} {
  func.func @_body(%arg0: i32, %arg1: i32, %arg2: memref<1000000x32xf32, #tpu.memory_space<hbm>>, %arg3: memref<50x16384xi32, #tpu.memory_space<hbm>>, %arg4: memref<50x16384x32xf32, #tpu.memory_space<hbm>>, %arg5: memref<50x512xi32, #tpu.memory_space<vmem>>, %arg6: memref<2x512x32xf32, #tpu.memory_space<vmem>>, %arg7: memref<2x!tpu.dma_semaphore, #tpu.memory_space<semaphore_mem>>, %arg8: memref<2x!tpu.dma_semaphore, #tpu.memory_space<semaphore_mem>>) attributes {dimension_semantics = [#tpu.dimension_semantics<core_parallel>, #tpu.dimension_semantics<subcore_parallel>], iteration_bounds = array<i64: 2, 16>, scalar_prefetch = 0 : i64, scratch_operands = 4 : i64, tpu.core_type = #tpu.core_type<sc_vector_subcore>, window_params = [{transform_indices = #map}, {transform_indices = #map}, {transform_indices = #map1}]} {
    %mul3A = arith.constant 2 : i32
    %mul3A_0 = arith.muli %arg1, %mul3A : i32
    %add3A = arith.addi %mul3A_0, %arg0 : i32
    %mul3A_1 = arith.constant 512 : i32
    %mul3A_2 = arith.muli %add3A, %mul3A_1 : i32
    "tpu.region"() ({
      %run_scoped3A = tpu.sem_alloc : memref<!tpu.dma_semaphore, #tpu.memory_space<semaphore_mem>>
      %dma_start3A_104 = arith.constant 0 : i32
      %dma_start3A_105 = tpu.memref_slice %arg3[%dma_start3A_104, %mul3A_2] : memref<50x16384xi32, #tpu.memory_space<hbm>> -> memref<50x512xi32, #tpu.memory_space<hbm>>
      %dma_start3A_106 = arith.constant 0 : i32
      %dma_start3A_107 = tpu.memref_slice %arg3[%dma_start3A_106, %mul3A_2] : memref<50x16384xi32, #tpu.memory_space<hbm>> -> memref<50x512xi32, #tpu.memory_space<hbm>>
      tpu.enqueue_dma source(%dma_start3A_107 : memref<50x512xi32, #tpu.memory_space<hbm>>) target(%arg5 : memref<50x512xi32, #tpu.memory_space<vmem>>) target_semaphore(%run_scoped3A : memref<!tpu.dma_semaphore, #tpu.memory_space<semaphore_mem>>)
      %dma_wait3A_108 = arith.constant 0 : i32
      %dma_wait3A_109 = tpu.memref_slice %arg3[%dma_wait3A_108, %mul3A_2] : memref<50x16384xi32, #tpu.memory_space<hbm>> -> memref<50x512xi32, #tpu.memory_space<hbm>>
      %dma_wait3A_110 = arith.constant 0 : i32
      %dma_wait3A_111 = tpu.memref_slice %arg3[%dma_wait3A_110, %mul3A_2] : memref<50x16384xi32, #tpu.memory_space<hbm>> -> memref<50x512xi32, #tpu.memory_space<hbm>>
      tpu.wait_dma2 semaphore(%run_scoped3A : memref<!tpu.dma_semaphore, #tpu.memory_space<semaphore_mem>>) src(%dma_wait3A_111 : memref<50x512xi32, #tpu.memory_space<hbm>>) dst(%arg5 : memref<50x512xi32, #tpu.memory_space<vmem>>)
      tpu.yield
    }) : () -> ()
    %dma_start3A = arith.constant 0 : i32
    %dma_start3A_3 = arith.constant 0 : i32
    %dma_start3A_4 = arith.constant 0 : i32
    %dma_start3A_5 = arith.constant 0 : i32
    %dma_start3A_6 = arith.constant 0 : i32
    %dma_start3A_7 = tpu.memref_slice %arg6[%dma_start3A_3, %dma_start3A_5, %dma_start3A_6] : memref<2x512x32xf32, #tpu.memory_space<vmem>> -> memref<1x128x32xf32, #tpu.memory_space<vmem>>
    %dma_start3A_8 = tpu.memref_squeeze %dma_start3A_7 : memref<1x128x32xf32, #tpu.memory_space<vmem>> -> memref<128x32xf32, #tpu.memory_space<vmem>>
    %dma_start3A_9 = arith.constant 0 : i32
    %dma_start3A_10 = tpu.memref_slice %arg5[%dma_start3A, %dma_start3A_9] : memref<50x512xi32, #tpu.memory_space<vmem>> -> memref<1x128xi32, #tpu.memory_space<vmem>>
    %dma_start3A_11 = tpu.memref_squeeze %dma_start3A_10 : memref<1x128xi32, #tpu.memory_space<vmem>> -> memref<128xi32, #tpu.memory_space<vmem>>
    %dma_start3A_12 = arith.constant 0 : i32
    %dma_start3A_13 = arith.constant 0 : i32
    %dma_start3A_14 = tpu.memref_slice %arg2[%dma_start3A_12, %dma_start3A_13] : memref<1000000x32xf32, #tpu.memory_space<hbm>> -> memref<1000000x32xf32, #tpu.memory_space<hbm>>
    %dma_start3A_15 = tpu.memref_slice %arg7[%dma_start3A_4] : memref<2x!tpu.dma_semaphore, #tpu.memory_space<semaphore_mem>> -> memref<1x!tpu.dma_semaphore, #tpu.memory_space<semaphore_mem>>
    %dma_start3A_16 = tpu.memref_squeeze %dma_start3A_15 : memref<1x!tpu.dma_semaphore, #tpu.memory_space<semaphore_mem>> -> memref<!tpu.dma_semaphore, #tpu.memory_space<semaphore_mem>>
    tpu.enqueue_indirect_dma source(%dma_start3A_14 : memref<1000000x32xf32, #tpu.memory_space<hbm>>) target(%dma_start3A_8 : memref<128x32xf32, #tpu.memory_space<vmem>>) offsets(%dma_start3A_11 : memref<128xi32, #tpu.memory_space<vmem>>) semaphore(%dma_start3A_16 : memref<!tpu.dma_semaphore, #tpu.memory_space<semaphore_mem>>)
    %dma_start3A_17 = arith.constant 0 : i32
    %dma_start3A_18 = arith.constant 0 : i32
    %dma_start3A_19 = arith.constant 0 : i32
    %dma_start3A_20 = arith.constant 128 : i32
    %dma_start3A_21 = arith.constant 0 : i32
    %dma_start3A_22 = tpu.memref_slice %arg6[%dma_start3A_18, %dma_start3A_20, %dma_start3A_21] : memref<2x512x32xf32, #tpu.memory_space<vmem>> -> memref<1x128x32xf32, #tpu.memory_space<vmem>>
    %dma_start3A_23 = tpu.memref_squeeze %dma_start3A_22 : memref<1x128x32xf32, #tpu.memory_space<vmem>> -> memref<128x32xf32, #tpu.memory_space<vmem>>
    %dma_start3A_24 = arith.constant 128 : i32
    %dma_start3A_25 = tpu.memref_slice %arg5[%dma_start3A_17, %dma_start3A_24] : memref<50x512xi32, #tpu.memory_space<vmem>> -> memref<1x128xi32, #tpu.memory_space<vmem>>
    %dma_start3A_26 = tpu.memref_squeeze %dma_start3A_25 : memref<1x128xi32, #tpu.memory_space<vmem>> -> memref<128xi32, #tpu.memory_space<vmem>>
    %dma_start3A_27 = arith.constant 0 : i32
    %dma_start3A_28 = arith.constant 0 : i32
    %dma_start3A_29 = tpu.memref_slice %arg2[%dma_start3A_27, %dma_start3A_28] : memref<1000000x32xf32, #tpu.memory_space<hbm>> -> memref<1000000x32xf32, #tpu.memory_space<hbm>>
    %dma_start3A_30 = tpu.memref_slice %arg7[%dma_start3A_19] : memref<2x!tpu.dma_semaphore, #tpu.memory_space<semaphore_mem>> -> memref<1x!tpu.dma_semaphore, #tpu.memory_space<semaphore_mem>>
    %dma_start3A_31 = tpu.memref_squeeze %dma_start3A_30 : memref<1x!tpu.dma_semaphore, #tpu.memory_space<semaphore_mem>> -> memref<!tpu.dma_semaphore, #tpu.memory_space<semaphore_mem>>
    tpu.enqueue_indirect_dma source(%dma_start3A_29 : memref<1000000x32xf32, #tpu.memory_space<hbm>>) target(%dma_start3A_23 : memref<128x32xf32, #tpu.memory_space<vmem>>) offsets(%dma_start3A_26 : memref<128xi32, #tpu.memory_space<vmem>>) semaphore(%dma_start3A_31 : memref<!tpu.dma_semaphore, #tpu.memory_space<semaphore_mem>>)
    %dma_start3A_32 = arith.constant 0 : i32
    %dma_start3A_33 = arith.constant 0 : i32
    %dma_start3A_34 = arith.constant 0 : i32
    %dma_start3A_35 = arith.constant 256 : i32
    %dma_start3A_36 = arith.constant 0 : i32
    %dma_start3A_37 = tpu.memref_slice %arg6[%dma_start3A_33, %dma_start3A_35, %dma_start3A_36] : memref<2x512x32xf32, #tpu.memory_space<vmem>> -> memref<1x128x32xf32, #tpu.memory_space<vmem>>
    %dma_start3A_38 = tpu.memref_squeeze %dma_start3A_37 : memref<1x128x32xf32, #tpu.memory_space<vmem>> -> memref<128x32xf32, #tpu.memory_space<vmem>>
    %dma_start3A_39 = arith.constant 256 : i32
    %dma_start3A_40 = tpu.memref_slice %arg5[%dma_start3A_32, %dma_start3A_39] : memref<50x512xi32, #tpu.memory_space<vmem>> -> memref<1x128xi32, #tpu.memory_space<vmem>>
    %dma_start3A_41 = tpu.memref_squeeze %dma_start3A_40 : memref<1x128xi32, #tpu.memory_space<vmem>> -> memref<128xi32, #tpu.memory_space<vmem>>
    %dma_start3A_42 = arith.constant 0 : i32
    %dma_start3A_43 = arith.constant 0 : i32
    %dma_start3A_44 = tpu.memref_slice %arg2[%dma_start3A_42, %dma_start3A_43] : memref<1000000x32xf32, #tpu.memory_space<hbm>> -> memref<1000000x32xf32, #tpu.memory_space<hbm>>
    %dma_start3A_45 = tpu.memref_slice %arg7[%dma_start3A_34] : memref<2x!tpu.dma_semaphore, #tpu.memory_space<semaphore_mem>> -> memref<1x!tpu.dma_semaphore, #tpu.memory_space<semaphore_mem>>
    %dma_start3A_46 = tpu.memref_squeeze %dma_start3A_45 : memref<1x!tpu.dma_semaphore, #tpu.memory_space<semaphore_mem>> -> memref<!tpu.dma_semaphore, #tpu.memory_space<semaphore_mem>>
    tpu.enqueue_indirect_dma source(%dma_start3A_44 : memref<1000000x32xf32, #tpu.memory_space<hbm>>) target(%dma_start3A_38 : memref<128x32xf32, #tpu.memory_space<vmem>>) offsets(%dma_start3A_41 : memref<128xi32, #tpu.memory_space<vmem>>) semaphore(%dma_start3A_46 : memref<!tpu.dma_semaphore, #tpu.memory_space<semaphore_mem>>)
    %dma_start3A_47 = arith.constant 0 : i32
    %dma_start3A_48 = arith.constant 0 : i32
    %dma_start3A_49 = arith.constant 0 : i32
    %dma_start3A_50 = arith.constant 384 : i32
    %dma_start3A_51 = arith.constant 0 : i32
    %dma_start3A_52 = tpu.memref_slice %arg6[%dma_start3A_48, %dma_start3A_50, %dma_start3A_51] : memref<2x512x32xf32, #tpu.memory_space<vmem>> -> memref<1x128x32xf32, #tpu.memory_space<vmem>>
    %dma_start3A_53 = tpu.memref_squeeze %dma_start3A_52 : memref<1x128x32xf32, #tpu.memory_space<vmem>> -> memref<128x32xf32, #tpu.memory_space<vmem>>
    %dma_start3A_54 = arith.constant 384 : i32
    %dma_start3A_55 = tpu.memref_slice %arg5[%dma_start3A_47, %dma_start3A_54] : memref<50x512xi32, #tpu.memory_space<vmem>> -> memref<1x128xi32, #tpu.memory_space<vmem>>
    %dma_start3A_56 = tpu.memref_squeeze %dma_start3A_55 : memref<1x128xi32, #tpu.memory_space<vmem>> -> memref<128xi32, #tpu.memory_space<vmem>>
    %dma_start3A_57 = arith.constant 0 : i32
    %dma_start3A_58 = arith.constant 0 : i32
    %dma_start3A_59 = tpu.memref_slice %arg2[%dma_start3A_57, %dma_start3A_58] : memref<1000000x32xf32, #tpu.memory_space<hbm>> -> memref<1000000x32xf32, #tpu.memory_space<hbm>>
    %dma_start3A_60 = tpu.memref_slice %arg7[%dma_start3A_49] : memref<2x!tpu.dma_semaphore, #tpu.memory_space<semaphore_mem>> -> memref<1x!tpu.dma_semaphore, #tpu.memory_space<semaphore_mem>>
    %dma_start3A_61 = tpu.memref_squeeze %dma_start3A_60 : memref<1x!tpu.dma_semaphore, #tpu.memory_space<semaphore_mem>> -> memref<!tpu.dma_semaphore, #tpu.memory_space<semaphore_mem>>
    tpu.enqueue_indirect_dma source(%dma_start3A_59 : memref<1000000x32xf32, #tpu.memory_space<hbm>>) target(%dma_start3A_53 : memref<128x32xf32, #tpu.memory_space<vmem>>) offsets(%dma_start3A_56 : memref<128xi32, #tpu.memory_space<vmem>>) semaphore(%dma_start3A_61 : memref<!tpu.dma_semaphore, #tpu.memory_space<semaphore_mem>>)
    %scan3A = arith.constant 0 : i32
    %scan3A_62 = arith.constant 0 : i32
    %scan3A_63 = arith.constant 25 : i32
    %scan3A_64 = arith.addi %scan3A_62, %scan3A_63 : i32
    %scan3A_65 = arith.constant 1 : i32
    scf.for %scan3A_104 = %scan3A_62 to %scan3A_64 step %scan3A_65  : i32 {
      %mul3A_105 = arith.constant 2 : i32
      %mul3A_106 = arith.muli %mul3A_105, %scan3A_104 : i32
      %add3A_107 = arith.constant 0 : i32
      %add3A_108 = arith.addi %mul3A_106, %add3A_107 : i32
      %add3A_109 = arith.constant 1 : i32
      %add3A_110 = arith.addi %add3A_108, %add3A_109 : i32
      %lt3A = arith.constant 50 : i32
      %lt3A_111 = arith.cmpi slt, %add3A_110, %lt3A : i32
      %convert_element_type3A = arith.extui %lt3A_111 : i1 to i32
      %cond3A = arith.constant 0 : i32
      %cond3A_112 = arith.cmpi ne, %convert_element_type3A, %cond3A : i32
      scf.if %cond3A_112 {
        %ge3A = arith.constant 1 : i32
        %ge3A_591 = arith.cmpi sge, %add3A_108, %ge3A : i32
        %convert_element_type3A_592 = arith.extui %ge3A_591 : i1 to i32
        %cond3A_593 = arith.constant 0 : i32
        %cond3A_594 = arith.cmpi ne, %convert_element_type3A_592, %cond3A_593 : i32
        scf.if %cond3A_594 {
          %sub3A = arith.constant 1 : i32
          %sub3A_653 = arith.subi %add3A_108, %sub3A : i32
          %dma_wait3A_654 = arith.constant 1 : i32
          %dma_wait3A_655 = arith.constant 1 : i32
          %dma_wait3A_656 = arith.constant 0 : i32
          %dma_wait3A_657 = arith.constant 0 : i32
          %dma_wait3A_658 = tpu.memref_slice %arg6[%dma_wait3A_654, %dma_wait3A_656, %dma_wait3A_657] : memref<2x512x32xf32, #tpu.memory_space<vmem>> -> memref<1x512x32xf32, #tpu.memory_space<vmem>>
          %dma_wait3A_659 = tpu.memref_squeeze %dma_wait3A_658 : memref<1x512x32xf32, #tpu.memory_space<vmem>> -> memref<512x32xf32, #tpu.memory_space<vmem>>
          %dma_wait3A_660 = arith.constant 0 : i32
          %dma_wait3A_661 = tpu.memref_slice %arg4[%sub3A_653, %mul3A_2, %dma_wait3A_660] : memref<50x16384x32xf32, #tpu.memory_space<hbm>> -> memref<1x512x32xf32, #tpu.memory_space<hbm>>
          %dma_wait3A_662 = tpu.memref_squeeze %dma_wait3A_661 : memref<1x512x32xf32, #tpu.memory_space<hbm>> -> memref<512x32xf32, #tpu.memory_space<hbm>>
          %dma_wait3A_663 = tpu.memref_slice %arg8[%dma_wait3A_655] : memref<2x!tpu.dma_semaphore, #tpu.memory_space<semaphore_mem>> -> memref<1x!tpu.dma_semaphore, #tpu.memory_space<semaphore_mem>>
          %dma_wait3A_664 = tpu.memref_squeeze %dma_wait3A_663 : memref<1x!tpu.dma_semaphore, #tpu.memory_space<semaphore_mem>> -> memref<!tpu.dma_semaphore, #tpu.memory_space<semaphore_mem>>
          %dma_wait3A_665 = arith.constant 0 : i32
          %dma_wait3A_666 = tpu.memref_slice %arg4[%sub3A_653, %mul3A_2, %dma_wait3A_665] : memref<50x16384x32xf32, #tpu.memory_space<hbm>> -> memref<1x512x32xf32, #tpu.memory_space<hbm>>
          %dma_wait3A_667 = tpu.memref_squeeze %dma_wait3A_666 : memref<1x512x32xf32, #tpu.memory_space<hbm>> -> memref<512x32xf32, #tpu.memory_space<hbm>>
          %dma_wait3A_668 = arith.constant 0 : i32
          %dma_wait3A_669 = arith.constant 0 : i32
          %dma_wait3A_670 = tpu.memref_slice %arg6[%dma_wait3A_654, %dma_wait3A_668, %dma_wait3A_669] : memref<2x512x32xf32, #tpu.memory_space<vmem>> -> memref<1x512x32xf32, #tpu.memory_space<vmem>>
          %dma_wait3A_671 = tpu.memref_squeeze %dma_wait3A_670 : memref<1x512x32xf32, #tpu.memory_space<vmem>> -> memref<512x32xf32, #tpu.memory_space<vmem>>
          tpu.wait_dma2 semaphore(%dma_wait3A_664 : memref<!tpu.dma_semaphore, #tpu.memory_space<semaphore_mem>>) src(%dma_wait3A_671 : memref<512x32xf32, #tpu.memory_space<vmem>>) dst(%dma_wait3A_667 : memref<512x32xf32, #tpu.memory_space<hbm>>)
        } else {
        }
        %add3A_595 = arith.constant 1 : i32
        %add3A_596 = arith.addi %add3A_108, %add3A_595 : i32
        %dma_start3A_597 = arith.constant 1 : i32
        %dma_start3A_598 = arith.constant 1 : i32
        %dma_start3A_599 = arith.constant 0 : i32
        %dma_start3A_600 = arith.constant 0 : i32
        %dma_start3A_601 = tpu.memref_slice %arg6[%dma_start3A_597, %dma_start3A_599, %dma_start3A_600] : memref<2x512x32xf32, #tpu.memory_space<vmem>> -> memref<1x128x32xf32, #tpu.memory_space<vmem>>
        %dma_start3A_602 = tpu.memref_squeeze %dma_start3A_601 : memref<1x128x32xf32, #tpu.memory_space<vmem>> -> memref<128x32xf32, #tpu.memory_space<vmem>>
        %dma_start3A_603 = arith.constant 0 : i32
        %dma_start3A_604 = tpu.memref_slice %arg5[%add3A_596, %dma_start3A_603] : memref<50x512xi32, #tpu.memory_space<vmem>> -> memref<1x128xi32, #tpu.memory_space<vmem>>
        %dma_start3A_605 = tpu.memref_squeeze %dma_start3A_604 : memref<1x128xi32, #tpu.memory_space<vmem>> -> memref<128xi32, #tpu.memory_space<vmem>>
        %dma_start3A_606 = arith.constant 0 : i32
        %dma_start3A_607 = arith.constant 0 : i32
        %dma_start3A_608 = tpu.memref_slice %arg2[%dma_start3A_606, %dma_start3A_607] : memref<1000000x32xf32, #tpu.memory_space<hbm>> -> memref<1000000x32xf32, #tpu.memory_space<hbm>>
        %dma_start3A_609 = tpu.memref_slice %arg7[%dma_start3A_598] : memref<2x!tpu.dma_semaphore, #tpu.memory_space<semaphore_mem>> -> memref<1x!tpu.dma_semaphore, #tpu.memory_space<semaphore_mem>>
        %dma_start3A_610 = tpu.memref_squeeze %dma_start3A_609 : memref<1x!tpu.dma_semaphore, #tpu.memory_space<semaphore_mem>> -> memref<!tpu.dma_semaphore, #tpu.memory_space<semaphore_mem>>
        tpu.enqueue_indirect_dma source(%dma_start3A_608 : memref<1000000x32xf32, #tpu.memory_space<hbm>>) target(%dma_start3A_602 : memref<128x32xf32, #tpu.memory_space<vmem>>) offsets(%dma_start3A_605 : memref<128xi32, #tpu.memory_space<vmem>>) semaphore(%dma_start3A_610 : memref<!tpu.dma_semaphore, #tpu.memory_space<semaphore_mem>>)
        %dma_start3A_611 = arith.constant 1 : i32
        %dma_start3A_612 = arith.constant 1 : i32
        %dma_start3A_613 = arith.constant 128 : i32
        %dma_start3A_614 = arith.constant 0 : i32
        %dma_start3A_615 = tpu.memref_slice %arg6[%dma_start3A_611, %dma_start3A_613, %dma_start3A_614] : memref<2x512x32xf32, #tpu.memory_space<vmem>> -> memref<1x128x32xf32, #tpu.memory_space<vmem>>
        %dma_start3A_616 = tpu.memref_squeeze %dma_start3A_615 : memref<1x128x32xf32, #tpu.memory_space<vmem>> -> memref<128x32xf32, #tpu.memory_space<vmem>>
        %dma_start3A_617 = arith.constant 128 : i32
        %dma_start3A_618 = tpu.memref_slice %arg5[%add3A_596, %dma_start3A_617] : memref<50x512xi32, #tpu.memory_space<vmem>> -> memref<1x128xi32, #tpu.memory_space<vmem>>
        %dma_start3A_619 = tpu.memref_squeeze %dma_start3A_618 : memref<1x128xi32, #tpu.memory_space<vmem>> -> memref<128xi32, #tpu.memory_space<vmem>>
        %dma_start3A_620 = arith.constant 0 : i32
        %dma_start3A_621 = arith.constant 0 : i32
        %dma_start3A_622 = tpu.memref_slice %arg2[%dma_start3A_620, %dma_start3A_621] : memref<1000000x32xf32, #tpu.memory_space<hbm>> -> memref<1000000x32xf32, #tpu.memory_space<hbm>>
        %dma_start3A_623 = tpu.memref_slice %arg7[%dma_start3A_612] : memref<2x!tpu.dma_semaphore, #tpu.memory_space<semaphore_mem>> -> memref<1x!tpu.dma_semaphore, #tpu.memory_space<semaphore_mem>>
        %dma_start3A_624 = tpu.memref_squeeze %dma_start3A_623 : memref<1x!tpu.dma_semaphore, #tpu.memory_space<semaphore_mem>> -> memref<!tpu.dma_semaphore, #tpu.memory_space<semaphore_mem>>
        tpu.enqueue_indirect_dma source(%dma_start3A_622 : memref<1000000x32xf32, #tpu.memory_space<hbm>>) target(%dma_start3A_616 : memref<128x32xf32, #tpu.memory_space<vmem>>) offsets(%dma_start3A_619 : memref<128xi32, #tpu.memory_space<vmem>>) semaphore(%dma_start3A_624 : memref<!tpu.dma_semaphore, #tpu.memory_space<semaphore_mem>>)
        %dma_start3A_625 = arith.constant 1 : i32
        %dma_start3A_626 = arith.constant 1 : i32
        %dma_start3A_627 = arith.constant 256 : i32
        %dma_start3A_628 = arith.constant 0 : i32
        %dma_start3A_629 = tpu.memref_slice %arg6[%dma_start3A_625, %dma_start3A_627, %dma_start3A_628] : memref<2x512x32xf32, #tpu.memory_space<vmem>> -> memref<1x128x32xf32, #tpu.memory_space<vmem>>
        %dma_start3A_630 = tpu.memref_squeeze %dma_start3A_629 : memref<1x128x32xf32, #tpu.memory_space<vmem>> -> memref<128x32xf32, #tpu.memory_space<vmem>>
        %dma_start3A_631 = arith.constant 256 : i32
        %dma_start3A_632 = tpu.memref_slice %arg5[%add3A_596, %dma_start3A_631] : memref<50x512xi32, #tpu.memory_space<vmem>> -> memref<1x128xi32, #tpu.memory_space<vmem>>
        %dma_start3A_633 = tpu.memref_squeeze %dma_start3A_632 : memref<1x128xi32, #tpu.memory_space<vmem>> -> memref<128xi32, #tpu.memory_space<vmem>>
        %dma_start3A_634 = arith.constant 0 : i32
        %dma_start3A_635 = arith.constant 0 : i32
        %dma_start3A_636 = tpu.memref_slice %arg2[%dma_start3A_634, %dma_start3A_635] : memref<1000000x32xf32, #tpu.memory_space<hbm>> -> memref<1000000x32xf32, #tpu.memory_space<hbm>>
        %dma_start3A_637 = tpu.memref_slice %arg7[%dma_start3A_626] : memref<2x!tpu.dma_semaphore, #tpu.memory_space<semaphore_mem>> -> memref<1x!tpu.dma_semaphore, #tpu.memory_space<semaphore_mem>>
        %dma_start3A_638 = tpu.memref_squeeze %dma_start3A_637 : memref<1x!tpu.dma_semaphore, #tpu.memory_space<semaphore_mem>> -> memref<!tpu.dma_semaphore, #tpu.memory_space<semaphore_mem>>
        tpu.enqueue_indirect_dma source(%dma_start3A_636 : memref<1000000x32xf32, #tpu.memory_space<hbm>>) target(%dma_start3A_630 : memref<128x32xf32, #tpu.memory_space<vmem>>) offsets(%dma_start3A_633 : memref<128xi32, #tpu.memory_space<vmem>>) semaphore(%dma_start3A_638 : memref<!tpu.dma_semaphore, #tpu.memory_space<semaphore_mem>>)
        %dma_start3A_639 = arith.constant 1 : i32
        %dma_start3A_640 = arith.constant 1 : i32
        %dma_start3A_641 = arith.constant 384 : i32
        %dma_start3A_642 = arith.constant 0 : i32
        %dma_start3A_643 = tpu.memref_slice %arg6[%dma_start3A_639, %dma_start3A_641, %dma_start3A_642] : memref<2x512x32xf32, #tpu.memory_space<vmem>> -> memref<1x128x32xf32, #tpu.memory_space<vmem>>
        %dma_start3A_644 = tpu.memref_squeeze %dma_start3A_643 : memref<1x128x32xf32, #tpu.memory_space<vmem>> -> memref<128x32xf32, #tpu.memory_space<vmem>>
        %dma_start3A_645 = arith.constant 384 : i32
        %dma_start3A_646 = tpu.memref_slice %arg5[%add3A_596, %dma_start3A_645] : memref<50x512xi32, #tpu.memory_space<vmem>> -> memref<1x128xi32, #tpu.memory_space<vmem>>
        %dma_start3A_647 = tpu.memref_squeeze %dma_start3A_646 : memref<1x128xi32, #tpu.memory_space<vmem>> -> memref<128xi32, #tpu.memory_space<vmem>>
        %dma_start3A_648 = arith.constant 0 : i32
        %dma_start3A_649 = arith.constant 0 : i32
        %dma_start3A_650 = tpu.memref_slice %arg2[%dma_start3A_648, %dma_start3A_649] : memref<1000000x32xf32, #tpu.memory_space<hbm>> -> memref<1000000x32xf32, #tpu.memory_space<hbm>>
        %dma_start3A_651 = tpu.memref_slice %arg7[%dma_start3A_640] : memref<2x!tpu.dma_semaphore, #tpu.memory_space<semaphore_mem>> -> memref<1x!tpu.dma_semaphore, #tpu.memory_space<semaphore_mem>>
        %dma_start3A_652 = tpu.memref_squeeze %dma_start3A_651 : memref<1x!tpu.dma_semaphore, #tpu.memory_space<semaphore_mem>> -> memref<!tpu.dma_semaphore, #tpu.memory_space<semaphore_mem>>
        tpu.enqueue_indirect_dma source(%dma_start3A_650 : memref<1000000x32xf32, #tpu.memory_space<hbm>>) target(%dma_start3A_644 : memref<128x32xf32, #tpu.memory_space<vmem>>) offsets(%dma_start3A_647 : memref<128xi32, #tpu.memory_space<vmem>>) semaphore(%dma_start3A_652 : memref<!tpu.dma_semaphore, #tpu.memory_space<semaphore_mem>>)
      } else {
      }
      %dma_wait3A_113 = arith.constant 0 : i32
      %dma_wait3A_114 = arith.constant 0 : i32
      %dma_wait3A_115 = arith.constant 0 : i32
      %dma_wait3A_116 = arith.constant 0 : i32
      %dma_wait3A_117 = tpu.memref_slice %arg6[%dma_wait3A_113, %dma_wait3A_115, %dma_wait3A_116] : memref<2x512x32xf32, #tpu.memory_space<vmem>> -> memref<1x128x32xf32, #tpu.memory_space<vmem>>
      %dma_wait3A_118 = tpu.memref_squeeze %dma_wait3A_117 : memref<1x128x32xf32, #tpu.memory_space<vmem>> -> memref<128x32xf32, #tpu.memory_space<vmem>>
      %dma_wait3A_119 = arith.constant 0 : i32
      %dma_wait3A_120 = tpu.memref_slice %arg5[%add3A_108, %dma_wait3A_119] : memref<50x512xi32, #tpu.memory_space<vmem>> -> memref<1x128xi32, #tpu.memory_space<vmem>>
      %dma_wait3A_121 = tpu.memref_squeeze %dma_wait3A_120 : memref<1x128xi32, #tpu.memory_space<vmem>> -> memref<128xi32, #tpu.memory_space<vmem>>
      %dma_wait3A_122 = arith.constant 0 : i32
      %dma_wait3A_123 = arith.constant 0 : i32
      %dma_wait3A_124 = tpu.memref_slice %arg2[%dma_wait3A_122, %dma_wait3A_123] : memref<1000000x32xf32, #tpu.memory_space<hbm>> -> memref<1000000x32xf32, #tpu.memory_space<hbm>>
      %dma_wait3A_125 = tpu.memref_slice %arg7[%dma_wait3A_114] : memref<2x!tpu.dma_semaphore, #tpu.memory_space<semaphore_mem>> -> memref<1x!tpu.dma_semaphore, #tpu.memory_space<semaphore_mem>>
      %dma_wait3A_126 = tpu.memref_squeeze %dma_wait3A_125 : memref<1x!tpu.dma_semaphore, #tpu.memory_space<semaphore_mem>> -> memref<!tpu.dma_semaphore, #tpu.memory_space<semaphore_mem>>
      tpu.wait_indirect_dma semaphore(%dma_wait3A_126 : memref<!tpu.dma_semaphore, #tpu.memory_space<semaphore_mem>>) src(%dma_wait3A_124 : memref<1000000x32xf32, #tpu.memory_space<hbm>>) dst(%dma_wait3A_118 : memref<128x32xf32, #tpu.memory_space<vmem>>)
      %dma_wait3A_127 = arith.constant 0 : i32
      %dma_wait3A_128 = arith.constant 0 : i32
      %dma_wait3A_129 = arith.constant 128 : i32
      %dma_wait3A_130 = arith.constant 0 : i32
      %dma_wait3A_131 = tpu.memref_slice %arg6[%dma_wait3A_127, %dma_wait3A_129, %dma_wait3A_130] : memref<2x512x32xf32, #tpu.memory_space<vmem>> -> memref<1x128x32xf32, #tpu.memory_space<vmem>>
      %dma_wait3A_132 = tpu.memref_squeeze %dma_wait3A_131 : memref<1x128x32xf32, #tpu.memory_space<vmem>> -> memref<128x32xf32, #tpu.memory_space<vmem>>
      %dma_wait3A_133 = arith.constant 128 : i32
      %dma_wait3A_134 = tpu.memref_slice %arg5[%add3A_108, %dma_wait3A_133] : memref<50x512xi32, #tpu.memory_space<vmem>> -> memref<1x128xi32, #tpu.memory_space<vmem>>
      %dma_wait3A_135 = tpu.memref_squeeze %dma_wait3A_134 : memref<1x128xi32, #tpu.memory_space<vmem>> -> memref<128xi32, #tpu.memory_space<vmem>>
      %dma_wait3A_136 = arith.constant 0 : i32
      %dma_wait3A_137 = arith.constant 0 : i32
      %dma_wait3A_138 = tpu.memref_slice %arg2[%dma_wait3A_136, %dma_wait3A_137] : memref<1000000x32xf32, #tpu.memory_space<hbm>> -> memref<1000000x32xf32, #tpu.memory_space<hbm>>
      %dma_wait3A_139 = tpu.memref_slice %arg7[%dma_wait3A_128] : memref<2x!tpu.dma_semaphore, #tpu.memory_space<semaphore_mem>> -> memref<1x!tpu.dma_semaphore, #tpu.memory_space<semaphore_mem>>
      %dma_wait3A_140 = tpu.memref_squeeze %dma_wait3A_139 : memref<1x!tpu.dma_semaphore, #tpu.memory_space<semaphore_mem>> -> memref<!tpu.dma_semaphore, #tpu.memory_space<semaphore_mem>>
      tpu.wait_indirect_dma semaphore(%dma_wait3A_140 : memref<!tpu.dma_semaphore, #tpu.memory_space<semaphore_mem>>) src(%dma_wait3A_138 : memref<1000000x32xf32, #tpu.memory_space<hbm>>) dst(%dma_wait3A_132 : memref<128x32xf32, #tpu.memory_space<vmem>>)
      %dma_wait3A_141 = arith.constant 0 : i32
      %dma_wait3A_142 = arith.constant 0 : i32
      %dma_wait3A_143 = arith.constant 256 : i32
      %dma_wait3A_144 = arith.constant 0 : i32
      %dma_wait3A_145 = tpu.memref_slice %arg6[%dma_wait3A_141, %dma_wait3A_143, %dma_wait3A_144] : memref<2x512x32xf32, #tpu.memory_space<vmem>> -> memref<1x128x32xf32, #tpu.memory_space<vmem>>
      %dma_wait3A_146 = tpu.memref_squeeze %dma_wait3A_145 : memref<1x128x32xf32, #tpu.memory_space<vmem>> -> memref<128x32xf32, #tpu.memory_space<vmem>>
      %dma_wait3A_147 = arith.constant 256 : i32
      %dma_wait3A_148 = tpu.memref_slice %arg5[%add3A_108, %dma_wait3A_147] : memref<50x512xi32, #tpu.memory_space<vmem>> -> memref<1x128xi32, #tpu.memory_space<vmem>>
      %dma_wait3A_149 = tpu.memref_squeeze %dma_wait3A_148 : memref<1x128xi32, #tpu.memory_space<vmem>> -> memref<128xi32, #tpu.memory_space<vmem>>
      %dma_wait3A_150 = arith.constant 0 : i32
      %dma_wait3A_151 = arith.constant 0 : i32
      %dma_wait3A_152 = tpu.memref_slice %arg2[%dma_wait3A_150, %dma_wait3A_151] : memref<1000000x32xf32, #tpu.memory_space<hbm>> -> memref<1000000x32xf32, #tpu.memory_space<hbm>>
      %dma_wait3A_153 = tpu.memref_slice %arg7[%dma_wait3A_142] : memref<2x!tpu.dma_semaphore, #tpu.memory_space<semaphore_mem>> -> memref<1x!tpu.dma_semaphore, #tpu.memory_space<semaphore_mem>>
      %dma_wait3A_154 = tpu.memref_squeeze %dma_wait3A_153 : memref<1x!tpu.dma_semaphore, #tpu.memory_space<semaphore_mem>> -> memref<!tpu.dma_semaphore, #tpu.memory_space<semaphore_mem>>
      tpu.wait_indirect_dma semaphore(%dma_wait3A_154 : memref<!tpu.dma_semaphore, #tpu.memory_space<semaphore_mem>>) src(%dma_wait3A_152 : memref<1000000x32xf32, #tpu.memory_space<hbm>>) dst(%dma_wait3A_146 : memref<128x32xf32, #tpu.memory_space<vmem>>)
      %dma_wait3A_155 = arith.constant 0 : i32
      %dma_wait3A_156 = arith.constant 0 : i32
      %dma_wait3A_157 = arith.constant 384 : i32
      %dma_wait3A_158 = arith.constant 0 : i32
      %dma_wait3A_159 = tpu.memref_slice %arg6[%dma_wait3A_155, %dma_wait3A_157, %dma_wait3A_158] : memref<2x512x32xf32, #tpu.memory_space<vmem>> -> memref<1x128x32xf32, #tpu.memory_space<vmem>>
      %dma_wait3A_160 = tpu.memref_squeeze %dma_wait3A_159 : memref<1x128x32xf32, #tpu.memory_space<vmem>> -> memref<128x32xf32, #tpu.memory_space<vmem>>
      %dma_wait3A_161 = arith.constant 384 : i32
      %dma_wait3A_162 = tpu.memref_slice %arg5[%add3A_108, %dma_wait3A_161] : memref<50x512xi32, #tpu.memory_space<vmem>> -> memref<1x128xi32, #tpu.memory_space<vmem>>
      %dma_wait3A_163 = tpu.memref_squeeze %dma_wait3A_162 : memref<1x128xi32, #tpu.memory_space<vmem>> -> memref<128xi32, #tpu.memory_space<vmem>>
      %dma_wait3A_164 = arith.constant 0 : i32
      %dma_wait3A_165 = arith.constant 0 : i32
      %dma_wait3A_166 = tpu.memref_slice %arg2[%dma_wait3A_164, %dma_wait3A_165] : memref<1000000x32xf32, #tpu.memory_space<hbm>> -> memref<1000000x32xf32, #tpu.memory_space<hbm>>
      %dma_wait3A_167 = tpu.memref_slice %arg7[%dma_wait3A_156] : memref<2x!tpu.dma_semaphore, #tpu.memory_space<semaphore_mem>> -> memref<1x!tpu.dma_semaphore, #tpu.memory_space<semaphore_mem>>
      %dma_wait3A_168 = tpu.memref_squeeze %dma_wait3A_167 : memref<1x!tpu.dma_semaphore, #tpu.memory_space<semaphore_mem>> -> memref<!tpu.dma_semaphore, #tpu.memory_space<semaphore_mem>>
      tpu.wait_indirect_dma semaphore(%dma_wait3A_168 : memref<!tpu.dma_semaphore, #tpu.memory_space<semaphore_mem>>) src(%dma_wait3A_166 : memref<1000000x32xf32, #tpu.memory_space<hbm>>) dst(%dma_wait3A_160 : memref<128x32xf32, #tpu.memory_space<vmem>>)
      %broadcast_in_dim3A = arith.constant 2147483647 : i32
      %broadcast_in_dim3A_169 = vector.broadcast %broadcast_in_dim3A : i32 to vector<50xi32>
      %scan3A_170 = arith.constant 0 : i32
      %scan3A_171 = arith.constant 32 : i32
      %scan3A_172 = arith.addi %scan3A_170, %scan3A_171 : i32
      %scan3A_173 = arith.constant 1 : i32
      %scan3A_174 = scf.for %scan3A_591 = %scan3A_170 to %scan3A_172 step %scan3A_173 iter_args(%scan3A_592 = %broadcast_in_dim3A_169) -> (vector<50xi32>)  : i32 {
        %mul3A_593 = arith.constant 50 : i32
        %mul3A_594 = arith.muli %scan3A_591, %mul3A_593 : i32
        %get3A = arith.index_cast %add3A_108 : i32 to index
        %get3A_595 = arith.index_cast %mul3A_594 : i32 to index
        %get3A_596 = tpu.vector_load %arg5[%get3A, %get3A_595] {strides = array<i32>} : memref<50x512xi32, #tpu.memory_space<vmem>>, vector<1x50xi32>,
        %get3A_597 = vector.shape_cast %get3A_596 : vector<1x50xi32> to vector<50xi32>
        %min3A_598 = arith.minsi %scan3A_592, %get3A_597 : vector<50xi32>
        scf.yield %min3A_598 : vector<50xi32>
      }
      %scan3A_175 = arith.constant 32 : i32
      %slice3A = vector.extract_strided_slice %scan3A_174 {offsets = [0], sizes = [1], strides = [1]} : vector<50xi32> to vector<1xi32>
      %squeeze3A = vector.extract %slice3A[0] : i32 from vector<1xi32>
      %slice3A_176 = vector.extract_strided_slice %scan3A_174 {offsets = [1], sizes = [1], strides = [1]} : vector<50xi32> to vector<1xi32>
      %squeeze3A_177 = vector.extract %slice3A_176[0] : i32 from vector<1xi32>
      %min3A = arith.minsi %squeeze3A, %squeeze3A_177 : i32
      %slice3A_178 = vector.extract_strided_slice %scan3A_174 {offsets = [2], sizes = [1], strides = [1]} : vector<50xi32> to vector<1xi32>
      %squeeze3A_179 = vector.extract %slice3A_178[0] : i32 from vector<1xi32>
      %min3A_180 = arith.minsi %min3A, %squeeze3A_179 : i32
      %slice3A_181 = vector.extract_strided_slice %scan3A_174 {offsets = [3], sizes = [1], strides = [1]} : vector<50xi32> to vector<1xi32>
      %squeeze3A_182 = vector.extract %slice3A_181[0] : i32 from vector<1xi32>
      %min3A_183 = arith.minsi %min3A_180, %squeeze3A_182 : i32
      %slice3A_184 = vector.extract_strided_slice %scan3A_174 {offsets = [4], sizes = [1], strides = [1]} : vector<50xi32> to vector<1xi32>
      %squeeze3A_185 = vector.extract %slice3A_184[0] : i32 from vector<1xi32>
      %min3A_186 = arith.minsi %min3A_183, %squeeze3A_185 : i32
      %slice3A_187 = vector.extract_strided_slice %scan3A_174 {offsets = [5], sizes = [1], strides = [1]} : vector<50xi32> to vector<1xi32>
      %squeeze3A_188 = vector.extract %slice3A_187[0] : i32 from vector<1xi32>
      %min3A_189 = arith.minsi %min3A_186, %squeeze3A_188 : i32
      %slice3A_190 = vector.extract_strided_slice %scan3A_174 {offsets = [6], sizes = [1], strides = [1]} : vector<50xi32> to vector<1xi32>
      %squeeze3A_191 = vector.extract %slice3A_190[0] : i32 from vector<1xi32>
      %min3A_192 = arith.minsi %min3A_189, %squeeze3A_191 : i32
      %slice3A_193 = vector.extract_strided_slice %scan3A_174 {offsets = [7], sizes = [1], strides = [1]} : vector<50xi32> to vector<1xi32>
      %squeeze3A_194 = vector.extract %slice3A_193[0] : i32 from vector<1xi32>
      %min3A_195 = arith.minsi %min3A_192, %squeeze3A_194 : i32
      %slice3A_196 = vector.extract_strided_slice %scan3A_174 {offsets = [8], sizes = [1], strides = [1]} : vector<50xi32> to vector<1xi32>
      %squeeze3A_197 = vector.extract %slice3A_196[0] : i32 from vector<1xi32>
      %min3A_198 = arith.minsi %min3A_195, %squeeze3A_197 : i32
      %slice3A_199 = vector.extract_strided_slice %scan3A_174 {offsets = [9], sizes = [1], strides = [1]} : vector<50xi32> to vector<1xi32>
      %squeeze3A_200 = vector.extract %slice3A_199[0] : i32 from vector<1xi32>
      %min3A_201 = arith.minsi %min3A_198, %squeeze3A_200 : i32
      %slice3A_202 = vector.extract_strided_slice %scan3A_174 {offsets = [10], sizes = [1], strides = [1]} : vector<50xi32> to vector<1xi32>
      %squeeze3A_203 = vector.extract %slice3A_202[0] : i32 from vector<1xi32>
      %min3A_204 = arith.minsi %min3A_201, %squeeze3A_203 : i32
      %slice3A_205 = vector.extract_strided_slice %scan3A_174 {offsets = [11], sizes = [1], strides = [1]} : vector<50xi32> to vector<1xi32>
      %squeeze3A_206 = vector.extract %slice3A_205[0] : i32 from vector<1xi32>
      %min3A_207 = arith.minsi %min3A_204, %squeeze3A_206 : i32
      %slice3A_208 = vector.extract_strided_slice %scan3A_174 {offsets = [12], sizes = [1], strides = [1]} : vector<50xi32> to vector<1xi32>
      %squeeze3A_209 = vector.extract %slice3A_208[0] : i32 from vector<1xi32>
      %min3A_210 = arith.minsi %min3A_207, %squeeze3A_209 : i32
      %slice3A_211 = vector.extract_strided_slice %scan3A_174 {offsets = [13], sizes = [1], strides = [1]} : vector<50xi32> to vector<1xi32>
      %squeeze3A_212 = vector.extract %slice3A_211[0] : i32 from vector<1xi32>
      %min3A_213 = arith.minsi %min3A_210, %squeeze3A_212 : i32
      %slice3A_214 = vector.extract_strided_slice %scan3A_174 {offsets = [14], sizes = [1], strides = [1]} : vector<50xi32> to vector<1xi32>
      %squeeze3A_215 = vector.extract %slice3A_214[0] : i32 from vector<1xi32>
      %min3A_216 = arith.minsi %min3A_213, %squeeze3A_215 : i32
      %slice3A_217 = vector.extract_strided_slice %scan3A_174 {offsets = [15], sizes = [1], strides = [1]} : vector<50xi32> to vector<1xi32>
      %squeeze3A_218 = vector.extract %slice3A_217[0] : i32 from vector<1xi32>
      %min3A_219 = arith.minsi %min3A_216, %squeeze3A_218 : i32
      %slice3A_220 = vector.extract_strided_slice %scan3A_174 {offsets = [16], sizes = [1], strides = [1]} : vector<50xi32> to vector<1xi32>
      %squeeze3A_221 = vector.extract %slice3A_220[0] : i32 from vector<1xi32>
      %min3A_222 = arith.minsi %min3A_219, %squeeze3A_221 : i32
      %slice3A_223 = vector.extract_strided_slice %scan3A_174 {offsets = [17], sizes = [1], strides = [1]} : vector<50xi32> to vector<1xi32>
      %squeeze3A_224 = vector.extract %slice3A_223[0] : i32 from vector<1xi32>
      %min3A_225 = arith.minsi %min3A_222, %squeeze3A_224 : i32
      %slice3A_226 = vector.extract_strided_slice %scan3A_174 {offsets = [18], sizes = [1], strides = [1]} : vector<50xi32> to vector<1xi32>
      %squeeze3A_227 = vector.extract %slice3A_226[0] : i32 from vector<1xi32>
      %min3A_228 = arith.minsi %min3A_225, %squeeze3A_227 : i32
      %slice3A_229 = vector.extract_strided_slice %scan3A_174 {offsets = [19], sizes = [1], strides = [1]} : vector<50xi32> to vector<1xi32>
      %squeeze3A_230 = vector.extract %slice3A_229[0] : i32 from vector<1xi32>
      %min3A_231 = arith.minsi %min3A_228, %squeeze3A_230 : i32
      %slice3A_232 = vector.extract_strided_slice %scan3A_174 {offsets = [20], sizes = [1], strides = [1]} : vector<50xi32> to vector<1xi32>
      %squeeze3A_233 = vector.extract %slice3A_232[0] : i32 from vector<1xi32>
      %min3A_234 = arith.minsi %min3A_231, %squeeze3A_233 : i32
      %slice3A_235 = vector.extract_strided_slice %scan3A_174 {offsets = [21], sizes = [1], strides = [1]} : vector<50xi32> to vector<1xi32>
      %squeeze3A_236 = vector.extract %slice3A_235[0] : i32 from vector<1xi32>
      %min3A_237 = arith.minsi %min3A_234, %squeeze3A_236 : i32
      %slice3A_238 = vector.extract_strided_slice %scan3A_174 {offsets = [22], sizes = [1], strides = [1]} : vector<50xi32> to vector<1xi32>
      %squeeze3A_239 = vector.extract %slice3A_238[0] : i32 from vector<1xi32>
      %min3A_240 = arith.minsi %min3A_237, %squeeze3A_239 : i32
      %slice3A_241 = vector.extract_strided_slice %scan3A_174 {offsets = [23], sizes = [1], strides = [1]} : vector<50xi32> to vector<1xi32>
      %squeeze3A_242 = vector.extract %slice3A_241[0] : i32 from vector<1xi32>
      %min3A_243 = arith.minsi %min3A_240, %squeeze3A_242 : i32
      %slice3A_244 = vector.extract_strided_slice %scan3A_174 {offsets = [24], sizes = [1], strides = [1]} : vector<50xi32> to vector<1xi32>
      %squeeze3A_245 = vector.extract %slice3A_244[0] : i32 from vector<1xi32>
      %min3A_246 = arith.minsi %min3A_243, %squeeze3A_245 : i32
      %slice3A_247 = vector.extract_strided_slice %scan3A_174 {offsets = [25], sizes = [1], strides = [1]} : vector<50xi32> to vector<1xi32>
      %squeeze3A_248 = vector.extract %slice3A_247[0] : i32 from vector<1xi32>
      %min3A_249 = arith.minsi %min3A_246, %squeeze3A_248 : i32
      %slice3A_250 = vector.extract_strided_slice %scan3A_174 {offsets = [26], sizes = [1], strides = [1]} : vector<50xi32> to vector<1xi32>
      %squeeze3A_251 = vector.extract %slice3A_250[0] : i32 from vector<1xi32>
      %min3A_252 = arith.minsi %min3A_249, %squeeze3A_251 : i32
      %slice3A_253 = vector.extract_strided_slice %scan3A_174 {offsets = [27], sizes = [1], strides = [1]} : vector<50xi32> to vector<1xi32>
      %squeeze3A_254 = vector.extract %slice3A_253[0] : i32 from vector<1xi32>
      %min3A_255 = arith.minsi %min3A_252, %squeeze3A_254 : i32
      %slice3A_256 = vector.extract_strided_slice %scan3A_174 {offsets = [28], sizes = [1], strides = [1]} : vector<50xi32> to vector<1xi32>
      %squeeze3A_257 = vector.extract %slice3A_256[0] : i32 from vector<1xi32>
      %min3A_258 = arith.minsi %min3A_255, %squeeze3A_257 : i32
      %slice3A_259 = vector.extract_strided_slice %scan3A_174 {offsets = [29], sizes = [1], strides = [1]} : vector<50xi32> to vector<1xi32>
      %squeeze3A_260 = vector.extract %slice3A_259[0] : i32 from vector<1xi32>
      %min3A_261 = arith.minsi %min3A_258, %squeeze3A_260 : i32
      %slice3A_262 = vector.extract_strided_slice %scan3A_174 {offsets = [30], sizes = [1], strides = [1]} : vector<50xi32> to vector<1xi32>
      %squeeze3A_263 = vector.extract %slice3A_262[0] : i32 from vector<1xi32>
      %min3A_264 = arith.minsi %min3A_261, %squeeze3A_263 : i32
      %slice3A_265 = vector.extract_strided_slice %scan3A_174 {offsets = [31], sizes = [1], strides = [1]} : vector<50xi32> to vector<1xi32>
      %squeeze3A_266 = vector.extract %slice3A_265[0] : i32 from vector<1xi32>
      %min3A_267 = arith.minsi %min3A_264, %squeeze3A_266 : i32
      %slice3A_268 = vector.extract_strided_slice %scan3A_174 {offsets = [32], sizes = [1], strides = [1]} : vector<50xi32> to vector<1xi32>
      %squeeze3A_269 = vector.extract %slice3A_268[0] : i32 from vector<1xi32>
      %min3A_270 = arith.minsi %min3A_267, %squeeze3A_269 : i32
      %slice3A_271 = vector.extract_strided_slice %scan3A_174 {offsets = [33], sizes = [1], strides = [1]} : vector<50xi32> to vector<1xi32>
      %squeeze3A_272 = vector.extract %slice3A_271[0] : i32 from vector<1xi32>
      %min3A_273 = arith.minsi %min3A_270, %squeeze3A_272 : i32
      %slice3A_274 = vector.extract_strided_slice %scan3A_174 {offsets = [34], sizes = [1], strides = [1]} : vector<50xi32> to vector<1xi32>
      %squeeze3A_275 = vector.extract %slice3A_274[0] : i32 from vector<1xi32>
      %min3A_276 = arith.minsi %min3A_273, %squeeze3A_275 : i32
      %slice3A_277 = vector.extract_strided_slice %scan3A_174 {offsets = [35], sizes = [1], strides = [1]} : vector<50xi32> to vector<1xi32>
      %squeeze3A_278 = vector.extract %slice3A_277[0] : i32 from vector<1xi32>
      %min3A_279 = arith.minsi %min3A_276, %squeeze3A_278 : i32
      %slice3A_280 = vector.extract_strided_slice %scan3A_174 {offsets = [36], sizes = [1], strides = [1]} : vector<50xi32> to vector<1xi32>
      %squeeze3A_281 = vector.extract %slice3A_280[0] : i32 from vector<1xi32>
      %min3A_282 = arith.minsi %min3A_279, %squeeze3A_281 : i32
      %slice3A_283 = vector.extract_strided_slice %scan3A_174 {offsets = [37], sizes = [1], strides = [1]} : vector<50xi32> to vector<1xi32>
      %squeeze3A_284 = vector.extract %slice3A_283[0] : i32 from vector<1xi32>
      %min3A_285 = arith.minsi %min3A_282, %squeeze3A_284 : i32
      %slice3A_286 = vector.extract_strided_slice %scan3A_174 {offsets = [38], sizes = [1], strides = [1]} : vector<50xi32> to vector<1xi32>
      %squeeze3A_287 = vector.extract %slice3A_286[0] : i32 from vector<1xi32>
      %min3A_288 = arith.minsi %min3A_285, %squeeze3A_287 : i32
      %slice3A_289 = vector.extract_strided_slice %scan3A_174 {offsets = [39], sizes = [1], strides = [1]} : vector<50xi32> to vector<1xi32>
      %squeeze3A_290 = vector.extract %slice3A_289[0] : i32 from vector<1xi32>
      %min3A_291 = arith.minsi %min3A_288, %squeeze3A_290 : i32
      %slice3A_292 = vector.extract_strided_slice %scan3A_174 {offsets = [40], sizes = [1], strides = [1]} : vector<50xi32> to vector<1xi32>
      %squeeze3A_293 = vector.extract %slice3A_292[0] : i32 from vector<1xi32>
      %min3A_294 = arith.minsi %min3A_291, %squeeze3A_293 : i32
      %slice3A_295 = vector.extract_strided_slice %scan3A_174 {offsets = [41], sizes = [1], strides = [1]} : vector<50xi32> to vector<1xi32>
      %squeeze3A_296 = vector.extract %slice3A_295[0] : i32 from vector<1xi32>
      %min3A_297 = arith.minsi %min3A_294, %squeeze3A_296 : i32
      %slice3A_298 = vector.extract_strided_slice %scan3A_174 {offsets = [42], sizes = [1], strides = [1]} : vector<50xi32> to vector<1xi32>
      %squeeze3A_299 = vector.extract %slice3A_298[0] : i32 from vector<1xi32>
      %min3A_300 = arith.minsi %min3A_297, %squeeze3A_299 : i32
      %slice3A_301 = vector.extract_strided_slice %scan3A_174 {offsets = [43], sizes = [1], strides = [1]} : vector<50xi32> to vector<1xi32>
      %squeeze3A_302 = vector.extract %slice3A_301[0] : i32 from vector<1xi32>
      %min3A_303 = arith.minsi %min3A_300, %squeeze3A_302 : i32
      %slice3A_304 = vector.extract_strided_slice %scan3A_174 {offsets = [44], sizes = [1], strides = [1]} : vector<50xi32> to vector<1xi32>
      %squeeze3A_305 = vector.extract %slice3A_304[0] : i32 from vector<1xi32>
      %min3A_306 = arith.minsi %min3A_303, %squeeze3A_305 : i32
      %slice3A_307 = vector.extract_strided_slice %scan3A_174 {offsets = [45], sizes = [1], strides = [1]} : vector<50xi32> to vector<1xi32>
      %squeeze3A_308 = vector.extract %slice3A_307[0] : i32 from vector<1xi32>
      %min3A_309 = arith.minsi %min3A_306, %squeeze3A_308 : i32
      %slice3A_310 = vector.extract_strided_slice %scan3A_174 {offsets = [46], sizes = [1], strides = [1]} : vector<50xi32> to vector<1xi32>
      %squeeze3A_311 = vector.extract %slice3A_310[0] : i32 from vector<1xi32>
      %min3A_312 = arith.minsi %min3A_309, %squeeze3A_311 : i32
      %slice3A_313 = vector.extract_strided_slice %scan3A_174 {offsets = [47], sizes = [1], strides = [1]} : vector<50xi32> to vector<1xi32>
      %squeeze3A_314 = vector.extract %slice3A_313[0] : i32 from vector<1xi32>
      %min3A_315 = arith.minsi %min3A_312, %squeeze3A_314 : i32
      %slice3A_316 = vector.extract_strided_slice %scan3A_174 {offsets = [48], sizes = [1], strides = [1]} : vector<50xi32> to vector<1xi32>
      %squeeze3A_317 = vector.extract %slice3A_316[0] : i32 from vector<1xi32>
      %min3A_318 = arith.minsi %min3A_315, %squeeze3A_317 : i32
      %slice3A_319 = vector.extract_strided_slice %scan3A_174 {offsets = [49], sizes = [1], strides = [1]} : vector<50xi32> to vector<1xi32>
      %squeeze3A_320 = vector.extract %slice3A_319[0] : i32 from vector<1xi32>
      %min3A_321 = arith.minsi %min3A_318, %squeeze3A_320 : i32
      %eq3A = arith.constant 0 : i32
      %eq3A_322 = arith.cmpi eq, %min3A_321, %eq3A : i32
      %convert_element_type3A_323 = arith.extui %eq3A_322 : i1 to i32
      %cond3A_324 = arith.constant 0 : i32
      %cond3A_325 = arith.cmpi ne, %convert_element_type3A_323, %cond3A_324 : i32
      scf.if %cond3A_325 {
        %scan3A_591 = arith.constant 0 : i32
        %scan3A_592 = arith.constant 0 : i32
        %scan3A_593 = arith.constant 32 : i32
        %scan3A_594 = arith.addi %scan3A_592, %scan3A_593 : i32
        %scan3A_595 = arith.constant 1 : i32
        scf.for %scan3A_597 = %scan3A_592 to %scan3A_594 step %scan3A_595  : i32 {
          %mul3A_598 = arith.constant 50 : i32
          %mul3A_599 = arith.muli %scan3A_597, %mul3A_598 : i32
          %get3A = arith.index_cast %add3A_108 : i32 to index
          %get3A_600 = arith.index_cast %mul3A_599 : i32 to index
          %get3A_601 = tpu.vector_load %arg5[%get3A, %get3A_600] {strides = array<i32>} : memref<50x512xi32, #tpu.memory_space<vmem>>, vector<1x50xi32>,
          %get3A_602 = vector.shape_cast %get3A_601 : vector<1x50xi32> to vector<50xi32>
          %slice3A_603 = vector.extract_strided_slice %get3A_602 {offsets = [0], sizes = [1], strides = [1]} : vector<50xi32> to vector<1xi32>
          %squeeze3A_604 = vector.extract %slice3A_603[0] : i32 from vector<1xi32>
          %eq3A_605 = arith.constant 0 : i32
          %eq3A_606 = arith.cmpi eq, %squeeze3A_604, %eq3A_605 : i32
          %jit3A = arith.constant 0.000000e+00 : f32
          %jit3A_607 = arith.constant 1.000000e+00 : f32
          %select_n3A = arith.select %eq3A_606, %jit3A, %jit3A_607 : f32
          %mul3A_608 = arith.constant 50 : i32
          %mul3A_609 = arith.muli %scan3A_597, %mul3A_608 : i32
          %add3A_610 = arith.constant 0 : i32
          %add3A_611 = arith.addi %mul3A_609, %add3A_610 : i32
          %slice3A_612 = vector.extract_strided_slice %get3A_602 {offsets = [1], sizes = [1], strides = [1]} : vector<50xi32> to vector<1xi32>
          %squeeze3A_613 = vector.extract %slice3A_612[0] : i32 from vector<1xi32>
          %eq3A_614 = arith.constant 0 : i32
          %eq3A_615 = arith.cmpi eq, %squeeze3A_613, %eq3A_614 : i32
          %jit3A_616 = arith.constant 0.000000e+00 : f32
          %jit3A_617 = arith.constant 1.000000e+00 : f32
          %select_n3A_618 = arith.select %eq3A_615, %jit3A_616, %jit3A_617 : f32
          %mul3A_619 = arith.constant 50 : i32
          %mul3A_620 = arith.muli %scan3A_597, %mul3A_619 : i32
          %add3A_621 = arith.constant 1 : i32
          %add3A_622 = arith.addi %mul3A_620, %add3A_621 : i32
          %slice3A_623 = vector.extract_strided_slice %get3A_602 {offsets = [2], sizes = [1], strides = [1]} : vector<50xi32> to vector<1xi32>
          %squeeze3A_624 = vector.extract %slice3A_623[0] : i32 from vector<1xi32>
          %eq3A_625 = arith.constant 0 : i32
          %eq3A_626 = arith.cmpi eq, %squeeze3A_624, %eq3A_625 : i32
          %jit3A_627 = arith.constant 0.000000e+00 : f32
          %jit3A_628 = arith.constant 1.000000e+00 : f32
          %select_n3A_629 = arith.select %eq3A_626, %jit3A_627, %jit3A_628 : f32
          %mul3A_630 = arith.constant 50 : i32
          %mul3A_631 = arith.muli %scan3A_597, %mul3A_630 : i32
          %add3A_632 = arith.constant 2 : i32
          %add3A_633 = arith.addi %mul3A_631, %add3A_632 : i32
          %slice3A_634 = vector.extract_strided_slice %get3A_602 {offsets = [3], sizes = [1], strides = [1]} : vector<50xi32> to vector<1xi32>
          %squeeze3A_635 = vector.extract %slice3A_634[0] : i32 from vector<1xi32>
          %eq3A_636 = arith.constant 0 : i32
          %eq3A_637 = arith.cmpi eq, %squeeze3A_635, %eq3A_636 : i32
          %jit3A_638 = arith.constant 0.000000e+00 : f32
          %jit3A_639 = arith.constant 1.000000e+00 : f32
          %select_n3A_640 = arith.select %eq3A_637, %jit3A_638, %jit3A_639 : f32
          %mul3A_641 = arith.constant 50 : i32
          %mul3A_642 = arith.muli %scan3A_597, %mul3A_641 : i32
          %add3A_643 = arith.constant 3 : i32
          %add3A_644 = arith.addi %mul3A_642, %add3A_643 : i32
          %slice3A_645 = vector.extract_strided_slice %get3A_602 {offsets = [4], sizes = [1], strides = [1]} : vector<50xi32> to vector<1xi32>
          %squeeze3A_646 = vector.extract %slice3A_645[0] : i32 from vector<1xi32>
          %eq3A_647 = arith.constant 0 : i32
          %eq3A_648 = arith.cmpi eq, %squeeze3A_646, %eq3A_647 : i32
          %jit3A_649 = arith.constant 0.000000e+00 : f32
          %jit3A_650 = arith.constant 1.000000e+00 : f32
          %select_n3A_651 = arith.select %eq3A_648, %jit3A_649, %jit3A_650 : f32
          %mul3A_652 = arith.constant 50 : i32
          %mul3A_653 = arith.muli %scan3A_597, %mul3A_652 : i32
          %add3A_654 = arith.constant 4 : i32
          %add3A_655 = arith.addi %mul3A_653, %add3A_654 : i32
          %slice3A_656 = vector.extract_strided_slice %get3A_602 {offsets = [5], sizes = [1], strides = [1]} : vector<50xi32> to vector<1xi32>
          %squeeze3A_657 = vector.extract %slice3A_656[0] : i32 from vector<1xi32>
          %eq3A_658 = arith.constant 0 : i32
          %eq3A_659 = arith.cmpi eq, %squeeze3A_657, %eq3A_658 : i32
          %jit3A_660 = arith.constant 0.000000e+00 : f32
          %jit3A_661 = arith.constant 1.000000e+00 : f32
          %select_n3A_662 = arith.select %eq3A_659, %jit3A_660, %jit3A_661 : f32
          %mul3A_663 = arith.constant 50 : i32
          %mul3A_664 = arith.muli %scan3A_597, %mul3A_663 : i32
          %add3A_665 = arith.constant 5 : i32
          %add3A_666 = arith.addi %mul3A_664, %add3A_665 : i32
          %slice3A_667 = vector.extract_strided_slice %get3A_602 {offsets = [6], sizes = [1], strides = [1]} : vector<50xi32> to vector<1xi32>
          %squeeze3A_668 = vector.extract %slice3A_667[0] : i32 from vector<1xi32>
          %eq3A_669 = arith.constant 0 : i32
          %eq3A_670 = arith.cmpi eq, %squeeze3A_668, %eq3A_669 : i32
          %jit3A_671 = arith.constant 0.000000e+00 : f32
          %jit3A_672 = arith.constant 1.000000e+00 : f32
          %select_n3A_673 = arith.select %eq3A_670, %jit3A_671, %jit3A_672 : f32
          %mul3A_674 = arith.constant 50 : i32
          %mul3A_675 = arith.muli %scan3A_597, %mul3A_674 : i32
          %add3A_676 = arith.constant 6 : i32
          %add3A_677 = arith.addi %mul3A_675, %add3A_676 : i32
          %slice3A_678 = vector.extract_strided_slice %get3A_602 {offsets = [7], sizes = [1], strides = [1]} : vector<50xi32> to vector<1xi32>
          %squeeze3A_679 = vector.extract %slice3A_678[0] : i32 from vector<1xi32>
          %eq3A_680 = arith.constant 0 : i32
          %eq3A_681 = arith.cmpi eq, %squeeze3A_679, %eq3A_680 : i32
          %jit3A_682 = arith.constant 0.000000e+00 : f32
          %jit3A_683 = arith.constant 1.000000e+00 : f32
          %select_n3A_684 = arith.select %eq3A_681, %jit3A_682, %jit3A_683 : f32
          %mul3A_685 = arith.constant 50 : i32
          %mul3A_686 = arith.muli %scan3A_597, %mul3A_685 : i32
          %add3A_687 = arith.constant 7 : i32
          %add3A_688 = arith.addi %mul3A_686, %add3A_687 : i32
          %slice3A_689 = vector.extract_strided_slice %get3A_602 {offsets = [8], sizes = [1], strides = [1]} : vector<50xi32> to vector<1xi32>
          %squeeze3A_690 = vector.extract %slice3A_689[0] : i32 from vector<1xi32>
          %eq3A_691 = arith.constant 0 : i32
          %eq3A_692 = arith.cmpi eq, %squeeze3A_690, %eq3A_691 : i32
          %jit3A_693 = arith.constant 0.000000e+00 : f32
          %jit3A_694 = arith.constant 1.000000e+00 : f32
          %select_n3A_695 = arith.select %eq3A_692, %jit3A_693, %jit3A_694 : f32
          %mul3A_696 = arith.constant 50 : i32
          %mul3A_697 = arith.muli %scan3A_597, %mul3A_696 : i32
          %add3A_698 = arith.constant 8 : i32
          %add3A_699 = arith.addi %mul3A_697, %add3A_698 : i32
          %slice3A_700 = vector.extract_strided_slice %get3A_602 {offsets = [9], sizes = [1], strides = [1]} : vector<50xi32> to vector<1xi32>
          %squeeze3A_701 = vector.extract %slice3A_700[0] : i32 from vector<1xi32>
          %eq3A_702 = arith.constant 0 : i32
          %eq3A_703 = arith.cmpi eq, %squeeze3A_701, %eq3A_702 : i32
          %jit3A_704 = arith.constant 0.000000e+00 : f32
          %jit3A_705 = arith.constant 1.000000e+00 : f32
          %select_n3A_706 = arith.select %eq3A_703, %jit3A_704, %jit3A_705 : f32
          %mul3A_707 = arith.constant 50 : i32
          %mul3A_708 = arith.muli %scan3A_597, %mul3A_707 : i32
          %add3A_709 = arith.constant 9 : i32
          %add3A_710 = arith.addi %mul3A_708, %add3A_709 : i32
          %slice3A_711 = vector.extract_strided_slice %get3A_602 {offsets = [10], sizes = [1], strides = [1]} : vector<50xi32> to vector<1xi32>
          %squeeze3A_712 = vector.extract %slice3A_711[0] : i32 from vector<1xi32>
          %eq3A_713 = arith.constant 0 : i32
          %eq3A_714 = arith.cmpi eq, %squeeze3A_712, %eq3A_713 : i32
          %jit3A_715 = arith.constant 0.000000e+00 : f32
          %jit3A_716 = arith.constant 1.000000e+00 : f32
          %select_n3A_717 = arith.select %eq3A_714, %jit3A_715, %jit3A_716 : f32
          %mul3A_718 = arith.constant 50 : i32
          %mul3A_719 = arith.muli %scan3A_597, %mul3A_718 : i32
          %add3A_720 = arith.constant 10 : i32
          %add3A_721 = arith.addi %mul3A_719, %add3A_720 : i32
          %slice3A_722 = vector.extract_strided_slice %get3A_602 {offsets = [11], sizes = [1], strides = [1]} : vector<50xi32> to vector<1xi32>
          %squeeze3A_723 = vector.extract %slice3A_722[0] : i32 from vector<1xi32>
          %eq3A_724 = arith.constant 0 : i32
          %eq3A_725 = arith.cmpi eq, %squeeze3A_723, %eq3A_724 : i32
          %jit3A_726 = arith.constant 0.000000e+00 : f32
          %jit3A_727 = arith.constant 1.000000e+00 : f32
          %select_n3A_728 = arith.select %eq3A_725, %jit3A_726, %jit3A_727 : f32
          %mul3A_729 = arith.constant 50 : i32
          %mul3A_730 = arith.muli %scan3A_597, %mul3A_729 : i32
          %add3A_731 = arith.constant 11 : i32
          %add3A_732 = arith.addi %mul3A_730, %add3A_731 : i32
          %slice3A_733 = vector.extract_strided_slice %get3A_602 {offsets = [12], sizes = [1], strides = [1]} : vector<50xi32> to vector<1xi32>
          %squeeze3A_734 = vector.extract %slice3A_733[0] : i32 from vector<1xi32>
          %eq3A_735 = arith.constant 0 : i32
          %eq3A_736 = arith.cmpi eq, %squeeze3A_734, %eq3A_735 : i32
          %jit3A_737 = arith.constant 0.000000e+00 : f32
          %jit3A_738 = arith.constant 1.000000e+00 : f32
          %select_n3A_739 = arith.select %eq3A_736, %jit3A_737, %jit3A_738 : f32
          %mul3A_740 = arith.constant 50 : i32
          %mul3A_741 = arith.muli %scan3A_597, %mul3A_740 : i32
          %add3A_742 = arith.constant 12 : i32
          %add3A_743 = arith.addi %mul3A_741, %add3A_742 : i32
          %slice3A_744 = vector.extract_strided_slice %get3A_602 {offsets = [13], sizes = [1], strides = [1]} : vector<50xi32> to vector<1xi32>
          %squeeze3A_745 = vector.extract %slice3A_744[0] : i32 from vector<1xi32>
          %eq3A_746 = arith.constant 0 : i32
          %eq3A_747 = arith.cmpi eq, %squeeze3A_745, %eq3A_746 : i32
          %jit3A_748 = arith.constant 0.000000e+00 : f32
          %jit3A_749 = arith.constant 1.000000e+00 : f32
          %select_n3A_750 = arith.select %eq3A_747, %jit3A_748, %jit3A_749 : f32
          %mul3A_751 = arith.constant 50 : i32
          %mul3A_752 = arith.muli %scan3A_597, %mul3A_751 : i32
          %add3A_753 = arith.constant 13 : i32
          %add3A_754 = arith.addi %mul3A_752, %add3A_753 : i32
          %slice3A_755 = vector.extract_strided_slice %get3A_602 {offsets = [14], sizes = [1], strides = [1]} : vector<50xi32> to vector<1xi32>
          %squeeze3A_756 = vector.extract %slice3A_755[0] : i32 from vector<1xi32>
          %eq3A_757 = arith.constant 0 : i32
          %eq3A_758 = arith.cmpi eq, %squeeze3A_756, %eq3A_757 : i32
          %jit3A_759 = arith.constant 0.000000e+00 : f32
          %jit3A_760 = arith.constant 1.000000e+00 : f32
          %select_n3A_761 = arith.select %eq3A_758, %jit3A_759, %jit3A_760 : f32
          %mul3A_762 = arith.constant 50 : i32
          %mul3A_763 = arith.muli %scan3A_597, %mul3A_762 : i32
          %add3A_764 = arith.constant 14 : i32
          %add3A_765 = arith.addi %mul3A_763, %add3A_764 : i32
          %slice3A_766 = vector.extract_strided_slice %get3A_602 {offsets = [15], sizes = [1], strides = [1]} : vector<50xi32> to vector<1xi32>
          %squeeze3A_767 = vector.extract %slice3A_766[0] : i32 from vector<1xi32>
          %eq3A_768 = arith.constant 0 : i32
          %eq3A_769 = arith.cmpi eq, %squeeze3A_767, %eq3A_768 : i32
          %jit3A_770 = arith.constant 0.000000e+00 : f32
          %jit3A_771 = arith.constant 1.000000e+00 : f32
          %select_n3A_772 = arith.select %eq3A_769, %jit3A_770, %jit3A_771 : f32
          %mul3A_773 = arith.constant 50 : i32
          %mul3A_774 = arith.muli %scan3A_597, %mul3A_773 : i32
          %add3A_775 = arith.constant 15 : i32
          %add3A_776 = arith.addi %mul3A_774, %add3A_775 : i32
          %slice3A_777 = vector.extract_strided_slice %get3A_602 {offsets = [16], sizes = [1], strides = [1]} : vector<50xi32> to vector<1xi32>
          %squeeze3A_778 = vector.extract %slice3A_777[0] : i32 from vector<1xi32>
          %eq3A_779 = arith.constant 0 : i32
          %eq3A_780 = arith.cmpi eq, %squeeze3A_778, %eq3A_779 : i32
          %jit3A_781 = arith.constant 0.000000e+00 : f32
          %jit3A_782 = arith.constant 1.000000e+00 : f32
          %select_n3A_783 = arith.select %eq3A_780, %jit3A_781, %jit3A_782 : f32
          %mul3A_784 = arith.constant 50 : i32
          %mul3A_785 = arith.muli %scan3A_597, %mul3A_784 : i32
          %add3A_786 = arith.constant 16 : i32
          %add3A_787 = arith.addi %mul3A_785, %add3A_786 : i32
          %slice3A_788 = vector.extract_strided_slice %get3A_602 {offsets = [17], sizes = [1], strides = [1]} : vector<50xi32> to vector<1xi32>
          %squeeze3A_789 = vector.extract %slice3A_788[0] : i32 from vector<1xi32>
          %eq3A_790 = arith.constant 0 : i32
          %eq3A_791 = arith.cmpi eq, %squeeze3A_789, %eq3A_790 : i32
          %jit3A_792 = arith.constant 0.000000e+00 : f32
          %jit3A_793 = arith.constant 1.000000e+00 : f32
          %select_n3A_794 = arith.select %eq3A_791, %jit3A_792, %jit3A_793 : f32
          %mul3A_795 = arith.constant 50 : i32
          %mul3A_796 = arith.muli %scan3A_597, %mul3A_795 : i32
          %add3A_797 = arith.constant 17 : i32
          %add3A_798 = arith.addi %mul3A_796, %add3A_797 : i32
          %slice3A_799 = vector.extract_strided_slice %get3A_602 {offsets = [18], sizes = [1], strides = [1]} : vector<50xi32> to vector<1xi32>
          %squeeze3A_800 = vector.extract %slice3A_799[0] : i32 from vector<1xi32>
          %eq3A_801 = arith.constant 0 : i32
          %eq3A_802 = arith.cmpi eq, %squeeze3A_800, %eq3A_801 : i32
          %jit3A_803 = arith.constant 0.000000e+00 : f32
          %jit3A_804 = arith.constant 1.000000e+00 : f32
          %select_n3A_805 = arith.select %eq3A_802, %jit3A_803, %jit3A_804 : f32
          %mul3A_806 = arith.constant 50 : i32
          %mul3A_807 = arith.muli %scan3A_597, %mul3A_806 : i32
          %add3A_808 = arith.constant 18 : i32
          %add3A_809 = arith.addi %mul3A_807, %add3A_808 : i32
          %slice3A_810 = vector.extract_strided_slice %get3A_602 {offsets = [19], sizes = [1], strides = [1]} : vector<50xi32> to vector<1xi32>
          %squeeze3A_811 = vector.extract %slice3A_810[0] : i32 from vector<1xi32>
          %eq3A_812 = arith.constant 0 : i32
          %eq3A_813 = arith.cmpi eq, %squeeze3A_811, %eq3A_812 : i32
          %jit3A_814 = arith.constant 0.000000e+00 : f32
          %jit3A_815 = arith.constant 1.000000e+00 : f32
          %select_n3A_816 = arith.select %eq3A_813, %jit3A_814, %jit3A_815 : f32
          %mul3A_817 = arith.constant 50 : i32
          %mul3A_818 = arith.muli %scan3A_597, %mul3A_817 : i32
          %add3A_819 = arith.constant 19 : i32
          %add3A_820 = arith.addi %mul3A_818, %add3A_819 : i32
          %slice3A_821 = vector.extract_strided_slice %get3A_602 {offsets = [20], sizes = [1], strides = [1]} : vector<50xi32> to vector<1xi32>
          %squeeze3A_822 = vector.extract %slice3A_821[0] : i32 from vector<1xi32>
          %eq3A_823 = arith.constant 0 : i32
          %eq3A_824 = arith.cmpi eq, %squeeze3A_822, %eq3A_823 : i32
          %jit3A_825 = arith.constant 0.000000e+00 : f32
          %jit3A_826 = arith.constant 1.000000e+00 : f32
          %select_n3A_827 = arith.select %eq3A_824, %jit3A_825, %jit3A_826 : f32
          %mul3A_828 = arith.constant 50 : i32
          %mul3A_829 = arith.muli %scan3A_597, %mul3A_828 : i32
          %add3A_830 = arith.constant 20 : i32
          %add3A_831 = arith.addi %mul3A_829, %add3A_830 : i32
          %slice3A_832 = vector.extract_strided_slice %get3A_602 {offsets = [21], sizes = [1], strides = [1]} : vector<50xi32> to vector<1xi32>
          %squeeze3A_833 = vector.extract %slice3A_832[0] : i32 from vector<1xi32>
          %eq3A_834 = arith.constant 0 : i32
          %eq3A_835 = arith.cmpi eq, %squeeze3A_833, %eq3A_834 : i32
          %jit3A_836 = arith.constant 0.000000e+00 : f32
          %jit3A_837 = arith.constant 1.000000e+00 : f32
          %select_n3A_838 = arith.select %eq3A_835, %jit3A_836, %jit3A_837 : f32
          %mul3A_839 = arith.constant 50 : i32
          %mul3A_840 = arith.muli %scan3A_597, %mul3A_839 : i32
          %add3A_841 = arith.constant 21 : i32
          %add3A_842 = arith.addi %mul3A_840, %add3A_841 : i32
          %slice3A_843 = vector.extract_strided_slice %get3A_602 {offsets = [22], sizes = [1], strides = [1]} : vector<50xi32> to vector<1xi32>
          %squeeze3A_844 = vector.extract %slice3A_843[0] : i32 from vector<1xi32>
          %eq3A_845 = arith.constant 0 : i32
          %eq3A_846 = arith.cmpi eq, %squeeze3A_844, %eq3A_845 : i32
          %jit3A_847 = arith.constant 0.000000e+00 : f32
          %jit3A_848 = arith.constant 1.000000e+00 : f32
          %select_n3A_849 = arith.select %eq3A_846, %jit3A_847, %jit3A_848 : f32
          %mul3A_850 = arith.constant 50 : i32
          %mul3A_851 = arith.muli %scan3A_597, %mul3A_850 : i32
          %add3A_852 = arith.constant 22 : i32
          %add3A_853 = arith.addi %mul3A_851, %add3A_852 : i32
          %slice3A_854 = vector.extract_strided_slice %get3A_602 {offsets = [23], sizes = [1], strides = [1]} : vector<50xi32> to vector<1xi32>
          %squeeze3A_855 = vector.extract %slice3A_854[0] : i32 from vector<1xi32>
          %eq3A_856 = arith.constant 0 : i32
          %eq3A_857 = arith.cmpi eq, %squeeze3A_855, %eq3A_856 : i32
          %jit3A_858 = arith.constant 0.000000e+00 : f32
          %jit3A_859 = arith.constant 1.000000e+00 : f32
          %select_n3A_860 = arith.select %eq3A_857, %jit3A_858, %jit3A_859 : f32
          %mul3A_861 = arith.constant 50 : i32
          %mul3A_862 = arith.muli %scan3A_597, %mul3A_861 : i32
          %add3A_863 = arith.constant 23 : i32
          %add3A_864 = arith.addi %mul3A_862, %add3A_863 : i32
          %slice3A_865 = vector.extract_strided_slice %get3A_602 {offsets = [24], sizes = [1], strides = [1]} : vector<50xi32> to vector<1xi32>
          %squeeze3A_866 = vector.extract %slice3A_865[0] : i32 from vector<1xi32>
          %eq3A_867 = arith.constant 0 : i32
          %eq3A_868 = arith.cmpi eq, %squeeze3A_866, %eq3A_867 : i32
          %jit3A_869 = arith.constant 0.000000e+00 : f32
          %jit3A_870 = arith.constant 1.000000e+00 : f32
          %select_n3A_871 = arith.select %eq3A_868, %jit3A_869, %jit3A_870 : f32
          %mul3A_872 = arith.constant 50 : i32
          %mul3A_873 = arith.muli %scan3A_597, %mul3A_872 : i32
          %add3A_874 = arith.constant 24 : i32
          %add3A_875 = arith.addi %mul3A_873, %add3A_874 : i32
          %slice3A_876 = vector.extract_strided_slice %get3A_602 {offsets = [25], sizes = [1], strides = [1]} : vector<50xi32> to vector<1xi32>
          %squeeze3A_877 = vector.extract %slice3A_876[0] : i32 from vector<1xi32>
          %eq3A_878 = arith.constant 0 : i32
          %eq3A_879 = arith.cmpi eq, %squeeze3A_877, %eq3A_878 : i32
          %jit3A_880 = arith.constant 0.000000e+00 : f32
          %jit3A_881 = arith.constant 1.000000e+00 : f32
          %select_n3A_882 = arith.select %eq3A_879, %jit3A_880, %jit3A_881 : f32
          %mul3A_883 = arith.constant 50 : i32
          %mul3A_884 = arith.muli %scan3A_597, %mul3A_883 : i32
          %add3A_885 = arith.constant 25 : i32
          %add3A_886 = arith.addi %mul3A_884, %add3A_885 : i32
          %slice3A_887 = vector.extract_strided_slice %get3A_602 {offsets = [26], sizes = [1], strides = [1]} : vector<50xi32> to vector<1xi32>
          %squeeze3A_888 = vector.extract %slice3A_887[0] : i32 from vector<1xi32>
          %eq3A_889 = arith.constant 0 : i32
          %eq3A_890 = arith.cmpi eq, %squeeze3A_888, %eq3A_889 : i32
          %jit3A_891 = arith.constant 0.000000e+00 : f32
          %jit3A_892 = arith.constant 1.000000e+00 : f32
          %select_n3A_893 = arith.select %eq3A_890, %jit3A_891, %jit3A_892 : f32
          %mul3A_894 = arith.constant 50 : i32
          %mul3A_895 = arith.muli %scan3A_597, %mul3A_894 : i32
          %add3A_896 = arith.constant 26 : i32
          %add3A_897 = arith.addi %mul3A_895, %add3A_896 : i32
          %slice3A_898 = vector.extract_strided_slice %get3A_602 {offsets = [27], sizes = [1], strides = [1]} : vector<50xi32> to vector<1xi32>
          %squeeze3A_899 = vector.extract %slice3A_898[0] : i32 from vector<1xi32>
          %eq3A_900 = arith.constant 0 : i32
          %eq3A_901 = arith.cmpi eq, %squeeze3A_899, %eq3A_900 : i32
          %jit3A_902 = arith.constant 0.000000e+00 : f32
          %jit3A_903 = arith.constant 1.000000e+00 : f32
          %select_n3A_904 = arith.select %eq3A_901, %jit3A_902, %jit3A_903 : f32
          %mul3A_905 = arith.constant 50 : i32
          %mul3A_906 = arith.muli %scan3A_597, %mul3A_905 : i32
          %add3A_907 = arith.constant 27 : i32
          %add3A_908 = arith.addi %mul3A_906, %add3A_907 : i32
          %slice3A_909 = vector.extract_strided_slice %get3A_602 {offsets = [28], sizes = [1], strides = [1]} : vector<50xi32> to vector<1xi32>
          %squeeze3A_910 = vector.extract %slice3A_909[0] : i32 from vector<1xi32>
          %eq3A_911 = arith.constant 0 : i32
          %eq3A_912 = arith.cmpi eq, %squeeze3A_910, %eq3A_911 : i32
          %jit3A_913 = arith.constant 0.000000e+00 : f32
          %jit3A_914 = arith.constant 1.000000e+00 : f32
          %select_n3A_915 = arith.select %eq3A_912, %jit3A_913, %jit3A_914 : f32
          %mul3A_916 = arith.constant 50 : i32
          %mul3A_917 = arith.muli %scan3A_597, %mul3A_916 : i32
          %add3A_918 = arith.constant 28 : i32
          %add3A_919 = arith.addi %mul3A_917, %add3A_918 : i32
          %slice3A_920 = vector.extract_strided_slice %get3A_602 {offsets = [29], sizes = [1], strides = [1]} : vector<50xi32> to vector<1xi32>
          %squeeze3A_921 = vector.extract %slice3A_920[0] : i32 from vector<1xi32>
          %eq3A_922 = arith.constant 0 : i32
          %eq3A_923 = arith.cmpi eq, %squeeze3A_921, %eq3A_922 : i32
          %jit3A_924 = arith.constant 0.000000e+00 : f32
          %jit3A_925 = arith.constant 1.000000e+00 : f32
          %select_n3A_926 = arith.select %eq3A_923, %jit3A_924, %jit3A_925 : f32
          %mul3A_927 = arith.constant 50 : i32
          %mul3A_928 = arith.muli %scan3A_597, %mul3A_927 : i32
          %add3A_929 = arith.constant 29 : i32
          %add3A_930 = arith.addi %mul3A_928, %add3A_929 : i32
          %slice3A_931 = vector.extract_strided_slice %get3A_602 {offsets = [30], sizes = [1], strides = [1]} : vector<50xi32> to vector<1xi32>
          %squeeze3A_932 = vector.extract %slice3A_931[0] : i32 from vector<1xi32>
          %eq3A_933 = arith.constant 0 : i32
          %eq3A_934 = arith.cmpi eq, %squeeze3A_932, %eq3A_933 : i32
          %jit3A_935 = arith.constant 0.000000e+00 : f32
          %jit3A_936 = arith.constant 1.000000e+00 : f32
          %select_n3A_937 = arith.select %eq3A_934, %jit3A_935, %jit3A_936 : f32
          %mul3A_938 = arith.constant 50 : i32
          %mul3A_939 = arith.muli %scan3A_597, %mul3A_938 : i32
          %add3A_940 = arith.constant 30 : i32
          %add3A_941 = arith.addi %mul3A_939, %add3A_940 : i32
          %slice3A_942 = vector.extract_strided_slice %get3A_602 {offsets = [31], sizes = [1], strides = [1]} : vector<50xi32> to vector<1xi32>
          %squeeze3A_943 = vector.extract %slice3A_942[0] : i32 from vector<1xi32>
          %eq3A_944 = arith.constant 0 : i32
          %eq3A_945 = arith.cmpi eq, %squeeze3A_943, %eq3A_944 : i32
          %jit3A_946 = arith.constant 0.000000e+00 : f32
          %jit3A_947 = arith.constant 1.000000e+00 : f32
          %select_n3A_948 = arith.select %eq3A_945, %jit3A_946, %jit3A_947 : f32
          %mul3A_949 = arith.constant 50 : i32
          %mul3A_950 = arith.muli %scan3A_597, %mul3A_949 : i32
          %add3A_951 = arith.constant 31 : i32
          %add3A_952 = arith.addi %mul3A_950, %add3A_951 : i32
          %slice3A_953 = vector.extract_strided_slice %get3A_602 {offsets = [32], sizes = [1], strides = [1]} : vector<50xi32> to vector<1xi32>
          %squeeze3A_954 = vector.extract %slice3A_953[0] : i32 from vector<1xi32>
          %eq3A_955 = arith.constant 0 : i32
          %eq3A_956 = arith.cmpi eq, %squeeze3A_954, %eq3A_955 : i32
          %jit3A_957 = arith.constant 0.000000e+00 : f32
          %jit3A_958 = arith.constant 1.000000e+00 : f32
          %select_n3A_959 = arith.select %eq3A_956, %jit3A_957, %jit3A_958 : f32
          %mul3A_960 = arith.constant 50 : i32
          %mul3A_961 = arith.muli %scan3A_597, %mul3A_960 : i32
          %add3A_962 = arith.constant 32 : i32
          %add3A_963 = arith.addi %mul3A_961, %add3A_962 : i32
          %slice3A_964 = vector.extract_strided_slice %get3A_602 {offsets = [33], sizes = [1], strides = [1]} : vector<50xi32> to vector<1xi32>
          %squeeze3A_965 = vector.extract %slice3A_964[0] : i32 from vector<1xi32>
          %eq3A_966 = arith.constant 0 : i32
          %eq3A_967 = arith.cmpi eq, %squeeze3A_965, %eq3A_966 : i32
          %jit3A_968 = arith.constant 0.000000e+00 : f32
          %jit3A_969 = arith.constant 1.000000e+00 : f32
          %select_n3A_970 = arith.select %eq3A_967, %jit3A_968, %jit3A_969 : f32
          %mul3A_971 = arith.constant 50 : i32
          %mul3A_972 = arith.muli %scan3A_597, %mul3A_971 : i32
          %add3A_973 = arith.constant 33 : i32
          %add3A_974 = arith.addi %mul3A_972, %add3A_973 : i32
          %slice3A_975 = vector.extract_strided_slice %get3A_602 {offsets = [34], sizes = [1], strides = [1]} : vector<50xi32> to vector<1xi32>
          %squeeze3A_976 = vector.extract %slice3A_975[0] : i32 from vector<1xi32>
          %eq3A_977 = arith.constant 0 : i32
          %eq3A_978 = arith.cmpi eq, %squeeze3A_976, %eq3A_977 : i32
          %jit3A_979 = arith.constant 0.000000e+00 : f32
          %jit3A_980 = arith.constant 1.000000e+00 : f32
          %select_n3A_981 = arith.select %eq3A_978, %jit3A_979, %jit3A_980 : f32
          %mul3A_982 = arith.constant 50 : i32
          %mul3A_983 = arith.muli %scan3A_597, %mul3A_982 : i32
          %add3A_984 = arith.constant 34 : i32
          %add3A_985 = arith.addi %mul3A_983, %add3A_984 : i32
          %slice3A_986 = vector.extract_strided_slice %get3A_602 {offsets = [35], sizes = [1], strides = [1]} : vector<50xi32> to vector<1xi32>
          %squeeze3A_987 = vector.extract %slice3A_986[0] : i32 from vector<1xi32>
          %eq3A_988 = arith.constant 0 : i32
          %eq3A_989 = arith.cmpi eq, %squeeze3A_987, %eq3A_988 : i32
          %jit3A_990 = arith.constant 0.000000e+00 : f32
          %jit3A_991 = arith.constant 1.000000e+00 : f32
          %select_n3A_992 = arith.select %eq3A_989, %jit3A_990, %jit3A_991 : f32
          %mul3A_993 = arith.constant 50 : i32
          %mul3A_994 = arith.muli %scan3A_597, %mul3A_993 : i32
          %add3A_995 = arith.constant 35 : i32
          %add3A_996 = arith.addi %mul3A_994, %add3A_995 : i32
          %slice3A_997 = vector.extract_strided_slice %get3A_602 {offsets = [36], sizes = [1], strides = [1]} : vector<50xi32> to vector<1xi32>
          %squeeze3A_998 = vector.extract %slice3A_997[0] : i32 from vector<1xi32>
          %eq3A_999 = arith.constant 0 : i32
          %eq3A_1000 = arith.cmpi eq, %squeeze3A_998, %eq3A_999 : i32
          %jit3A_1001 = arith.constant 0.000000e+00 : f32
          %jit3A_1002 = arith.constant 1.000000e+00 : f32
          %select_n3A_1003 = arith.select %eq3A_1000, %jit3A_1001, %jit3A_1002 : f32
          %mul3A_1004 = arith.constant 50 : i32
          %mul3A_1005 = arith.muli %scan3A_597, %mul3A_1004 : i32
          %add3A_1006 = arith.constant 36 : i32
          %add3A_1007 = arith.addi %mul3A_1005, %add3A_1006 : i32
          %slice3A_1008 = vector.extract_strided_slice %get3A_602 {offsets = [37], sizes = [1], strides = [1]} : vector<50xi32> to vector<1xi32>
          %squeeze3A_1009 = vector.extract %slice3A_1008[0] : i32 from vector<1xi32>
          %eq3A_1010 = arith.constant 0 : i32
          %eq3A_1011 = arith.cmpi eq, %squeeze3A_1009, %eq3A_1010 : i32
          %jit3A_1012 = arith.constant 0.000000e+00 : f32
          %jit3A_1013 = arith.constant 1.000000e+00 : f32
          %select_n3A_1014 = arith.select %eq3A_1011, %jit3A_1012, %jit3A_1013 : f32
          %mul3A_1015 = arith.constant 50 : i32
          %mul3A_1016 = arith.muli %scan3A_597, %mul3A_1015 : i32
          %add3A_1017 = arith.constant 37 : i32
          %add3A_1018 = arith.addi %mul3A_1016, %add3A_1017 : i32
          %slice3A_1019 = vector.extract_strided_slice %get3A_602 {offsets = [38], sizes = [1], strides = [1]} : vector<50xi32> to vector<1xi32>
          %squeeze3A_1020 = vector.extract %slice3A_1019[0] : i32 from vector<1xi32>
          %eq3A_1021 = arith.constant 0 : i32
          %eq3A_1022 = arith.cmpi eq, %squeeze3A_1020, %eq3A_1021 : i32
          %jit3A_1023 = arith.constant 0.000000e+00 : f32
          %jit3A_1024 = arith.constant 1.000000e+00 : f32
          %select_n3A_1025 = arith.select %eq3A_1022, %jit3A_1023, %jit3A_1024 : f32
          %mul3A_1026 = arith.constant 50 : i32
          %mul3A_1027 = arith.muli %scan3A_597, %mul3A_1026 : i32
          %add3A_1028 = arith.constant 38 : i32
          %add3A_1029 = arith.addi %mul3A_1027, %add3A_1028 : i32
          %slice3A_1030 = vector.extract_strided_slice %get3A_602 {offsets = [39], sizes = [1], strides = [1]} : vector<50xi32> to vector<1xi32>
          %squeeze3A_1031 = vector.extract %slice3A_1030[0] : i32 from vector<1xi32>
          %eq3A_1032 = arith.constant 0 : i32
          %eq3A_1033 = arith.cmpi eq, %squeeze3A_1031, %eq3A_1032 : i32
          %jit3A_1034 = arith.constant 0.000000e+00 : f32
          %jit3A_1035 = arith.constant 1.000000e+00 : f32
          %select_n3A_1036 = arith.select %eq3A_1033, %jit3A_1034, %jit3A_1035 : f32
          %mul3A_1037 = arith.constant 50 : i32
          %mul3A_1038 = arith.muli %scan3A_597, %mul3A_1037 : i32
          %add3A_1039 = arith.constant 39 : i32
          %add3A_1040 = arith.addi %mul3A_1038, %add3A_1039 : i32
          %slice3A_1041 = vector.extract_strided_slice %get3A_602 {offsets = [40], sizes = [1], strides = [1]} : vector<50xi32> to vector<1xi32>
          %squeeze3A_1042 = vector.extract %slice3A_1041[0] : i32 from vector<1xi32>
          %eq3A_1043 = arith.constant 0 : i32
          %eq3A_1044 = arith.cmpi eq, %squeeze3A_1042, %eq3A_1043 : i32
          %jit3A_1045 = arith.constant 0.000000e+00 : f32
          %jit3A_1046 = arith.constant 1.000000e+00 : f32
          %select_n3A_1047 = arith.select %eq3A_1044, %jit3A_1045, %jit3A_1046 : f32
          %mul3A_1048 = arith.constant 50 : i32
          %mul3A_1049 = arith.muli %scan3A_597, %mul3A_1048 : i32
          %add3A_1050 = arith.constant 40 : i32
          %add3A_1051 = arith.addi %mul3A_1049, %add3A_1050 : i32
          %slice3A_1052 = vector.extract_strided_slice %get3A_602 {offsets = [41], sizes = [1], strides = [1]} : vector<50xi32> to vector<1xi32>
          %squeeze3A_1053 = vector.extract %slice3A_1052[0] : i32 from vector<1xi32>
          %eq3A_1054 = arith.constant 0 : i32
          %eq3A_1055 = arith.cmpi eq, %squeeze3A_1053, %eq3A_1054 : i32
          %jit3A_1056 = arith.constant 0.000000e+00 : f32
          %jit3A_1057 = arith.constant 1.000000e+00 : f32
          %select_n3A_1058 = arith.select %eq3A_1055, %jit3A_1056, %jit3A_1057 : f32
          %mul3A_1059 = arith.constant 50 : i32
          %mul3A_1060 = arith.muli %scan3A_597, %mul3A_1059 : i32
          %add3A_1061 = arith.constant 41 : i32
          %add3A_1062 = arith.addi %mul3A_1060, %add3A_1061 : i32
          %slice3A_1063 = vector.extract_strided_slice %get3A_602 {offsets = [42], sizes = [1], strides = [1]} : vector<50xi32> to vector<1xi32>
          %squeeze3A_1064 = vector.extract %slice3A_1063[0] : i32 from vector<1xi32>
          %eq3A_1065 = arith.constant 0 : i32
          %eq3A_1066 = arith.cmpi eq, %squeeze3A_1064, %eq3A_1065 : i32
          %jit3A_1067 = arith.constant 0.000000e+00 : f32
          %jit3A_1068 = arith.constant 1.000000e+00 : f32
          %select_n3A_1069 = arith.select %eq3A_1066, %jit3A_1067, %jit3A_1068 : f32
          %mul3A_1070 = arith.constant 50 : i32
          %mul3A_1071 = arith.muli %scan3A_597, %mul3A_1070 : i32
          %add3A_1072 = arith.constant 42 : i32
          %add3A_1073 = arith.addi %mul3A_1071, %add3A_1072 : i32
          %slice3A_1074 = vector.extract_strided_slice %get3A_602 {offsets = [43], sizes = [1], strides = [1]} : vector<50xi32> to vector<1xi32>
          %squeeze3A_1075 = vector.extract %slice3A_1074[0] : i32 from vector<1xi32>
          %eq3A_1076 = arith.constant 0 : i32
          %eq3A_1077 = arith.cmpi eq, %squeeze3A_1075, %eq3A_1076 : i32
          %jit3A_1078 = arith.constant 0.000000e+00 : f32
          %jit3A_1079 = arith.constant 1.000000e+00 : f32
          %select_n3A_1080 = arith.select %eq3A_1077, %jit3A_1078, %jit3A_1079 : f32
          %mul3A_1081 = arith.constant 50 : i32
          %mul3A_1082 = arith.muli %scan3A_597, %mul3A_1081 : i32
          %add3A_1083 = arith.constant 43 : i32
          %add3A_1084 = arith.addi %mul3A_1082, %add3A_1083 : i32
          %slice3A_1085 = vector.extract_strided_slice %get3A_602 {offsets = [44], sizes = [1], strides = [1]} : vector<50xi32> to vector<1xi32>
          %squeeze3A_1086 = vector.extract %slice3A_1085[0] : i32 from vector<1xi32>
          %eq3A_1087 = arith.constant 0 : i32
          %eq3A_1088 = arith.cmpi eq, %squeeze3A_1086, %eq3A_1087 : i32
          %jit3A_1089 = arith.constant 0.000000e+00 : f32
          %jit3A_1090 = arith.constant 1.000000e+00 : f32
          %select_n3A_1091 = arith.select %eq3A_1088, %jit3A_1089, %jit3A_1090 : f32
          %mul3A_1092 = arith.constant 50 : i32
          %mul3A_1093 = arith.muli %scan3A_597, %mul3A_1092 : i32
          %add3A_1094 = arith.constant 44 : i32
          %add3A_1095 = arith.addi %mul3A_1093, %add3A_1094 : i32
          %slice3A_1096 = vector.extract_strided_slice %get3A_602 {offsets = [45], sizes = [1], strides = [1]} : vector<50xi32> to vector<1xi32>
          %squeeze3A_1097 = vector.extract %slice3A_1096[0] : i32 from vector<1xi32>
          %eq3A_1098 = arith.constant 0 : i32
          %eq3A_1099 = arith.cmpi eq, %squeeze3A_1097, %eq3A_1098 : i32
          %jit3A_1100 = arith.constant 0.000000e+00 : f32
          %jit3A_1101 = arith.constant 1.000000e+00 : f32
          %select_n3A_1102 = arith.select %eq3A_1099, %jit3A_1100, %jit3A_1101 : f32
          %mul3A_1103 = arith.constant 50 : i32
          %mul3A_1104 = arith.muli %scan3A_597, %mul3A_1103 : i32
          %add3A_1105 = arith.constant 45 : i32
          %add3A_1106 = arith.addi %mul3A_1104, %add3A_1105 : i32
          %slice3A_1107 = vector.extract_strided_slice %get3A_602 {offsets = [46], sizes = [1], strides = [1]} : vector<50xi32> to vector<1xi32>
          %squeeze3A_1108 = vector.extract %slice3A_1107[0] : i32 from vector<1xi32>
          %eq3A_1109 = arith.constant 0 : i32
          %eq3A_1110 = arith.cmpi eq, %squeeze3A_1108, %eq3A_1109 : i32
          %jit3A_1111 = arith.constant 0.000000e+00 : f32
          %jit3A_1112 = arith.constant 1.000000e+00 : f32
          %select_n3A_1113 = arith.select %eq3A_1110, %jit3A_1111, %jit3A_1112 : f32
          %mul3A_1114 = arith.constant 50 : i32
          %mul3A_1115 = arith.muli %scan3A_597, %mul3A_1114 : i32
          %add3A_1116 = arith.constant 46 : i32
          %add3A_1117 = arith.addi %mul3A_1115, %add3A_1116 : i32
          %slice3A_1118 = vector.extract_strided_slice %get3A_602 {offsets = [47], sizes = [1], strides = [1]} : vector<50xi32> to vector<1xi32>
          %squeeze3A_1119 = vector.extract %slice3A_1118[0] : i32 from vector<1xi32>
          %eq3A_1120 = arith.constant 0 : i32
          %eq3A_1121 = arith.cmpi eq, %squeeze3A_1119, %eq3A_1120 : i32
          %jit3A_1122 = arith.constant 0.000000e+00 : f32
          %jit3A_1123 = arith.constant 1.000000e+00 : f32
          %select_n3A_1124 = arith.select %eq3A_1121, %jit3A_1122, %jit3A_1123 : f32
          %mul3A_1125 = arith.constant 50 : i32
          %mul3A_1126 = arith.muli %scan3A_597, %mul3A_1125 : i32
          %add3A_1127 = arith.constant 47 : i32
          %add3A_1128 = arith.addi %mul3A_1126, %add3A_1127 : i32
          %slice3A_1129 = vector.extract_strided_slice %get3A_602 {offsets = [48], sizes = [1], strides = [1]} : vector<50xi32> to vector<1xi32>
          %squeeze3A_1130 = vector.extract %slice3A_1129[0] : i32 from vector<1xi32>
          %eq3A_1131 = arith.constant 0 : i32
          %eq3A_1132 = arith.cmpi eq, %squeeze3A_1130, %eq3A_1131 : i32
          %jit3A_1133 = arith.constant 0.000000e+00 : f32
          %jit3A_1134 = arith.constant 1.000000e+00 : f32
          %select_n3A_1135 = arith.select %eq3A_1132, %jit3A_1133, %jit3A_1134 : f32
          %mul3A_1136 = arith.constant 50 : i32
          %mul3A_1137 = arith.muli %scan3A_597, %mul3A_1136 : i32
          %add3A_1138 = arith.constant 48 : i32
          %add3A_1139 = arith.addi %mul3A_1137, %add3A_1138 : i32
          %slice3A_1140 = vector.extract_strided_slice %get3A_602 {offsets = [49], sizes = [1], strides = [1]} : vector<50xi32> to vector<1xi32>
          %squeeze3A_1141 = vector.extract %slice3A_1140[0] : i32 from vector<1xi32>
          %eq3A_1142 = arith.constant 0 : i32
          %eq3A_1143 = arith.cmpi eq, %squeeze3A_1141, %eq3A_1142 : i32
          %jit3A_1144 = arith.constant 0.000000e+00 : f32
          %jit3A_1145 = arith.constant 1.000000e+00 : f32
          %select_n3A_1146 = arith.select %eq3A_1143, %jit3A_1144, %jit3A_1145 : f32
          %mul3A_1147 = arith.constant 50 : i32
          %mul3A_1148 = arith.muli %scan3A_597, %mul3A_1147 : i32
          %add3A_1149 = arith.constant 49 : i32
          %add3A_1150 = arith.addi %mul3A_1148, %add3A_1149 : i32
        }
        %scan3A_596 = arith.constant 32 : i32
      } else {
      }
      %dma_start3A_326 = arith.constant 0 : i32
      %dma_start3A_327 = arith.constant 0 : i32
      %dma_start3A_328 = arith.constant 0 : i32
      %dma_start3A_329 = arith.constant 0 : i32
      %dma_start3A_330 = tpu.memref_slice %arg6[%dma_start3A_326, %dma_start3A_328, %dma_start3A_329] : memref<2x512x32xf32, #tpu.memory_space<vmem>> -> memref<1x512x32xf32, #tpu.memory_space<vmem>>
      %dma_start3A_331 = tpu.memref_squeeze %dma_start3A_330 : memref<1x512x32xf32, #tpu.memory_space<vmem>> -> memref<512x32xf32, #tpu.memory_space<vmem>>
      %dma_start3A_332 = arith.constant 0 : i32
      %dma_start3A_333 = tpu.memref_slice %arg4[%add3A_108, %mul3A_2, %dma_start3A_332] : memref<50x16384x32xf32, #tpu.memory_space<hbm>> -> memref<1x512x32xf32, #tpu.memory_space<hbm>>
      %dma_start3A_334 = tpu.memref_squeeze %dma_start3A_333 : memref<1x512x32xf32, #tpu.memory_space<hbm>> -> memref<512x32xf32, #tpu.memory_space<hbm>>
      %dma_start3A_335 = tpu.memref_slice %arg8[%dma_start3A_327] : memref<2x!tpu.dma_semaphore, #tpu.memory_space<semaphore_mem>> -> memref<1x!tpu.dma_semaphore, #tpu.memory_space<semaphore_mem>>
      %dma_start3A_336 = tpu.memref_squeeze %dma_start3A_335 : memref<1x!tpu.dma_semaphore, #tpu.memory_space<semaphore_mem>> -> memref<!tpu.dma_semaphore, #tpu.memory_space<semaphore_mem>>
      %dma_start3A_337 = arith.constant 0 : i32
      %dma_start3A_338 = tpu.memref_slice %arg4[%add3A_108, %mul3A_2, %dma_start3A_337] : memref<50x16384x32xf32, #tpu.memory_space<hbm>> -> memref<1x512x32xf32, #tpu.memory_space<hbm>>
      %dma_start3A_339 = tpu.memref_squeeze %dma_start3A_338 : memref<1x512x32xf32, #tpu.memory_space<hbm>> -> memref<512x32xf32, #tpu.memory_space<hbm>>
      %dma_start3A_340 = arith.constant 0 : i32
      %dma_start3A_341 = arith.constant 0 : i32
      %dma_start3A_342 = tpu.memref_slice %arg6[%dma_start3A_326, %dma_start3A_340, %dma_start3A_341] : memref<2x512x32xf32, #tpu.memory_space<vmem>> -> memref<1x512x32xf32, #tpu.memory_space<vmem>>
      %dma_start3A_343 = tpu.memref_squeeze %dma_start3A_342 : memref<1x512x32xf32, #tpu.memory_space<vmem>> -> memref<512x32xf32, #tpu.memory_space<vmem>>
      tpu.enqueue_dma source(%dma_start3A_343 : memref<512x32xf32, #tpu.memory_space<vmem>>) target(%dma_start3A_339 : memref<512x32xf32, #tpu.memory_space<hbm>>) target_semaphore(%dma_start3A_336 : memref<!tpu.dma_semaphore, #tpu.memory_space<semaphore_mem>>)
      %mul3A_344 = arith.constant 2 : i32
      %mul3A_345 = arith.muli %mul3A_344, %scan3A_104 : i32
      %add3A_346 = arith.constant 1 : i32
      %add3A_347 = arith.addi %mul3A_345, %add3A_346 : i32
      %add3A_348 = arith.constant 1 : i32
      %add3A_349 = arith.addi %add3A_347, %add3A_348 : i32
      %lt3A_350 = arith.constant 50 : i32
      %lt3A_351 = arith.cmpi slt, %add3A_349, %lt3A_350 : i32
      %convert_element_type3A_352 = arith.extui %lt3A_351 : i1 to i32
      %cond3A_353 = arith.constant 0 : i32
      %cond3A_354 = arith.cmpi ne, %convert_element_type3A_352, %cond3A_353 : i32
      scf.if %cond3A_354 {
        %ge3A = arith.constant 1 : i32
        %ge3A_591 = arith.cmpi sge, %add3A_347, %ge3A : i32
        %convert_element_type3A_592 = arith.extui %ge3A_591 : i1 to i32
        %cond3A_593 = arith.constant 0 : i32
        %cond3A_594 = arith.cmpi ne, %convert_element_type3A_592, %cond3A_593 : i32
        scf.if %cond3A_594 {
          %sub3A = arith.constant 1 : i32
          %sub3A_653 = arith.subi %add3A_347, %sub3A : i32
          %dma_wait3A_654 = arith.constant 0 : i32
          %dma_wait3A_655 = arith.constant 0 : i32
          %dma_wait3A_656 = arith.constant 0 : i32
          %dma_wait3A_657 = arith.constant 0 : i32
          %dma_wait3A_658 = tpu.memref_slice %arg6[%dma_wait3A_654, %dma_wait3A_656, %dma_wait3A_657] : memref<2x512x32xf32, #tpu.memory_space<vmem>> -> memref<1x512x32xf32, #tpu.memory_space<vmem>>
          %dma_wait3A_659 = tpu.memref_squeeze %dma_wait3A_658 : memref<1x512x32xf32, #tpu.memory_space<vmem>> -> memref<512x32xf32, #tpu.memory_space<vmem>>
          %dma_wait3A_660 = arith.constant 0 : i32
          %dma_wait3A_661 = tpu.memref_slice %arg4[%sub3A_653, %mul3A_2, %dma_wait3A_660] : memref<50x16384x32xf32, #tpu.memory_space<hbm>> -> memref<1x512x32xf32, #tpu.memory_space<hbm>>
          %dma_wait3A_662 = tpu.memref_squeeze %dma_wait3A_661 : memref<1x512x32xf32, #tpu.memory_space<hbm>> -> memref<512x32xf32, #tpu.memory_space<hbm>>
          %dma_wait3A_663 = tpu.memref_slice %arg8[%dma_wait3A_655] : memref<2x!tpu.dma_semaphore, #tpu.memory_space<semaphore_mem>> -> memref<1x!tpu.dma_semaphore, #tpu.memory_space<semaphore_mem>>
          %dma_wait3A_664 = tpu.memref_squeeze %dma_wait3A_663 : memref<1x!tpu.dma_semaphore, #tpu.memory_space<semaphore_mem>> -> memref<!tpu.dma_semaphore, #tpu.memory_space<semaphore_mem>>
          %dma_wait3A_665 = arith.constant 0 : i32
          %dma_wait3A_666 = tpu.memref_slice %arg4[%sub3A_653, %mul3A_2, %dma_wait3A_665] : memref<50x16384x32xf32, #tpu.memory_space<hbm>> -> memref<1x512x32xf32, #tpu.memory_space<hbm>>
          %dma_wait3A_667 = tpu.memref_squeeze %dma_wait3A_666 : memref<1x512x32xf32, #tpu.memory_space<hbm>> -> memref<512x32xf32, #tpu.memory_space<hbm>>
          %dma_wait3A_668 = arith.constant 0 : i32
          %dma_wait3A_669 = arith.constant 0 : i32
          %dma_wait3A_670 = tpu.memref_slice %arg6[%dma_wait3A_654, %dma_wait3A_668, %dma_wait3A_669] : memref<2x512x32xf32, #tpu.memory_space<vmem>> -> memref<1x512x32xf32, #tpu.memory_space<vmem>>
          %dma_wait3A_671 = tpu.memref_squeeze %dma_wait3A_670 : memref<1x512x32xf32, #tpu.memory_space<vmem>> -> memref<512x32xf32, #tpu.memory_space<vmem>>
          tpu.wait_dma2 semaphore(%dma_wait3A_664 : memref<!tpu.dma_semaphore, #tpu.memory_space<semaphore_mem>>) src(%dma_wait3A_671 : memref<512x32xf32, #tpu.memory_space<vmem>>) dst(%dma_wait3A_667 : memref<512x32xf32, #tpu.memory_space<hbm>>)
        } else {
        }
        %add3A_595 = arith.constant 1 : i32
        %add3A_596 = arith.addi %add3A_347, %add3A_595 : i32
        %dma_start3A_597 = arith.constant 0 : i32
        %dma_start3A_598 = arith.constant 0 : i32
        %dma_start3A_599 = arith.constant 0 : i32
        %dma_start3A_600 = arith.constant 0 : i32
        %dma_start3A_601 = tpu.memref_slice %arg6[%dma_start3A_597, %dma_start3A_599, %dma_start3A_600] : memref<2x512x32xf32, #tpu.memory_space<vmem>> -> memref<1x128x32xf32, #tpu.memory_space<vmem>>
        %dma_start3A_602 = tpu.memref_squeeze %dma_start3A_601 : memref<1x128x32xf32, #tpu.memory_space<vmem>> -> memref<128x32xf32, #tpu.memory_space<vmem>>
        %dma_start3A_603 = arith.constant 0 : i32
        %dma_start3A_604 = tpu.memref_slice %arg5[%add3A_596, %dma_start3A_603] : memref<50x512xi32, #tpu.memory_space<vmem>> -> memref<1x128xi32, #tpu.memory_space<vmem>>
        %dma_start3A_605 = tpu.memref_squeeze %dma_start3A_604 : memref<1x128xi32, #tpu.memory_space<vmem>> -> memref<128xi32, #tpu.memory_space<vmem>>
        %dma_start3A_606 = arith.constant 0 : i32
        %dma_start3A_607 = arith.constant 0 : i32
        %dma_start3A_608 = tpu.memref_slice %arg2[%dma_start3A_606, %dma_start3A_607] : memref<1000000x32xf32, #tpu.memory_space<hbm>> -> memref<1000000x32xf32, #tpu.memory_space<hbm>>
        %dma_start3A_609 = tpu.memref_slice %arg7[%dma_start3A_598] : memref<2x!tpu.dma_semaphore, #tpu.memory_space<semaphore_mem>> -> memref<1x!tpu.dma_semaphore, #tpu.memory_space<semaphore_mem>>
        %dma_start3A_610 = tpu.memref_squeeze %dma_start3A_609 : memref<1x!tpu.dma_semaphore, #tpu.memory_space<semaphore_mem>> -> memref<!tpu.dma_semaphore, #tpu.memory_space<semaphore_mem>>
        tpu.enqueue_indirect_dma source(%dma_start3A_608 : memref<1000000x32xf32, #tpu.memory_space<hbm>>) target(%dma_start3A_602 : memref<128x32xf32, #tpu.memory_space<vmem>>) offsets(%dma_start3A_605 : memref<128xi32, #tpu.memory_space<vmem>>) semaphore(%dma_start3A_610 : memref<!tpu.dma_semaphore, #tpu.memory_space<semaphore_mem>>)
        %dma_start3A_611 = arith.constant 0 : i32
        %dma_start3A_612 = arith.constant 0 : i32
        %dma_start3A_613 = arith.constant 128 : i32
        %dma_start3A_614 = arith.constant 0 : i32
        %dma_start3A_615 = tpu.memref_slice %arg6[%dma_start3A_611, %dma_start3A_613, %dma_start3A_614] : memref<2x512x32xf32, #tpu.memory_space<vmem>> -> memref<1x128x32xf32, #tpu.memory_space<vmem>>
        %dma_start3A_616 = tpu.memref_squeeze %dma_start3A_615 : memref<1x128x32xf32, #tpu.memory_space<vmem>> -> memref<128x32xf32, #tpu.memory_space<vmem>>
        %dma_start3A_617 = arith.constant 128 : i32
        %dma_start3A_618 = tpu.memref_slice %arg5[%add3A_596, %dma_start3A_617] : memref<50x512xi32, #tpu.memory_space<vmem>> -> memref<1x128xi32, #tpu.memory_space<vmem>>
        %dma_start3A_619 = tpu.memref_squeeze %dma_start3A_618 : memref<1x128xi32, #tpu.memory_space<vmem>> -> memref<128xi32, #tpu.memory_space<vmem>>
        %dma_start3A_620 = arith.constant 0 : i32
        %dma_start3A_621 = arith.constant 0 : i32
        %dma_start3A_622 = tpu.memref_slice %arg2[%dma_start3A_620, %dma_start3A_621] : memref<1000000x32xf32, #tpu.memory_space<hbm>> -> memref<1000000x32xf32, #tpu.memory_space<hbm>>
        %dma_start3A_623 = tpu.memref_slice %arg7[%dma_start3A_612] : memref<2x!tpu.dma_semaphore, #tpu.memory_space<semaphore_mem>> -> memref<1x!tpu.dma_semaphore, #tpu.memory_space<semaphore_mem>>
        %dma_start3A_624 = tpu.memref_squeeze %dma_start3A_623 : memref<1x!tpu.dma_semaphore, #tpu.memory_space<semaphore_mem>> -> memref<!tpu.dma_semaphore, #tpu.memory_space<semaphore_mem>>
        tpu.enqueue_indirect_dma source(%dma_start3A_622 : memref<1000000x32xf32, #tpu.memory_space<hbm>>) target(%dma_start3A_616 : memref<128x32xf32, #tpu.memory_space<vmem>>) offsets(%dma_start3A_619 : memref<128xi32, #tpu.memory_space<vmem>>) semaphore(%dma_start3A_624 : memref<!tpu.dma_semaphore, #tpu.memory_space<semaphore_mem>>)
        %dma_start3A_625 = arith.constant 0 : i32
        %dma_start3A_626 = arith.constant 0 : i32
        %dma_start3A_627 = arith.constant 256 : i32
        %dma_start3A_628 = arith.constant 0 : i32
        %dma_start3A_629 = tpu.memref_slice %arg6[%dma_start3A_625, %dma_start3A_627, %dma_start3A_628] : memref<2x512x32xf32, #tpu.memory_space<vmem>> -> memref<1x128x32xf32, #tpu.memory_space<vmem>>
        %dma_start3A_630 = tpu.memref_squeeze %dma_start3A_629 : memref<1x128x32xf32, #tpu.memory_space<vmem>> -> memref<128x32xf32, #tpu.memory_space<vmem>>
        %dma_start3A_631 = arith.constant 256 : i32
        %dma_start3A_632 = tpu.memref_slice %arg5[%add3A_596, %dma_start3A_631] : memref<50x512xi32, #tpu.memory_space<vmem>> -> memref<1x128xi32, #tpu.memory_space<vmem>>
        %dma_start3A_633 = tpu.memref_squeeze %dma_start3A_632 : memref<1x128xi32, #tpu.memory_space<vmem>> -> memref<128xi32, #tpu.memory_space<vmem>>
        %dma_start3A_634 = arith.constant 0 : i32
        %dma_start3A_635 = arith.constant 0 : i32
        %dma_start3A_636 = tpu.memref_slice %arg2[%dma_start3A_634, %dma_start3A_635] : memref<1000000x32xf32, #tpu.memory_space<hbm>> -> memref<1000000x32xf32, #tpu.memory_space<hbm>>
        %dma_start3A_637 = tpu.memref_slice %arg7[%dma_start3A_626] : memref<2x!tpu.dma_semaphore, #tpu.memory_space<semaphore_mem>> -> memref<1x!tpu.dma_semaphore, #tpu.memory_space<semaphore_mem>>
        %dma_start3A_638 = tpu.memref_squeeze %dma_start3A_637 : memref<1x!tpu.dma_semaphore, #tpu.memory_space<semaphore_mem>> -> memref<!tpu.dma_semaphore, #tpu.memory_space<semaphore_mem>>
        tpu.enqueue_indirect_dma source(%dma_start3A_636 : memref<1000000x32xf32, #tpu.memory_space<hbm>>) target(%dma_start3A_630 : memref<128x32xf32, #tpu.memory_space<vmem>>) offsets(%dma_start3A_633 : memref<128xi32, #tpu.memory_space<vmem>>) semaphore(%dma_start3A_638 : memref<!tpu.dma_semaphore, #tpu.memory_space<semaphore_mem>>)
        %dma_start3A_639 = arith.constant 0 : i32
        %dma_start3A_640 = arith.constant 0 : i32
        %dma_start3A_641 = arith.constant 384 : i32
        %dma_start3A_642 = arith.constant 0 : i32
        %dma_start3A_643 = tpu.memref_slice %arg6[%dma_start3A_639, %dma_start3A_641, %dma_start3A_642] : memref<2x512x32xf32, #tpu.memory_space<vmem>> -> memref<1x128x32xf32, #tpu.memory_space<vmem>>
        %dma_start3A_644 = tpu.memref_squeeze %dma_start3A_643 : memref<1x128x32xf32, #tpu.memory_space<vmem>> -> memref<128x32xf32, #tpu.memory_space<vmem>>
        %dma_start3A_645 = arith.constant 384 : i32
        %dma_start3A_646 = tpu.memref_slice %arg5[%add3A_596, %dma_start3A_645] : memref<50x512xi32, #tpu.memory_space<vmem>> -> memref<1x128xi32, #tpu.memory_space<vmem>>
        %dma_start3A_647 = tpu.memref_squeeze %dma_start3A_646 : memref<1x128xi32, #tpu.memory_space<vmem>> -> memref<128xi32, #tpu.memory_space<vmem>>
        %dma_start3A_648 = arith.constant 0 : i32
        %dma_start3A_649 = arith.constant 0 : i32
        %dma_start3A_650 = tpu.memref_slice %arg2[%dma_start3A_648, %dma_start3A_649] : memref<1000000x32xf32, #tpu.memory_space<hbm>> -> memref<1000000x32xf32, #tpu.memory_space<hbm>>
        %dma_start3A_651 = tpu.memref_slice %arg7[%dma_start3A_640] : memref<2x!tpu.dma_semaphore, #tpu.memory_space<semaphore_mem>> -> memref<1x!tpu.dma_semaphore, #tpu.memory_space<semaphore_mem>>
        %dma_start3A_652 = tpu.memref_squeeze %dma_start3A_651 : memref<1x!tpu.dma_semaphore, #tpu.memory_space<semaphore_mem>> -> memref<!tpu.dma_semaphore, #tpu.memory_space<semaphore_mem>>
        tpu.enqueue_indirect_dma source(%dma_start3A_650 : memref<1000000x32xf32, #tpu.memory_space<hbm>>) target(%dma_start3A_644 : memref<128x32xf32, #tpu.memory_space<vmem>>) offsets(%dma_start3A_647 : memref<128xi32, #tpu.memory_space<vmem>>) semaphore(%dma_start3A_652 : memref<!tpu.dma_semaphore, #tpu.memory_space<semaphore_mem>>)
      } else {
      }
      %dma_wait3A_355 = arith.constant 1 : i32
      %dma_wait3A_356 = arith.constant 1 : i32
      %dma_wait3A_357 = arith.constant 0 : i32
      %dma_wait3A_358 = arith.constant 0 : i32
      %dma_wait3A_359 = tpu.memref_slice %arg6[%dma_wait3A_355, %dma_wait3A_357, %dma_wait3A_358] : memref<2x512x32xf32, #tpu.memory_space<vmem>> -> memref<1x128x32xf32, #tpu.memory_space<vmem>>
      %dma_wait3A_360 = tpu.memref_squeeze %dma_wait3A_359 : memref<1x128x32xf32, #tpu.memory_space<vmem>> -> memref<128x32xf32, #tpu.memory_space<vmem>>
      %dma_wait3A_361 = arith.constant 0 : i32
      %dma_wait3A_362 = tpu.memref_slice %arg5[%add3A_347, %dma_wait3A_361] : memref<50x512xi32, #tpu.memory_space<vmem>> -> memref<1x128xi32, #tpu.memory_space<vmem>>
      %dma_wait3A_363 = tpu.memref_squeeze %dma_wait3A_362 : memref<1x128xi32, #tpu.memory_space<vmem>> -> memref<128xi32, #tpu.memory_space<vmem>>
      %dma_wait3A_364 = arith.constant 0 : i32
      %dma_wait3A_365 = arith.constant 0 : i32
      %dma_wait3A_366 = tpu.memref_slice %arg2[%dma_wait3A_364, %dma_wait3A_365] : memref<1000000x32xf32, #tpu.memory_space<hbm>> -> memref<1000000x32xf32, #tpu.memory_space<hbm>>
      %dma_wait3A_367 = tpu.memref_slice %arg7[%dma_wait3A_356] : memref<2x!tpu.dma_semaphore, #tpu.memory_space<semaphore_mem>> -> memref<1x!tpu.dma_semaphore, #tpu.memory_space<semaphore_mem>>
      %dma_wait3A_368 = tpu.memref_squeeze %dma_wait3A_367 : memref<1x!tpu.dma_semaphore, #tpu.memory_space<semaphore_mem>> -> memref<!tpu.dma_semaphore, #tpu.memory_space<semaphore_mem>>
      tpu.wait_indirect_dma semaphore(%dma_wait3A_368 : memref<!tpu.dma_semaphore, #tpu.memory_space<semaphore_mem>>) src(%dma_wait3A_366 : memref<1000000x32xf32, #tpu.memory_space<hbm>>) dst(%dma_wait3A_360 : memref<128x32xf32, #tpu.memory_space<vmem>>)
      %dma_wait3A_369 = arith.constant 1 : i32
      %dma_wait3A_370 = arith.constant 1 : i32
      %dma_wait3A_371 = arith.constant 128 : i32
      %dma_wait3A_372 = arith.constant 0 : i32
      %dma_wait3A_373 = tpu.memref_slice %arg6[%dma_wait3A_369, %dma_wait3A_371, %dma_wait3A_372] : memref<2x512x32xf32, #tpu.memory_space<vmem>> -> memref<1x128x32xf32, #tpu.memory_space<vmem>>
      %dma_wait3A_374 = tpu.memref_squeeze %dma_wait3A_373 : memref<1x128x32xf32, #tpu.memory_space<vmem>> -> memref<128x32xf32, #tpu.memory_space<vmem>>
      %dma_wait3A_375 = arith.constant 128 : i32
      %dma_wait3A_376 = tpu.memref_slice %arg5[%add3A_347, %dma_wait3A_375] : memref<50x512xi32, #tpu.memory_space<vmem>> -> memref<1x128xi32, #tpu.memory_space<vmem>>
      %dma_wait3A_377 = tpu.memref_squeeze %dma_wait3A_376 : memref<1x128xi32, #tpu.memory_space<vmem>> -> memref<128xi32, #tpu.memory_space<vmem>>
      %dma_wait3A_378 = arith.constant 0 : i32
      %dma_wait3A_379 = arith.constant 0 : i32
      %dma_wait3A_380 = tpu.memref_slice %arg2[%dma_wait3A_378, %dma_wait3A_379] : memref<1000000x32xf32, #tpu.memory_space<hbm>> -> memref<1000000x32xf32, #tpu.memory_space<hbm>>
      %dma_wait3A_381 = tpu.memref_slice %arg7[%dma_wait3A_370] : memref<2x!tpu.dma_semaphore, #tpu.memory_space<semaphore_mem>> -> memref<1x!tpu.dma_semaphore, #tpu.memory_space<semaphore_mem>>
      %dma_wait3A_382 = tpu.memref_squeeze %dma_wait3A_381 : memref<1x!tpu.dma_semaphore, #tpu.memory_space<semaphore_mem>> -> memref<!tpu.dma_semaphore, #tpu.memory_space<semaphore_mem>>
      tpu.wait_indirect_dma semaphore(%dma_wait3A_382 : memref<!tpu.dma_semaphore, #tpu.memory_space<semaphore_mem>>) src(%dma_wait3A_380 : memref<1000000x32xf32, #tpu.memory_space<hbm>>) dst(%dma_wait3A_374 : memref<128x32xf32, #tpu.memory_space<vmem>>)
      %dma_wait3A_383 = arith.constant 1 : i32
      %dma_wait3A_384 = arith.constant 1 : i32
      %dma_wait3A_385 = arith.constant 256 : i32
      %dma_wait3A_386 = arith.constant 0 : i32
      %dma_wait3A_387 = tpu.memref_slice %arg6[%dma_wait3A_383, %dma_wait3A_385, %dma_wait3A_386] : memref<2x512x32xf32, #tpu.memory_space<vmem>> -> memref<1x128x32xf32, #tpu.memory_space<vmem>>
      %dma_wait3A_388 = tpu.memref_squeeze %dma_wait3A_387 : memref<1x128x32xf32, #tpu.memory_space<vmem>> -> memref<128x32xf32, #tpu.memory_space<vmem>>
      %dma_wait3A_389 = arith.constant 256 : i32
      %dma_wait3A_390 = tpu.memref_slice %arg5[%add3A_347, %dma_wait3A_389] : memref<50x512xi32, #tpu.memory_space<vmem>> -> memref<1x128xi32, #tpu.memory_space<vmem>>
      %dma_wait3A_391 = tpu.memref_squeeze %dma_wait3A_390 : memref<1x128xi32, #tpu.memory_space<vmem>> -> memref<128xi32, #tpu.memory_space<vmem>>
      %dma_wait3A_392 = arith.constant 0 : i32
      %dma_wait3A_393 = arith.constant 0 : i32
      %dma_wait3A_394 = tpu.memref_slice %arg2[%dma_wait3A_392, %dma_wait3A_393] : memref<1000000x32xf32, #tpu.memory_space<hbm>> -> memref<1000000x32xf32, #tpu.memory_space<hbm>>
      %dma_wait3A_395 = tpu.memref_slice %arg7[%dma_wait3A_384] : memref<2x!tpu.dma_semaphore, #tpu.memory_space<semaphore_mem>> -> memref<1x!tpu.dma_semaphore, #tpu.memory_space<semaphore_mem>>
      %dma_wait3A_396 = tpu.memref_squeeze %dma_wait3A_395 : memref<1x!tpu.dma_semaphore, #tpu.memory_space<semaphore_mem>> -> memref<!tpu.dma_semaphore, #tpu.memory_space<semaphore_mem>>
      tpu.wait_indirect_dma semaphore(%dma_wait3A_396 : memref<!tpu.dma_semaphore, #tpu.memory_space<semaphore_mem>>) src(%dma_wait3A_394 : memref<1000000x32xf32, #tpu.memory_space<hbm>>) dst(%dma_wait3A_388 : memref<128x32xf32, #tpu.memory_space<vmem>>)
      %dma_wait3A_397 = arith.constant 1 : i32
      %dma_wait3A_398 = arith.constant 1 : i32
      %dma_wait3A_399 = arith.constant 384 : i32
      %dma_wait3A_400 = arith.constant 0 : i32
      %dma_wait3A_401 = tpu.memref_slice %arg6[%dma_wait3A_397, %dma_wait3A_399, %dma_wait3A_400] : memref<2x512x32xf32, #tpu.memory_space<vmem>> -> memref<1x128x32xf32, #tpu.memory_space<vmem>>
      %dma_wait3A_402 = tpu.memref_squeeze %dma_wait3A_401 : memref<1x128x32xf32, #tpu.memory_space<vmem>> -> memref<128x32xf32, #tpu.memory_space<vmem>>
      %dma_wait3A_403 = arith.constant 384 : i32
      %dma_wait3A_404 = tpu.memref_slice %arg5[%add3A_347, %dma_wait3A_403] : memref<50x512xi32, #tpu.memory_space<vmem>> -> memref<1x128xi32, #tpu.memory_space<vmem>>
      %dma_wait3A_405 = tpu.memref_squeeze %dma_wait3A_404 : memref<1x128xi32, #tpu.memory_space<vmem>> -> memref<128xi32, #tpu.memory_space<vmem>>
      %dma_wait3A_406 = arith.constant 0 : i32
      %dma_wait3A_407 = arith.constant 0 : i32
      %dma_wait3A_408 = tpu.memref_slice %arg2[%dma_wait3A_406, %dma_wait3A_407] : memref<1000000x32xf32, #tpu.memory_space<hbm>> -> memref<1000000x32xf32, #tpu.memory_space<hbm>>
      %dma_wait3A_409 = tpu.memref_slice %arg7[%dma_wait3A_398] : memref<2x!tpu.dma_semaphore, #tpu.memory_space<semaphore_mem>> -> memref<1x!tpu.dma_semaphore, #tpu.memory_space<semaphore_mem>>
      %dma_wait3A_410 = tpu.memref_squeeze %dma_wait3A_409 : memref<1x!tpu.dma_semaphore, #tpu.memory_space<semaphore_mem>> -> memref<!tpu.dma_semaphore, #tpu.memory_space<semaphore_mem>>
      tpu.wait_indirect_dma semaphore(%dma_wait3A_410 : memref<!tpu.dma_semaphore, #tpu.memory_space<semaphore_mem>>) src(%dma_wait3A_408 : memref<1000000x32xf32, #tpu.memory_space<hbm>>) dst(%dma_wait3A_402 : memref<128x32xf32, #tpu.memory_space<vmem>>)
      %broadcast_in_dim3A_411 = arith.constant 2147483647 : i32
      %broadcast_in_dim3A_412 = vector.broadcast %broadcast_in_dim3A_411 : i32 to vector<50xi32>
      %scan3A_413 = arith.constant 0 : i32
      %scan3A_414 = arith.constant 32 : i32
      %scan3A_415 = arith.addi %scan3A_413, %scan3A_414 : i32
      %scan3A_416 = arith.constant 1 : i32
      %scan3A_417 = scf.for %scan3A_591 = %scan3A_413 to %scan3A_415 step %scan3A_416 iter_args(%scan3A_592 = %broadcast_in_dim3A_412) -> (vector<50xi32>)  : i32 {
        %mul3A_593 = arith.constant 50 : i32
        %mul3A_594 = arith.muli %scan3A_591, %mul3A_593 : i32
        %get3A = arith.index_cast %add3A_347 : i32 to index
        %get3A_595 = arith.index_cast %mul3A_594 : i32 to index
        %get3A_596 = tpu.vector_load %arg5[%get3A, %get3A_595] {strides = array<i32>} : memref<50x512xi32, #tpu.memory_space<vmem>>, vector<1x50xi32>,
        %get3A_597 = vector.shape_cast %get3A_596 : vector<1x50xi32> to vector<50xi32>
        %min3A_598 = arith.minsi %scan3A_592, %get3A_597 : vector<50xi32>
        scf.yield %min3A_598 : vector<50xi32>
      }
      %scan3A_418 = arith.constant 32 : i32
      %slice3A_419 = vector.extract_strided_slice %scan3A_417 {offsets = [0], sizes = [1], strides = [1]} : vector<50xi32> to vector<1xi32>
      %squeeze3A_420 = vector.extract %slice3A_419[0] : i32 from vector<1xi32>
      %slice3A_421 = vector.extract_strided_slice %scan3A_417 {offsets = [1], sizes = [1], strides = [1]} : vector<50xi32> to vector<1xi32>
      %squeeze3A_422 = vector.extract %slice3A_421[0] : i32 from vector<1xi32>
      %min3A_423 = arith.minsi %squeeze3A_420, %squeeze3A_422 : i32
      %slice3A_424 = vector.extract_strided_slice %scan3A_417 {offsets = [2], sizes = [1], strides = [1]} : vector<50xi32> to vector<1xi32>
      %squeeze3A_425 = vector.extract %slice3A_424[0] : i32 from vector<1xi32>
      %min3A_426 = arith.minsi %min3A_423, %squeeze3A_425 : i32
      %slice3A_427 = vector.extract_strided_slice %scan3A_417 {offsets = [3], sizes = [1], strides = [1]} : vector<50xi32> to vector<1xi32>
      %squeeze3A_428 = vector.extract %slice3A_427[0] : i32 from vector<1xi32>
      %min3A_429 = arith.minsi %min3A_426, %squeeze3A_428 : i32
      %slice3A_430 = vector.extract_strided_slice %scan3A_417 {offsets = [4], sizes = [1], strides = [1]} : vector<50xi32> to vector<1xi32>
      %squeeze3A_431 = vector.extract %slice3A_430[0] : i32 from vector<1xi32>
      %min3A_432 = arith.minsi %min3A_429, %squeeze3A_431 : i32
      %slice3A_433 = vector.extract_strided_slice %scan3A_417 {offsets = [5], sizes = [1], strides = [1]} : vector<50xi32> to vector<1xi32>
      %squeeze3A_434 = vector.extract %slice3A_433[0] : i32 from vector<1xi32>
      %min3A_435 = arith.minsi %min3A_432, %squeeze3A_434 : i32
      %slice3A_436 = vector.extract_strided_slice %scan3A_417 {offsets = [6], sizes = [1], strides = [1]} : vector<50xi32> to vector<1xi32>
      %squeeze3A_437 = vector.extract %slice3A_436[0] : i32 from vector<1xi32>
      %min3A_438 = arith.minsi %min3A_435, %squeeze3A_437 : i32
      %slice3A_439 = vector.extract_strided_slice %scan3A_417 {offsets = [7], sizes = [1], strides = [1]} : vector<50xi32> to vector<1xi32>
      %squeeze3A_440 = vector.extract %slice3A_439[0] : i32 from vector<1xi32>
      %min3A_441 = arith.minsi %min3A_438, %squeeze3A_440 : i32
      %slice3A_442 = vector.extract_strided_slice %scan3A_417 {offsets = [8], sizes = [1], strides = [1]} : vector<50xi32> to vector<1xi32>
      %squeeze3A_443 = vector.extract %slice3A_442[0] : i32 from vector<1xi32>
      %min3A_444 = arith.minsi %min3A_441, %squeeze3A_443 : i32
      %slice3A_445 = vector.extract_strided_slice %scan3A_417 {offsets = [9], sizes = [1], strides = [1]} : vector<50xi32> to vector<1xi32>
      %squeeze3A_446 = vector.extract %slice3A_445[0] : i32 from vector<1xi32>
      %min3A_447 = arith.minsi %min3A_444, %squeeze3A_446 : i32
      %slice3A_448 = vector.extract_strided_slice %scan3A_417 {offsets = [10], sizes = [1], strides = [1]} : vector<50xi32> to vector<1xi32>
      %squeeze3A_449 = vector.extract %slice3A_448[0] : i32 from vector<1xi32>
      %min3A_450 = arith.minsi %min3A_447, %squeeze3A_449 : i32
      %slice3A_451 = vector.extract_strided_slice %scan3A_417 {offsets = [11], sizes = [1], strides = [1]} : vector<50xi32> to vector<1xi32>
      %squeeze3A_452 = vector.extract %slice3A_451[0] : i32 from vector<1xi32>
      %min3A_453 = arith.minsi %min3A_450, %squeeze3A_452 : i32
      %slice3A_454 = vector.extract_strided_slice %scan3A_417 {offsets = [12], sizes = [1], strides = [1]} : vector<50xi32> to vector<1xi32>
      %squeeze3A_455 = vector.extract %slice3A_454[0] : i32 from vector<1xi32>
      %min3A_456 = arith.minsi %min3A_453, %squeeze3A_455 : i32
      %slice3A_457 = vector.extract_strided_slice %scan3A_417 {offsets = [13], sizes = [1], strides = [1]} : vector<50xi32> to vector<1xi32>
      %squeeze3A_458 = vector.extract %slice3A_457[0] : i32 from vector<1xi32>
      %min3A_459 = arith.minsi %min3A_456, %squeeze3A_458 : i32
      %slice3A_460 = vector.extract_strided_slice %scan3A_417 {offsets = [14], sizes = [1], strides = [1]} : vector<50xi32> to vector<1xi32>
      %squeeze3A_461 = vector.extract %slice3A_460[0] : i32 from vector<1xi32>
      %min3A_462 = arith.minsi %min3A_459, %squeeze3A_461 : i32
      %slice3A_463 = vector.extract_strided_slice %scan3A_417 {offsets = [15], sizes = [1], strides = [1]} : vector<50xi32> to vector<1xi32>
      %squeeze3A_464 = vector.extract %slice3A_463[0] : i32 from vector<1xi32>
      %min3A_465 = arith.minsi %min3A_462, %squeeze3A_464 : i32
      %slice3A_466 = vector.extract_strided_slice %scan3A_417 {offsets = [16], sizes = [1], strides = [1]} : vector<50xi32> to vector<1xi32>
      %squeeze3A_467 = vector.extract %slice3A_466[0] : i32 from vector<1xi32>
      %min3A_468 = arith.minsi %min3A_465, %squeeze3A_467 : i32
      %slice3A_469 = vector.extract_strided_slice %scan3A_417 {offsets = [17], sizes = [1], strides = [1]} : vector<50xi32> to vector<1xi32>
      %squeeze3A_470 = vector.extract %slice3A_469[0] : i32 from vector<1xi32>
      %min3A_471 = arith.minsi %min3A_468, %squeeze3A_470 : i32
      %slice3A_472 = vector.extract_strided_slice %scan3A_417 {offsets = [18], sizes = [1], strides = [1]} : vector<50xi32> to vector<1xi32>
      %squeeze3A_473 = vector.extract %slice3A_472[0] : i32 from vector<1xi32>
      %min3A_474 = arith.minsi %min3A_471, %squeeze3A_473 : i32
      %slice3A_475 = vector.extract_strided_slice %scan3A_417 {offsets = [19], sizes = [1], strides = [1]} : vector<50xi32> to vector<1xi32>
      %squeeze3A_476 = vector.extract %slice3A_475[0] : i32 from vector<1xi32>
      %min3A_477 = arith.minsi %min3A_474, %squeeze3A_476 : i32
      %slice3A_478 = vector.extract_strided_slice %scan3A_417 {offsets = [20], sizes = [1], strides = [1]} : vector<50xi32> to vector<1xi32>
      %squeeze3A_479 = vector.extract %slice3A_478[0] : i32 from vector<1xi32>
      %min3A_480 = arith.minsi %min3A_477, %squeeze3A_479 : i32
      %slice3A_481 = vector.extract_strided_slice %scan3A_417 {offsets = [21], sizes = [1], strides = [1]} : vector<50xi32> to vector<1xi32>
      %squeeze3A_482 = vector.extract %slice3A_481[0] : i32 from vector<1xi32>
      %min3A_483 = arith.minsi %min3A_480, %squeeze3A_482 : i32
      %slice3A_484 = vector.extract_strided_slice %scan3A_417 {offsets = [22], sizes = [1], strides = [1]} : vector<50xi32> to vector<1xi32>
      %squeeze3A_485 = vector.extract %slice3A_484[0] : i32 from vector<1xi32>
      %min3A_486 = arith.minsi %min3A_483, %squeeze3A_485 : i32
      %slice3A_487 = vector.extract_strided_slice %scan3A_417 {offsets = [23], sizes = [1], strides = [1]} : vector<50xi32> to vector<1xi32>
      %squeeze3A_488 = vector.extract %slice3A_487[0] : i32 from vector<1xi32>
      %min3A_489 = arith.minsi %min3A_486, %squeeze3A_488 : i32
      %slice3A_490 = vector.extract_strided_slice %scan3A_417 {offsets = [24], sizes = [1], strides = [1]} : vector<50xi32> to vector<1xi32>
      %squeeze3A_491 = vector.extract %slice3A_490[0] : i32 from vector<1xi32>
      %min3A_492 = arith.minsi %min3A_489, %squeeze3A_491 : i32
      %slice3A_493 = vector.extract_strided_slice %scan3A_417 {offsets = [25], sizes = [1], strides = [1]} : vector<50xi32> to vector<1xi32>
      %squeeze3A_494 = vector.extract %slice3A_493[0] : i32 from vector<1xi32>
      %min3A_495 = arith.minsi %min3A_492, %squeeze3A_494 : i32
      %slice3A_496 = vector.extract_strided_slice %scan3A_417 {offsets = [26], sizes = [1], strides = [1]} : vector<50xi32> to vector<1xi32>
      %squeeze3A_497 = vector.extract %slice3A_496[0] : i32 from vector<1xi32>
      %min3A_498 = arith.minsi %min3A_495, %squeeze3A_497 : i32
      %slice3A_499 = vector.extract_strided_slice %scan3A_417 {offsets = [27], sizes = [1], strides = [1]} : vector<50xi32> to vector<1xi32>
      %squeeze3A_500 = vector.extract %slice3A_499[0] : i32 from vector<1xi32>
      %min3A_501 = arith.minsi %min3A_498, %squeeze3A_500 : i32
      %slice3A_502 = vector.extract_strided_slice %scan3A_417 {offsets = [28], sizes = [1], strides = [1]} : vector<50xi32> to vector<1xi32>
      %squeeze3A_503 = vector.extract %slice3A_502[0] : i32 from vector<1xi32>
      %min3A_504 = arith.minsi %min3A_501, %squeeze3A_503 : i32
      %slice3A_505 = vector.extract_strided_slice %scan3A_417 {offsets = [29], sizes = [1], strides = [1]} : vector<50xi32> to vector<1xi32>
      %squeeze3A_506 = vector.extract %slice3A_505[0] : i32 from vector<1xi32>
      %min3A_507 = arith.minsi %min3A_504, %squeeze3A_506 : i32
      %slice3A_508 = vector.extract_strided_slice %scan3A_417 {offsets = [30], sizes = [1], strides = [1]} : vector<50xi32> to vector<1xi32>
      %squeeze3A_509 = vector.extract %slice3A_508[0] : i32 from vector<1xi32>
      %min3A_510 = arith.minsi %min3A_507, %squeeze3A_509 : i32
      %slice3A_511 = vector.extract_strided_slice %scan3A_417 {offsets = [31], sizes = [1], strides = [1]} : vector<50xi32> to vector<1xi32>
      %squeeze3A_512 = vector.extract %slice3A_511[0] : i32 from vector<1xi32>
      %min3A_513 = arith.minsi %min3A_510, %squeeze3A_512 : i32
      %slice3A_514 = vector.extract_strided_slice %scan3A_417 {offsets = [32], sizes = [1], strides = [1]} : vector<50xi32> to vector<1xi32>
      %squeeze3A_515 = vector.extract %slice3A_514[0] : i32 from vector<1xi32>
      %min3A_516 = arith.minsi %min3A_513, %squeeze3A_515 : i32
      %slice3A_517 = vector.extract_strided_slice %scan3A_417 {offsets = [33], sizes = [1], strides = [1]} : vector<50xi32> to vector<1xi32>
      %squeeze3A_518 = vector.extract %slice3A_517[0] : i32 from vector<1xi32>
      %min3A_519 = arith.minsi %min3A_516, %squeeze3A_518 : i32
      %slice3A_520 = vector.extract_strided_slice %scan3A_417 {offsets = [34], sizes = [1], strides = [1]} : vector<50xi32> to vector<1xi32>
      %squeeze3A_521 = vector.extract %slice3A_520[0] : i32 from vector<1xi32>
      %min3A_522 = arith.minsi %min3A_519, %squeeze3A_521 : i32
      %slice3A_523 = vector.extract_strided_slice %scan3A_417 {offsets = [35], sizes = [1], strides = [1]} : vector<50xi32> to vector<1xi32>
      %squeeze3A_524 = vector.extract %slice3A_523[0] : i32 from vector<1xi32>
      %min3A_525 = arith.minsi %min3A_522, %squeeze3A_524 : i32
      %slice3A_526 = vector.extract_strided_slice %scan3A_417 {offsets = [36], sizes = [1], strides = [1]} : vector<50xi32> to vector<1xi32>
      %squeeze3A_527 = vector.extract %slice3A_526[0] : i32 from vector<1xi32>
      %min3A_528 = arith.minsi %min3A_525, %squeeze3A_527 : i32
      %slice3A_529 = vector.extract_strided_slice %scan3A_417 {offsets = [37], sizes = [1], strides = [1]} : vector<50xi32> to vector<1xi32>
      %squeeze3A_530 = vector.extract %slice3A_529[0] : i32 from vector<1xi32>
      %min3A_531 = arith.minsi %min3A_528, %squeeze3A_530 : i32
      %slice3A_532 = vector.extract_strided_slice %scan3A_417 {offsets = [38], sizes = [1], strides = [1]} : vector<50xi32> to vector<1xi32>
      %squeeze3A_533 = vector.extract %slice3A_532[0] : i32 from vector<1xi32>
      %min3A_534 = arith.minsi %min3A_531, %squeeze3A_533 : i32
      %slice3A_535 = vector.extract_strided_slice %scan3A_417 {offsets = [39], sizes = [1], strides = [1]} : vector<50xi32> to vector<1xi32>
      %squeeze3A_536 = vector.extract %slice3A_535[0] : i32 from vector<1xi32>
      %min3A_537 = arith.minsi %min3A_534, %squeeze3A_536 : i32
      %slice3A_538 = vector.extract_strided_slice %scan3A_417 {offsets = [40], sizes = [1], strides = [1]} : vector<50xi32> to vector<1xi32>
      %squeeze3A_539 = vector.extract %slice3A_538[0] : i32 from vector<1xi32>
      %min3A_540 = arith.minsi %min3A_537, %squeeze3A_539 : i32
      %slice3A_541 = vector.extract_strided_slice %scan3A_417 {offsets = [41], sizes = [1], strides = [1]} : vector<50xi32> to vector<1xi32>
      %squeeze3A_542 = vector.extract %slice3A_541[0] : i32 from vector<1xi32>
      %min3A_543 = arith.minsi %min3A_540, %squeeze3A_542 : i32
      %slice3A_544 = vector.extract_strided_slice %scan3A_417 {offsets = [42], sizes = [1], strides = [1]} : vector<50xi32> to vector<1xi32>
      %squeeze3A_545 = vector.extract %slice3A_544[0] : i32 from vector<1xi32>
      %min3A_546 = arith.minsi %min3A_543, %squeeze3A_545 : i32
      %slice3A_547 = vector.extract_strided_slice %scan3A_417 {offsets = [43], sizes = [1], strides = [1]} : vector<50xi32> to vector<1xi32>
      %squeeze3A_548 = vector.extract %slice3A_547[0] : i32 from vector<1xi32>
      %min3A_549 = arith.minsi %min3A_546, %squeeze3A_548 : i32
      %slice3A_550 = vector.extract_strided_slice %scan3A_417 {offsets = [44], sizes = [1], strides = [1]} : vector<50xi32> to vector<1xi32>
      %squeeze3A_551 = vector.extract %slice3A_550[0] : i32 from vector<1xi32>
      %min3A_552 = arith.minsi %min3A_549, %squeeze3A_551 : i32
      %slice3A_553 = vector.extract_strided_slice %scan3A_417 {offsets = [45], sizes = [1], strides = [1]} : vector<50xi32> to vector<1xi32>
      %squeeze3A_554 = vector.extract %slice3A_553[0] : i32 from vector<1xi32>
      %min3A_555 = arith.minsi %min3A_552, %squeeze3A_554 : i32
      %slice3A_556 = vector.extract_strided_slice %scan3A_417 {offsets = [46], sizes = [1], strides = [1]} : vector<50xi32> to vector<1xi32>
      %squeeze3A_557 = vector.extract %slice3A_556[0] : i32 from vector<1xi32>
      %min3A_558 = arith.minsi %min3A_555, %squeeze3A_557 : i32
      %slice3A_559 = vector.extract_strided_slice %scan3A_417 {offsets = [47], sizes = [1], strides = [1]} : vector<50xi32> to vector<1xi32>
      %squeeze3A_560 = vector.extract %slice3A_559[0] : i32 from vector<1xi32>
      %min3A_561 = arith.minsi %min3A_558, %squeeze3A_560 : i32
      %slice3A_562 = vector.extract_strided_slice %scan3A_417 {offsets = [48], sizes = [1], strides = [1]} : vector<50xi32> to vector<1xi32>
      %squeeze3A_563 = vector.extract %slice3A_562[0] : i32 from vector<1xi32>
      %min3A_564 = arith.minsi %min3A_561, %squeeze3A_563 : i32
      %slice3A_565 = vector.extract_strided_slice %scan3A_417 {offsets = [49], sizes = [1], strides = [1]} : vector<50xi32> to vector<1xi32>
      %squeeze3A_566 = vector.extract %slice3A_565[0] : i32 from vector<1xi32>
      %min3A_567 = arith.minsi %min3A_564, %squeeze3A_566 : i32
      %eq3A_568 = arith.constant 0 : i32
      %eq3A_569 = arith.cmpi eq, %min3A_567, %eq3A_568 : i32
      %convert_element_type3A_570 = arith.extui %eq3A_569 : i1 to i32
      %cond3A_571 = arith.constant 0 : i32
      %cond3A_572 = arith.cmpi ne, %convert_element_type3A_570, %cond3A_571 : i32
      scf.if %cond3A_572 {
        %scan3A_591 = arith.constant 0 : i32
        %scan3A_592 = arith.constant 0 : i32
        %scan3A_593 = arith.constant 32 : i32
        %scan3A_594 = arith.addi %scan3A_592, %scan3A_593 : i32
        %scan3A_595 = arith.constant 1 : i32
        scf.for %scan3A_597 = %scan3A_592 to %scan3A_594 step %scan3A_595  : i32 {
          %mul3A_598 = arith.constant 50 : i32
          %mul3A_599 = arith.muli %scan3A_597, %mul3A_598 : i32
          %get3A = arith.index_cast %add3A_347 : i32 to index
          %get3A_600 = arith.index_cast %mul3A_599 : i32 to index
          %get3A_601 = tpu.vector_load %arg5[%get3A, %get3A_600] {strides = array<i32>} : memref<50x512xi32, #tpu.memory_space<vmem>>, vector<1x50xi32>,
          %get3A_602 = vector.shape_cast %get3A_601 : vector<1x50xi32> to vector<50xi32>
          %slice3A_603 = vector.extract_strided_slice %get3A_602 {offsets = [0], sizes = [1], strides = [1]} : vector<50xi32> to vector<1xi32>
          %squeeze3A_604 = vector.extract %slice3A_603[0] : i32 from vector<1xi32>
          %eq3A_605 = arith.constant 0 : i32
          %eq3A_606 = arith.cmpi eq, %squeeze3A_604, %eq3A_605 : i32
          %jit3A = arith.constant 0.000000e+00 : f32
          %jit3A_607 = arith.constant 1.000000e+00 : f32
          %select_n3A = arith.select %eq3A_606, %jit3A, %jit3A_607 : f32
          %mul3A_608 = arith.constant 50 : i32
          %mul3A_609 = arith.muli %scan3A_597, %mul3A_608 : i32
          %add3A_610 = arith.constant 0 : i32
          %add3A_611 = arith.addi %mul3A_609, %add3A_610 : i32
          %slice3A_612 = vector.extract_strided_slice %get3A_602 {offsets = [1], sizes = [1], strides = [1]} : vector<50xi32> to vector<1xi32>
          %squeeze3A_613 = vector.extract %slice3A_612[0] : i32 from vector<1xi32>
          %eq3A_614 = arith.constant 0 : i32
          %eq3A_615 = arith.cmpi eq, %squeeze3A_613, %eq3A_614 : i32
          %jit3A_616 = arith.constant 0.000000e+00 : f32
          %jit3A_617 = arith.constant 1.000000e+00 : f32
          %select_n3A_618 = arith.select %eq3A_615, %jit3A_616, %jit3A_617 : f32
          %mul3A_619 = arith.constant 50 : i32
          %mul3A_620 = arith.muli %scan3A_597, %mul3A_619 : i32
          %add3A_621 = arith.constant 1 : i32
          %add3A_622 = arith.addi %mul3A_620, %add3A_621 : i32
          %slice3A_623 = vector.extract_strided_slice %get3A_602 {offsets = [2], sizes = [1], strides = [1]} : vector<50xi32> to vector<1xi32>
          %squeeze3A_624 = vector.extract %slice3A_623[0] : i32 from vector<1xi32>
          %eq3A_625 = arith.constant 0 : i32
          %eq3A_626 = arith.cmpi eq, %squeeze3A_624, %eq3A_625 : i32
          %jit3A_627 = arith.constant 0.000000e+00 : f32
          %jit3A_628 = arith.constant 1.000000e+00 : f32
          %select_n3A_629 = arith.select %eq3A_626, %jit3A_627, %jit3A_628 : f32
          %mul3A_630 = arith.constant 50 : i32
          %mul3A_631 = arith.muli %scan3A_597, %mul3A_630 : i32
          %add3A_632 = arith.constant 2 : i32
          %add3A_633 = arith.addi %mul3A_631, %add3A_632 : i32
          %slice3A_634 = vector.extract_strided_slice %get3A_602 {offsets = [3], sizes = [1], strides = [1]} : vector<50xi32> to vector<1xi32>
          %squeeze3A_635 = vector.extract %slice3A_634[0] : i32 from vector<1xi32>
          %eq3A_636 = arith.constant 0 : i32
          %eq3A_637 = arith.cmpi eq, %squeeze3A_635, %eq3A_636 : i32
          %jit3A_638 = arith.constant 0.000000e+00 : f32
          %jit3A_639 = arith.constant 1.000000e+00 : f32
          %select_n3A_640 = arith.select %eq3A_637, %jit3A_638, %jit3A_639 : f32
          %mul3A_641 = arith.constant 50 : i32
          %mul3A_642 = arith.muli %scan3A_597, %mul3A_641 : i32
          %add3A_643 = arith.constant 3 : i32
          %add3A_644 = arith.addi %mul3A_642, %add3A_643 : i32
          %slice3A_645 = vector.extract_strided_slice %get3A_602 {offsets = [4], sizes = [1], strides = [1]} : vector<50xi32> to vector<1xi32>
          %squeeze3A_646 = vector.extract %slice3A_645[0] : i32 from vector<1xi32>
          %eq3A_647 = arith.constant 0 : i32
          %eq3A_648 = arith.cmpi eq, %squeeze3A_646, %eq3A_647 : i32
          %jit3A_649 = arith.constant 0.000000e+00 : f32
          %jit3A_650 = arith.constant 1.000000e+00 : f32
          %select_n3A_651 = arith.select %eq3A_648, %jit3A_649, %jit3A_650 : f32
          %mul3A_652 = arith.constant 50 : i32
          %mul3A_653 = arith.muli %scan3A_597, %mul3A_652 : i32
          %add3A_654 = arith.constant 4 : i32
          %add3A_655 = arith.addi %mul3A_653, %add3A_654 : i32
          %slice3A_656 = vector.extract_strided_slice %get3A_602 {offsets = [5], sizes = [1], strides = [1]} : vector<50xi32> to vector<1xi32>
          %squeeze3A_657 = vector.extract %slice3A_656[0] : i32 from vector<1xi32>
          %eq3A_658 = arith.constant 0 : i32
          %eq3A_659 = arith.cmpi eq, %squeeze3A_657, %eq3A_658 : i32
          %jit3A_660 = arith.constant 0.000000e+00 : f32
          %jit3A_661 = arith.constant 1.000000e+00 : f32
          %select_n3A_662 = arith.select %eq3A_659, %jit3A_660, %jit3A_661 : f32
          %mul3A_663 = arith.constant 50 : i32
          %mul3A_664 = arith.muli %scan3A_597, %mul3A_663 : i32
          %add3A_665 = arith.constant 5 : i32
          %add3A_666 = arith.addi %mul3A_664, %add3A_665 : i32
          %slice3A_667 = vector.extract_strided_slice %get3A_602 {offsets = [6], sizes = [1], strides = [1]} : vector<50xi32> to vector<1xi32>
          %squeeze3A_668 = vector.extract %slice3A_667[0] : i32 from vector<1xi32>
          %eq3A_669 = arith.constant 0 : i32
          %eq3A_670 = arith.cmpi eq, %squeeze3A_668, %eq3A_669 : i32
          %jit3A_671 = arith.constant 0.000000e+00 : f32
          %jit3A_672 = arith.constant 1.000000e+00 : f32
          %select_n3A_673 = arith.select %eq3A_670, %jit3A_671, %jit3A_672 : f32
          %mul3A_674 = arith.constant 50 : i32
          %mul3A_675 = arith.muli %scan3A_597, %mul3A_674 : i32
          %add3A_676 = arith.constant 6 : i32
          %add3A_677 = arith.addi %mul3A_675, %add3A_676 : i32
          %slice3A_678 = vector.extract_strided_slice %get3A_602 {offsets = [7], sizes = [1], strides = [1]} : vector<50xi32> to vector<1xi32>
          %squeeze3A_679 = vector.extract %slice3A_678[0] : i32 from vector<1xi32>
          %eq3A_680 = arith.constant 0 : i32
          %eq3A_681 = arith.cmpi eq, %squeeze3A_679, %eq3A_680 : i32
          %jit3A_682 = arith.constant 0.000000e+00 : f32
          %jit3A_683 = arith.constant 1.000000e+00 : f32
          %select_n3A_684 = arith.select %eq3A_681, %jit3A_682, %jit3A_683 : f32
          %mul3A_685 = arith.constant 50 : i32
          %mul3A_686 = arith.muli %scan3A_597, %mul3A_685 : i32
          %add3A_687 = arith.constant 7 : i32
          %add3A_688 = arith.addi %mul3A_686, %add3A_687 : i32
          %slice3A_689 = vector.extract_strided_slice %get3A_602 {offsets = [8], sizes = [1], strides = [1]} : vector<50xi32> to vector<1xi32>
          %squeeze3A_690 = vector.extract %slice3A_689[0] : i32 from vector<1xi32>
          %eq3A_691 = arith.constant 0 : i32
          %eq3A_692 = arith.cmpi eq, %squeeze3A_690, %eq3A_691 : i32
          %jit3A_693 = arith.constant 0.000000e+00 : f32
          %jit3A_694 = arith.constant 1.000000e+00 : f32
          %select_n3A_695 = arith.select %eq3A_692, %jit3A_693, %jit3A_694 : f32
          %mul3A_696 = arith.constant 50 : i32
          %mul3A_697 = arith.muli %scan3A_597, %mul3A_696 : i32
          %add3A_698 = arith.constant 8 : i32
          %add3A_699 = arith.addi %mul3A_697, %add3A_698 : i32
          %slice3A_700 = vector.extract_strided_slice %get3A_602 {offsets = [9], sizes = [1], strides = [1]} : vector<50xi32> to vector<1xi32>
          %squeeze3A_701 = vector.extract %slice3A_700[0] : i32 from vector<1xi32>
          %eq3A_702 = arith.constant 0 : i32
          %eq3A_703 = arith.cmpi eq, %squeeze3A_701, %eq3A_702 : i32
          %jit3A_704 = arith.constant 0.000000e+00 : f32
          %jit3A_705 = arith.constant 1.000000e+00 : f32
          %select_n3A_706 = arith.select %eq3A_703, %jit3A_704, %jit3A_705 : f32
          %mul3A_707 = arith.constant 50 : i32
          %mul3A_708 = arith.muli %scan3A_597, %mul3A_707 : i32
          %add3A_709 = arith.constant 9 : i32
          %add3A_710 = arith.addi %mul3A_708, %add3A_709 : i32
          %slice3A_711 = vector.extract_strided_slice %get3A_602 {offsets = [10], sizes = [1], strides = [1]} : vector<50xi32> to vector<1xi32>
          %squeeze3A_712 = vector.extract %slice3A_711[0] : i32 from vector<1xi32>
          %eq3A_713 = arith.constant 0 : i32
          %eq3A_714 = arith.cmpi eq, %squeeze3A_712, %eq3A_713 : i32
          %jit3A_715 = arith.constant 0.000000e+00 : f32
          %jit3A_716 = arith.constant 1.000000e+00 : f32
          %select_n3A_717 = arith.select %eq3A_714, %jit3A_715, %jit3A_716 : f32
          %mul3A_718 = arith.constant 50 : i32
          %mul3A_719 = arith.muli %scan3A_597, %mul3A_718 : i32
          %add3A_720 = arith.constant 10 : i32
          %add3A_721 = arith.addi %mul3A_719, %add3A_720 : i32
          %slice3A_722 = vector.extract_strided_slice %get3A_602 {offsets = [11], sizes = [1], strides = [1]} : vector<50xi32> to vector<1xi32>
          %squeeze3A_723 = vector.extract %slice3A_722[0] : i32 from vector<1xi32>
          %eq3A_724 = arith.constant 0 : i32
          %eq3A_725 = arith.cmpi eq, %squeeze3A_723, %eq3A_724 : i32
          %jit3A_726 = arith.constant 0.000000e+00 : f32
          %jit3A_727 = arith.constant 1.000000e+00 : f32
          %select_n3A_728 = arith.select %eq3A_725, %jit3A_726, %jit3A_727 : f32
          %mul3A_729 = arith.constant 50 : i32
          %mul3A_730 = arith.muli %scan3A_597, %mul3A_729 : i32
          %add3A_731 = arith.constant 11 : i32
          %add3A_732 = arith.addi %mul3A_730, %add3A_731 : i32
          %slice3A_733 = vector.extract_strided_slice %get3A_602 {offsets = [12], sizes = [1], strides = [1]} : vector<50xi32> to vector<1xi32>
          %squeeze3A_734 = vector.extract %slice3A_733[0] : i32 from vector<1xi32>
          %eq3A_735 = arith.constant 0 : i32
          %eq3A_736 = arith.cmpi eq, %squeeze3A_734, %eq3A_735 : i32
          %jit3A_737 = arith.constant 0.000000e+00 : f32
          %jit3A_738 = arith.constant 1.000000e+00 : f32
          %select_n3A_739 = arith.select %eq3A_736, %jit3A_737, %jit3A_738 : f32
          %mul3A_740 = arith.constant 50 : i32
          %mul3A_741 = arith.muli %scan3A_597, %mul3A_740 : i32
          %add3A_742 = arith.constant 12 : i32
          %add3A_743 = arith.addi %mul3A_741, %add3A_742 : i32
          %slice3A_744 = vector.extract_strided_slice %get3A_602 {offsets = [13], sizes = [1], strides = [1]} : vector<50xi32> to vector<1xi32>
          %squeeze3A_745 = vector.extract %slice3A_744[0] : i32 from vector<1xi32>
          %eq3A_746 = arith.constant 0 : i32
          %eq3A_747 = arith.cmpi eq, %squeeze3A_745, %eq3A_746 : i32
          %jit3A_748 = arith.constant 0.000000e+00 : f32
          %jit3A_749 = arith.constant 1.000000e+00 : f32
          %select_n3A_750 = arith.select %eq3A_747, %jit3A_748, %jit3A_749 : f32
          %mul3A_751 = arith.constant 50 : i32
          %mul3A_752 = arith.muli %scan3A_597, %mul3A_751 : i32
          %add3A_753 = arith.constant 13 : i32
          %add3A_754 = arith.addi %mul3A_752, %add3A_753 : i32
          %slice3A_755 = vector.extract_strided_slice %get3A_602 {offsets = [14], sizes = [1], strides = [1]} : vector<50xi32> to vector<1xi32>
          %squeeze3A_756 = vector.extract %slice3A_755[0] : i32 from vector<1xi32>
          %eq3A_757 = arith.constant 0 : i32
          %eq3A_758 = arith.cmpi eq, %squeeze3A_756, %eq3A_757 : i32
          %jit3A_759 = arith.constant 0.000000e+00 : f32
          %jit3A_760 = arith.constant 1.000000e+00 : f32
          %select_n3A_761 = arith.select %eq3A_758, %jit3A_759, %jit3A_760 : f32
          %mul3A_762 = arith.constant 50 : i32
          %mul3A_763 = arith.muli %scan3A_597, %mul3A_762 : i32
          %add3A_764 = arith.constant 14 : i32
          %add3A_765 = arith.addi %mul3A_763, %add3A_764 : i32
          %slice3A_766 = vector.extract_strided_slice %get3A_602 {offsets = [15], sizes = [1], strides = [1]} : vector<50xi32> to vector<1xi32>
          %squeeze3A_767 = vector.extract %slice3A_766[0] : i32 from vector<1xi32>
          %eq3A_768 = arith.constant 0 : i32
          %eq3A_769 = arith.cmpi eq, %squeeze3A_767, %eq3A_768 : i32
          %jit3A_770 = arith.constant 0.000000e+00 : f32
          %jit3A_771 = arith.constant 1.000000e+00 : f32
          %select_n3A_772 = arith.select %eq3A_769, %jit3A_770, %jit3A_771 : f32
          %mul3A_773 = arith.constant 50 : i32
          %mul3A_774 = arith.muli %scan3A_597, %mul3A_773 : i32
          %add3A_775 = arith.constant 15 : i32
          %add3A_776 = arith.addi %mul3A_774, %add3A_775 : i32
          %slice3A_777 = vector.extract_strided_slice %get3A_602 {offsets = [16], sizes = [1], strides = [1]} : vector<50xi32> to vector<1xi32>
          %squeeze3A_778 = vector.extract %slice3A_777[0] : i32 from vector<1xi32>
          %eq3A_779 = arith.constant 0 : i32
          %eq3A_780 = arith.cmpi eq, %squeeze3A_778, %eq3A_779 : i32
          %jit3A_781 = arith.constant 0.000000e+00 : f32
          %jit3A_782 = arith.constant 1.000000e+00 : f32
          %select_n3A_783 = arith.select %eq3A_780, %jit3A_781, %jit3A_782 : f32
          %mul3A_784 = arith.constant 50 : i32
          %mul3A_785 = arith.muli %scan3A_597, %mul3A_784 : i32
          %add3A_786 = arith.constant 16 : i32
          %add3A_787 = arith.addi %mul3A_785, %add3A_786 : i32
          %slice3A_788 = vector.extract_strided_slice %get3A_602 {offsets = [17], sizes = [1], strides = [1]} : vector<50xi32> to vector<1xi32>
          %squeeze3A_789 = vector.extract %slice3A_788[0] : i32 from vector<1xi32>
          %eq3A_790 = arith.constant 0 : i32
          %eq3A_791 = arith.cmpi eq, %squeeze3A_789, %eq3A_790 : i32
          %jit3A_792 = arith.constant 0.000000e+00 : f32
          %jit3A_793 = arith.constant 1.000000e+00 : f32
          %select_n3A_794 = arith.select %eq3A_791, %jit3A_792, %jit3A_793 : f32
          %mul3A_795 = arith.constant 50 : i32
          %mul3A_796 = arith.muli %scan3A_597, %mul3A_795 : i32
          %add3A_797 = arith.constant 17 : i32
          %add3A_798 = arith.addi %mul3A_796, %add3A_797 : i32
          %slice3A_799 = vector.extract_strided_slice %get3A_602 {offsets = [18], sizes = [1], strides = [1]} : vector<50xi32> to vector<1xi32>
          %squeeze3A_800 = vector.extract %slice3A_799[0] : i32 from vector<1xi32>
          %eq3A_801 = arith.constant 0 : i32
          %eq3A_802 = arith.cmpi eq, %squeeze3A_800, %eq3A_801 : i32
          %jit3A_803 = arith.constant 0.000000e+00 : f32
          %jit3A_804 = arith.constant 1.000000e+00 : f32
          %select_n3A_805 = arith.select %eq3A_802, %jit3A_803, %jit3A_804 : f32
          %mul3A_806 = arith.constant 50 : i32
          %mul3A_807 = arith.muli %scan3A_597, %mul3A_806 : i32
          %add3A_808 = arith.constant 18 : i32
          %add3A_809 = arith.addi %mul3A_807, %add3A_808 : i32
          %slice3A_810 = vector.extract_strided_slice %get3A_602 {offsets = [19], sizes = [1], strides = [1]} : vector<50xi32> to vector<1xi32>
          %squeeze3A_811 = vector.extract %slice3A_810[0] : i32 from vector<1xi32>
          %eq3A_812 = arith.constant 0 : i32
          %eq3A_813 = arith.cmpi eq, %squeeze3A_811, %eq3A_812 : i32
          %jit3A_814 = arith.constant 0.000000e+00 : f32
          %jit3A_815 = arith.constant 1.000000e+00 : f32
          %select_n3A_816 = arith.select %eq3A_813, %jit3A_814, %jit3A_815 : f32
          %mul3A_817 = arith.constant 50 : i32
          %mul3A_818 = arith.muli %scan3A_597, %mul3A_817 : i32
          %add3A_819 = arith.constant 19 : i32
          %add3A_820 = arith.addi %mul3A_818, %add3A_819 : i32
          %slice3A_821 = vector.extract_strided_slice %get3A_602 {offsets = [20], sizes = [1], strides = [1]} : vector<50xi32> to vector<1xi32>
          %squeeze3A_822 = vector.extract %slice3A_821[0] : i32 from vector<1xi32>
          %eq3A_823 = arith.constant 0 : i32
          %eq3A_824 = arith.cmpi eq, %squeeze3A_822, %eq3A_823 : i32
          %jit3A_825 = arith.constant 0.000000e+00 : f32
          %jit3A_826 = arith.constant 1.000000e+00 : f32
          %select_n3A_827 = arith.select %eq3A_824, %jit3A_825, %jit3A_826 : f32
          %mul3A_828 = arith.constant 50 : i32
          %mul3A_829 = arith.muli %scan3A_597, %mul3A_828 : i32
          %add3A_830 = arith.constant 20 : i32
          %add3A_831 = arith.addi %mul3A_829, %add3A_830 : i32
          %slice3A_832 = vector.extract_strided_slice %get3A_602 {offsets = [21], sizes = [1], strides = [1]} : vector<50xi32> to vector<1xi32>
          %squeeze3A_833 = vector.extract %slice3A_832[0] : i32 from vector<1xi32>
          %eq3A_834 = arith.constant 0 : i32
          %eq3A_835 = arith.cmpi eq, %squeeze3A_833, %eq3A_834 : i32
          %jit3A_836 = arith.constant 0.000000e+00 : f32
          %jit3A_837 = arith.constant 1.000000e+00 : f32
          %select_n3A_838 = arith.select %eq3A_835, %jit3A_836, %jit3A_837 : f32
          %mul3A_839 = arith.constant 50 : i32
          %mul3A_840 = arith.muli %scan3A_597, %mul3A_839 : i32
          %add3A_841 = arith.constant 21 : i32
          %add3A_842 = arith.addi %mul3A_840, %add3A_841 : i32
          %slice3A_843 = vector.extract_strided_slice %get3A_602 {offsets = [22], sizes = [1], strides = [1]} : vector<50xi32> to vector<1xi32>
          %squeeze3A_844 = vector.extract %slice3A_843[0] : i32 from vector<1xi32>
          %eq3A_845 = arith.constant 0 : i32
          %eq3A_846 = arith.cmpi eq, %squeeze3A_844, %eq3A_845 : i32
          %jit3A_847 = arith.constant 0.000000e+00 : f32
          %jit3A_848 = arith.constant 1.000000e+00 : f32
          %select_n3A_849 = arith.select %eq3A_846, %jit3A_847, %jit3A_848 : f32
          %mul3A_850 = arith.constant 50 : i32
          %mul3A_851 = arith.muli %scan3A_597, %mul3A_850 : i32
          %add3A_852 = arith.constant 22 : i32
          %add3A_853 = arith.addi %mul3A_851, %add3A_852 : i32
          %slice3A_854 = vector.extract_strided_slice %get3A_602 {offsets = [23], sizes = [1], strides = [1]} : vector<50xi32> to vector<1xi32>
          %squeeze3A_855 = vector.extract %slice3A_854[0] : i32 from vector<1xi32>
          %eq3A_856 = arith.constant 0 : i32
          %eq3A_857 = arith.cmpi eq, %squeeze3A_855, %eq3A_856 : i32
          %jit3A_858 = arith.constant 0.000000e+00 : f32
          %jit3A_859 = arith.constant 1.000000e+00 : f32
          %select_n3A_860 = arith.select %eq3A_857, %jit3A_858, %jit3A_859 : f32
          %mul3A_861 = arith.constant 50 : i32
          %mul3A_862 = arith.muli %scan3A_597, %mul3A_861 : i32
          %add3A_863 = arith.constant 23 : i32
          %add3A_864 = arith.addi %mul3A_862, %add3A_863 : i32
          %slice3A_865 = vector.extract_strided_slice %get3A_602 {offsets = [24], sizes = [1], strides = [1]} : vector<50xi32> to vector<1xi32>
          %squeeze3A_866 = vector.extract %slice3A_865[0] : i32 from vector<1xi32>
          %eq3A_867 = arith.constant 0 : i32
          %eq3A_868 = arith.cmpi eq, %squeeze3A_866, %eq3A_867 : i32
          %jit3A_869 = arith.constant 0.000000e+00 : f32
          %jit3A_870 = arith.constant 1.000000e+00 : f32
          %select_n3A_871 = arith.select %eq3A_868, %jit3A_869, %jit3A_870 : f32
          %mul3A_872 = arith.constant 50 : i32
          %mul3A_873 = arith.muli %scan3A_597, %mul3A_872 : i32
          %add3A_874 = arith.constant 24 : i32
          %add3A_875 = arith.addi %mul3A_873, %add3A_874 : i32
          %slice3A_876 = vector.extract_strided_slice %get3A_602 {offsets = [25], sizes = [1], strides = [1]} : vector<50xi32> to vector<1xi32>
          %squeeze3A_877 = vector.extract %slice3A_876[0] : i32 from vector<1xi32>
          %eq3A_878 = arith.constant 0 : i32
          %eq3A_879 = arith.cmpi eq, %squeeze3A_877, %eq3A_878 : i32
          %jit3A_880 = arith.constant 0.000000e+00 : f32
          %jit3A_881 = arith.constant 1.000000e+00 : f32
          %select_n3A_882 = arith.select %eq3A_879, %jit3A_880, %jit3A_881 : f32
          %mul3A_883 = arith.constant 50 : i32
          %mul3A_884 = arith.muli %scan3A_597, %mul3A_883 : i32
          %add3A_885 = arith.constant 25 : i32
          %add3A_886 = arith.addi %mul3A_884, %add3A_885 : i32
          %slice3A_887 = vector.extract_strided_slice %get3A_602 {offsets = [26], sizes = [1], strides = [1]} : vector<50xi32> to vector<1xi32>
          %squeeze3A_888 = vector.extract %slice3A_887[0] : i32 from vector<1xi32>
          %eq3A_889 = arith.constant 0 : i32
          %eq3A_890 = arith.cmpi eq, %squeeze3A_888, %eq3A_889 : i32
          %jit3A_891 = arith.constant 0.000000e+00 : f32
          %jit3A_892 = arith.constant 1.000000e+00 : f32
          %select_n3A_893 = arith.select %eq3A_890, %jit3A_891, %jit3A_892 : f32
          %mul3A_894 = arith.constant 50 : i32
          %mul3A_895 = arith.muli %scan3A_597, %mul3A_894 : i32
          %add3A_896 = arith.constant 26 : i32
          %add3A_897 = arith.addi %mul3A_895, %add3A_896 : i32
          %slice3A_898 = vector.extract_strided_slice %get3A_602 {offsets = [27], sizes = [1], strides = [1]} : vector<50xi32> to vector<1xi32>
          %squeeze3A_899 = vector.extract %slice3A_898[0] : i32 from vector<1xi32>
          %eq3A_900 = arith.constant 0 : i32
          %eq3A_901 = arith.cmpi eq, %squeeze3A_899, %eq3A_900 : i32
          %jit3A_902 = arith.constant 0.000000e+00 : f32
          %jit3A_903 = arith.constant 1.000000e+00 : f32
          %select_n3A_904 = arith.select %eq3A_901, %jit3A_902, %jit3A_903 : f32
          %mul3A_905 = arith.constant 50 : i32
          %mul3A_906 = arith.muli %scan3A_597, %mul3A_905 : i32
          %add3A_907 = arith.constant 27 : i32
          %add3A_908 = arith.addi %mul3A_906, %add3A_907 : i32
          %slice3A_909 = vector.extract_strided_slice %get3A_602 {offsets = [28], sizes = [1], strides = [1]} : vector<50xi32> to vector<1xi32>
          %squeeze3A_910 = vector.extract %slice3A_909[0] : i32 from vector<1xi32>
          %eq3A_911 = arith.constant 0 : i32
          %eq3A_912 = arith.cmpi eq, %squeeze3A_910, %eq3A_911 : i32
          %jit3A_913 = arith.constant 0.000000e+00 : f32
          %jit3A_914 = arith.constant 1.000000e+00 : f32
          %select_n3A_915 = arith.select %eq3A_912, %jit3A_913, %jit3A_914 : f32
          %mul3A_916 = arith.constant 50 : i32
          %mul3A_917 = arith.muli %scan3A_597, %mul3A_916 : i32
          %add3A_918 = arith.constant 28 : i32
          %add3A_919 = arith.addi %mul3A_917, %add3A_918 : i32
          %slice3A_920 = vector.extract_strided_slice %get3A_602 {offsets = [29], sizes = [1], strides = [1]} : vector<50xi32> to vector<1xi32>
          %squeeze3A_921 = vector.extract %slice3A_920[0] : i32 from vector<1xi32>
          %eq3A_922 = arith.constant 0 : i32
          %eq3A_923 = arith.cmpi eq, %squeeze3A_921, %eq3A_922 : i32
          %jit3A_924 = arith.constant 0.000000e+00 : f32
          %jit3A_925 = arith.constant 1.000000e+00 : f32
          %select_n3A_926 = arith.select %eq3A_923, %jit3A_924, %jit3A_925 : f32
          %mul3A_927 = arith.constant 50 : i32
          %mul3A_928 = arith.muli %scan3A_597, %mul3A_927 : i32
          %add3A_929 = arith.constant 29 : i32
          %add3A_930 = arith.addi %mul3A_928, %add3A_929 : i32
          %slice3A_931 = vector.extract_strided_slice %get3A_602 {offsets = [30], sizes = [1], strides = [1]} : vector<50xi32> to vector<1xi32>
          %squeeze3A_932 = vector.extract %slice3A_931[0] : i32 from vector<1xi32>
          %eq3A_933 = arith.constant 0 : i32
          %eq3A_934 = arith.cmpi eq, %squeeze3A_932, %eq3A_933 : i32
          %jit3A_935 = arith.constant 0.000000e+00 : f32
          %jit3A_936 = arith.constant 1.000000e+00 : f32
          %select_n3A_937 = arith.select %eq3A_934, %jit3A_935, %jit3A_936 : f32
          %mul3A_938 = arith.constant 50 : i32
          %mul3A_939 = arith.muli %scan3A_597, %mul3A_938 : i32
          %add3A_940 = arith.constant 30 : i32
          %add3A_941 = arith.addi %mul3A_939, %add3A_940 : i32
          %slice3A_942 = vector.extract_strided_slice %get3A_602 {offsets = [31], sizes = [1], strides = [1]} : vector<50xi32> to vector<1xi32>
          %squeeze3A_943 = vector.extract %slice3A_942[0] : i32 from vector<1xi32>
          %eq3A_944 = arith.constant 0 : i32
          %eq3A_945 = arith.cmpi eq, %squeeze3A_943, %eq3A_944 : i32
          %jit3A_946 = arith.constant 0.000000e+00 : f32
          %jit3A_947 = arith.constant 1.000000e+00 : f32
          %select_n3A_948 = arith.select %eq3A_945, %jit3A_946, %jit3A_947 : f32
          %mul3A_949 = arith.constant 50 : i32
          %mul3A_950 = arith.muli %scan3A_597, %mul3A_949 : i32
          %add3A_951 = arith.constant 31 : i32
          %add3A_952 = arith.addi %mul3A_950, %add3A_951 : i32
          %slice3A_953 = vector.extract_strided_slice %get3A_602 {offsets = [32], sizes = [1], strides = [1]} : vector<50xi32> to vector<1xi32>
          %squeeze3A_954 = vector.extract %slice3A_953[0] : i32 from vector<1xi32>
          %eq3A_955 = arith.constant 0 : i32
          %eq3A_956 = arith.cmpi eq, %squeeze3A_954, %eq3A_955 : i32
          %jit3A_957 = arith.constant 0.000000e+00 : f32
          %jit3A_958 = arith.constant 1.000000e+00 : f32
          %select_n3A_959 = arith.select %eq3A_956, %jit3A_957, %jit3A_958 : f32
          %mul3A_960 = arith.constant 50 : i32
          %mul3A_961 = arith.muli %scan3A_597, %mul3A_960 : i32
          %add3A_962 = arith.constant 32 : i32
          %add3A_963 = arith.addi %mul3A_961, %add3A_962 : i32
          %slice3A_964 = vector.extract_strided_slice %get3A_602 {offsets = [33], sizes = [1], strides = [1]} : vector<50xi32> to vector<1xi32>
          %squeeze3A_965 = vector.extract %slice3A_964[0] : i32 from vector<1xi32>
          %eq3A_966 = arith.constant 0 : i32
          %eq3A_967 = arith.cmpi eq, %squeeze3A_965, %eq3A_966 : i32
          %jit3A_968 = arith.constant 0.000000e+00 : f32
          %jit3A_969 = arith.constant 1.000000e+00 : f32
          %select_n3A_970 = arith.select %eq3A_967, %jit3A_968, %jit3A_969 : f32
          %mul3A_971 = arith.constant 50 : i32
          %mul3A_972 = arith.muli %scan3A_597, %mul3A_971 : i32
          %add3A_973 = arith.constant 33 : i32
          %add3A_974 = arith.addi %mul3A_972, %add3A_973 : i32
          %slice3A_975 = vector.extract_strided_slice %get3A_602 {offsets = [34], sizes = [1], strides = [1]} : vector<50xi32> to vector<1xi32>
          %squeeze3A_976 = vector.extract %slice3A_975[0] : i32 from vector<1xi32>
          %eq3A_977 = arith.constant 0 : i32
          %eq3A_978 = arith.cmpi eq, %squeeze3A_976, %eq3A_977 : i32
          %jit3A_979 = arith.constant 0.000000e+00 : f32
          %jit3A_980 = arith.constant 1.000000e+00 : f32
          %select_n3A_981 = arith.select %eq3A_978, %jit3A_979, %jit3A_980 : f32
          %mul3A_982 = arith.constant 50 : i32
          %mul3A_983 = arith.muli %scan3A_597, %mul3A_982 : i32
          %add3A_984 = arith.constant 34 : i32
          %add3A_985 = arith.addi %mul3A_983, %add3A_984 : i32
          %slice3A_986 = vector.extract_strided_slice %get3A_602 {offsets = [35], sizes = [1], strides = [1]} : vector<50xi32> to vector<1xi32>
          %squeeze3A_987 = vector.extract %slice3A_986[0] : i32 from vector<1xi32>
          %eq3A_988 = arith.constant 0 : i32
          %eq3A_989 = arith.cmpi eq, %squeeze3A_987, %eq3A_988 : i32
          %jit3A_990 = arith.constant 0.000000e+00 : f32
          %jit3A_991 = arith.constant 1.000000e+00 : f32
          %select_n3A_992 = arith.select %eq3A_989, %jit3A_990, %jit3A_991 : f32
          %mul3A_993 = arith.constant 50 : i32
          %mul3A_994 = arith.muli %scan3A_597, %mul3A_993 : i32
          %add3A_995 = arith.constant 35 : i32
          %add3A_996 = arith.addi %mul3A_994, %add3A_995 : i32
          %slice3A_997 = vector.extract_strided_slice %get3A_602 {offsets = [36], sizes = [1], strides = [1]} : vector<50xi32> to vector<1xi32>
          %squeeze3A_998 = vector.extract %slice3A_997[0] : i32 from vector<1xi32>
          %eq3A_999 = arith.constant 0 : i32
          %eq3A_1000 = arith.cmpi eq, %squeeze3A_998, %eq3A_999 : i32
          %jit3A_1001 = arith.constant 0.000000e+00 : f32
          %jit3A_1002 = arith.constant 1.000000e+00 : f32
          %select_n3A_1003 = arith.select %eq3A_1000, %jit3A_1001, %jit3A_1002 : f32
          %mul3A_1004 = arith.constant 50 : i32
          %mul3A_1005 = arith.muli %scan3A_597, %mul3A_1004 : i32
          %add3A_1006 = arith.constant 36 : i32
          %add3A_1007 = arith.addi %mul3A_1005, %add3A_1006 : i32
          %slice3A_1008 = vector.extract_strided_slice %get3A_602 {offsets = [37], sizes = [1], strides = [1]} : vector<50xi32> to vector<1xi32>
          %squeeze3A_1009 = vector.extract %slice3A_1008[0] : i32 from vector<1xi32>
          %eq3A_1010 = arith.constant 0 : i32
          %eq3A_1011 = arith.cmpi eq, %squeeze3A_1009, %eq3A_1010 : i32
          %jit3A_1012 = arith.constant 0.000000e+00 : f32
          %jit3A_1013 = arith.constant 1.000000e+00 : f32
          %select_n3A_1014 = arith.select %eq3A_1011, %jit3A_1012, %jit3A_1013 : f32
          %mul3A_1015 = arith.constant 50 : i32
          %mul3A_1016 = arith.muli %scan3A_597, %mul3A_1015 : i32
          %add3A_1017 = arith.constant 37 : i32
          %add3A_1018 = arith.addi %mul3A_1016, %add3A_1017 : i32
          %slice3A_1019 = vector.extract_strided_slice %get3A_602 {offsets = [38], sizes = [1], strides = [1]} : vector<50xi32> to vector<1xi32>
          %squeeze3A_1020 = vector.extract %slice3A_1019[0] : i32 from vector<1xi32>
          %eq3A_1021 = arith.constant 0 : i32
          %eq3A_1022 = arith.cmpi eq, %squeeze3A_1020, %eq3A_1021 : i32
          %jit3A_1023 = arith.constant 0.000000e+00 : f32
          %jit3A_1024 = arith.constant 1.000000e+00 : f32
          %select_n3A_1025 = arith.select %eq3A_1022, %jit3A_1023, %jit3A_1024 : f32
          %mul3A_1026 = arith.constant 50 : i32
          %mul3A_1027 = arith.muli %scan3A_597, %mul3A_1026 : i32
          %add3A_1028 = arith.constant 38 : i32
          %add3A_1029 = arith.addi %mul3A_1027, %add3A_1028 : i32
          %slice3A_1030 = vector.extract_strided_slice %get3A_602 {offsets = [39], sizes = [1], strides = [1]} : vector<50xi32> to vector<1xi32>
          %squeeze3A_1031 = vector.extract %slice3A_1030[0] : i32 from vector<1xi32>
          %eq3A_1032 = arith.constant 0 : i32
          %eq3A_1033 = arith.cmpi eq, %squeeze3A_1031, %eq3A_1032 : i32
          %jit3A_1034 = arith.constant 0.000000e+00 : f32
          %jit3A_1035 = arith.constant 1.000000e+00 : f32
          %select_n3A_1036 = arith.select %eq3A_1033, %jit3A_1034, %jit3A_1035 : f32
          %mul3A_1037 = arith.constant 50 : i32
          %mul3A_1038 = arith.muli %scan3A_597, %mul3A_1037 : i32
          %add3A_1039 = arith.constant 39 : i32
          %add3A_1040 = arith.addi %mul3A_1038, %add3A_1039 : i32
          %slice3A_1041 = vector.extract_strided_slice %get3A_602 {offsets = [40], sizes = [1], strides = [1]} : vector<50xi32> to vector<1xi32>
          %squeeze3A_1042 = vector.extract %slice3A_1041[0] : i32 from vector<1xi32>
          %eq3A_1043 = arith.constant 0 : i32
          %eq3A_1044 = arith.cmpi eq, %squeeze3A_1042, %eq3A_1043 : i32
          %jit3A_1045 = arith.constant 0.000000e+00 : f32
          %jit3A_1046 = arith.constant 1.000000e+00 : f32
          %select_n3A_1047 = arith.select %eq3A_1044, %jit3A_1045, %jit3A_1046 : f32
          %mul3A_1048 = arith.constant 50 : i32
          %mul3A_1049 = arith.muli %scan3A_597, %mul3A_1048 : i32
          %add3A_1050 = arith.constant 40 : i32
          %add3A_1051 = arith.addi %mul3A_1049, %add3A_1050 : i32
          %slice3A_1052 = vector.extract_strided_slice %get3A_602 {offsets = [41], sizes = [1], strides = [1]} : vector<50xi32> to vector<1xi32>
          %squeeze3A_1053 = vector.extract %slice3A_1052[0] : i32 from vector<1xi32>
          %eq3A_1054 = arith.constant 0 : i32
          %eq3A_1055 = arith.cmpi eq, %squeeze3A_1053, %eq3A_1054 : i32
          %jit3A_1056 = arith.constant 0.000000e+00 : f32
          %jit3A_1057 = arith.constant 1.000000e+00 : f32
          %select_n3A_1058 = arith.select %eq3A_1055, %jit3A_1056, %jit3A_1057 : f32
          %mul3A_1059 = arith.constant 50 : i32
          %mul3A_1060 = arith.muli %scan3A_597, %mul3A_1059 : i32
          %add3A_1061 = arith.constant 41 : i32
          %add3A_1062 = arith.addi %mul3A_1060, %add3A_1061 : i32
          %slice3A_1063 = vector.extract_strided_slice %get3A_602 {offsets = [42], sizes = [1], strides = [1]} : vector<50xi32> to vector<1xi32>
          %squeeze3A_1064 = vector.extract %slice3A_1063[0] : i32 from vector<1xi32>
          %eq3A_1065 = arith.constant 0 : i32
          %eq3A_1066 = arith.cmpi eq, %squeeze3A_1064, %eq3A_1065 : i32
          %jit3A_1067 = arith.constant 0.000000e+00 : f32
          %jit3A_1068 = arith.constant 1.000000e+00 : f32
          %select_n3A_1069 = arith.select %eq3A_1066, %jit3A_1067, %jit3A_1068 : f32
          %mul3A_1070 = arith.constant 50 : i32
          %mul3A_1071 = arith.muli %scan3A_597, %mul3A_1070 : i32
          %add3A_1072 = arith.constant 42 : i32
          %add3A_1073 = arith.addi %mul3A_1071, %add3A_1072 : i32
          %slice3A_1074 = vector.extract_strided_slice %get3A_602 {offsets = [43], sizes = [1], strides = [1]} : vector<50xi32> to vector<1xi32>
          %squeeze3A_1075 = vector.extract %slice3A_1074[0] : i32 from vector<1xi32>
          %eq3A_1076 = arith.constant 0 : i32
          %eq3A_1077 = arith.cmpi eq, %squeeze3A_1075, %eq3A_1076 : i32
          %jit3A_1078 = arith.constant 0.000000e+00 : f32
          %jit3A_1079 = arith.constant 1.000000e+00 : f32
          %select_n3A_1080 = arith.select %eq3A_1077, %jit3A_1078, %jit3A_1079 : f32
          %mul3A_1081 = arith.constant 50 : i32
          %mul3A_1082 = arith.muli %scan3A_597, %mul3A_1081 : i32
          %add3A_1083 = arith.constant 43 : i32
          %add3A_1084 = arith.addi %mul3A_1082, %add3A_1083 : i32
          %slice3A_1085 = vector.extract_strided_slice %get3A_602 {offsets = [44], sizes = [1], strides = [1]} : vector<50xi32> to vector<1xi32>
          %squeeze3A_1086 = vector.extract %slice3A_1085[0] : i32 from vector<1xi32>
          %eq3A_1087 = arith.constant 0 : i32
          %eq3A_1088 = arith.cmpi eq, %squeeze3A_1086, %eq3A_1087 : i32
          %jit3A_1089 = arith.constant 0.000000e+00 : f32
          %jit3A_1090 = arith.constant 1.000000e+00 : f32
          %select_n3A_1091 = arith.select %eq3A_1088, %jit3A_1089, %jit3A_1090 : f32
          %mul3A_1092 = arith.constant 50 : i32
          %mul3A_1093 = arith.muli %scan3A_597, %mul3A_1092 : i32
          %add3A_1094 = arith.constant 44 : i32
          %add3A_1095 = arith.addi %mul3A_1093, %add3A_1094 : i32
          %slice3A_1096 = vector.extract_strided_slice %get3A_602 {offsets = [45], sizes = [1], strides = [1]} : vector<50xi32> to vector<1xi32>
          %squeeze3A_1097 = vector.extract %slice3A_1096[0] : i32 from vector<1xi32>
          %eq3A_1098 = arith.constant 0 : i32
          %eq3A_1099 = arith.cmpi eq, %squeeze3A_1097, %eq3A_1098 : i32
          %jit3A_1100 = arith.constant 0.000000e+00 : f32
          %jit3A_1101 = arith.constant 1.000000e+00 : f32
          %select_n3A_1102 = arith.select %eq3A_1099, %jit3A_1100, %jit3A_1101 : f32
          %mul3A_1103 = arith.constant 50 : i32
          %mul3A_1104 = arith.muli %scan3A_597, %mul3A_1103 : i32
          %add3A_1105 = arith.constant 45 : i32
          %add3A_1106 = arith.addi %mul3A_1104, %add3A_1105 : i32
          %slice3A_1107 = vector.extract_strided_slice %get3A_602 {offsets = [46], sizes = [1], strides = [1]} : vector<50xi32> to vector<1xi32>
          %squeeze3A_1108 = vector.extract %slice3A_1107[0] : i32 from vector<1xi32>
          %eq3A_1109 = arith.constant 0 : i32
          %eq3A_1110 = arith.cmpi eq, %squeeze3A_1108, %eq3A_1109 : i32
          %jit3A_1111 = arith.constant 0.000000e+00 : f32
          %jit3A_1112 = arith.constant 1.000000e+00 : f32
          %select_n3A_1113 = arith.select %eq3A_1110, %jit3A_1111, %jit3A_1112 : f32
          %mul3A_1114 = arith.constant 50 : i32
          %mul3A_1115 = arith.muli %scan3A_597, %mul3A_1114 : i32
          %add3A_1116 = arith.constant 46 : i32
          %add3A_1117 = arith.addi %mul3A_1115, %add3A_1116 : i32
          %slice3A_1118 = vector.extract_strided_slice %get3A_602 {offsets = [47], sizes = [1], strides = [1]} : vector<50xi32> to vector<1xi32>
          %squeeze3A_1119 = vector.extract %slice3A_1118[0] : i32 from vector<1xi32>
          %eq3A_1120 = arith.constant 0 : i32
          %eq3A_1121 = arith.cmpi eq, %squeeze3A_1119, %eq3A_1120 : i32
          %jit3A_1122 = arith.constant 0.000000e+00 : f32
          %jit3A_1123 = arith.constant 1.000000e+00 : f32
          %select_n3A_1124 = arith.select %eq3A_1121, %jit3A_1122, %jit3A_1123 : f32
          %mul3A_1125 = arith.constant 50 : i32
          %mul3A_1126 = arith.muli %scan3A_597, %mul3A_1125 : i32
          %add3A_1127 = arith.constant 47 : i32
          %add3A_1128 = arith.addi %mul3A_1126, %add3A_1127 : i32
          %slice3A_1129 = vector.extract_strided_slice %get3A_602 {offsets = [48], sizes = [1], strides = [1]} : vector<50xi32> to vector<1xi32>
          %squeeze3A_1130 = vector.extract %slice3A_1129[0] : i32 from vector<1xi32>
          %eq3A_1131 = arith.constant 0 : i32
          %eq3A_1132 = arith.cmpi eq, %squeeze3A_1130, %eq3A_1131 : i32
          %jit3A_1133 = arith.constant 0.000000e+00 : f32
          %jit3A_1134 = arith.constant 1.000000e+00 : f32
          %select_n3A_1135 = arith.select %eq3A_1132, %jit3A_1133, %jit3A_1134 : f32
          %mul3A_1136 = arith.constant 50 : i32
          %mul3A_1137 = arith.muli %scan3A_597, %mul3A_1136 : i32
          %add3A_1138 = arith.constant 48 : i32
          %add3A_1139 = arith.addi %mul3A_1137, %add3A_1138 : i32
          %slice3A_1140 = vector.extract_strided_slice %get3A_602 {offsets = [49], sizes = [1], strides = [1]} : vector<50xi32> to vector<1xi32>
          %squeeze3A_1141 = vector.extract %slice3A_1140[0] : i32 from vector<1xi32>
          %eq3A_1142 = arith.constant 0 : i32
          %eq3A_1143 = arith.cmpi eq, %squeeze3A_1141, %eq3A_1142 : i32
          %jit3A_1144 = arith.constant 0.000000e+00 : f32
          %jit3A_1145 = arith.constant 1.000000e+00 : f32
          %select_n3A_1146 = arith.select %eq3A_1143, %jit3A_1144, %jit3A_1145 : f32
          %mul3A_1147 = arith.constant 50 : i32
          %mul3A_1148 = arith.muli %scan3A_597, %mul3A_1147 : i32
          %add3A_1149 = arith.constant 49 : i32
          %add3A_1150 = arith.addi %mul3A_1148, %add3A_1149 : i32
        }
        %scan3A_596 = arith.constant 32 : i32
      } else {
      }
      %dma_start3A_573 = arith.constant 1 : i32
      %dma_start3A_574 = arith.constant 1 : i32
      %dma_start3A_575 = arith.constant 0 : i32
      %dma_start3A_576 = arith.constant 0 : i32
      %dma_start3A_577 = tpu.memref_slice %arg6[%dma_start3A_573, %dma_start3A_575, %dma_start3A_576] : memref<2x512x32xf32, #tpu.memory_space<vmem>> -> memref<1x512x32xf32, #tpu.memory_space<vmem>>
      %dma_start3A_578 = tpu.memref_squeeze %dma_start3A_577 : memref<1x512x32xf32, #tpu.memory_space<vmem>> -> memref<512x32xf32, #tpu.memory_space<vmem>>
      %dma_start3A_579 = arith.constant 0 : i32
      %dma_start3A_580 = tpu.memref_slice %arg4[%add3A_347, %mul3A_2, %dma_start3A_579] : memref<50x16384x32xf32, #tpu.memory_space<hbm>> -> memref<1x512x32xf32, #tpu.memory_space<hbm>>
      %dma_start3A_581 = tpu.memref_squeeze %dma_start3A_580 : memref<1x512x32xf32, #tpu.memory_space<hbm>> -> memref<512x32xf32, #tpu.memory_space<hbm>>
      %dma_start3A_582 = tpu.memref_slice %arg8[%dma_start3A_574] : memref<2x!tpu.dma_semaphore, #tpu.memory_space<semaphore_mem>> -> memref<1x!tpu.dma_semaphore, #tpu.memory_space<semaphore_mem>>
      %dma_start3A_583 = tpu.memref_squeeze %dma_start3A_582 : memref<1x!tpu.dma_semaphore, #tpu.memory_space<semaphore_mem>> -> memref<!tpu.dma_semaphore, #tpu.memory_space<semaphore_mem>>
      %dma_start3A_584 = arith.constant 0 : i32
      %dma_start3A_585 = tpu.memref_slice %arg4[%add3A_347, %mul3A_2, %dma_start3A_584] : memref<50x16384x32xf32, #tpu.memory_space<hbm>> -> memref<1x512x32xf32, #tpu.memory_space<hbm>>
      %dma_start3A_586 = tpu.memref_squeeze %dma_start3A_585 : memref<1x512x32xf32, #tpu.memory_space<hbm>> -> memref<512x32xf32, #tpu.memory_space<hbm>>
      %dma_start3A_587 = arith.constant 0 : i32
      %dma_start3A_588 = arith.constant 0 : i32
      %dma_start3A_589 = tpu.memref_slice %arg6[%dma_start3A_573, %dma_start3A_587, %dma_start3A_588] : memref<2x512x32xf32, #tpu.memory_space<vmem>> -> memref<1x512x32xf32, #tpu.memory_space<vmem>>
      %dma_start3A_590 = tpu.memref_squeeze %dma_start3A_589 : memref<1x512x32xf32, #tpu.memory_space<vmem>> -> memref<512x32xf32, #tpu.memory_space<vmem>>
      tpu.enqueue_dma source(%dma_start3A_590 : memref<512x32xf32, #tpu.memory_space<vmem>>) target(%dma_start3A_586 : memref<512x32xf32, #tpu.memory_space<hbm>>) target_semaphore(%dma_start3A_583 : memref<!tpu.dma_semaphore, #tpu.memory_space<semaphore_mem>>)
    }
    %scan3A_66 = arith.constant 25 : i32
    %dma_wait3A = arith.constant 0 : i32
    %dma_wait3A_67 = arith.constant 48 : i32
    %dma_wait3A_68 = arith.constant 0 : i32
    %dma_wait3A_69 = arith.constant 0 : i32
    %dma_wait3A_70 = arith.constant 0 : i32
    %dma_wait3A_71 = tpu.memref_slice %arg6[%dma_wait3A, %dma_wait3A_69, %dma_wait3A_70] : memref<2x512x32xf32, #tpu.memory_space<vmem>> -> memref<1x512x32xf32, #tpu.memory_space<vmem>>
    %dma_wait3A_72 = tpu.memref_squeeze %dma_wait3A_71 : memref<1x512x32xf32, #tpu.memory_space<vmem>> -> memref<512x32xf32, #tpu.memory_space<vmem>>
    %dma_wait3A_73 = arith.constant 0 : i32
    %dma_wait3A_74 = tpu.memref_slice %arg4[%dma_wait3A_67, %mul3A_2, %dma_wait3A_73] : memref<50x16384x32xf32, #tpu.memory_space<hbm>> -> memref<1x512x32xf32, #tpu.memory_space<hbm>>
    %dma_wait3A_75 = tpu.memref_squeeze %dma_wait3A_74 : memref<1x512x32xf32, #tpu.memory_space<hbm>> -> memref<512x32xf32, #tpu.memory_space<hbm>>
    %dma_wait3A_76 = tpu.memref_slice %arg8[%dma_wait3A_68] : memref<2x!tpu.dma_semaphore, #tpu.memory_space<semaphore_mem>> -> memref<1x!tpu.dma_semaphore, #tpu.memory_space<semaphore_mem>>
    %dma_wait3A_77 = tpu.memref_squeeze %dma_wait3A_76 : memref<1x!tpu.dma_semaphore, #tpu.memory_space<semaphore_mem>> -> memref<!tpu.dma_semaphore, #tpu.memory_space<semaphore_mem>>
    %dma_wait3A_78 = arith.constant 0 : i32
    %dma_wait3A_79 = tpu.memref_slice %arg4[%dma_wait3A_67, %mul3A_2, %dma_wait3A_78] : memref<50x16384x32xf32, #tpu.memory_space<hbm>> -> memref<1x512x32xf32, #tpu.memory_space<hbm>>
    %dma_wait3A_80 = tpu.memref_squeeze %dma_wait3A_79 : memref<1x512x32xf32, #tpu.memory_space<hbm>> -> memref<512x32xf32, #tpu.memory_space<hbm>>
    %dma_wait3A_81 = arith.constant 0 : i32
    %dma_wait3A_82 = arith.constant 0 : i32
    %dma_wait3A_83 = tpu.memref_slice %arg6[%dma_wait3A, %dma_wait3A_81, %dma_wait3A_82] : memref<2x512x32xf32, #tpu.memory_space<vmem>> -> memref<1x512x32xf32, #tpu.memory_space<vmem>>
    %dma_wait3A_84 = tpu.memref_squeeze %dma_wait3A_83 : memref<1x512x32xf32, #tpu.memory_space<vmem>> -> memref<512x32xf32, #tpu.memory_space<vmem>>
    tpu.wait_dma2 semaphore(%dma_wait3A_77 : memref<!tpu.dma_semaphore, #tpu.memory_space<semaphore_mem>>) src(%dma_wait3A_84 : memref<512x32xf32, #tpu.memory_space<vmem>>) dst(%dma_wait3A_80 : memref<512x32xf32, #tpu.memory_space<hbm>>)
    %dma_wait3A_85 = arith.constant 1 : i32
    %dma_wait3A_86 = arith.constant 49 : i32
    %dma_wait3A_87 = arith.constant 1 : i32
    %dma_wait3A_88 = arith.constant 0 : i32
    %dma_wait3A_89 = arith.constant 0 : i32
    %dma_wait3A_90 = tpu.memref_slice %arg6[%dma_wait3A_85, %dma_wait3A_88, %dma_wait3A_89] : memref<2x512x32xf32, #tpu.memory_space<vmem>> -> memref<1x512x32xf32, #tpu.memory_space<vmem>>
    %dma_wait3A_91 = tpu.memref_squeeze %dma_wait3A_90 : memref<1x512x32xf32, #tpu.memory_space<vmem>> -> memref<512x32xf32, #tpu.memory_space<vmem>>
    %dma_wait3A_92 = arith.constant 0 : i32
    %dma_wait3A_93 = tpu.memref_slice %arg4[%dma_wait3A_86, %mul3A_2, %dma_wait3A_92] : memref<50x16384x32xf32, #tpu.memory_space<hbm>> -> memref<1x512x32xf32, #tpu.memory_space<hbm>>
    %dma_wait3A_94 = tpu.memref_squeeze %dma_wait3A_93 : memref<1x512x32xf32, #tpu.memory_space<hbm>> -> memref<512x32xf32, #tpu.memory_space<hbm>>
    %dma_wait3A_95 = tpu.memref_slice %arg8[%dma_wait3A_87] : memref<2x!tpu.dma_semaphore, #tpu.memory_space<semaphore_mem>> -> memref<1x!tpu.dma_semaphore, #tpu.memory_space<semaphore_mem>>
    %dma_wait3A_96 = tpu.memref_squeeze %dma_wait3A_95 : memref<1x!tpu.dma_semaphore, #tpu.memory_space<semaphore_mem>> -> memref<!tpu.dma_semaphore, #tpu.memory_space<semaphore_mem>>
    %dma_wait3A_97 = arith.constant 0 : i32
    %dma_wait3A_98 = tpu.memref_slice %arg4[%dma_wait3A_86, %mul3A_2, %dma_wait3A_97] : memref<50x16384x32xf32, #tpu.memory_space<hbm>> -> memref<1x512x32xf32, #tpu.memory_space<hbm>>
    %dma_wait3A_99 = tpu.memref_squeeze %dma_wait3A_98 : memref<1x512x32xf32, #tpu.memory_space<hbm>> -> memref<512x32xf32, #tpu.memory_space<hbm>>
    %dma_wait3A_100 = arith.constant 0 : i32
    %dma_wait3A_101 = arith.constant 0 : i32
    %dma_wait3A_102 = tpu.memref_slice %arg6[%dma_wait3A_85, %dma_wait3A_100, %dma_wait3A_101] : memref<2x512x32xf32, #tpu.memory_space<vmem>> -> memref<1x512x32xf32, #tpu.memory_space<vmem>>
    %dma_wait3A_103 = tpu.memref_squeeze %dma_wait3A_102 : memref<1x512x32xf32, #tpu.memory_space<vmem>> -> memref<512x32xf32, #tpu.memory_space<vmem>>
    tpu.wait_dma2 semaphore(%dma_wait3A_96 : memref<!tpu.dma_semaphore, #tpu.memory_space<semaphore_mem>>) src(%dma_wait3A_103 : memref<512x32xf32, #tpu.memory_space<vmem>>) dst(%dma_wait3A_99 : memref<512x32xf32, #tpu.memory_space<hbm>>)
    return
  }
}

</mosaic_0001>

<sc_bundles>
// kernel: kernel.4.cloned.1.call-start
scs
__scs_entry_jumppad:
0x0: {  	(pc) =	sbr.rel $0x88, $3  }
0x1: {  	(tag) =	ssettag $0x0;
	lr =	simm.s32 $0x1  }
0x2: {  	[smem:$0x3F9D] =	sst lr;
	_ =	strace $0xD0000000  }
0x3: {  	_ = 	snop  }
0x4: {  	_ = 	snop  }
0x5: {  	_ = 	snop  }
0x6: {  	_ = 	snop  }
0x7: {  	_ = 	snop  }
__scs_overlays_trampoline_lowered:
0x8: {  	[smem:$0x3FAC] =	sst s0  }
0x9: {  	[smem:$0x3FAD] =	sst s1  }
0xa: {  	[smem:$0x3FAE] =	sst s2  }
0xb: {  	[smem:$0x3FAF] =	sst s3  }
0xc: {  	[smem:$0x3FB0] =	sst s4  }
0xd: {  	[smem:$0x3FB1] =	sst s5  }
0xe: {  	[smem:$0x3FB2] =	sst s6  }
0xf: {  	[smem:$0x3FB3] =	sst s7  }
0x10: {  	[smem:$0x3FB4] =	sst s8  }
0x11: {  	[smem:$0x3FB5] =	sst s9;
	s0 =	simm.s32 @!p0 $0x0  }
0x12: {  	s1 =	sld [smem:$0x3F9B];
	s0 =	simm.s32 @p0 $0x1  }
0x13: {  	[smem:$0x3FB6] =	sst s0;
	s0 =	simm.s32 @!p1 $0x0  }
0x14: {  	s2 =	sld [smem:$0x3F9A];
	s0 =	simm.s32 @p1 $0x1  }
0x15: {  	[smem:$0x3FB7] =	sst s0;
	s0 =	simm.s32 @!p2 $0x0  }
0x16: {  	s3 =	sld [smem:$0x3FDB];
	s0 =	simm.s32 @p2 $0x1  }
0x17: {  	s4 =	simm.s32 $0x1BF5;
	[smem:$0x3FB9] =	sst s0  }
0x18: {  	s0 =	sld [smem:$0x3F9C];
	_ =	swait.ge [sflag:s4], $0x0  }
0x19: {  	s7 =	sld [smem:$0x3F9D]  }
0x1a: {  	s8 =	sadd.s32 $0xFFFFE003, lr  }
0x1b: {  	s9 =	sadd.s32 $0xFFFFFEF7, lr;
	s5 =	simm.s32 $0xFFFFFFFF;
	p2 =	slt.u32 s8, $0xFFFFF086  }
0x1c: {  	p1 =	slt.u32 s9, $0xF7A;
	s5 =	simm.s32 @!p2 $0x0  }
0x1d: {  	s5 =	simm.s32 @p1 $0x1;
	p0 =	seq.s32 s7, s2  }
0x1e: {  	s7 =	smul.u32 @!p0 $0xF7A, s2;
	p2 =	seq.s32 @!p0 s5, $0x0  }
0x1f: {  	s9 =	smul.u32 $0xF7A, s1;
	s8 =	simm.s32 @!p0 $0x1BF5;
	p2 =	por !p2, p0  }
0x20: {  	[sflag:s8] =	ssyncset.s32 @!p0 $0xFFFFF086;
	s6 =	sadd.s32 @!p0 s3, s7;
	s7 =	simm.s32 @!p0 $0x108  }
0x21: {  	s3 =	sadd.s32 s3, s9;
	s6 =	sadd.s32 @!p0 $0x88, s6;
	s7 =	simm.s32 @p2 $0x1082  }
0x22: {  	[simem:s7], [sflag:s8] =	dma.local @!p0 [hbm:s6], $0xF7A  }
0x23: {  	s9 =	sor.u32 $0xD0000000, s2;
	s6 =	simm.s32 $0x108;
	_ =	swait.ge @!p0 [sflag:s8], $0x0  }
0x24: {  	s3 =	sadd.s32 $0x88, s3;
	s6 =	simm.s32 @!p1 $0x1082;
	[sflag:s4] =	ssyncset.s32 $0xFFFFF086  }
0x25: {  	[simem:s6], [sflag:s4] =	dma.local [hbm:s3], $0xF7A  }
0x26: {  	[smem:$0x3F9D] =	sst s1;
	(tag) =	ssettag s2;
	_ =	strace s9  }
0x27: {  	s1 =	sld [smem:$0x3FAD]  }
0x28: {  	s2 =	sld [smem:$0x3FAE]  }
0x29: {  	s4 =	sld [smem:$0x3FB0]  }
0x2a: {  	p0 =	seq.s32 s5, $0x0;
	s5 =	sld [smem:$0x3FB1]  }
0x2b: {  	s6 =	sld [smem:$0x3FB2]  }
0x2c: {  	s7 =	sld [smem:$0x3FB3]  }
0x2d: {  	s3 =	simm.s32 $0x108;
	s8 =	sld [smem:$0x3FB4]  }
0x2e: {  	s3 =	simm.s32 @!p0 $0x1082;
	s9 =	sld [smem:$0x3FB5]  }
0x2f: {  	lr =	sadd.s32 s0, s3;
	s0 =	sld [smem:$0x3FAC]  }
0x30: {  	s3 =	sld [smem:$0x3FAF]  }
0x31: {  	[smem:$0x3FB8] =	sst s10  }
0x32: {  	s10 =	sld [smem:$0x3FB6];
	_ =	sdelay $0x3  }
0x33: {  	p0 =	seq.s32 s10, $0x1;
	s10 =	sld [smem:$0x3FB8];
	_ =	sdelay $0x3  }
0x34: {  	[smem:$0x3FB8] =	sst s10  }
0x35: {  	s10 =	sld [smem:$0x3FB7];
	_ =	sdelay $0x3  }
0x36: {  	p1 =	seq.s32 s10, $0x1;
	s10 =	sld [smem:$0x3FB8];
	_ =	sdelay $0x3  }
0x37: {  	[smem:$0x3FB8] =	sst s10  }
0x38: {  	s10 =	sld [smem:$0x3FB9]  }
0x39: {  	_ = 	snop;
	(pc) =	sbr.ind lr, $3  }
0x3a: {  	_ = 	snop  }
0x3b: {  	_ = 	snop  }
0x3c: {  	p2 =	seq.s32 s10, $0x1;
	s10 =	sld [smem:$0x3FB8]  }
0x3d: {  	_ =	shalt  }
0x3e: {  	_ =	shalt  }
0x3f: {  	_ =	shalt  }
0x40: {  	_ =	shalt  }
0x41: {  	_ =	shalt  }
0x42: {  	_ =	shalt  }
0x43: {  	_ =	shalt  }
0x44: {  	_ =	shalt  }
0x45: {  	_ =	shalt  }
0x46: {  	_ =	shalt  }
0x47: {  	_ =	shalt  }
0x48: {  	_ =	shalt  }
0x49: {  	_ =	shalt  }
0x4a: {  	_ =	shalt  }
0x4b: {  	_ =	shalt  }
0x4c: {  	_ =	shalt  }
0x4d: {  	_ =	shalt  }
0x4e: {  	_ =	shalt  }
0x4f: {  	_ =	shalt  }
0x50: {  	_ =	shalt  }
0x51: {  	_ =	shalt  }
0x52: {  	_ =	shalt  }
0x53: {  	_ =	shalt  }
0x54: {  	_ =	shalt  }
0x55: {  	_ =	shalt  }
0x56: {  	_ =	shalt  }
0x57: {  	_ =	shalt  }
0x58: {  	_ =	shalt  }
0x59: {  	_ =	shalt  }
0x5a: {  	_ =	shalt  }
0x5b: {  	_ =	shalt  }
0x5c: {  	_ =	shalt  }
0x5d: {  	_ =	shalt  }
0x5e: {  	_ =	shalt  }
0x5f: {  	_ =	shalt  }
0x60: {  	_ =	shalt  }
0x61: {  	_ =	shalt  }
0x62: {  	_ =	shalt  }
0x63: {  	_ =	shalt  }
0x64: {  	_ =	shalt  }
0x65: {  	_ =	shalt  }
0x66: {  	_ =	shalt  }
0x67: {  	_ =	shalt  }
0x68: {  	_ =	shalt  }
0x69: {  	_ =	shalt  }
0x6a: {  	_ =	shalt  }
0x6b: {  	_ =	shalt  }
0x6c: {  	_ =	shalt  }
0x6d: {  	_ =	shalt  }
0x6e: {  	_ =	shalt  }
0x6f: {  	_ =	shalt  }
0x70: {  	_ =	shalt  }
0x71: {  	_ =	shalt  }
0x72: {  	_ =	shalt  }
0x73: {  	_ =	shalt  }
0x74: {  	_ =	shalt  }
0x75: {  	_ =	shalt  }
0x76: {  	_ =	shalt  }
0x77: {  	_ =	shalt  }
0x78: {  	_ =	shalt  }
0x79: {  	_ =	shalt  }
0x7a: {  	_ =	shalt  }
0x7b: {  	_ =	shalt  }
0x7c: {  	_ =	shalt  }
0x7d: {  	_ =	shalt  }
0x7e: {  	_ =	shalt  }
0x7f: {  	_ =	shalt  }
0x80: {  	_ =	shalt  }
0x81: {  	_ =	shalt  }
0x82: {  	_ =	shalt  }
0x83: {  	_ =	shalt  }
0x84: {  	_ =	shalt  }
0x85: {  	_ =	shalt  }
0x86: {  	_ =	shalt  }
0x87: {  	_ =	shalt  }
.Lfunc_end0:
.L_simem_size_0:
called_computation.2_lowered:
.L_overlay_start_0:
0x88: {  	s2 =	sld [smem:$0x3FD9]  }
0x89: {  	s3 =	sld [smem:$0x3FFE];
	_ =	sdelay $0x1  }
0x8a: {  	s1 =	srdreg.scid  }
0x8b: {  	s0 =	sand.u32 $0x1, s1  }
0x8c: {  	s14 =	sshll.u32 s0, $0xA;
	s2 =	sadd.s32 s3, s2  }
0x8d: {  	s2 =	sadd.s32 s2, s14  }
0x8e: {  	[smem:$0x3FC4] =	sst s2  }
0x8f: {  	_ = 	snop  }
0x90: {  	s2 =	sld [smem:$0x3FD0];
	_ =	sdelay $0x2  }
0x91: {  	s15 =	simm.s32 $0xB;
	s4 =	simm.s32 $0x10  }
0x92: {  	[smem:s4], [sflag:s15] =	dma.local [hbm:s2], $0x1  }
0x93: {  	_ =	swait.eq [sflag:s15], $0x1  }
0x94: {  	[sflag:s15] =	ssyncset.done $0x0  }
0x95: {  	[sflag:s15] =	ssyncadd.s32 $0xFFFFFFFF  }
0x96: {  	s16 =	sld [smem:$0x10];
	(tm) =	ssettm $0x1  }
0x97: {  	s17 =	sld [smem:$0x3FFB];
	_ =	sdelay $0x3  }
0x98: {  	_ =	strace s17  }
0x99: {  	s3 =	sld [smem:$0x3FFC];
	_ =	sdelay $0x3  }
0x9a: {  	_ =	strace s3  }
0x9b: {  	s3 =	sld [smem:$0x3FFD];
	_ =	sdelay $0x3  }
0x9c: {  	_ =	strace s3  }
0x9d: {  	_ =	strace $0x8FFFFFFF  }
0x9e: {  	s18 =	sld [smem:$0x3FDB];
	_ =	sdelay $0x1  }
0x9f: {  	s19 =	simm.s32 $_scs_section_size  }
0xa0: {  	s5 =	simm.s32 $_size__tile_overlayer_lowered;
	s6 =	simm.s32 $_tile_overlayer_lowered  }
0xa1: {  	s22 =	simm.s32 $0x1BFF;
	s21 =	sshll.u32 s6, $0x1;
	s3 =	sadd.s32 s19, s18  }
0xa2: {  	s7 =	simm.s32 $0x0;
	s20 =	sshll.u32 s5, $0x1;
	s5 =	sadd.s32 s21, s3  }
0xa3: {  	[timem:s7], [sflag:s22] =	dma.local [hbm:s5], s20  }
0xa4: {  	_ =	swait.ge [sflag:s22], s20  }
0xa5: {  	s4 =	ssub.s32 $0x0, s20;
	[sflag:s22] =	ssyncset.done $0x0  }
0xa6: {  	[sflag:s22] =	ssyncadd.s32 s4;
	_ =	sdelay $0x1  }
0xa7: {  	s23 =	simm.s32 $0x1B8B  }
0xa8: {  	_ =	swait.ge [sflag:s23], $0x1  }
0xa9: {  	[sflag:s23] =	ssyncset.done $0x0  }
0xaa: {  	s25 =	simm.s32 $0x1B8E;
	s24 =	sld [smem:$0x3FFE];
	[sflag:s23] =	ssyncadd.s32 $0xFFFFFFFF  }
0xab: {  	s26 =	simm.s32 $execute0_lowered;
	[smem:$0x3FD2] =	sst s25  }
0xac: {  	s5 =	sshll.u32 s26, $0x1;
	_ =	strace $0x80000046;
	[dreg:$0x1] =	wrdreg $0xFFFFFFFF  }
0xad: {  	s28 =	simm.s32 $_size_execute0_lowered;
	s3 =	sadd.s32 s3, s5;
	[dreg:$0x0] =	wrdreg $0x0  }
0xae: {  	s5 =	sshll.u32 s28, $0x1;
	[dreg:$0x2] =	wrdreg s3  }
0xaf: {  	[dreg:$0x3] =	wrdreg s5  }
0xb0: {  	[dreg:$0x4] =	wrdreg $0xC0  }
0xb1: {  	_ =	task [dreg:s7], $0x5FFFF  }
0xb2: {  	[dreg:$0x1] =	wrdreg $0xFFFFFFFF  }
0xb3: {  	[dreg:$0x0] =	wrdreg $0x60  }
0xb4: {  	[dreg:$0x2] =	wrdreg s24  }
0xb5: {  	[dreg:$0x3] =	wrdreg s16  }
0xb6: {  	[dreg:$0x4] =	wrdreg $0x9  }
0xb7: {  	_ =	task.clear_ibuf [dreg:s7], $0x5FFFF;
	_ =	strace $0x90000046  }
0xb8: {  	s29 =	simm.s32 $0x9;
	_ =	strace $0x80000048  }
0xb9: {  	_ =	swait.ge [sflag:s29], $0x1  }
0xba: {  	[sflag:s29] =	ssyncadd.s32 $0xFFFFFFFF  }
0xbb: {  	_ =	strace $0x90000048  }
0xbc: {  	_ =	sfence  }
0xbd: {  	s30 =	sld [smem:$0x0];
	_ =	sdelay $0x2  }
0xbe: {  	s31 =	sshll.u32 s1, $0xD;
	s1 =	sshrl.u32 s1, $0x2  }
0xbf: {  	s3 =	sand.u32 $0x4000, s31;
	s1 =	sadd.s32 s1, s30  }
0xc0: {  	s0 =	sor.u32 s3, s0;
	s1 =	sshll.u32 s1, $0x11  }
0xc1: {  	s0 =	sor.u32 s1, s0  }
0xc2: {  	s0 =	sadd.s32 $0x8F2B, s0  }
0xc3: {  	[sflag:s0] =	ssyncadd.remote.s32 $0x1  }
0xc4: {  	_ =	sfence.sel $0xFFFF  }
0xc5: {  	[dreg:$0x0] =	wrdreg $0xFFFFFFFF;
	(pc) =	sbr.abs _section_cstart, $3  }
0xc6: {  	[dreg:$0x1] =	wrdreg $0xFFFFFFFF  }
0xc7: {  	_ =	task.clear_ibuf [dreg:s7], $0x2FFFF;
	_ =	strace $0x9FFFFFFF  }
0xc8: {  	(tm) =	ssettm $0x7FFFFFFF  }
0xc9: {  	_ =	shalt  }
tec
execute0_lowered:
.L_overlay_start_1:
0x0: {  	(tag) =	ssettag $0x1  }
0x1: {  	s0 =	rddreg [dreg:$0x0]  }
0x2: {  	s2 =	rddreg [dreg:$0x1]  }
0x3: {  	s1 =	srdreg.scid;
	s8 =	stileid.u32  }
0x4: {  	s3 =	simm.s32 $0x0;
	s13 =	simm.s32 $0x200;
	s15 =	simm.s32 $0x5  }
0x5: {  	s16 =	simm.s32 $0x80;
	s17 =	simm.s32 $0x6400;
	s18 =	simm.s32 $0x7400  }
0x6: {  	s20 =	simm.s32 $0x8400;
	s22 =	simm.s32 $0x9400;
	s28 =	simm.s32 $0xC400  }
0x7: {  	s30 =	simm.s32 $0xD400;
	s31 =	simm.s32 $0x1;
	s21 =	simm.s32 $0x0  }
0x8: {  	s1 =	sand.u32 $0x1, s1;
	s4 =	sshll.u32 s8, $0xA;
	[smem:$0x7FF] =	sst s3  }
0x9: {  	s24 =	sshll.u32 s8, $0xF;
	s5 =	sshll.u32 s1, $0x9;
	_ =	strace $0x80000047  }
0xa: {  	s7 =	ssub.s32 $0x2, s1;
	s1 =	sshll.u32 s1, $0xE;
	s5 =	sor.u32 s5, s4  }
0xb: {  	s4 =	sadd.s32 $0xF43800, s0;
	s23 =	sshrl.u32 s7, $0x1;
	s1 =	sor.u32 s1, s24  }
0xc: {  	s24 =	simm.s32 $0x2;
	s6 =	sshrl.u32 s5, $0x3;
	s25 =	sshll.u32 s5, $0x2  }
0xd: {  	s29 =	sor.u32 $0x180000, s1;
	s11 =	sor.u32 $0x100000, s1;
	s0 =	sadd.s32 s6, s0  }
0xe: {  	s6 =	ssub.s32 s7, s23;
	s7 =	sadd.s32 s2, s25;
	s23 =	simm.s32 $0xA400  }
0xf: {  	s25 =	simm.s32 $0xB400;
	s0 =	sadd.s32 $0x1400, s0;
	s26 =	smax.u32 s6, $0x1  }
0x10: {  	s8 =	sadd.s32 $0x10000, s7;
	s9 =	sadd.s32 $0x300000, s7;
	[dreg:$0x3] =	wrdreg s0  }
0x11: {  	s10 =	sadd.s32 $0x310000, s7;
	[dreg:$0x4] =	wrdreg s26;
	s0 =	sshrl.u32 s29, $0x3  }
0x12: {  	s26 =	simm.s32 $0x4;
	s19 =	sadd.s32 s0, s2;
	s0 =	simm.s32 $0x3  }
.LBB2_1:
0x13: {  	s1 =	rddreg [dreg:$0x3];
	s5 =	simm.s32 $0x4000  }
0x14: {  	[tilespmem:s3], [sflag:$0x5] =	stream.strided.gather [hbm4b:s1+s13], $0x6400, s5, s13, $0x38;
	[tilespmem:$0xE400] =	vst v63  }
0x15: {  	_ =	swait.ge [sflag:s15], $0x6400  }
0x16: {  	[sflag:s15] =	ssyncset.done $0x0  }
0x17: {  	[sflag:s15] =	ssyncadd.s32 $0xFFFF9C00  }
0x18: {  	[tilespmem:s17], [sflag:$0x1] =	stream.indirect.gather [hbm4b:s4+s16], $0x20, s3, s16, $0xb8;
	[tilespmem:$0xE400] =	vst v63  }
0x19: {  	_ = 	snop  }
0x1a: {  	[tilespmem:s18], [sflag:$0x1] =	stream.indirect.gather [hbm4b:s4+s16], $0x20, s16, s16, $0xb8;
	[tilespmem:$0xE400] =	vst v63  }
0x1b: {  	s12 =	simm.s32 $0x100  }
0x1c: {  	[tilespmem:s20], [sflag:$0x1] =	stream.indirect.gather [hbm4b:s4+s16], $0x20, s12, s16, $0xb8;
	[tilespmem:$0xE400] =	vst v63  }
0x1d: {  	s14 =	simm.s32 $0x180  }
0x1e: {  	[tilespmem:s22], [sflag:$0x1] =	stream.indirect.gather [hbm4b:s4+s16], $0x20, s14, s16, $0xb8;
	[tilespmem:$0xE400] =	vst v63  }
0x1f: {  	_ = 	snop  }
0x20: {  	[tilespmem:s23], [sflag:$0x2] =	stream.indirect.gather [hbm4b:s4+s16], $0x20, s13, s16, $0xb8;
	[tilespmem:$0xE400] =	vst v63  }
0x21: {  	s5 =	simm.s32 $0x280  }
0x22: {  	[tilespmem:s25], [sflag:$0x2] =	stream.indirect.gather [hbm4b:s4+s16], $0x20, s5, s16, $0xb8;
	[tilespmem:$0xE400] =	vst v63  }
0x23: {  	s6 =	simm.s32 $0x300  }
0x24: {  	[tilespmem:s28], [sflag:$0x2] =	stream.indirect.gather [hbm4b:s4+s16], $0x20, s6, s16, $0xb8;
	[tilespmem:$0xE400] =	vst v63  }
0x25: {  	s12 =	simm.s32 $0x380  }
0x26: {  	[tilespmem:s30], [sflag:$0x2] =	stream.indirect.gather [hbm4b:s4+s16], $0x20, s12, s16, $0xb8;
	[tilespmem:$0xE400] =	vst v63  }
0x27: {  	_ =	swait.ge [sflag:s31], $0x1000  }
0x28: {  	[sflag:s31] =	ssyncset.done $0x0  }
0x29: {  	[sflag:s31] =	ssyncadd.s32 $0xFFFFF000  }
0x2a: {  	_ =	swait.ge [sflag:s31], $0x1000  }
0x2b: {  	[sflag:s31] =	ssyncset.done $0x0  }
0x2c: {  	[sflag:s31] =	ssyncadd.s32 $0xFFFFF000  }
0x2d: {  	_ =	swait.ge [sflag:s31], $0x1000  }
0x2e: {  	[sflag:s31] =	ssyncset.done $0x0  }
0x2f: {  	[sflag:s31] =	ssyncadd.s32 $0xFFFFF000  }
0x30: {  	_ =	swait.ge [sflag:s31], $0x1000  }
0x31: {  	[sflag:s31] =	ssyncset.done $0x0  }
0x32: {  	[sflag:s31] =	ssyncadd.s32 $0xFFFFF000  }
0x33: {  	[hbm4b:s7+s3] =	stream.linear.scatter [tilespmem:s17], [sflag:$0x3], $0x4000, $0x38;
	[tilespmem:$0xE400] =	vst v63  }
0x34: {  	_ =	swait.ge [sflag:s0], $0x4000  }
0x35: {  	[sflag:s0] =	ssyncset.done $0x0  }
0x36: {  	s14 =	simm.s32 $0x400;
	[sflag:s0] =	ssyncadd.s32 $0xFFFFC000  }
0x37: {  	[tilespmem:s17], [sflag:$0x1] =	stream.indirect.gather [hbm4b:s4+s16], $0x20, s14, s16, $0xb8;
	[tilespmem:$0xE400] =	vst v63  }
0x38: {  	s5 =	simm.s32 $0x480  }
0x39: {  	[tilespmem:s18], [sflag:$0x1] =	stream.indirect.gather [hbm4b:s4+s16], $0x20, s5, s16, $0xb8;
	[tilespmem:$0xE400] =	vst v63  }
0x3a: {  	s6 =	simm.s32 $0x500  }
0x3b: {  	[tilespmem:s20], [sflag:$0x1] =	stream.indirect.gather [hbm4b:s4+s16], $0x20, s6, s16, $0xb8;
	[tilespmem:$0xE400] =	vst v63  }
0x3c: {  	s12 =	simm.s32 $0x580  }
0x3d: {  	[tilespmem:s22], [sflag:$0x1] =	stream.indirect.gather [hbm4b:s4+s16], $0x20, s12, s16, $0xb8;
	[tilespmem:$0xE400] =	vst v63  }
0x3e: {  	_ =	swait.ge [sflag:s24], $0x1000  }
0x3f: {  	[sflag:s24] =	ssyncset.done $0x0  }
0x40: {  	[sflag:s24] =	ssyncadd.s32 $0xFFFFF000  }
0x41: {  	_ =	swait.ge [sflag:s24], $0x1000  }
0x42: {  	[sflag:s24] =	ssyncset.done $0x0  }
0x43: {  	[sflag:s24] =	ssyncadd.s32 $0xFFFFF000  }
0x44: {  	_ =	swait.ge [sflag:s24], $0x1000  }
0x45: {  	[sflag:s24] =	ssyncset.done $0x0  }
0x46: {  	[sflag:s24] =	ssyncadd.s32 $0xFFFFF000  }
0x47: {  	_ =	swait.ge [sflag:s24], $0x1000  }
0x48: {  	[sflag:s24] =	ssyncset.done $0x0  }
0x49: {  	[sflag:s24] =	ssyncadd.s32 $0xFFFFF000  }
0x4a: {  	[hbm4b:s8+s3] =	stream.linear.scatter [tilespmem:s23], [sflag:$0x4], $0x4000, $0x38;
	[tilespmem:$0xE400] =	vst v63  }
0x4b: {  	_ =	swait.ge [sflag:s26], $0x4000  }
0x4c: {  	[sflag:s26] =	ssyncset.done $0x0  }
0x4d: {  	s14 =	simm.s32 $0x600;
	[sflag:s26] =	ssyncadd.s32 $0xFFFFC000  }
0x4e: {  	[tilespmem:s23], [sflag:$0x2] =	stream.indirect.gather [hbm4b:s4+s16], $0x20, s14, s16, $0xb8;
	[tilespmem:$0xE400] =	vst v63  }
0x4f: {  	s5 =	simm.s32 $0x680  }
0x50: {  	[tilespmem:s25], [sflag:$0x2] =	stream.indirect.gather [hbm4b:s4+s16], $0x20, s5, s16, $0xb8;
	[tilespmem:$0xE400] =	vst v63  }
0x51: {  	s6 =	simm.s32 $0x700  }
0x52: {  	[tilespmem:s28], [sflag:$0x2] =	stream.indirect.gather [hbm4b:s4+s16], $0x20, s6, s16, $0xb8;
	[tilespmem:$0xE400] =	vst v63  }
0x53: {  	s12 =	simm.s32 $0x780  }
0x54: {  	[tilespmem:s30], [sflag:$0x2] =	stream.indirect.gather [hbm4b:s4+s16], $0x20, s12, s16, $0xb8;
	[tilespmem:$0xE400] =	vst v63  }
0x55: {  	_ =	swait.ge [sflag:s31], $0x1000  }
0x56: {  	[sflag:s31] =	ssyncset.done $0x0  }
0x57: {  	[sflag:s31] =	ssyncadd.s32 $0xFFFFF000  }
0x58: {  	_ =	swait.ge [sflag:s31], $0x1000  }
0x59: {  	[sflag:s31] =	ssyncset.done $0x0  }
0x5a: {  	[sflag:s31] =	ssyncadd.s32 $0xFFFFF000  }
0x5b: {  	_ =	swait.ge [sflag:s31], $0x1000  }
0x5c: {  	[sflag:s31] =	ssyncset.done $0x0  }
0x5d: {  	[sflag:s31] =	ssyncadd.s32 $0xFFFFF000  }
0x5e: {  	_ =	swait.ge [sflag:s31], $0x1000  }
0x5f: {  	s14 =	sshrl.u32 s11, $0x3;
	[sflag:s31] =	ssyncset.done $0x0  }
0x60: {  	s1 =	sadd.s32 s2, s14;
	[sflag:s31] =	ssyncadd.s32 $0xFFFFF000  }
0x61: {  	[hbm4b:s1+s3] =	stream.linear.scatter [tilespmem:s17], [sflag:$0x3], $0x4000, $0x38;
	[tilespmem:$0xE400] =	vst v63  }
0x62: {  	_ =	swait.ge [sflag:s0], $0x4000  }
0x63: {  	[sflag:s0] =	ssyncset.done $0x0  }
0x64: {  	s5 =	simm.s32 $0x800;
	[sflag:s0] =	ssyncadd.s32 $0xFFFFC000  }
0x65: {  	[tilespmem:s17], [sflag:$0x1] =	stream.indirect.gather [hbm4b:s4+s16], $0x20, s5, s16, $0xb8;
	[tilespmem:$0xE400] =	vst v63  }
0x66: {  	s6 =	simm.s32 $0x880  }
0x67: {  	[tilespmem:s18], [sflag:$0x1] =	stream.indirect.gather [hbm4b:s4+s16], $0x20, s6, s16, $0xb8;
	[tilespmem:$0xE400] =	vst v63  }
0x68: {  	s12 =	simm.s32 $0x900  }
0x69: {  	[tilespmem:s20], [sflag:$0x1] =	stream.indirect.gather [hbm4b:s4+s16], $0x20, s12, s16, $0xb8;
	[tilespmem:$0xE400] =	vst v63  }
0x6a: {  	s14 =	simm.s32 $0x980  }
0x6b: {  	[tilespmem:s22], [sflag:$0x1] =	stream.indirect.gather [hbm4b:s4+s16], $0x20, s14, s16, $0xb8;
	[tilespmem:$0xE400] =	vst v63  }
0x6c: {  	_ =	swait.ge [sflag:s24], $0x1000  }
0x6d: {  	[sflag:s24] =	ssyncset.done $0x0  }
0x6e: {  	[sflag:s24] =	ssyncadd.s32 $0xFFFFF000  }
0x6f: {  	_ =	swait.ge [sflag:s24], $0x1000  }
0x70: {  	[sflag:s24] =	ssyncset.done $0x0  }
0x71: {  	[sflag:s24] =	ssyncadd.s32 $0xFFFFF000  }
0x72: {  	_ =	swait.ge [sflag:s24], $0x1000  }
0x73: {  	[sflag:s24] =	ssyncset.done $0x0  }
0x74: {  	[sflag:s24] =	ssyncadd.s32 $0xFFFFF000  }
0x75: {  	_ =	swait.ge [sflag:s24], $0x1000  }
0x76: {  	s29 =	simm.s32 $0x1000;
	s1 =	sadd.s32 $0x100000, s11;
	[sflag:s24] =	ssyncset.done $0x0  }
0x77: {  	s12 =	smov.u32 s19;
	s14 =	sadd.s32 $0x20000, s19;
	[sflag:s24] =	ssyncadd.s32 $0xFFFFF000  }
.LBB2_2:
0x78: {  	[hbm4b:s12+s3] =	stream.linear.scatter [tilespmem:s23], [sflag:$0x4], $0x4000, $0x38;
	[tilespmem:$0xE400] =	vst v63  }
0x79: {  	s5 =	smov.u32 s29;
	s12 =	smov.u32 s14  }
0x7a: {  	p0 =	sne.s32 s29, $0x16000;
	s29 =	sadd.s32 $0x1000, s29;
	_ =	swait.ge [sflag:s26], $0x4000  }
0x7b: {  	s5 =	sshra.s32 s5, $0x2;
	[sflag:s26] =	ssyncset.done $0x0  }
0x7c: {  	s6 =	sadd.s32 $0x600, s5;
	[sflag:s26] =	ssyncadd.s32 $0xFFFFC000  }
0x7d: {  	[tilespmem:s23], [sflag:$0x2] =	stream.indirect.gather [hbm4b:s4+s16], $0x20, s6, s16, $0xb8;
	[tilespmem:$0xE400] =	vst v63  }
0x7e: {  	s6 =	sadd.s32 $0x680, s5  }
0x7f: {  	[tilespmem:s25], [sflag:$0x2] =	stream.indirect.gather [hbm4b:s4+s16], $0x20, s6, s16, $0xb8;
	[tilespmem:$0xE400] =	vst v63  }
0x80: {  	s6 =	sadd.s32 $0x700, s5  }
0x81: {  	[tilespmem:s28], [sflag:$0x2] =	stream.indirect.gather [hbm4b:s4+s16], $0x20, s6, s16, $0xb8;
	[tilespmem:$0xE400] =	vst v63  }
0x82: {  	s6 =	sadd.s32 $0x780, s5  }
0x83: {  	[tilespmem:s30], [sflag:$0x2] =	stream.indirect.gather [hbm4b:s4+s16], $0x20, s6, s16, $0xb8;
	[tilespmem:$0xE400] =	vst v63  }
0x84: {  	_ =	swait.ge [sflag:s31], $0x1000  }
0x85: {  	[sflag:s31] =	ssyncset.done $0x0  }
0x86: {  	[sflag:s31] =	ssyncadd.s32 $0xFFFFF000  }
0x87: {  	_ =	swait.ge [sflag:s31], $0x1000  }
0x88: {  	[sflag:s31] =	ssyncset.done $0x0  }
0x89: {  	[sflag:s31] =	ssyncadd.s32 $0xFFFFF000  }
0x8a: {  	_ =	swait.ge [sflag:s31], $0x1000  }
0x8b: {  	[sflag:s31] =	ssyncset.done $0x0  }
0x8c: {  	[sflag:s31] =	ssyncadd.s32 $0xFFFFF000  }
0x8d: {  	_ =	swait.ge [sflag:s31], $0x1000  }
0x8e: {  	s6 =	sshrl.u32 s1, $0x3;
	[sflag:s31] =	ssyncset.done $0x0  }
0x8f: {  	s6 =	sadd.s32 s2, s6;
	[sflag:s31] =	ssyncadd.s32 $0xFFFFF000  }
0x90: {  	[hbm4b:s6+s3] =	stream.linear.scatter [tilespmem:s17], [sflag:$0x3], $0x4000, $0x38;
	[tilespmem:$0xE400] =	vst v63  }
0x91: {  	_ =	swait.ge [sflag:s0], $0x4000  }
0x92: {  	[sflag:s0] =	ssyncset.done $0x0  }
0x93: {  	s6 =	sadd.s32 $0x800, s5;
	[sflag:s0] =	ssyncadd.s32 $0xFFFFC000  }
0x94: {  	[tilespmem:s17], [sflag:$0x1] =	stream.indirect.gather [hbm4b:s4+s16], $0x20, s6, s16, $0xb8;
	[tilespmem:$0xE400] =	vst v63  }
0x95: {  	s6 =	sadd.s32 $0x880, s5  }
0x96: {  	[tilespmem:s18], [sflag:$0x1] =	stream.indirect.gather [hbm4b:s4+s16], $0x20, s6, s16, $0xb8;
	[tilespmem:$0xE400] =	vst v63  }
0x97: {  	s6 =	sadd.s32 $0x900, s5  }
0x98: {  	[tilespmem:s20], [sflag:$0x1] =	stream.indirect.gather [hbm4b:s4+s16], $0x20, s6, s16, $0xb8;
	[tilespmem:$0xE400] =	vst v63  }
0x99: {  	s5 =	sadd.s32 $0x980, s5  }
0x9a: {  	[tilespmem:s22], [sflag:$0x1] =	stream.indirect.gather [hbm4b:s4+s16], $0x20, s5, s16, $0xb8;
	[tilespmem:$0xE400] =	vst v63  }
0x9b: {  	_ =	swait.ge [sflag:s24], $0x1000  }
0x9c: {  	[sflag:s24] =	ssyncset.done $0x0  }
0x9d: {  	[sflag:s24] =	ssyncadd.s32 $0xFFFFF000  }
0x9e: {  	_ =	swait.ge [sflag:s24], $0x1000  }
0x9f: {  	[sflag:s24] =	ssyncset.done $0x0  }
0xa0: {  	[sflag:s24] =	ssyncadd.s32 $0xFFFFF000  }
0xa1: {  	_ =	swait.ge [sflag:s24], $0x1000  }
.Ltmp0:
0xa2: {  	[sflag:s24] =	ssyncset.done $0x0;
	(pc) =	sbr.rel @p0 .LBB2_2-.Ltmp0, $4  }
0xa3: {  	[sflag:s24] =	ssyncadd.s32 $0xFFFFF000  }
0xa4: {  	_ =	swait.ge [sflag:s24], $0x1000  }
0xa5: {  	[sflag:s24] =	ssyncset.done $0x0  }
0xa6: {  	s14 =	sadd.s32 $0x20000, s14;
	s1 =	sadd.s32 $0x100000, s1;
	[sflag:s24] =	ssyncadd.s32 $0xFFFFF000  }
0xa7: {  	[hbm4b:s12+s3] =	stream.linear.scatter [tilespmem:s23], [sflag:$0x4], $0x4000, $0x38;
	[tilespmem:$0xE400] =	vst v63  }
0xa8: {  	_ =	swait.ge [sflag:s26], $0x4000  }
0xa9: {  	[sflag:s26] =	ssyncset.done $0x0  }
0xaa: {  	s1 =	simm.s32 $0x6200;
	[sflag:s26] =	ssyncadd.s32 $0xFFFFC000  }
0xab: {  	[tilespmem:s23], [sflag:$0x2] =	stream.indirect.gather [hbm4b:s4+s16], $0x20, s1, s16, $0xb8;
	[tilespmem:$0xE400] =	vst v63  }
0xac: {  	s6 =	simm.s32 $0x6280  }
0xad: {  	[tilespmem:s25], [sflag:$0x2] =	stream.indirect.gather [hbm4b:s4+s16], $0x20, s6, s16, $0xb8;
	[tilespmem:$0xE400] =	vst v63  }
0xae: {  	s12 =	simm.s32 $0x6300  }
0xaf: {  	[tilespmem:s28], [sflag:$0x2] =	stream.indirect.gather [hbm4b:s4+s16], $0x20, s12, s16, $0xb8;
	[tilespmem:$0xE400] =	vst v63  }
0xb0: {  	s14 =	simm.s32 $0x6380  }
0xb1: {  	[tilespmem:s30], [sflag:$0x2] =	stream.indirect.gather [hbm4b:s4+s16], $0x20, s14, s16, $0xb8;
	[tilespmem:$0xE400] =	vst v63  }
0xb2: {  	_ =	swait.ge [sflag:s31], $0x1000  }
0xb3: {  	[sflag:s31] =	ssyncset.done $0x0  }
0xb4: {  	[sflag:s31] =	ssyncadd.s32 $0xFFFFF000  }
0xb5: {  	_ =	swait.ge [sflag:s31], $0x1000  }
0xb6: {  	[sflag:s31] =	ssyncset.done $0x0  }
0xb7: {  	[sflag:s31] =	ssyncadd.s32 $0xFFFFF000  }
0xb8: {  	_ =	swait.ge [sflag:s31], $0x1000  }
0xb9: {  	[sflag:s31] =	ssyncset.done $0x0  }
0xba: {  	[sflag:s31] =	ssyncadd.s32 $0xFFFFF000  }
0xbb: {  	_ =	swait.ge [sflag:s31], $0x1000  }
0xbc: {  	[sflag:s31] =	ssyncset.done $0x0  }
0xbd: {  	[sflag:s31] =	ssyncadd.s32 $0xFFFFF000  }
0xbe: {  	[hbm4b:s9+s3] =	stream.linear.scatter [tilespmem:s17], [sflag:$0x3], $0x4000, $0x38;
	[tilespmem:$0xE400] =	vst v63  }
0xbf: {  	_ =	swait.ge [sflag:s24], $0x1000  }
0xc0: {  	[sflag:s24] =	ssyncset.done $0x0  }
0xc1: {  	[sflag:s24] =	ssyncadd.s32 $0xFFFFF000  }
0xc2: {  	_ =	swait.ge [sflag:s24], $0x1000  }
0xc3: {  	[sflag:s24] =	ssyncset.done $0x0  }
0xc4: {  	[sflag:s24] =	ssyncadd.s32 $0xFFFFF000  }
0xc5: {  	_ =	swait.ge [sflag:s24], $0x1000  }
0xc6: {  	[sflag:s24] =	ssyncset.done $0x0  }
0xc7: {  	[sflag:s24] =	ssyncadd.s32 $0xFFFFF000  }
0xc8: {  	_ =	swait.ge [sflag:s24], $0x1000  }
0xc9: {  	[sflag:s24] =	ssyncset.done $0x0  }
0xca: {  	[sflag:s24] =	ssyncadd.s32 $0xFFFFF000  }
0xcb: {  	[hbm4b:s10+s3] =	stream.linear.scatter [tilespmem:s23], [sflag:$0x4], $0x4000, $0x38;
	[tilespmem:$0xE400] =	vst v63  }
0xcc: {  	_ =	swait.ge [sflag:s0], $0x4000  }
0xcd: {  	[sflag:s0] =	ssyncset.done $0x0  }
0xce: {  	[sflag:s0] =	ssyncadd.s32 $0xFFFFC000  }
0xcf: {  	_ =	swait.ge [sflag:s26], $0x4000  }
0xd0: {  	s21 =	sadd.s32 $0x1, s21;
	s29 =	rddreg [dreg:$0x4]  }
0xd1: {  	p0 =	sne.s32 s21, s29  }
.Ltmp1:
0xd2: {  	_ = 	snop;
	(pc) =	sbr.rel @p0 .LBB2_1-.Ltmp1, $3  }
0xd3: {  	_ =	sdelay $0x1  }
0xd4: {  	[sflag:s26] =	ssyncset.done $0x0  }
0xd5: {  	[sflag:s26] =	ssyncadd.s32 $0xFFFFC000  }
0xd6: {  	_ =	sfence.sel $0x180000  }
0xd7: {  	[bflag:$0x0] =	sbarrier.arrive $0xFFFF  }
0xd8: {  	_ =	strace $0x90000047  }
0xd9: {  	s0 =	stileid.u32;
	[bflag:$0x2] =	sbarrier.arrive $0xFFFF  }
0xda: {  	p0 =	sne.s32 s0, $0x0;
	s0 =	rddreg [dreg:$0x2]  }
0xdb: {  	s0 =	sadd.s32 @!p0 $0x100000, s0  }
0xdc: {  	[sflag:s0] =	ssyncadd.tile.s32 @!p0 $0x1;
	_ =	shalt  }
.Lfunc_end2:
_tile_overlayer_lowered:
.L_overlay_start_2:
0xdd: {  	(tag) =	ssettag $0x2  }
0xde: {  	s0 =	rddreg [dreg:$0x0];
	s2 =	stileid.u32  }
0xdf: {  	s1 =	rddreg [dreg:$0x1];
	p0 =	sne.s32 s2, $0x0  }
0xe0: {  	s3 =	rddreg [dreg:$0x2];
	[bflag:$0x3] =	sbarrier.arrive $0xFFFF;
	s2 =	simm.s32 @!p0 $0x1C05  }
0xe1: {  	[timem:s3], [sflag:s2] =	dma.local @!p0 [hbm:s0], s1  }
0xe2: {  	s0 =	simm.s32 @!p0 $0x5  }
0xe3: {  	_ =	swait.ge @!p0 [sflag:s0], s1  }
0xe4: {  	s1 =	ssub.s32 @!p0 $0x0, s1;
	[sflag:s0] =	ssyncset.done @!p0 $0x0  }
0xe5: {  	[sflag:s0] =	ssyncadd.s32 @!p0 s1  }
0xe6: {  	[bflag:$0x3] =	sbarrier.arrive $0xFFFF  }
0xe7: {  	_ =	shalt  }

// kernel: kernel.7.cloned.1.call-start
scs
__scs_entry_jumppad:
0x0: {  	(pc) =	sbr.rel $0x88, $3  }
0x1: {  	(tag) =	ssettag $0x0;
	lr =	simm.s32 $0x1  }
0x2: {  	[smem:$0x3F9D] =	sst lr;
	_ =	strace $0xD0000000  }
0x3: {  	_ = 	snop  }
0x4: {  	_ = 	snop  }
0x5: {  	_ = 	snop  }
0x6: {  	_ = 	snop  }
0x7: {  	_ = 	snop  }
__scs_overlays_trampoline_lowered:
0x8: {  	[smem:$0x3FAC] =	sst s0  }
0x9: {  	[smem:$0x3FAD] =	sst s1  }
0xa: {  	[smem:$0x3FAE] =	sst s2  }
0xb: {  	[smem:$0x3FAF] =	sst s3  }
0xc: {  	[smem:$0x3FB0] =	sst s4  }
0xd: {  	[smem:$0x3FB1] =	sst s5  }
0xe: {  	[smem:$0x3FB2] =	sst s6  }
0xf: {  	[smem:$0x3FB3] =	sst s7  }
0x10: {  	[smem:$0x3FB4] =	sst s8  }
0x11: {  	[smem:$0x3FB5] =	sst s9;
	s0 =	simm.s32 @!p0 $0x0  }
0x12: {  	s1 =	sld [smem:$0x3F9B];
	s0 =	simm.s32 @p0 $0x1  }
0x13: {  	[smem:$0x3FB6] =	sst s0;
	s0 =	simm.s32 @!p1 $0x0  }
0x14: {  	s2 =	sld [smem:$0x3F9A];
	s0 =	simm.s32 @p1 $0x1  }
0x15: {  	[smem:$0x3FB7] =	sst s0;
	s0 =	simm.s32 @!p2 $0x0  }
0x16: {  	s3 =	sld [smem:$0x3FDB];
	s0 =	simm.s32 @p2 $0x1  }
0x17: {  	s4 =	simm.s32 $0x1BF5;
	[smem:$0x3FB9] =	sst s0  }
0x18: {  	s0 =	sld [smem:$0x3F9C];
	_ =	swait.ge [sflag:s4], $0x0  }
0x19: {  	s7 =	sld [smem:$0x3F9D]  }
0x1a: {  	s8 =	sadd.s32 $0xFFFFE003, lr  }
0x1b: {  	s9 =	sadd.s32 $0xFFFFFEF7, lr;
	s5 =	simm.s32 $0xFFFFFFFF;
	p2 =	slt.u32 s8, $0xFFFFF086  }
0x1c: {  	p1 =	slt.u32 s9, $0xF7A;
	s5 =	simm.s32 @!p2 $0x0  }
0x1d: {  	s5 =	simm.s32 @p1 $0x1;
	p0 =	seq.s32 s7, s2  }
0x1e: {  	s7 =	smul.u32 @!p0 $0xF7A, s2;
	p2 =	seq.s32 @!p0 s5, $0x0  }
0x1f: {  	s9 =	smul.u32 $0xF7A, s1;
	s8 =	simm.s32 @!p0 $0x1BF5;
	p2 =	por !p2, p0  }
0x20: {  	[sflag:s8] =	ssyncset.s32 @!p0 $0xFFFFF086;
	s6 =	sadd.s32 @!p0 s3, s7;
	s7 =	simm.s32 @!p0 $0x108  }
0x21: {  	s3 =	sadd.s32 s3, s9;
	s6 =	sadd.s32 @!p0 $0x88, s6;
	s7 =	simm.s32 @p2 $0x1082  }
0x22: {  	[simem:s7], [sflag:s8] =	dma.local @!p0 [hbm:s6], $0xF7A  }
0x23: {  	s9 =	sor.u32 $0xD0000000, s2;
	s6 =	simm.s32 $0x108;
	_ =	swait.ge @!p0 [sflag:s8], $0x0  }
0x24: {  	s3 =	sadd.s32 $0x88, s3;
	s6 =	simm.s32 @!p1 $0x1082;
	[sflag:s4] =	ssyncset.s32 $0xFFFFF086  }
0x25: {  	[simem:s6], [sflag:s4] =	dma.local [hbm:s3], $0xF7A  }
0x26: {  	[smem:$0x3F9D] =	sst s1;
	(tag) =	ssettag s2;
	_ =	strace s9  }
0x27: {  	s1 =	sld [smem:$0x3FAD]  }
0x28: {  	s2 =	sld [smem:$0x3FAE]  }
0x29: {  	s4 =	sld [smem:$0x3FB0]  }
0x2a: {  	p0 =	seq.s32 s5, $0x0;
	s5 =	sld [smem:$0x3FB1]  }
0x2b: {  	s6 =	sld [smem:$0x3FB2]  }
0x2c: {  	s7 =	sld [smem:$0x3FB3]  }
0x2d: {  	s3 =	simm.s32 $0x108;
	s8 =	sld [smem:$0x3FB4]  }
0x2e: {  	s3 =	simm.s32 @!p0 $0x1082;
	s9 =	sld [smem:$0x3FB5]  }
0x2f: {  	lr =	sadd.s32 s0, s3;
	s0 =	sld [smem:$0x3FAC]  }
0x30: {  	s3 =	sld [smem:$0x3FAF]  }
0x31: {  	[smem:$0x3FB8] =	sst s10  }
0x32: {  	s10 =	sld [smem:$0x3FB6];
	_ =	sdelay $0x3  }
0x33: {  	p0 =	seq.s32 s10, $0x1;
	s10 =	sld [smem:$0x3FB8];
	_ =	sdelay $0x3  }
0x34: {  	[smem:$0x3FB8] =	sst s10  }
0x35: {  	s10 =	sld [smem:$0x3FB7];
	_ =	sdelay $0x3  }
0x36: {  	p1 =	seq.s32 s10, $0x1;
	s10 =	sld [smem:$0x3FB8];
	_ =	sdelay $0x3  }
0x37: {  	[smem:$0x3FB8] =	sst s10  }
0x38: {  	s10 =	sld [smem:$0x3FB9]  }
0x39: {  	_ = 	snop;
	(pc) =	sbr.ind lr, $3  }
0x3a: {  	_ = 	snop  }
0x3b: {  	_ = 	snop  }
0x3c: {  	p2 =	seq.s32 s10, $0x1;
	s10 =	sld [smem:$0x3FB8]  }
0x3d: {  	_ =	shalt  }
0x3e: {  	_ =	shalt  }
0x3f: {  	_ =	shalt  }
0x40: {  	_ =	shalt  }
0x41: {  	_ =	shalt  }
0x42: {  	_ =	shalt  }
0x43: {  	_ =	shalt  }
0x44: {  	_ =	shalt  }
0x45: {  	_ =	shalt  }
0x46: {  	_ =	shalt  }
0x47: {  	_ =	shalt  }
0x48: {  	_ =	shalt  }
0x49: {  	_ =	shalt  }
0x4a: {  	_ =	shalt  }
0x4b: {  	_ =	shalt  }
0x4c: {  	_ =	shalt  }
0x4d: {  	_ =	shalt  }
0x4e: {  	_ =	shalt  }
0x4f: {  	_ =	shalt  }
0x50: {  	_ =	shalt  }
0x51: {  	_ =	shalt  }
0x52: {  	_ =	shalt  }
0x53: {  	_ =	shalt  }
0x54: {  	_ =	shalt  }
0x55: {  	_ =	shalt  }
0x56: {  	_ =	shalt  }
0x57: {  	_ =	shalt  }
0x58: {  	_ =	shalt  }
0x59: {  	_ =	shalt  }
0x5a: {  	_ =	shalt  }
0x5b: {  	_ =	shalt  }
0x5c: {  	_ =	shalt  }
0x5d: {  	_ =	shalt  }
0x5e: {  	_ =	shalt  }
0x5f: {  	_ =	shalt  }
0x60: {  	_ =	shalt  }
0x61: {  	_ =	shalt  }
0x62: {  	_ =	shalt  }
0x63: {  	_ =	shalt  }
0x64: {  	_ =	shalt  }
0x65: {  	_ =	shalt  }
0x66: {  	_ =	shalt  }
0x67: {  	_ =	shalt  }
0x68: {  	_ =	shalt  }
0x69: {  	_ =	shalt  }
0x6a: {  	_ =	shalt  }
0x6b: {  	_ =	shalt  }
0x6c: {  	_ =	shalt  }
0x6d: {  	_ =	shalt  }
0x6e: {  	_ =	shalt  }
0x6f: {  	_ =	shalt  }
0x70: {  	_ =	shalt  }
0x71: {  	_ =	shalt  }
0x72: {  	_ =	shalt  }
0x73: {  	_ =	shalt  }
0x74: {  	_ =	shalt  }
0x75: {  	_ =	shalt  }
0x76: {  	_ =	shalt  }
0x77: {  	_ =	shalt  }
0x78: {  	_ =	shalt  }
0x79: {  	_ =	shalt  }
0x7a: {  	_ =	shalt  }
0x7b: {  	_ =	shalt  }
0x7c: {  	_ =	shalt  }
0x7d: {  	_ =	shalt  }
0x7e: {  	_ =	shalt  }
0x7f: {  	_ =	shalt  }
0x80: {  	_ =	shalt  }
0x81: {  	_ =	shalt  }
0x82: {  	_ =	shalt  }
0x83: {  	_ =	shalt  }
0x84: {  	_ =	shalt  }
0x85: {  	_ =	shalt  }
0x86: {  	_ =	shalt  }
0x87: {  	_ =	shalt  }
.Lfunc_end0:
.L_simem_size_0:
called_computation.3_lowered:
.L_overlay_start_0:
0x88: {  	s2 =	sld [smem:$0x3FD9]  }
0x89: {  	s3 =	sld [smem:$0x3FFE];
	_ =	sdelay $0x1  }
0x8a: {  	s1 =	srdreg.scid  }
0x8b: {  	s0 =	sand.u32 $0x1, s1  }
0x8c: {  	s15 =	sshll.u32 s0, $0xA;
	s2 =	sadd.s32 s3, s2  }
0x8d: {  	s2 =	sadd.s32 s2, s15  }
0x8e: {  	[smem:$0x3FC4] =	sst s2  }
0x8f: {  	_ = 	snop  }
0x90: {  	s2 =	sld [smem:$0x3FD0];
	_ =	sdelay $0x2  }
0x91: {  	s16 =	simm.s32 $0xB;
	s4 =	simm.s32 $0x10  }
0x92: {  	[smem:s4], [sflag:s16] =	dma.local [hbm:s2], $0x1  }
0x93: {  	_ =	swait.eq [sflag:s16], $0x1  }
0x94: {  	[sflag:s16] =	ssyncset.done $0x0  }
0x95: {  	[sflag:s16] =	ssyncadd.s32 $0xFFFFFFFF  }
0x96: {  	s17 =	sld [smem:$0x11];
	(tm) =	ssettm $0x1  }
0x97: {  	s18 =	sld [smem:$0x3FFB];
	_ =	sdelay $0x3  }
0x98: {  	_ =	strace s18  }
0x99: {  	s2 =	sld [smem:$0x3FFC];
	_ =	sdelay $0x3  }
0x9a: {  	_ =	strace s2  }
0x9b: {  	s2 =	sld [smem:$0x3FFD];
	_ =	sdelay $0x3  }
0x9c: {  	_ =	strace s2  }
0x9d: {  	_ =	strace $0x8FFFFFFF  }
0x9e: {  	s19 =	sld [smem:$0x3FDB];
	_ =	sdelay $0x1  }
0x9f: {  	s20 =	simm.s32 $_scs_section_size  }
0xa0: {  	s5 =	simm.s32 $_size__tile_overlayer_lowered;
	s6 =	simm.s32 $_tile_overlayer_lowered  }
0xa1: {  	s7 =	simm.s32 $0x1BFF;
	s21 =	sshll.u32 s6, $0x1;
	s4 =	sadd.s32 s20, s19  }
0xa2: {  	s22 =	simm.s32 $0x0;
	s5 =	sshll.u32 s5, $0x1;
	s6 =	sadd.s32 s21, s4  }
0xa3: {  	[timem:s22], [sflag:s7] =	dma.local [hbm:s6], s5  }
0xa4: {  	_ =	swait.ge [sflag:s7], s5  }
0xa5: {  	s5 =	ssub.s32 $0x0, s5;
	[sflag:s7] =	ssyncset.done $0x0  }
0xa6: {  	[sflag:s7] =	ssyncadd.s32 s5;
	_ =	sdelay $0x1  }
0xa7: {  	s23 =	simm.s32 $0x1B8B  }
0xa8: {  	_ =	swait.ge [sflag:s23], $0x1  }
0xa9: {  	[sflag:s23] =	ssyncset.done $0x0  }
0xaa: {  	[sflag:s23] =	ssyncadd.s32 $0xFFFFFFFF  }
0xab: {  	s5 =	sld [smem:$0x0]  }
0xac: {  	s6 =	sand.u32 $0xFFFFFFFE, s1  }
0xad: {  	p0 =	sne.s32 s1, s6  }
0xae: {  	s6 =	sshll.u32 @p0 s6, $0xE  }
0xaf: {  	s6 =	sadd.s32 @p0 $0x11B8D, s6;
	s7 =	sshll.u32 @p0 s5, $0x11  }
0xb0: {  	s6 =	sor.u32 @p0 s7, s6  }
0xb1: {  	[sflag:s6] =	ssyncadd.remote.s32 @p0 $0x1;
	_ =	sdelay $0x1  }
0xb2: {  	s6 =	simm.s32 @p0 $0x1B8D  }
0xb3: {  	_ =	swait.eq @p0 [sflag:s6], $0x1  }
0xb4: {  	[sflag:s6] =	ssyncadd.s32 @p0 $0xFFFFFFFF  }
0xb5: {  	s7 =	sshll.u32 @!p0 s1, $0xE  }
0xb6: {  	s7 =	sor.u32 @!p0 $0x4000, s7;
	s6 =	simm.s32 @!p0 $0x1B8D  }
0xb7: {  	s5 =	sshll.u32 @!p0 s5, $0x11;
	s7 =	sadd.s32 @!p0 $0x11B8D, s7;
	_ =	swait.eq @!p0 [sflag:s6], $0x1  }
0xb8: {  	s5 =	sor.u32 @!p0 s5, s7;
	[sflag:s6] =	ssyncadd.s32 @!p0 $0xFFFFFFFF  }
0xb9: {  	s25 =	simm.s32 $0x1B8E;
	s24 =	sld [smem:$0x3FFE];
	[sflag:s5] =	ssyncadd.remote.s32 @!p0 $0x1  }
0xba: {  	s26 =	simm.s32 $execute0_lowered;
	[smem:$0x3FD2] =	sst s25  }
0xbb: {  	s6 =	sshll.u32 s26, $0x1;
	_ =	strace $0x80000049;
	[dreg:$0x1] =	wrdreg $0xFFFFFFFF  }
0xbc: {  	s28 =	simm.s32 $_size_execute0_lowered;
	s4 =	sadd.s32 s4, s6;
	[dreg:$0x0] =	wrdreg $0x0  }
0xbd: {  	s6 =	sshll.u32 s28, $0x1;
	[dreg:$0x2] =	wrdreg s4  }
0xbe: {  	[dreg:$0x3] =	wrdreg s6  }
0xbf: {  	[dreg:$0x4] =	wrdreg $0xC0  }
0xc0: {  	_ =	task [dreg:s22], $0x5FFFF  }
0xc1: {  	[dreg:$0x1] =	wrdreg $0xFFFFFFFF  }
0xc2: {  	[dreg:$0x0] =	wrdreg $0x60  }
0xc3: {  	[dreg:$0x2] =	wrdreg s24  }
0xc4: {  	[dreg:$0x3] =	wrdreg s17  }
0xc5: {  	[dreg:$0x4] =	wrdreg $0xA  }
0xc6: {  	_ =	task.clear_ibuf [dreg:s22], $0x5FFFF;
	_ =	strace $0x90000049  }
0xc7: {  	s29 =	simm.s32 $0xA;
	_ =	strace $0x8000004B  }
0xc8: {  	_ =	swait.ge [sflag:s29], $0x1  }
0xc9: {  	[sflag:s29] =	ssyncadd.s32 $0xFFFFFFFF  }
0xca: {  	_ =	strace $0x9000004B  }
0xcb: {  	_ =	sfence  }
0xcc: {  	s30 =	sld [smem:$0x0];
	_ =	sdelay $0x2  }
0xcd: {  	s31 =	sshll.u32 s1, $0xD;
	s1 =	sshrl.u32 s1, $0x2  }
0xce: {  	s4 =	sand.u32 $0x4000, s31;
	s1 =	sadd.s32 s1, s30  }
0xcf: {  	s0 =	sor.u32 s4, s0;
	s1 =	sshll.u32 s1, $0x11  }
0xd0: {  	s0 =	sor.u32 s1, s0  }
0xd1: {  	s0 =	sadd.s32 $0x8F2B, s0  }
0xd2: {  	[sflag:s0] =	ssyncadd.remote.s32 $0x1  }
0xd3: {  	_ =	sfence.sel $0xFFFF  }
0xd4: {  	[dreg:$0x0] =	wrdreg $0xFFFFFFFF;
	(pc) =	sbr.abs _section_cstart, $3  }
0xd5: {  	[dreg:$0x1] =	wrdreg $0xFFFFFFFF  }
0xd6: {  	_ =	task.clear_ibuf [dreg:s22], $0x2FFFF;
	_ =	strace $0x9FFFFFFF  }
0xd7: {  	(tm) =	ssettm $0x7FFFFFFF  }
tec
execute0_lowered:
.L_overlay_start_1:
0x0: {  	(tag) =	ssettag $0x1  }
0x1: {  	s0 =	rddreg [dreg:$0x0]  }
0x2: {  	s2 =	rddreg [dreg:$0x1]  }
0x3: {  	s1 =	srdreg.scid;
	s8 =	stileid.u32  }
0x4: {  	s3 =	simm.s32 $0x0;
	s13 =	simm.s32 $0x200;
	s15 =	simm.s32 $0x5  }
0x5: {  	s16 =	simm.s32 $0x80;
	s17 =	simm.s32 $0x6400;
	s18 =	simm.s32 $0x7400  }
0x6: {  	s20 =	simm.s32 $0x8400;
	s22 =	simm.s32 $0x9400;
	s28 =	simm.s32 $0xC400  }
0x7: {  	s30 =	simm.s32 $0xD400;
	s31 =	simm.s32 $0x1;
	s21 =	simm.s32 $0x0  }
0x8: {  	s1 =	sand.u32 $0x1, s1;
	s4 =	sshll.u32 s8, $0xA;
	[smem:$0x7FF] =	sst s3  }
0x9: {  	s24 =	sshll.u32 s8, $0xF;
	s5 =	sshll.u32 s1, $0x9;
	_ =	strace $0x8000004A  }
0xa: {  	s7 =	ssub.s32 $0x2, s1;
	s1 =	sshll.u32 s1, $0xE;
	s5 =	sor.u32 s5, s4  }
0xb: {  	s4 =	sadd.s32 $0x1A400, s0;
	s23 =	sshrl.u32 s7, $0x1;
	s1 =	sor.u32 s1, s24  }
0xc: {  	s24 =	simm.s32 $0x2;
	s6 =	sshrl.u32 s5, $0x3;
	s25 =	sshll.u32 s5, $0x2  }
0xd: {  	s29 =	sor.u32 $0x180000, s1;
	s11 =	sor.u32 $0x100000, s1;
	s0 =	sadd.s32 s6, s0  }
0xe: {  	s6 =	ssub.s32 s7, s23;
	s7 =	sadd.s32 s2, s25;
	s23 =	simm.s32 $0xA400  }
0xf: {  	s25 =	simm.s32 $0xB400;
	s0 =	sadd.s32 $0x3EAE00, s0;
	s26 =	smax.u32 s6, $0x1  }
0x10: {  	s8 =	sadd.s32 $0x10000, s7;
	s9 =	sadd.s32 $0x300000, s7;
	[dreg:$0x3] =	wrdreg s0  }
0x11: {  	s10 =	sadd.s32 $0x310000, s7;
	[dreg:$0x4] =	wrdreg s26;
	s0 =	sshrl.u32 s29, $0x3  }
0x12: {  	s26 =	simm.s32 $0x4;
	s19 =	sadd.s32 s0, s2;
	s0 =	simm.s32 $0x3  }
.LBB2_1:
0x13: {  	s1 =	rddreg [dreg:$0x3];
	s5 =	simm.s32 $0x4000  }
0x14: {  	[tilespmem:s3], [sflag:$0x5] =	stream.strided.gather [hbm4b:s1+s13], $0x6400, s5, s13, $0x38;
	[tilespmem:$0xE400] =	vst v63  }
0x15: {  	_ =	swait.ge [sflag:s15], $0x6400  }
0x16: {  	[sflag:s15] =	ssyncset.done $0x0  }
0x17: {  	[sflag:s15] =	ssyncadd.s32 $0xFFFF9C00  }
0x18: {  	[tilespmem:s17], [sflag:$0x1] =	stream.indirect.gather [hbm4b:s4+s16], $0x20, s3, s16, $0xb8;
	[tilespmem:$0xE400] =	vst v63  }
0x19: {  	_ = 	snop  }
0x1a: {  	[tilespmem:s18], [sflag:$0x1] =	stream.indirect.gather [hbm4b:s4+s16], $0x20, s16, s16, $0xb8;
	[tilespmem:$0xE400] =	vst v63  }
0x1b: {  	s12 =	simm.s32 $0x100  }
0x1c: {  	[tilespmem:s20], [sflag:$0x1] =	stream.indirect.gather [hbm4b:s4+s16], $0x20, s12, s16, $0xb8;
	[tilespmem:$0xE400] =	vst v63  }
0x1d: {  	s14 =	simm.s32 $0x180  }
0x1e: {  	[tilespmem:s22], [sflag:$0x1] =	stream.indirect.gather [hbm4b:s4+s16], $0x20, s14, s16, $0xb8;
	[tilespmem:$0xE400] =	vst v63  }
0x1f: {  	_ = 	snop  }
0x20: {  	[tilespmem:s23], [sflag:$0x2] =	stream.indirect.gather [hbm4b:s4+s16], $0x20, s13, s16, $0xb8;
	[tilespmem:$0xE400] =	vst v63  }
0x21: {  	s5 =	simm.s32 $0x280  }
0x22: {  	[tilespmem:s25], [sflag:$0x2] =	stream.indirect.gather [hbm4b:s4+s16], $0x20, s5, s16, $0xb8;
	[tilespmem:$0xE400] =	vst v63  }
0x23: {  	s6 =	simm.s32 $0x300  }
0x24: {  	[tilespmem:s28], [sflag:$0x2] =	stream.indirect.gather [hbm4b:s4+s16], $0x20, s6, s16, $0xb8;
	[tilespmem:$0xE400] =	vst v63  }
0x25: {  	s12 =	simm.s32 $0x380  }
0x26: {  	[tilespmem:s30], [sflag:$0x2] =	stream.indirect.gather [hbm4b:s4+s16], $0x20, s12, s16, $0xb8;
	[tilespmem:$0xE400] =	vst v63  }
0x27: {  	_ =	swait.ge [sflag:s31], $0x1000  }
0x28: {  	[sflag:s31] =	ssyncset.done $0x0  }
0x29: {  	[sflag:s31] =	ssyncadd.s32 $0xFFFFF000  }
0x2a: {  	_ =	swait.ge [sflag:s31], $0x1000  }
0x2b: {  	[sflag:s31] =	ssyncset.done $0x0  }
0x2c: {  	[sflag:s31] =	ssyncadd.s32 $0xFFFFF000  }
0x2d: {  	_ =	swait.ge [sflag:s31], $0x1000  }
0x2e: {  	[sflag:s31] =	ssyncset.done $0x0  }
0x2f: {  	[sflag:s31] =	ssyncadd.s32 $0xFFFFF000  }
0x30: {  	_ =	swait.ge [sflag:s31], $0x1000  }
0x31: {  	[sflag:s31] =	ssyncset.done $0x0  }
0x32: {  	[sflag:s31] =	ssyncadd.s32 $0xFFFFF000  }
0x33: {  	[hbm4b:s7+s3] =	stream.linear.scatter [tilespmem:s17], [sflag:$0x3], $0x4000, $0x38;
	[tilespmem:$0xE400] =	vst v63  }
0x34: {  	_ =	swait.ge [sflag:s0], $0x4000  }
0x35: {  	[sflag:s0] =	ssyncset.done $0x0  }
0x36: {  	s14 =	simm.s32 $0x400;
	[sflag:s0] =	ssyncadd.s32 $0xFFFFC000  }
0x37: {  	[tilespmem:s17], [sflag:$0x1] =	stream.indirect.gather [hbm4b:s4+s16], $0x20, s14, s16, $0xb8;
	[tilespmem:$0xE400] =	vst v63  }
0x38: {  	s5 =	simm.s32 $0x480  }
0x39: {  	[tilespmem:s18], [sflag:$0x1] =	stream.indirect.gather [hbm4b:s4+s16], $0x20, s5, s16, $0xb8;
	[tilespmem:$0xE400] =	vst v63  }
0x3a: {  	s6 =	simm.s32 $0x500  }
0x3b: {  	[tilespmem:s20], [sflag:$0x1] =	stream.indirect.gather [hbm4b:s4+s16], $0x20, s6, s16, $0xb8;
	[tilespmem:$0xE400] =	vst v63  }
0x3c: {  	s12 =	simm.s32 $0x580  }
0x3d: {  	[tilespmem:s22], [sflag:$0x1] =	stream.indirect.gather [hbm4b:s4+s16], $0x20, s12, s16, $0xb8;
	[tilespmem:$0xE400] =	vst v63  }
0x3e: {  	_ =	swait.ge [sflag:s24], $0x1000  }
0x3f: {  	[sflag:s24] =	ssyncset.done $0x0  }
0x40: {  	[sflag:s24] =	ssyncadd.s32 $0xFFFFF000  }
0x41: {  	_ =	swait.ge [sflag:s24], $0x1000  }
0x42: {  	[sflag:s24] =	ssyncset.done $0x0  }
0x43: {  	[sflag:s24] =	ssyncadd.s32 $0xFFFFF000  }
0x44: {  	_ =	swait.ge [sflag:s24], $0x1000  }
0x45: {  	[sflag:s24] =	ssyncset.done $0x0  }
0x46: {  	[sflag:s24] =	ssyncadd.s32 $0xFFFFF000  }
0x47: {  	_ =	swait.ge [sflag:s24], $0x1000  }
0x48: {  	[sflag:s24] =	ssyncset.done $0x0  }
0x49: {  	[sflag:s24] =	ssyncadd.s32 $0xFFFFF000  }
0x4a: {  	[hbm4b:s8+s3] =	stream.linear.scatter [tilespmem:s23], [sflag:$0x4], $0x4000, $0x38;
	[tilespmem:$0xE400] =	vst v63  }
0x4b: {  	_ =	swait.ge [sflag:s26], $0x4000  }
0x4c: {  	[sflag:s26] =	ssyncset.done $0x0  }
0x4d: {  	s14 =	simm.s32 $0x600;
	[sflag:s26] =	ssyncadd.s32 $0xFFFFC000  }
0x4e: {  	[tilespmem:s23], [sflag:$0x2] =	stream.indirect.gather [hbm4b:s4+s16], $0x20, s14, s16, $0xb8;
	[tilespmem:$0xE400] =	vst v63  }
0x4f: {  	s5 =	simm.s32 $0x680  }
0x50: {  	[tilespmem:s25], [sflag:$0x2] =	stream.indirect.gather [hbm4b:s4+s16], $0x20, s5, s16, $0xb8;
	[tilespmem:$0xE400] =	vst v63  }
0x51: {  	s6 =	simm.s32 $0x700  }
0x52: {  	[tilespmem:s28], [sflag:$0x2] =	stream.indirect.gather [hbm4b:s4+s16], $0x20, s6, s16, $0xb8;
	[tilespmem:$0xE400] =	vst v63  }
0x53: {  	s12 =	simm.s32 $0x780  }
0x54: {  	[tilespmem:s30], [sflag:$0x2] =	stream.indirect.gather [hbm4b:s4+s16], $0x20, s12, s16, $0xb8;
	[tilespmem:$0xE400] =	vst v63  }
0x55: {  	_ =	swait.ge [sflag:s31], $0x1000  }
0x56: {  	[sflag:s31] =	ssyncset.done $0x0  }
0x57: {  	[sflag:s31] =	ssyncadd.s32 $0xFFFFF000  }
0x58: {  	_ =	swait.ge [sflag:s31], $0x1000  }
0x59: {  	[sflag:s31] =	ssyncset.done $0x0  }
0x5a: {  	[sflag:s31] =	ssyncadd.s32 $0xFFFFF000  }
0x5b: {  	_ =	swait.ge [sflag:s31], $0x1000  }
0x5c: {  	[sflag:s31] =	ssyncset.done $0x0  }
0x5d: {  	[sflag:s31] =	ssyncadd.s32 $0xFFFFF000  }
0x5e: {  	_ =	swait.ge [sflag:s31], $0x1000  }
0x5f: {  	s14 =	sshrl.u32 s11, $0x3;
	[sflag:s31] =	ssyncset.done $0x0  }
0x60: {  	s1 =	sadd.s32 s2, s14;
	[sflag:s31] =	ssyncadd.s32 $0xFFFFF000  }
0x61: {  	[hbm4b:s1+s3] =	stream.linear.scatter [tilespmem:s17], [sflag:$0x3], $0x4000, $0x38;
	[tilespmem:$0xE400] =	vst v63  }
0x62: {  	_ =	swait.ge [sflag:s0], $0x4000  }
0x63: {  	[sflag:s0] =	ssyncset.done $0x0  }
0x64: {  	s5 =	simm.s32 $0x800;
	[sflag:s0] =	ssyncadd.s32 $0xFFFFC000  }
0x65: {  	[tilespmem:s17], [sflag:$0x1] =	stream.indirect.gather [hbm4b:s4+s16], $0x20, s5, s16, $0xb8;
	[tilespmem:$0xE400] =	vst v63  }
0x66: {  	s6 =	simm.s32 $0x880  }
0x67: {  	[tilespmem:s18], [sflag:$0x1] =	stream.indirect.gather [hbm4b:s4+s16], $0x20, s6, s16, $0xb8;
	[tilespmem:$0xE400] =	vst v63  }
0x68: {  	s12 =	simm.s32 $0x900  }
0x69: {  	[tilespmem:s20], [sflag:$0x1] =	stream.indirect.gather [hbm4b:s4+s16], $0x20, s12, s16, $0xb8;
	[tilespmem:$0xE400] =	vst v63  }
0x6a: {  	s14 =	simm.s32 $0x980  }
0x6b: {  	[tilespmem:s22], [sflag:$0x1] =	stream.indirect.gather [hbm4b:s4+s16], $0x20, s14, s16, $0xb8;
	[tilespmem:$0xE400] =	vst v63  }
0x6c: {  	_ =	swait.ge [sflag:s24], $0x1000  }
0x6d: {  	[sflag:s24] =	ssyncset.done $0x0  }
0x6e: {  	[sflag:s24] =	ssyncadd.s32 $0xFFFFF000  }
0x6f: {  	_ =	swait.ge [sflag:s24], $0x1000  }
0x70: {  	[sflag:s24] =	ssyncset.done $0x0  }
0x71: {  	[sflag:s24] =	ssyncadd.s32 $0xFFFFF000  }
0x72: {  	_ =	swait.ge [sflag:s24], $0x1000  }
0x73: {  	[sflag:s24] =	ssyncset.done $0x0  }
0x74: {  	[sflag:s24] =	ssyncadd.s32 $0xFFFFF000  }
0x75: {  	_ =	swait.ge [sflag:s24], $0x1000  }
0x76: {  	s29 =	simm.s32 $0x1000;
	s1 =	sadd.s32 $0x100000, s11;
	[sflag:s24] =	ssyncset.done $0x0  }
0x77: {  	s12 =	smov.u32 s19;
	s14 =	sadd.s32 $0x20000, s19;
	[sflag:s24] =	ssyncadd.s32 $0xFFFFF000  }
.LBB2_2:
0x78: {  	[hbm4b:s12+s3] =	stream.linear.scatter [tilespmem:s23], [sflag:$0x4], $0x4000, $0x38;
	[tilespmem:$0xE400] =	vst v63  }
0x79: {  	s5 =	smov.u32 s29;
	s12 =	smov.u32 s14  }
0x7a: {  	p0 =	sne.s32 s29, $0x16000;
	s29 =	sadd.s32 $0x1000, s29;
	_ =	swait.ge [sflag:s26], $0x4000  }
0x7b: {  	s5 =	sshra.s32 s5, $0x2;
	[sflag:s26] =	ssyncset.done $0x0  }
0x7c: {  	s6 =	sadd.s32 $0x600, s5;
	[sflag:s26] =	ssyncadd.s32 $0xFFFFC000  }
0x7d: {  	[tilespmem:s23], [sflag:$0x2] =	stream.indirect.gather [hbm4b:s4+s16], $0x20, s6, s16, $0xb8;
	[tilespmem:$0xE400] =	vst v63  }
0x7e: {  	s6 =	sadd.s32 $0x680, s5  }
0x7f: {  	[tilespmem:s25], [sflag:$0x2] =	stream.indirect.gather [hbm4b:s4+s16], $0x20, s6, s16, $0xb8;
	[tilespmem:$0xE400] =	vst v63  }
0x80: {  	s6 =	sadd.s32 $0x700, s5  }
0x81: {  	[tilespmem:s28], [sflag:$0x2] =	stream.indirect.gather [hbm4b:s4+s16], $0x20, s6, s16, $0xb8;
	[tilespmem:$0xE400] =	vst v63  }
0x82: {  	s6 =	sadd.s32 $0x780, s5  }
0x83: {  	[tilespmem:s30], [sflag:$0x2] =	stream.indirect.gather [hbm4b:s4+s16], $0x20, s6, s16, $0xb8;
	[tilespmem:$0xE400] =	vst v63  }
0x84: {  	_ =	swait.ge [sflag:s31], $0x1000  }
0x85: {  	[sflag:s31] =	ssyncset.done $0x0  }
0x86: {  	[sflag:s31] =	ssyncadd.s32 $0xFFFFF000  }
0x87: {  	_ =	swait.ge [sflag:s31], $0x1000  }
0x88: {  	[sflag:s31] =	ssyncset.done $0x0  }
0x89: {  	[sflag:s31] =	ssyncadd.s32 $0xFFFFF000  }
0x8a: {  	_ =	swait.ge [sflag:s31], $0x1000  }
0x8b: {  	[sflag:s31] =	ssyncset.done $0x0  }
0x8c: {  	[sflag:s31] =	ssyncadd.s32 $0xFFFFF000  }
0x8d: {  	_ =	swait.ge [sflag:s31], $0x1000  }
0x8e: {  	s6 =	sshrl.u32 s1, $0x3;
	[sflag:s31] =	ssyncset.done $0x0  }
0x8f: {  	s6 =	sadd.s32 s2, s6;
	[sflag:s31] =	ssyncadd.s32 $0xFFFFF000  }
0x90: {  	[hbm4b:s6+s3] =	stream.linear.scatter [tilespmem:s17], [sflag:$0x3], $0x4000, $0x38;
	[tilespmem:$0xE400] =	vst v63  }
0x91: {  	_ =	swait.ge [sflag:s0], $0x4000  }
0x92: {  	[sflag:s0] =	ssyncset.done $0x0  }
0x93: {  	s6 =	sadd.s32 $0x800, s5;
	[sflag:s0] =	ssyncadd.s32 $0xFFFFC000  }
0x94: {  	[tilespmem:s17], [sflag:$0x1] =	stream.indirect.gather [hbm4b:s4+s16], $0x20, s6, s16, $0xb8;
	[tilespmem:$0xE400] =	vst v63  }
0x95: {  	s6 =	sadd.s32 $0x880, s5  }
0x96: {  	[tilespmem:s18], [sflag:$0x1] =	stream.indirect.gather [hbm4b:s4+s16], $0x20, s6, s16, $0xb8;
	[tilespmem:$0xE400] =	vst v63  }
0x97: {  	s6 =	sadd.s32 $0x900, s5  }
0x98: {  	[tilespmem:s20], [sflag:$0x1] =	stream.indirect.gather [hbm4b:s4+s16], $0x20, s6, s16, $0xb8;
	[tilespmem:$0xE400] =	vst v63  }
0x99: {  	s5 =	sadd.s32 $0x980, s5  }
0x9a: {  	[tilespmem:s22], [sflag:$0x1] =	stream.indirect.gather [hbm4b:s4+s16], $0x20, s5, s16, $0xb8;
	[tilespmem:$0xE400] =	vst v63  }
0x9b: {  	_ =	swait.ge [sflag:s24], $0x1000  }
0x9c: {  	[sflag:s24] =	ssyncset.done $0x0  }
0x9d: {  	[sflag:s24] =	ssyncadd.s32 $0xFFFFF000  }
0x9e: {  	_ =	swait.ge [sflag:s24], $0x1000  }
0x9f: {  	[sflag:s24] =	ssyncset.done $0x0  }
0xa0: {  	[sflag:s24] =	ssyncadd.s32 $0xFFFFF000  }
0xa1: {  	_ =	swait.ge [sflag:s24], $0x1000  }
.Ltmp0:
0xa2: {  	[sflag:s24] =	ssyncset.done $0x0;
	(pc) =	sbr.rel @p0 .LBB2_2-.Ltmp0, $4  }
0xa3: {  	[sflag:s24] =	ssyncadd.s32 $0xFFFFF000  }
0xa4: {  	_ =	swait.ge [sflag:s24], $0x1000  }
0xa5: {  	[sflag:s24] =	ssyncset.done $0x0  }
0xa6: {  	s14 =	sadd.s32 $0x20000, s14;
	s1 =	sadd.s32 $0x100000, s1;
	[sflag:s24] =	ssyncadd.s32 $0xFFFFF000  }
0xa7: {  	[hbm4b:s12+s3] =	stream.linear.scatter [tilespmem:s23], [sflag:$0x4], $0x4000, $0x38;
	[tilespmem:$0xE400] =	vst v63  }
0xa8: {  	_ =	swait.ge [sflag:s26], $0x4000  }
0xa9: {  	[sflag:s26] =	ssyncset.done $0x0  }
0xaa: {  	s1 =	simm.s32 $0x6200;
	[sflag:s26] =	ssyncadd.s32 $0xFFFFC000  }
0xab: {  	[tilespmem:s23], [sflag:$0x2] =	stream.indirect.gather [hbm4b:s4+s16], $0x20, s1, s16, $0xb8;
	[tilespmem:$0xE400] =	vst v63  }
0xac: {  	s6 =	simm.s32 $0x6280  }
0xad: {  	[tilespmem:s25], [sflag:$0x2] =	stream.indirect.gather [hbm4b:s4+s16], $0x20, s6, s16, $0xb8;
	[tilespmem:$0xE400] =	vst v63  }
0xae: {  	s12 =	simm.s32 $0x6300  }
0xaf: {  	[tilespmem:s28], [sflag:$0x2] =	stream.indirect.gather [hbm4b:s4+s16], $0x20, s12, s16, $0xb8;
	[tilespmem:$0xE400] =	vst v63  }
0xb0: {  	s14 =	simm.s32 $0x6380  }
0xb1: {  	[tilespmem:s30], [sflag:$0x2] =	stream.indirect.gather [hbm4b:s4+s16], $0x20, s14, s16, $0xb8;
	[tilespmem:$0xE400] =	vst v63  }
0xb2: {  	_ =	swait.ge [sflag:s31], $0x1000  }
0xb3: {  	[sflag:s31] =	ssyncset.done $0x0  }
0xb4: {  	[sflag:s31] =	ssyncadd.s32 $0xFFFFF000  }
0xb5: {  	_ =	swait.ge [sflag:s31], $0x1000  }
0xb6: {  	[sflag:s31] =	ssyncset.done $0x0  }
0xb7: {  	[sflag:s31] =	ssyncadd.s32 $0xFFFFF000  }
0xb8: {  	_ =	swait.ge [sflag:s31], $0x1000  }
0xb9: {  	[sflag:s31] =	ssyncset.done $0x0  }
0xba: {  	[sflag:s31] =	ssyncadd.s32 $0xFFFFF000  }
0xbb: {  	_ =	swait.ge [sflag:s31], $0x1000  }
0xbc: {  	[sflag:s31] =	ssyncset.done $0x0  }
0xbd: {  	[sflag:s31] =	ssyncadd.s32 $0xFFFFF000  }
0xbe: {  	[hbm4b:s9+s3] =	stream.linear.scatter [tilespmem:s17], [sflag:$0x3], $0x4000, $0x38;
	[tilespmem:$0xE400] =	vst v63  }
0xbf: {  	_ =	swait.ge [sflag:s24], $0x1000  }
0xc0: {  	[sflag:s24] =	ssyncset.done $0x0  }
0xc1: {  	[sflag:s24] =	ssyncadd.s32 $0xFFFFF000  }
0xc2: {  	_ =	swait.ge [sflag:s24], $0x1000  }
0xc3: {  	[sflag:s24] =	ssyncset.done $0x0  }
0xc4: {  	[sflag:s24] =	ssyncadd.s32 $0xFFFFF000  }
0xc5: {  	_ =	swait.ge [sflag:s24], $0x1000  }
0xc6: {  	[sflag:s24] =	ssyncset.done $0x0  }
0xc7: {  	[sflag:s24] =	ssyncadd.s32 $0xFFFFF000  }
0xc8: {  	_ =	swait.ge [sflag:s24], $0x1000  }
0xc9: {  	[sflag:s24] =	ssyncset.done $0x0  }
0xca: {  	[sflag:s24] =	ssyncadd.s32 $0xFFFFF000  }
0xcb: {  	[hbm4b:s10+s3] =	stream.linear.scatter [tilespmem:s23], [sflag:$0x4], $0x4000, $0x38;
	[tilespmem:$0xE400] =	vst v63  }
0xcc: {  	_ =	swait.ge [sflag:s0], $0x4000  }
0xcd: {  	[sflag:s0] =	ssyncset.done $0x0  }
0xce: {  	[sflag:s0] =	ssyncadd.s32 $0xFFFFC000  }
0xcf: {  	_ =	swait.ge [sflag:s26], $0x4000  }
0xd0: {  	s21 =	sadd.s32 $0x1, s21;
	s29 =	rddreg [dreg:$0x4]  }
0xd1: {  	p0 =	sne.s32 s21, s29  }
.Ltmp1:
0xd2: {  	_ = 	snop;
	(pc) =	sbr.rel @p0 .LBB2_1-.Ltmp1, $3  }
0xd3: {  	_ =	sdelay $0x1  }
0xd4: {  	[sflag:s26] =	ssyncset.done $0x0  }
0xd5: {  	[sflag:s26] =	ssyncadd.s32 $0xFFFFC000  }
0xd6: {  	_ =	sfence.sel $0x180000  }
0xd7: {  	[bflag:$0x0] =	sbarrier.arrive $0xFFFF  }
0xd8: {  	_ =	strace $0x9000004A  }
0xd9: {  	s0 =	stileid.u32;
	[bflag:$0x2] =	sbarrier.arrive $0xFFFF  }
0xda: {  	p0 =	sne.s32 s0, $0x0;
	s0 =	rddreg [dreg:$0x2]  }
0xdb: {  	s0 =	sadd.s32 @!p0 $0x100000, s0  }
0xdc: {  	[sflag:s0] =	ssyncadd.tile.s32 @!p0 $0x1;
	_ =	shalt  }
.Lfunc_end2:
_tile_overlayer_lowered:
.L_overlay_start_2:
0xdd: {  	(tag) =	ssettag $0x2  }
0xde: {  	s0 =	rddreg [dreg:$0x0];
	s2 =	stileid.u32  }
0xdf: {  	s1 =	rddreg [dreg:$0x1];
	p0 =	sne.s32 s2, $0x0  }
0xe0: {  	s3 =	rddreg [dreg:$0x2];
	[bflag:$0x3] =	sbarrier.arrive $0xFFFF;
	s2 =	simm.s32 @!p0 $0x1C05  }
0xe1: {  	[timem:s3], [sflag:s2] =	dma.local @!p0 [hbm:s0], s1  }
0xe2: {  	s0 =	simm.s32 @!p0 $0x5  }
0xe3: {  	_ =	swait.ge @!p0 [sflag:s0], s1  }
0xe4: {  	s1 =	ssub.s32 @!p0 $0x0, s1;
	[sflag:s0] =	ssyncset.done @!p0 $0x0  }
0xe5: {  	[sflag:s0] =	ssyncadd.s32 @!p0 s1  }
0xe6: {  	[bflag:$0x3] =	sbarrier.arrive $0xFFFF  }
0xe7: {  	_ =	shalt  }

// kernel: sparse-core-data-format-call.1.cloned.1.call-start
scs
called_computation.1_lowered:
.L_overlay_start_0:
0x0: {  	s2 =	sld [smem:$0x3FD9]  }
0x1: {  	s3 =	sld [smem:$0x3FFE];
	_ =	sdelay $0x1  }
0x2: {  	s1 =	srdreg.scid  }
0x3: {  	s0 =	sand.u32 $0x1, s1  }
0x4: {  	s16 =	sshll.u32 s0, $0xA;
	s2 =	sadd.s32 s3, s2  }
0x5: {  	s2 =	sadd.s32 s2, s16  }
0x6: {  	[smem:$0x3FC4] =	sst s2  }
0x7: {  	_ = 	snop  }
0x8: {  	s2 =	sld [smem:$0x3FD0];
	_ =	sdelay $0x2  }
0x9: {  	s17 =	simm.s32 $0xB;
	s4 =	simm.s32 $0x10  }
0xa: {  	[smem:s4], [sflag:s17] =	dma.local [hbm:s2], $0x1  }
0xb: {  	_ =	swait.eq [sflag:s17], $0x1  }
0xc: {  	[sflag:s17] =	ssyncset.done $0x0  }
0xd: {  	[sflag:s17] =	ssyncadd.s32 $0xFFFFFFFF  }
0xe: {  	s18 =	sld [smem:$0x10];
	(tm) =	ssettm $0x1  }
0xf: {  	s19 =	sld [smem:$0x3FFB];
	_ =	sdelay $0x3  }
0x10: {  	_ =	strace s19  }
0x11: {  	s2 =	sld [smem:$0x3FFC];
	_ =	sdelay $0x3  }
0x12: {  	_ =	strace s2  }
0x13: {  	s2 =	sld [smem:$0x3FFD];
	_ =	sdelay $0x3  }
0x14: {  	_ =	strace s2  }
0x15: {  	_ =	strace $0x8FFFFFFF  }
0x16: {  	s20 =	sld [smem:$0x3FDB];
	_ =	sdelay $0x1  }
0x17: {  	s21 =	simm.s32 $_scs_section_size  }
0x18: {  	s5 =	simm.s32 $_size__tile_overlayer_lowered;
	s6 =	simm.s32 $_tile_overlayer_lowered  }
0x19: {  	s7 =	simm.s32 $0x1BFF;
	s22 =	sshll.u32 s6, $0x1;
	s4 =	sadd.s32 s21, s20  }
0x1a: {  	s23 =	simm.s32 $0x0;
	s5 =	sshll.u32 s5, $0x1;
	s6 =	sadd.s32 s22, s4  }
0x1b: {  	[timem:s23], [sflag:s7] =	dma.local [hbm:s6], s5  }
0x1c: {  	_ =	swait.ge [sflag:s7], s5  }
0x1d: {  	s5 =	ssub.s32 $0x0, s5;
	[sflag:s7] =	ssyncset.done $0x0  }
0x1e: {  	[sflag:s7] =	ssyncadd.s32 s5;
	_ =	sdelay $0x1  }
0x1f: {  	s24 =	simm.s32 $0x1B8B  }
0x20: {  	_ =	swait.ge [sflag:s24], $0x1  }
0x21: {  	[sflag:s24] =	ssyncset.done $0x0  }
0x22: {  	[sflag:s24] =	ssyncadd.s32 $0xFFFFFFFF  }
0x23: {  	s5 =	sld [smem:$0x0]  }
0x24: {  	s6 =	sand.u32 $0xFFFFFFFE, s1  }
0x25: {  	p0 =	sne.s32 s1, s6  }
0x26: {  	s6 =	sshll.u32 @p0 s6, $0xE  }
0x27: {  	s6 =	sadd.s32 @p0 $0x11B8D, s6;
	s7 =	sshll.u32 @p0 s5, $0x11  }
0x28: {  	s6 =	sor.u32 @p0 s7, s6  }
0x29: {  	[sflag:s6] =	ssyncadd.remote.s32 @p0 $0x1;
	_ =	sdelay $0x1  }
0x2a: {  	s6 =	simm.s32 @p0 $0x1B8D  }
0x2b: {  	_ =	swait.eq @p0 [sflag:s6], $0x1  }
0x2c: {  	[sflag:s6] =	ssyncadd.s32 @p0 $0xFFFFFFFF  }
0x2d: {  	s7 =	sshll.u32 @!p0 s1, $0xE  }
0x2e: {  	s7 =	sor.u32 @!p0 $0x4000, s7;
	s6 =	simm.s32 @!p0 $0x1B8D  }
0x2f: {  	s5 =	sshll.u32 @!p0 s5, $0x11;
	s7 =	sadd.s32 @!p0 $0x11B8D, s7;
	_ =	swait.eq @!p0 [sflag:s6], $0x1  }
0x30: {  	s5 =	sor.u32 @!p0 s5, s7;
	[sflag:s6] =	ssyncadd.s32 @!p0 $0xFFFFFFFF  }
0x31: {  	s26 =	simm.s32 $0x1B8E;
	s25 =	sld [smem:$0x3FFE];
	[sflag:s5] =	ssyncadd.remote.s32 @!p0 $0x1  }
0x32: {  	s27 =	simm.s32 $execute0_lowered;
	[smem:$0x3FD2] =	sst s26  }
0x33: {  	s6 =	sshll.u32 s27, $0x1;
	_ =	strace $0x8000004C;
	[dreg:$0x1] =	wrdreg $0xFFFFFFFF  }
0x34: {  	s28 =	simm.s32 $_size_execute0_lowered;
	s4 =	sadd.s32 s4, s6;
	[dreg:$0x0] =	wrdreg $0x0  }
0x35: {  	s6 =	sshll.u32 s28, $0x1;
	[dreg:$0x2] =	wrdreg s4  }
0x36: {  	[dreg:$0x3] =	wrdreg s6  }
0x37: {  	[dreg:$0x4] =	wrdreg $0xC0  }
0x38: {  	_ =	task [dreg:s23], $0x5FFFF  }
0x39: {  	[dreg:$0x1] =	wrdreg $0xFFFFFFFF  }
0x3a: {  	[dreg:$0x0] =	wrdreg $0x60  }
0x3b: {  	[dreg:$0x2] =	wrdreg s25  }
0x3c: {  	[dreg:$0x3] =	wrdreg s18  }
0x3d: {  	[dreg:$0x4] =	wrdreg $0x9  }
0x3e: {  	_ =	task.clear_ibuf [dreg:s23], $0x5FFFF;
	_ =	strace $0x9000004C  }
0x3f: {  	s29 =	simm.s32 $0x9;
	_ =	strace $0x8000004E  }
0x40: {  	_ =	swait.ge [sflag:s29], $0x1  }
0x41: {  	[sflag:s29] =	ssyncadd.s32 $0xFFFFFFFF  }
0x42: {  	_ =	strace $0x9000004E  }
0x43: {  	_ =	sfence  }
0x44: {  	s30 =	sld [smem:$0x0];
	_ =	sdelay $0x2  }
0x45: {  	s31 =	sshll.u32 s1, $0xD;
	s1 =	sshrl.u32 s1, $0x2  }
0x46: {  	s4 =	sand.u32 $0x4000, s31;
	s1 =	sadd.s32 s1, s30  }
0x47: {  	s0 =	sor.u32 s4, s0;
	s1 =	sshll.u32 s1, $0x11  }
0x48: {  	s0 =	sor.u32 s1, s0  }
0x49: {  	s0 =	sadd.s32 $0x8F2B, s0  }
0x4a: {  	[sflag:s0] =	ssyncadd.remote.s32 $0x1  }
0x4b: {  	_ =	sfence.sel $0xFFFF  }
0x4c: {  	[dreg:$0x0] =	wrdreg $0xFFFFFFFF;
	(pc) =	sbr.abs _section_cstart, $3  }
0x4d: {  	[dreg:$0x1] =	wrdreg $0xFFFFFFFF  }
0x4e: {  	_ =	task.clear_ibuf [dreg:s23], $0x2FFFF;
	_ =	strace $0x9FFFFFFF  }
0x4f: {  	(tm) =	ssettm $0x7FFFFFFF  }
tec
execute0_lowered:
.L_overlay_start_1:
0x0: {  	(tag) =	ssettag $0x1  }
0x1: {  	s0 =	srdreg.scid  }
0x2: {  	s1 =	sshll.u32 s0, $0x4  }
0x3: {  	s0 =	stileid.u32;
	s1 =	sand.u32 $0x10, s1  }
0x4: {  	s7 =	rddreg [dreg:$0x0];
	s1 =	sor.u32 s0, s1  }
0x5: {  	s4 =	simm.s32 $0x1;
	s8 =	simm.s32 $0x2;
	s2 =	sshll.u32 s1, $0x7  }
0x6: {  	s13 =	simm.s32 $0x0;
	s9 =	simm.s32 $0x20000;
	s1 =	ssub.s32 $0x4000, s2  }
0x7: {  	s14 =	simm.s32 $0x0;
	s11 =	simm.s32 $0x0;
	s3 =	sand.u32 $0xF80, s1  }
0x8: {  	s12 =	simm.s32 $0x0;
	s5 =	sshrl.u32 s1, $0xC;
	p0 =	sne.s32 s3, $0x0  }
.Ltmp0:
0x9: {  	s1 =	rddreg [dreg:$0x2];
	s4 =	simm.s32 @!p0 $0x0;
	(pc) =	sbr.rel .LBB1_1-.Ltmp0, $4  }
0xa: {  	s6 =	sadd.s32 $0x403E00, s7;
	s3 =	rddreg [dreg:$0x1];
	s5 =	sadd.s32 s4, s5  }
0xb: {  	_ =	strace $0x8000004D;
	s4 =	simm.s32 $0x1;
	s5 =	smul.u32 $0x19, s5  }
0xc: {  	s7 =	sadd.s32 $0x443E00, s7;
	s10 =	smov.u32 s2;
	[sflag:s4] =	ssyncpa.u1 $0x0  }
0xd: {  	p0 =	por $0x0, $0x0;
	[sflag:s8] =	ssyncpa.u1 $0x0;
	s8 =	sadd.s32 $0x1, s5  }
.LBB1_7:
0xe: {  	s15 =	sadd.s32 $0x1000, s10  }
0xf: {  	s13 =	sadd.s32 $0x2, s11;
	s17 =	smov.u32 s11;
	p2 =	sgt.s32 s15, $0x3FFF  }
0x10: {  	s17 =	smov.u32 @p2 s13  }
0x11: {  	s15 =	smov.u32 @p2 s2;
	p2 =	sgt.s32 s17, $0x31  }
0x12: {  	s17 =	simm.s32 @p2 $0x0;
	p2 =	sne.s32 s12, s8  }
.Ltmp1:
0x13: {  	p1 =	slt.u32 s12, $0x2;
	(pc) =	sbr.rel @!p2 .LBB1_8-.Ltmp1, $4  }
0x14: {  	s16 =	simm.s32 @!p1 $0x2  }
0x15: {  	s14 =	smov.u32 s11;
	p0 =	por !p0, !p0;
	_ =	swait.ge @!p1 [sflag:s16], $0x2000  }
0x16: {  	s13 =	smov.u32 s10;
	[sflag:s16] =	ssyncset.done @!p1 $0x0;
	s10 =	smov.u32 s15  }
0x17: {  	s12 =	sadd.s32 $0x1, s12;
	[sflag:s16] =	ssyncadd.s32 @!p1 $0xFFFFE000;
	s11 =	smov.u32 s17  }
.LBB1_1:
0x18: {  	p1 =	sge.u32 s12, s5  }
0x19: {  	s15 =	sxor.u32 @!p1 $0xFFFFFFFF, s12;
	s16 =	sshll.u32 @!p1 s11, $0x12  }
0x1a: {  	s17 =	sshll.u32 @!p1 s10, $0x4;
	s19 =	simm.s32 @!p1 $0x20;
	s20 =	simm.s32 @!p1 $0x80  }
0x1b: {  	s15 =	sshll.u32 @!p1 s15, $0xD;
	s17 =	sand.u32 @!p1 $0x3FFF0, s17;
	s18 =	sadd.s32 @!p1 s6, s16  }
0x1c: {  	s16 =	sadd.s32 @!p1 s16, s7;
	s15 =	sand.u32 @!p1 $0x2000, s15;
	s18 =	sadd.s32 @!p1 s17, s18  }
0x1d: {  	[tilespmem:s15], [sflag:$0x1] =	stream.strided.gather @!p1 [hbm4b:s18+s19], $0x1000, s20, s19, $0x38;
	[tilespmem:$0x8080] =	vst v63  }
0x1e: {  	s31 =	sadd.s32 $0xFFFFFFFF, s12;
	s16 =	sadd.s32 @!p1 s17, s16;
	s15 =	sor.u32 @!p1 $0x1000, s15  }
0x1f: {  	[tilespmem:s15], [sflag:$0x1] =	stream.strided.gather @!p1 [hbm4b:s16+s19], $0x1000, s20, s19, $0x38;
	[tilespmem:$0x8080] =	vst v63  }
0x20: {  	p1 =	sge.u32 s31, s5  }
.Ltmp2:
0x21: {  	_ = 	snop;
	(pc) =	sbr.rel @p1 .LBB1_7-.Ltmp2, $1  }
0x22: {  	_ =	sdelay $0x3  }
0x23: {  	s15 =	simm.s32 $0x1;
	s17 =	sand.u32 $0x1, s12  }
0x24: {  	_ =	swait.ge [sflag:s4], $0x2000;
	s15 =	simm.s32 @!p0 $0x0;
	s17 =	smul.u32 $0x8100, s17  }
0x25: {  	p2 =	por $0x1, $0x1;
	[sflag:s4] =	ssyncset.done $0x0;
	s16 =	smul.u32 $0x8100, s15  }
0x26: {  	s18 =	sshll.u32 s15, $0xF;
	[sflag:s4] =	ssyncadd.s32 $0xFFFFE000;
	s30 =	sshrl.u32 s17, $0x2  }
0x27: {  	s31 =	sshrl.u32 s18, $0x2;
	s18 =	simm.s32 $0x0;
	s16 =	sshrl.u32 s16, $0x2  }
0x28: {  	s15 =	sor.u32 $0x4000, s30;
	s17 =	sadd.s32 $0x10, s31;
	s16 =	sor.u32 $0x4000, s16  }
.LBB1_3:
0x29: {  	s19 =	sshll.u32 s18, $0xC  }
0x2a: {  	s19 =	sand.u32 $0x3FFFF000, s19  }
0x2b: {  	s20 =	sadd.s32 s19, s17  }
0x2c: {  	s31 =	smul.u32 $0x4080, s18;
	v1 =	vld [tilespmem:s20+$0x0]  }
0x2d: {  	v0 =	vld [tilespmem:s20+$0xFFFFFFF0]  }
0x2e: {  	s18 =	sshra.s32 s31, $0x2  }
0x2f: {  	s18 =	sadd.s32 s18, s16  }
0x30: {  	s21 =	sadd.s32 $0x0, s18  }
0x31: {  	p1 =	por p2, p2;
	s19 =	simm.s32 $0x4;
	s20 =	sadd.s32 $0x20, s20;
	[tilespmem:s21+$0x810 ss:$0x81] =	vst.msk $0xffff, v1  }
.LBB1_4:
0x32: {  	v1 =	vld [tilespmem:s20+$0x0];
	p2 =	sne.s32 s19, $0x1FC;
	[tilespmem:s21+$0x0 ss:$0x81] =	vst.msk $0xffff, v0;
	s21 =	smov.u32 s19;
	s19 =	sadd.s32 $0x4, s19  }
.Ltmp3:
0x33: {  	v0 =	vld [tilespmem:s20+$0xFFFFFFF0];
	(pc) =	sbr.rel @p2 .LBB1_4-.Ltmp3, $4  }
0x34: {  	_ = 	snop  }
0x35: {  	s21 =	sshra.s32 s21, $0x2  }
0x36: {  	s21 =	sadd.s32 s21, s18  }
0x37: {  	s20 =	sadd.s32 $0x20, s20;
	[tilespmem:s21+$0x810 ss:$0x81] =	vst.msk $0xffff, v1  }
.Ltmp4:
0x38: {  	(pc) =	sbr.rel @p1 .LBB1_3-.Ltmp4, $2  }
0x39: {  	_ =	sdelay $0x2  }
0x3a: {  	[tilespmem:s21+$0x0 ss:$0x81] =	vst.msk $0xffff, v0;
	s18 =	simm.s32 $0x1;
	p2 =	por $0x0, $0x0  }
0x3b: {  	s16 =	sshll.u32 s13, $0x3;
	s17 =	sand.u32 $0x78, s13;
	s14 =	sshll.u32 s14, $0x10  }
.Ltmp5:
0x3c: {  	s30 =	sand.u32 $0xF800, s13;
	s16 =	sand.u32 $0x3C00, s16;
	(pc) =	sbr.rel .LBB1_7-.Ltmp5, $4  }
0x3d: {  	s31 =	sand.u32 $0x7, s13;
	s14 =	sadd.s32 s3, s14;
	s16 =	sor.u32 s17, s16  }
0x3e: {  	s13 =	sshll.u32 s31, $0x12;
	s14 =	sadd.s32 s30, s14;
	s16 =	sshrl.u32 s16, $0x3  }
0x3f: {  	s13 =	sor.u32 $0x400, s13;
	s14 =	sadd.s32 s16, s14  }
0x40: {  	[hbm4b:s14+s13] =	stream.strided.scatter [tilespmem:s15], [sflag:$0x2], $0x2000, s9, s13, $0x20;
	[tilespmem:$0x8080] =	vst v63  }
.LBB1_8:
0x41: {  	_ =	sfence.sel $0x180000  }
0x42: {  	s2 =	simm.s32 $0x1;
	[bflag:$0x0] =	sbarrier.arrive $0xFFFF  }
0x43: {  	s31 =	simm.s32 $0x2;
	[sflag:s2] =	ssyncpa.u1 $0x1  }
0x44: {  	[sflag:s31] =	ssyncpa.u1 $0x1  }
0x45: {  	p0 =	sne.s32 s0, $0x0;
	_ =	strace $0x9000004D  }
0x46: {  	s0 =	sadd.s32 @!p0 $0x100000, s1;
	[bflag:$0x2] =	sbarrier.arrive $0xFFFF  }
0x47: {  	[sflag:s0] =	ssyncadd.tile.s32 @!p0 $0x1;
	_ =	shalt  }
.Lfunc_end1:
_tile_overlayer_lowered:
.L_overlay_start_2:
0x48: {  	(tag) =	ssettag $0x2  }
0x49: {  	s0 =	rddreg [dreg:$0x0];
	s2 =	stileid.u32  }
0x4a: {  	s1 =	rddreg [dreg:$0x1];
	p0 =	sne.s32 s2, $0x0  }
0x4b: {  	s3 =	rddreg [dreg:$0x2];
	[bflag:$0x3] =	sbarrier.arrive $0xFFFF;
	s2 =	simm.s32 @!p0 $0x1C01  }
0x4c: {  	[timem:s3], [sflag:s2] =	dma.local @!p0 [hbm:s0], s1  }
0x4d: {  	s0 =	simm.s32 @!p0 $0x1  }
0x4e: {  	_ =	swait.ge @!p0 [sflag:s0], s1  }
0x4f: {  	s1 =	ssub.s32 @!p0 $0x0, s1;
	[sflag:s0] =	ssyncset.done @!p0 $0x0  }
0x50: {  	[sflag:s0] =	ssyncadd.s32 @!p0 s1  }
0x51: {  	[bflag:$0x3] =	sbarrier.arrive $0xFFFF  }
0x52: {  	_ =	shalt  }

// kernel: sparse-core-data-format-call.cloned.1.call-start
scs
called_computation_lowered:
.L_overlay_start_0:
0x0: {  	s2 =	sld [smem:$0x3FD9]  }
0x1: {  	s3 =	sld [smem:$0x3FFE];
	_ =	sdelay $0x1  }
0x2: {  	s1 =	srdreg.scid  }
0x3: {  	s0 =	sand.u32 $0x1, s1  }
0x4: {  	s16 =	sshll.u32 s0, $0xA;
	s2 =	sadd.s32 s3, s2  }
0x5: {  	s2 =	sadd.s32 s2, s16  }
0x6: {  	[smem:$0x3FC4] =	sst s2  }
0x7: {  	_ = 	snop  }
0x8: {  	s2 =	sld [smem:$0x3FD0];
	_ =	sdelay $0x2  }
0x9: {  	s17 =	simm.s32 $0xB;
	s4 =	simm.s32 $0x10  }
0xa: {  	[smem:s4], [sflag:s17] =	dma.local [hbm:s2], $0x1  }
0xb: {  	_ =	swait.eq [sflag:s17], $0x1  }
0xc: {  	[sflag:s17] =	ssyncset.done $0x0  }
0xd: {  	[sflag:s17] =	ssyncadd.s32 $0xFFFFFFFF  }
0xe: {  	s18 =	sld [smem:$0x11];
	(tm) =	ssettm $0x1  }
0xf: {  	s19 =	sld [smem:$0x3FFB];
	_ =	sdelay $0x3  }
0x10: {  	_ =	strace s19  }
0x11: {  	s2 =	sld [smem:$0x3FFC];
	_ =	sdelay $0x3  }
0x12: {  	_ =	strace s2  }
0x13: {  	s2 =	sld [smem:$0x3FFD];
	_ =	sdelay $0x3  }
0x14: {  	_ =	strace s2  }
0x15: {  	_ =	strace $0x8FFFFFFF  }
0x16: {  	s20 =	sld [smem:$0x3FDB];
	_ =	sdelay $0x1  }
0x17: {  	s21 =	simm.s32 $_scs_section_size  }
0x18: {  	s5 =	simm.s32 $_size__tile_overlayer_lowered;
	s6 =	simm.s32 $_tile_overlayer_lowered  }
0x19: {  	s7 =	simm.s32 $0x1BFF;
	s22 =	sshll.u32 s6, $0x1;
	s4 =	sadd.s32 s21, s20  }
0x1a: {  	s23 =	simm.s32 $0x0;
	s5 =	sshll.u32 s5, $0x1;
	s6 =	sadd.s32 s22, s4  }
0x1b: {  	[timem:s23], [sflag:s7] =	dma.local [hbm:s6], s5  }
0x1c: {  	_ =	swait.ge [sflag:s7], s5  }
0x1d: {  	s5 =	ssub.s32 $0x0, s5;
	[sflag:s7] =	ssyncset.done $0x0  }
0x1e: {  	[sflag:s7] =	ssyncadd.s32 s5;
	_ =	sdelay $0x1  }
0x1f: {  	s24 =	simm.s32 $0x1B8B  }
0x20: {  	_ =	swait.ge [sflag:s24], $0x1  }
0x21: {  	[sflag:s24] =	ssyncset.done $0x0  }
0x22: {  	[sflag:s24] =	ssyncadd.s32 $0xFFFFFFFF  }
0x23: {  	s5 =	sld [smem:$0x0]  }
0x24: {  	s6 =	sand.u32 $0xFFFFFFFE, s1  }
0x25: {  	p0 =	sne.s32 s1, s6  }
0x26: {  	s6 =	sshll.u32 @p0 s6, $0xE  }
0x27: {  	s6 =	sadd.s32 @p0 $0x11B8D, s6;
	s7 =	sshll.u32 @p0 s5, $0x11  }
0x28: {  	s6 =	sor.u32 @p0 s7, s6  }
0x29: {  	[sflag:s6] =	ssyncadd.remote.s32 @p0 $0x1;
	_ =	sdelay $0x1  }
0x2a: {  	s6 =	simm.s32 @p0 $0x1B8D  }
0x2b: {  	_ =	swait.eq @p0 [sflag:s6], $0x1  }
0x2c: {  	[sflag:s6] =	ssyncadd.s32 @p0 $0xFFFFFFFF  }
0x2d: {  	s7 =	sshll.u32 @!p0 s1, $0xE  }
0x2e: {  	s7 =	sor.u32 @!p0 $0x4000, s7;
	s6 =	simm.s32 @!p0 $0x1B8D  }
0x2f: {  	s5 =	sshll.u32 @!p0 s5, $0x11;
	s7 =	sadd.s32 @!p0 $0x11B8D, s7;
	_ =	swait.eq @!p0 [sflag:s6], $0x1  }
0x30: {  	s5 =	sor.u32 @!p0 s5, s7;
	[sflag:s6] =	ssyncadd.s32 @!p0 $0xFFFFFFFF  }
0x31: {  	s26 =	simm.s32 $0x1B8E;
	s25 =	sld [smem:$0x3FFE];
	[sflag:s5] =	ssyncadd.remote.s32 @!p0 $0x1  }
0x32: {  	s27 =	simm.s32 $execute0_lowered;
	[smem:$0x3FD2] =	sst s26  }
0x33: {  	s6 =	sshll.u32 s27, $0x1;
	_ =	strace $0x8000004F;
	[dreg:$0x1] =	wrdreg $0xFFFFFFFF  }
0x34: {  	s28 =	simm.s32 $_size_execute0_lowered;
	s4 =	sadd.s32 s4, s6;
	[dreg:$0x0] =	wrdreg $0x0  }
0x35: {  	s6 =	sshll.u32 s28, $0x1;
	[dreg:$0x2] =	wrdreg s4  }
0x36: {  	[dreg:$0x3] =	wrdreg s6  }
0x37: {  	[dreg:$0x4] =	wrdreg $0xC0  }
0x38: {  	_ =	task [dreg:s23], $0x5FFFF  }
0x39: {  	[dreg:$0x1] =	wrdreg $0xFFFFFFFF  }
0x3a: {  	[dreg:$0x0] =	wrdreg $0x60  }
0x3b: {  	[dreg:$0x2] =	wrdreg s25  }
0x3c: {  	[dreg:$0x3] =	wrdreg s18  }
0x3d: {  	[dreg:$0x4] =	wrdreg $0xA  }
0x3e: {  	_ =	task.clear_ibuf [dreg:s23], $0x5FFFF;
	_ =	strace $0x9000004F  }
0x3f: {  	s29 =	simm.s32 $0xA;
	_ =	strace $0x80000051  }
0x40: {  	_ =	swait.ge [sflag:s29], $0x1  }
0x41: {  	[sflag:s29] =	ssyncadd.s32 $0xFFFFFFFF  }
0x42: {  	_ =	strace $0x90000051  }
0x43: {  	_ =	sfence  }
0x44: {  	s30 =	sld [smem:$0x0];
	_ =	sdelay $0x2  }
0x45: {  	s31 =	sshll.u32 s1, $0xD;
	s1 =	sshrl.u32 s1, $0x2  }
0x46: {  	s4 =	sand.u32 $0x4000, s31;
	s1 =	sadd.s32 s1, s30  }
0x47: {  	s0 =	sor.u32 s4, s0;
	s1 =	sshll.u32 s1, $0x11  }
0x48: {  	s0 =	sor.u32 s1, s0  }
0x49: {  	s0 =	sadd.s32 $0x8F2B, s0  }
0x4a: {  	[sflag:s0] =	ssyncadd.remote.s32 $0x1  }
0x4b: {  	_ =	sfence.sel $0xFFFF  }
0x4c: {  	[dreg:$0x0] =	wrdreg $0xFFFFFFFF;
	(pc) =	sbr.abs _section_cstart, $3  }
0x4d: {  	[dreg:$0x1] =	wrdreg $0xFFFFFFFF  }
0x4e: {  	_ =	task.clear_ibuf [dreg:s23], $0x2FFFF;
	_ =	strace $0x9FFFFFFF  }
0x4f: {  	(tm) =	ssettm $0x7FFFFFFF  }
tec
execute0_lowered:
.L_overlay_start_1:
0x0: {  	(tag) =	ssettag $0x1  }
0x1: {  	s0 =	srdreg.scid  }
0x2: {  	s1 =	sshll.u32 s0, $0x4  }
0x3: {  	s0 =	stileid.u32;
	s1 =	sand.u32 $0x10, s1  }
0x4: {  	s7 =	rddreg [dreg:$0x0];
	s1 =	sor.u32 s0, s1  }
0x5: {  	s4 =	simm.s32 $0x1;
	s8 =	simm.s32 $0x2;
	s2 =	sshll.u32 s1, $0x7  }
0x6: {  	s13 =	simm.s32 $0x0;
	s9 =	simm.s32 $0x20000;
	s1 =	ssub.s32 $0x4000, s2  }
0x7: {  	s14 =	simm.s32 $0x0;
	s11 =	simm.s32 $0x0;
	s3 =	sand.u32 $0xF80, s1  }
0x8: {  	s12 =	simm.s32 $0x0;
	s5 =	sshrl.u32 s1, $0xC;
	p0 =	sne.s32 s3, $0x0  }
.Ltmp0:
0x9: {  	s1 =	rddreg [dreg:$0x2];
	s4 =	simm.s32 @!p0 $0x0;
	(pc) =	sbr.rel .LBB1_1-.Ltmp0, $4  }
0xa: {  	s6 =	sadd.s32 $0x1083E00, s7;
	s3 =	rddreg [dreg:$0x1];
	s5 =	sadd.s32 s4, s5  }
0xb: {  	_ =	strace $0x80000050;
	s4 =	simm.s32 $0x1;
	s5 =	smul.u32 $0x19, s5  }
0xc: {  	s7 =	sadd.s32 $0x10C3E00, s7;
	s10 =	smov.u32 s2;
	[sflag:s4] =	ssyncpa.u1 $0x0  }
0xd: {  	p0 =	por $0x0, $0x0;
	[sflag:s8] =	ssyncpa.u1 $0x0;
	s8 =	sadd.s32 $0x1, s5  }
.LBB1_7:
0xe: {  	s15 =	sadd.s32 $0x1000, s10  }
0xf: {  	s13 =	sadd.s32 $0x2, s11;
	s17 =	smov.u32 s11;
	p2 =	sgt.s32 s15, $0x3FFF  }
0x10: {  	s17 =	smov.u32 @p2 s13  }
0x11: {  	s15 =	smov.u32 @p2 s2;
	p2 =	sgt.s32 s17, $0x31  }
0x12: {  	s17 =	simm.s32 @p2 $0x0;
	p2 =	sne.s32 s12, s8  }
.Ltmp1:
0x13: {  	p1 =	slt.u32 s12, $0x2;
	(pc) =	sbr.rel @!p2 .LBB1_8-.Ltmp1, $4  }
0x14: {  	s16 =	simm.s32 @!p1 $0x2  }
0x15: {  	s14 =	smov.u32 s11;
	p0 =	por !p0, !p0;
	_ =	swait.ge @!p1 [sflag:s16], $0x2000  }
0x16: {  	s13 =	smov.u32 s10;
	[sflag:s16] =	ssyncset.done @!p1 $0x0;
	s10 =	smov.u32 s15  }
0x17: {  	s12 =	sadd.s32 $0x1, s12;
	[sflag:s16] =	ssyncadd.s32 @!p1 $0xFFFFE000;
	s11 =	smov.u32 s17  }
.LBB1_1:
0x18: {  	p1 =	sge.u32 s12, s5  }
0x19: {  	s15 =	sxor.u32 @!p1 $0xFFFFFFFF, s12;
	s16 =	sshll.u32 @!p1 s11, $0x12  }
0x1a: {  	s17 =	sshll.u32 @!p1 s10, $0x4;
	s19 =	simm.s32 @!p1 $0x20;
	s20 =	simm.s32 @!p1 $0x80  }
0x1b: {  	s15 =	sshll.u32 @!p1 s15, $0xD;
	s17 =	sand.u32 @!p1 $0x3FFF0, s17;
	s18 =	sadd.s32 @!p1 s6, s16  }
0x1c: {  	s16 =	sadd.s32 @!p1 s16, s7;
	s15 =	sand.u32 @!p1 $0x2000, s15;
	s18 =	sadd.s32 @!p1 s17, s18  }
0x1d: {  	[tilespmem:s15], [sflag:$0x1] =	stream.strided.gather @!p1 [hbm4b:s18+s19], $0x1000, s20, s19, $0x38;
	[tilespmem:$0x8080] =	vst v63  }
0x1e: {  	s31 =	sadd.s32 $0xFFFFFFFF, s12;
	s16 =	sadd.s32 @!p1 s17, s16;
	s15 =	sor.u32 @!p1 $0x1000, s15  }
0x1f: {  	[tilespmem:s15], [sflag:$0x1] =	stream.strided.gather @!p1 [hbm4b:s16+s19], $0x1000, s20, s19, $0x38;
	[tilespmem:$0x8080] =	vst v63  }
0x20: {  	p1 =	sge.u32 s31, s5  }
.Ltmp2:
0x21: {  	_ = 	snop;
	(pc) =	sbr.rel @p1 .LBB1_7-.Ltmp2, $1  }
0x22: {  	_ =	sdelay $0x3  }
0x23: {  	s15 =	simm.s32 $0x1;
	s17 =	sand.u32 $0x1, s12  }
0x24: {  	_ =	swait.ge [sflag:s4], $0x2000;
	s15 =	simm.s32 @!p0 $0x0;
	s17 =	smul.u32 $0x8100, s17  }
0x25: {  	p2 =	por $0x1, $0x1;
	[sflag:s4] =	ssyncset.done $0x0;
	s16 =	smul.u32 $0x8100, s15  }
0x26: {  	s18 =	sshll.u32 s15, $0xF;
	[sflag:s4] =	ssyncadd.s32 $0xFFFFE000;
	s30 =	sshrl.u32 s17, $0x2  }
0x27: {  	s31 =	sshrl.u32 s18, $0x2;
	s18 =	simm.s32 $0x0;
	s16 =	sshrl.u32 s16, $0x2  }
0x28: {  	s15 =	sor.u32 $0x4000, s30;
	s17 =	sadd.s32 $0x10, s31;
	s16 =	sor.u32 $0x4000, s16  }
.LBB1_3:
0x29: {  	s19 =	sshll.u32 s18, $0xC  }
0x2a: {  	s19 =	sand.u32 $0x3FFFF000, s19  }
0x2b: {  	s20 =	sadd.s32 s19, s17  }
0x2c: {  	s31 =	smul.u32 $0x4080, s18;
	v1 =	vld [tilespmem:s20+$0x0]  }
0x2d: {  	v0 =	vld [tilespmem:s20+$0xFFFFFFF0]  }
0x2e: {  	s18 =	sshra.s32 s31, $0x2  }
0x2f: {  	s18 =	sadd.s32 s18, s16  }
0x30: {  	s21 =	sadd.s32 $0x0, s18  }
0x31: {  	p1 =	por p2, p2;
	s19 =	simm.s32 $0x4;
	s20 =	sadd.s32 $0x20, s20;
	[tilespmem:s21+$0x810 ss:$0x81] =	vst.msk $0xffff, v1  }
.LBB1_4:
0x32: {  	v1 =	vld [tilespmem:s20+$0x0];
	p2 =	sne.s32 s19, $0x1FC;
	[tilespmem:s21+$0x0 ss:$0x81] =	vst.msk $0xffff, v0;
	s21 =	smov.u32 s19;
	s19 =	sadd.s32 $0x4, s19  }
.Ltmp3:
0x33: {  	v0 =	vld [tilespmem:s20+$0xFFFFFFF0];
	(pc) =	sbr.rel @p2 .LBB1_4-.Ltmp3, $4  }
0x34: {  	_ = 	snop  }
0x35: {  	s21 =	sshra.s32 s21, $0x2  }
0x36: {  	s21 =	sadd.s32 s21, s18  }
0x37: {  	s20 =	sadd.s32 $0x20, s20;
	[tilespmem:s21+$0x810 ss:$0x81] =	vst.msk $0xffff, v1  }
.Ltmp4:
0x38: {  	(pc) =	sbr.rel @p1 .LBB1_3-.Ltmp4, $2  }
0x39: {  	_ =	sdelay $0x2  }
0x3a: {  	[tilespmem:s21+$0x0 ss:$0x81] =	vst.msk $0xffff, v0;
	s18 =	simm.s32 $0x1;
	p2 =	por $0x0, $0x0  }
0x3b: {  	s16 =	sshll.u32 s13, $0x3;
	s17 =	sand.u32 $0x78, s13;
	s14 =	sshll.u32 s14, $0x10  }
.Ltmp5:
0x3c: {  	s30 =	sand.u32 $0xF800, s13;
	s16 =	sand.u32 $0x3C00, s16;
	(pc) =	sbr.rel .LBB1_7-.Ltmp5, $4  }
0x3d: {  	s31 =	sand.u32 $0x7, s13;
	s14 =	sadd.s32 s3, s14;
	s16 =	sor.u32 s17, s16  }
0x3e: {  	s13 =	sshll.u32 s31, $0x12;
	s14 =	sadd.s32 s30, s14;
	s16 =	sshrl.u32 s16, $0x3  }
0x3f: {  	s13 =	sor.u32 $0x400, s13;
	s14 =	sadd.s32 s16, s14  }
0x40: {  	[hbm4b:s14+s13] =	stream.strided.scatter [tilespmem:s15], [sflag:$0x2], $0x2000, s9, s13, $0x20;
	[tilespmem:$0x8080] =	vst v63  }
.LBB1_8:
0x41: {  	_ =	sfence.sel $0x180000  }
0x42: {  	s2 =	simm.s32 $0x1;
	[bflag:$0x0] =	sbarrier.arrive $0xFFFF  }
0x43: {  	s31 =	simm.s32 $0x2;
	[sflag:s2] =	ssyncpa.u1 $0x1  }
0x44: {  	[sflag:s31] =	ssyncpa.u1 $0x1  }
0x45: {  	p0 =	sne.s32 s0, $0x0;
	_ =	strace $0x90000050  }
0x46: {  	s0 =	sadd.s32 @!p0 $0x100000, s1;
	[bflag:$0x2] =	sbarrier.arrive $0xFFFF  }
0x47: {  	[sflag:s0] =	ssyncadd.tile.s32 @!p0 $0x1;
	_ =	shalt  }
.Lfunc_end1:
_tile_overlayer_lowered:
.L_overlay_start_2:
0x48: {  	(tag) =	ssettag $0x2  }
0x49: {  	s0 =	rddreg [dreg:$0x0];
	s2 =	stileid.u32  }
0x4a: {  	s1 =	rddreg [dreg:$0x1];
	p0 =	sne.s32 s2, $0x0  }
0x4b: {  	s3 =	rddreg [dreg:$0x2];
	[bflag:$0x3] =	sbarrier.arrive $0xFFFF;
	s2 =	simm.s32 @!p0 $0x1C01  }
0x4c: {  	[timem:s3], [sflag:s2] =	dma.local @!p0 [hbm:s0], s1  }
0x4d: {  	s0 =	simm.s32 @!p0 $0x1  }
0x4e: {  	_ =	swait.ge @!p0 [sflag:s0], s1  }
0x4f: {  	s1 =	ssub.s32 @!p0 $0x0, s1;
	[sflag:s0] =	ssyncset.done @!p0 $0x0  }
0x50: {  	[sflag:s0] =	ssyncadd.s32 @!p0 s1  }
0x51: {  	[bflag:$0x3] =	sbarrier.arrive $0xFFFF  }
0x52: {  	_ =	shalt  }

</sc_bundles>
